<compile_context>
chip_gen: v7x
topology: tpu7x:2x2x1
jax: 0.10.2.dev20260603
libtpu: 0.0.44.dev20260713+nightly
codegen_flags: <defaults>
</compile_context>

<pallas_src>
import functools

import jax
import jax.numpy as jnp
from jax import lax
from jax.experimental import pallas as pl
from jax.experimental.pallas import tpu as pltpu
from jax.experimental.pallas import tpu_sc as plsc

POOL_SIZE = 65536
N_TOK = 16384
NOPE_DIM = 512
ROPE_DIM = 64
ROW_DIM = NOPE_DIM + ROPE_DIM

_NC, _NS = 2, 16
_NW = _NC * _NS
_B_PER_W = N_TOK // _NW
_CHUNK = 64
_N_CHUNKS = _B_PER_W // _CHUNK
_NBUF = 3


def _gather_body(kv_hbm, tail_hbm, loc_hbm, nope_hbm, rope_hbm,
                 idx_v, oidx_v, n0, n1, n2, t0, t1, t2, gsem, wsem):
    wid = lax.axis_index("s") * _NC + lax.axis_index("c")
    base = wid * _B_PER_W
    pltpu.sync_copy(loc_hbm.at[pl.ds(base, _B_PER_W)], idx_v)
    nbufs = (n0, n1, n2)
    tbufs = (t0, t1, t2)

    lane = lax.iota(jnp.int32, 16)
    for j in range(_N_CHUNKS):
        for k in range(4):
            for v in range(_CHUNK // 16):
                t0_ = base + j * _CHUNK + v * 16
                oidx_v[j, k, pl.ds(v * 16, 16)] = lane * 4 + (4 * t0_ + k)

    def start_gathers(j):
        idx_chunk = idx_v.at[pl.ds(j * _CHUNK, _CHUNK)]
        gn = pltpu.async_copy(kv_hbm.at[idx_chunk, pl.ds(0, NOPE_DIM)],
                              nbufs[j % _NBUF], gsem)
        gt = pltpu.async_copy(tail_hbm.at[idx_chunk], tbufs[j % _NBUF], gsem)
        return gn, gt

    def start_writes(j):
        nv = nbufs[j % _NBUF]
        tv = tbufs[j % _NBUF]
        ws = []
        for k in range(4):
            ws.append(pltpu.async_copy(nv.at[:, pl.ds(128 * k, 128)],
                                       nope_hbm.at[oidx_v.at[j, k]], wsem))
        row0 = base + j * _CHUNK
        ws.append(pltpu.async_copy(tv, rope_hbm.at[pl.ds(row0, _CHUNK)], wsem))
        return ws

    g = {0: start_gathers(0)}
    w = {}
    for j in range(_N_CHUNKS):
        if j + 1 < _N_CHUNKS:
            if j - 2 >= 0:
                for c in w.pop(j - 2):
                    c.wait()
            g[j + 1] = start_gathers(j + 1)
        for c in g.pop(j):
            c.wait()
        w[j] = start_writes(j)
    for j in sorted(w):
        for c in w.pop(j):
            c.wait()


@jax.jit
def _mla_gather(kv2d, kv_tail, loc32):
    mesh = plsc.VectorSubcoreMesh(core_axis_name="c", subcore_axis_name="s")
    gather = functools.partial(
        pl.kernel,
        mesh=mesh,
        out_type=(
            jax.ShapeDtypeStruct((4 * N_TOK, 128), jnp.float32),
            jax.ShapeDtypeStruct((N_TOK, 128), jnp.float32),
        ),
        scratch_types=[
            pltpu.VMEM((_B_PER_W,), jnp.int32),
            pltpu.VMEM((_N_CHUNKS, 4, _CHUNK), jnp.int32),
            pltpu.VMEM((_CHUNK, NOPE_DIM), jnp.float32),
            pltpu.VMEM((_CHUNK, NOPE_DIM), jnp.float32),
            pltpu.VMEM((_CHUNK, NOPE_DIM), jnp.float32),
            pltpu.VMEM((_CHUNK, 128), jnp.float32),
            pltpu.VMEM((_CHUNK, 128), jnp.float32),
            pltpu.VMEM((_CHUNK, 128), jnp.float32),
            pltpu.SemaphoreType.DMA,
            pltpu.SemaphoreType.DMA,
        ],
    )(_gather_body)
    return gather(kv2d, kv_tail, loc32)


def kernel(kv_buffer, loc, cache_k_nope, cache_k_rope):
    kv2d = kv_buffer.reshape(POOL_SIZE, ROW_DIM)
    kv_tail = kv2d[:, ROW_DIM - 128:]
    loc32 = loc.astype(jnp.int32)
    nope4, tail = _mla_gather(kv2d, kv_tail, loc32)
    nope = nope4.reshape(N_TOK, NOPE_DIM)
    rope = tail[:, 128 - ROPE_DIM:]
    return (nope.reshape(N_TOK, 1, NOPE_DIM).astype(cache_k_nope.dtype),
            rope.reshape(N_TOK, 1, ROPE_DIM).astype(cache_k_rope.dtype))

# --- scband reference (transcript-rebuilt; emitter-appended) ---
"""Pipeline reference for scband-model-sglang-68186900792113 (READ-ONLY COPY).

The authoritative reference and input builder live on the scoring server;
editing this copy changes nothing except your own understanding.
"""

import jax, jax.numpy as jnp
import numpy as np

POOL_SIZE = 65536
N_TOK = 16384
NOPE_DIM = 512
ROPE_DIM = 64


def setup_inputs(seed: int = 0) -> dict:
    key = jax.random.key(seed)
    k1, k2 = jax.random.split(key)
    kv_buffer = jax.random.normal(k1, (POOL_SIZE, 1, NOPE_DIM + ROPE_DIM), dtype=jnp.float32)
    loc = jax.random.randint(k2, (N_TOK,), 0, POOL_SIZE, dtype=jnp.int64)
    cache_k_nope = jnp.zeros((N_TOK, 1, NOPE_DIM), dtype=jnp.float32)
    cache_k_rope = jnp.zeros((N_TOK, 1, ROPE_DIM), dtype=jnp.float32)
    return {
        "kv_buffer": kv_buffer,
        "loc": loc,
        "cache_k_nope": cache_k_nope,
        "cache_k_rope": cache_k_rope,
    }


def reference(kv_buffer, loc, cache_k_nope, cache_k_rope):
    # get_mla_kv_buffer_triton: gather rows of the MLA KV pool at `loc`,
    # split the last dim into the nope (kv_lora_rank) part and the rope part,
    # and overwrite cache_k_nope / cache_k_rope with them.
    nope_dim = cache_k_nope.shape[-1]
    gathered = jnp.take(kv_buffer, loc, axis=0)  # [N_TOK, 1, nope+rope]
    out_nope = gathered[..., :nope_dim].astype(cache_k_nope.dtype)
    out_rope = gathered[..., nope_dim:].astype(cache_k_rope.dtype)
    return (out_nope, out_rope)

if __name__ == "__main__":
    import jax
    _d = setup_inputs()
    print(jax.jit(kernel)(*tuple(_d.values())))

</pallas_src>

<mosaic_0001>
#map = affine_map<(d0, d1) -> (0, 0)>
#map1 = affine_map<(d0, d1) -> (0)>
module attributes {stable_mosaic.version = 14 : i64} {
  func.func @_gather_body(%arg0: i32, %arg1: i32, %arg2: memref<65536x576xf32, #tpu.memory_space<hbm>>, %arg3: memref<65536x128xf32, #tpu.memory_space<hbm>>, %arg4: memref<16384xi32, #tpu.memory_space<hbm>>, %arg5: memref<65536x128xf32, #tpu.memory_space<hbm>>, %arg6: memref<16384x128xf32, #tpu.memory_space<hbm>>, %arg7: memref<512xi32, #tpu.memory_space<vmem>>, %arg8: memref<8x4x64xi32, #tpu.memory_space<vmem>>, %arg9: memref<64x512xf32, #tpu.memory_space<vmem>>, %arg10: memref<64x512xf32, #tpu.memory_space<vmem>>, %arg11: memref<64x512xf32, #tpu.memory_space<vmem>>, %arg12: memref<64x128xf32, #tpu.memory_space<vmem>>, %arg13: memref<64x128xf32, #tpu.memory_space<vmem>>, %arg14: memref<64x128xf32, #tpu.memory_space<vmem>>, %arg15: memref<!tpu.dma_semaphore, #tpu.memory_space<semaphore_mem>>, %arg16: memref<!tpu.dma_semaphore, #tpu.memory_space<semaphore_mem>>) attributes {dimension_semantics = [#tpu.dimension_semantics<core_parallel>, #tpu.dimension_semantics<subcore_parallel>], iteration_bounds = array<i64: 2, 16>, scalar_prefetch = 0 : i64, scratch_operands = 10 : i64, tpu.core_type = #tpu.core_type<sc_vector_subcore>, window_params = [{transform_indices = #map}, {transform_indices = #map}, {transform_indices = #map1}, {transform_indices = #map}, {transform_indices = #map}]} {
    %mul3A = arith.constant 2 : i32
    %mul3A_0 = arith.muli %arg1, %mul3A : i32
    %add3A = arith.addi %mul3A_0, %arg0 : i32
    %mul3A_1 = arith.constant 512 : i32
    %mul3A_2 = arith.muli %add3A, %mul3A_1 : i32
    "tpu.region"() ({
      %run_scoped3A = tpu.sem_alloc : memref<!tpu.dma_semaphore, #tpu.memory_space<semaphore_mem>>
      %dma_start3A_3632 = tpu.memref_slice %arg4[%mul3A_2] : memref<16384xi32, #tpu.memory_space<hbm>> -> memref<512xi32, #tpu.memory_space<hbm>>
      %dma_start3A_3633 = tpu.memref_slice %arg4[%mul3A_2] : memref<16384xi32, #tpu.memory_space<hbm>> -> memref<512xi32, #tpu.memory_space<hbm>>
      tpu.enqueue_dma source(%dma_start3A_3633 : memref<512xi32, #tpu.memory_space<hbm>>) target(%arg7 : memref<512xi32, #tpu.memory_space<vmem>>) target_semaphore(%run_scoped3A : memref<!tpu.dma_semaphore, #tpu.memory_space<semaphore_mem>>)
      %dma_wait3A_3634 = tpu.memref_slice %arg4[%mul3A_2] : memref<16384xi32, #tpu.memory_space<hbm>> -> memref<512xi32, #tpu.memory_space<hbm>>
      %dma_wait3A_3635 = tpu.memref_slice %arg4[%mul3A_2] : memref<16384xi32, #tpu.memory_space<hbm>> -> memref<512xi32, #tpu.memory_space<hbm>>
      tpu.wait_dma2 semaphore(%run_scoped3A : memref<!tpu.dma_semaphore, #tpu.memory_space<semaphore_mem>>) src(%dma_wait3A_3635 : memref<512xi32, #tpu.memory_space<hbm>>) dst(%arg7 : memref<512xi32, #tpu.memory_space<vmem>>)
      tpu.yield
    }) : () -> ()
    %iota3A = tpu.iota {dimensions = array<i32: 0>} : vector<16xi32>
    %add3A_3 = arith.constant 0 : i32
    %add3A_4 = arith.addi %mul3A_2, %add3A_3 : i32
    %add3A_5 = arith.constant 0 : i32
    %add3A_6 = arith.addi %add3A_4, %add3A_5 : i32
    %mul3A_7 = arith.constant 4 : i32
    %mul3A_8 = vector.broadcast %mul3A_7 : i32 to vector<16xi32>
    %mul3A_9 = arith.muli %iota3A, %mul3A_8 : vector<16xi32>
    %mul3A_10 = arith.constant 4 : i32
    %mul3A_11 = arith.muli %mul3A_10, %add3A_6 : i32
    %add3A_12 = arith.constant 0 : i32
    %add3A_13 = arith.addi %mul3A_11, %add3A_12 : i32
    %add3A_14 = vector.broadcast %add3A_13 : i32 to vector<16xi32>
    %add3A_15 = arith.addi %mul3A_9, %add3A_14 : vector<16xi32>
    %swap3A = arith.constant 0 : i32
    %swap3A_16 = arith.constant 0 : i32
    %swap3A_17 = arith.index_cast %swap3A : i32 to index
    %swap3A_18 = arith.index_cast %swap3A_16 : i32 to index
    %swap3A_19 = arith.constant 0 : index
    %swap3A_20 = tpu.vector_load %arg8[%swap3A_17, %swap3A_18, %swap3A_19] {strides = array<i32>} : memref<8x4x64xi32, #tpu.memory_space<vmem>>, vector<1x1x16xi32>,
    %swap3A_21 = vector.shape_cast %swap3A_20 : vector<1x1x16xi32> to vector<16xi32>
    %swap3A_22 = vector.shape_cast %add3A_15 : vector<16xi32> to vector<1x1x16xi32>
    tpu.vector_store %arg8[%swap3A_17, %swap3A_18, %swap3A_19], %swap3A_22 {strides = array<i32>} : memref<8x4x64xi32, #tpu.memory_space<vmem>>, vector<1x1x16xi32>,
    %add3A_23 = arith.constant 0 : i32
    %add3A_24 = arith.addi %mul3A_2, %add3A_23 : i32
    %add3A_25 = arith.constant 16 : i32
    %add3A_26 = arith.addi %add3A_24, %add3A_25 : i32
    %mul3A_27 = arith.constant 4 : i32
    %mul3A_28 = vector.broadcast %mul3A_27 : i32 to vector<16xi32>
    %mul3A_29 = arith.muli %iota3A, %mul3A_28 : vector<16xi32>
    %mul3A_30 = arith.constant 4 : i32
    %mul3A_31 = arith.muli %mul3A_30, %add3A_26 : i32
    %add3A_32 = arith.constant 0 : i32
    %add3A_33 = arith.addi %mul3A_31, %add3A_32 : i32
    %add3A_34 = vector.broadcast %add3A_33 : i32 to vector<16xi32>
    %add3A_35 = arith.addi %mul3A_29, %add3A_34 : vector<16xi32>
    %swap3A_36 = arith.constant 0 : i32
    %swap3A_37 = arith.constant 0 : i32
    %swap3A_38 = arith.index_cast %swap3A_36 : i32 to index
    %swap3A_39 = arith.index_cast %swap3A_37 : i32 to index
    %swap3A_40 = arith.constant 16 : index
    %swap3A_41 = tpu.vector_load %arg8[%swap3A_38, %swap3A_39, %swap3A_40] {strides = array<i32>} : memref<8x4x64xi32, #tpu.memory_space<vmem>>, vector<1x1x16xi32>,
    %swap3A_42 = vector.shape_cast %swap3A_41 : vector<1x1x16xi32> to vector<16xi32>
    %swap3A_43 = vector.shape_cast %add3A_35 : vector<16xi32> to vector<1x1x16xi32>
    tpu.vector_store %arg8[%swap3A_38, %swap3A_39, %swap3A_40], %swap3A_43 {strides = array<i32>} : memref<8x4x64xi32, #tpu.memory_space<vmem>>, vector<1x1x16xi32>,
    %add3A_44 = arith.constant 0 : i32
    %add3A_45 = arith.addi %mul3A_2, %add3A_44 : i32
    %add3A_46 = arith.constant 32 : i32
    %add3A_47 = arith.addi %add3A_45, %add3A_46 : i32
    %mul3A_48 = arith.constant 4 : i32
    %mul3A_49 = vector.broadcast %mul3A_48 : i32 to vector<16xi32>
    %mul3A_50 = arith.muli %iota3A, %mul3A_49 : vector<16xi32>
    %mul3A_51 = arith.constant 4 : i32
    %mul3A_52 = arith.muli %mul3A_51, %add3A_47 : i32
    %add3A_53 = arith.constant 0 : i32
    %add3A_54 = arith.addi %mul3A_52, %add3A_53 : i32
    %add3A_55 = vector.broadcast %add3A_54 : i32 to vector<16xi32>
    %add3A_56 = arith.addi %mul3A_50, %add3A_55 : vector<16xi32>
    %swap3A_57 = arith.constant 0 : i32
    %swap3A_58 = arith.constant 0 : i32
    %swap3A_59 = arith.index_cast %swap3A_57 : i32 to index
    %swap3A_60 = arith.index_cast %swap3A_58 : i32 to index
    %swap3A_61 = arith.constant 32 : index
    %swap3A_62 = tpu.vector_load %arg8[%swap3A_59, %swap3A_60, %swap3A_61] {strides = array<i32>} : memref<8x4x64xi32, #tpu.memory_space<vmem>>, vector<1x1x16xi32>,
    %swap3A_63 = vector.shape_cast %swap3A_62 : vector<1x1x16xi32> to vector<16xi32>
    %swap3A_64 = vector.shape_cast %add3A_56 : vector<16xi32> to vector<1x1x16xi32>
    tpu.vector_store %arg8[%swap3A_59, %swap3A_60, %swap3A_61], %swap3A_64 {strides = array<i32>} : memref<8x4x64xi32, #tpu.memory_space<vmem>>, vector<1x1x16xi32>,
    %add3A_65 = arith.constant 0 : i32
    %add3A_66 = arith.addi %mul3A_2, %add3A_65 : i32
    %add3A_67 = arith.constant 48 : i32
    %add3A_68 = arith.addi %add3A_66, %add3A_67 : i32
    %mul3A_69 = arith.constant 4 : i32
    %mul3A_70 = vector.broadcast %mul3A_69 : i32 to vector<16xi32>
    %mul3A_71 = arith.muli %iota3A, %mul3A_70 : vector<16xi32>
    %mul3A_72 = arith.constant 4 : i32
    %mul3A_73 = arith.muli %mul3A_72, %add3A_68 : i32
    %add3A_74 = arith.constant 0 : i32
    %add3A_75 = arith.addi %mul3A_73, %add3A_74 : i32
    %add3A_76 = vector.broadcast %add3A_75 : i32 to vector<16xi32>
    %add3A_77 = arith.addi %mul3A_71, %add3A_76 : vector<16xi32>
    %swap3A_78 = arith.constant 0 : i32
    %swap3A_79 = arith.constant 0 : i32
    %swap3A_80 = arith.index_cast %swap3A_78 : i32 to index
    %swap3A_81 = arith.index_cast %swap3A_79 : i32 to index
    %swap3A_82 = arith.constant 48 : index
    %swap3A_83 = tpu.vector_load %arg8[%swap3A_80, %swap3A_81, %swap3A_82] {strides = array<i32>} : memref<8x4x64xi32, #tpu.memory_space<vmem>>, vector<1x1x16xi32>,
    %swap3A_84 = vector.shape_cast %swap3A_83 : vector<1x1x16xi32> to vector<16xi32>
    %swap3A_85 = vector.shape_cast %add3A_77 : vector<16xi32> to vector<1x1x16xi32>
    tpu.vector_store %arg8[%swap3A_80, %swap3A_81, %swap3A_82], %swap3A_85 {strides = array<i32>} : memref<8x4x64xi32, #tpu.memory_space<vmem>>, vector<1x1x16xi32>,
    %add3A_86 = arith.constant 0 : i32
    %add3A_87 = arith.addi %mul3A_2, %add3A_86 : i32
    %add3A_88 = arith.constant 0 : i32
    %add3A_89 = arith.addi %add3A_87, %add3A_88 : i32
    %mul3A_90 = arith.constant 4 : i32
    %mul3A_91 = vector.broadcast %mul3A_90 : i32 to vector<16xi32>
    %mul3A_92 = arith.muli %iota3A, %mul3A_91 : vector<16xi32>
    %mul3A_93 = arith.constant 4 : i32
    %mul3A_94 = arith.muli %mul3A_93, %add3A_89 : i32
    %add3A_95 = arith.constant 1 : i32
    %add3A_96 = arith.addi %mul3A_94, %add3A_95 : i32
    %add3A_97 = vector.broadcast %add3A_96 : i32 to vector<16xi32>
    %add3A_98 = arith.addi %mul3A_92, %add3A_97 : vector<16xi32>
    %swap3A_99 = arith.constant 0 : i32
    %swap3A_100 = arith.constant 1 : i32
    %swap3A_101 = arith.index_cast %swap3A_99 : i32 to index
    %swap3A_102 = arith.index_cast %swap3A_100 : i32 to index
    %swap3A_103 = arith.constant 0 : index
    %swap3A_104 = tpu.vector_load %arg8[%swap3A_101, %swap3A_102, %swap3A_103] {strides = array<i32>} : memref<8x4x64xi32, #tpu.memory_space<vmem>>, vector<1x1x16xi32>,
    %swap3A_105 = vector.shape_cast %swap3A_104 : vector<1x1x16xi32> to vector<16xi32>
    %swap3A_106 = vector.shape_cast %add3A_98 : vector<16xi32> to vector<1x1x16xi32>
    tpu.vector_store %arg8[%swap3A_101, %swap3A_102, %swap3A_103], %swap3A_106 {strides = array<i32>} : memref<8x4x64xi32, #tpu.memory_space<vmem>>, vector<1x1x16xi32>,
    %add3A_107 = arith.constant 0 : i32
    %add3A_108 = arith.addi %mul3A_2, %add3A_107 : i32
    %add3A_109 = arith.constant 16 : i32
    %add3A_110 = arith.addi %add3A_108, %add3A_109 : i32
    %mul3A_111 = arith.constant 4 : i32
    %mul3A_112 = vector.broadcast %mul3A_111 : i32 to vector<16xi32>
    %mul3A_113 = arith.muli %iota3A, %mul3A_112 : vector<16xi32>
    %mul3A_114 = arith.constant 4 : i32
    %mul3A_115 = arith.muli %mul3A_114, %add3A_110 : i32
    %add3A_116 = arith.constant 1 : i32
    %add3A_117 = arith.addi %mul3A_115, %add3A_116 : i32
    %add3A_118 = vector.broadcast %add3A_117 : i32 to vector<16xi32>
    %add3A_119 = arith.addi %mul3A_113, %add3A_118 : vector<16xi32>
    %swap3A_120 = arith.constant 0 : i32
    %swap3A_121 = arith.constant 1 : i32
    %swap3A_122 = arith.index_cast %swap3A_120 : i32 to index
    %swap3A_123 = arith.index_cast %swap3A_121 : i32 to index
    %swap3A_124 = arith.constant 16 : index
    %swap3A_125 = tpu.vector_load %arg8[%swap3A_122, %swap3A_123, %swap3A_124] {strides = array<i32>} : memref<8x4x64xi32, #tpu.memory_space<vmem>>, vector<1x1x16xi32>,
    %swap3A_126 = vector.shape_cast %swap3A_125 : vector<1x1x16xi32> to vector<16xi32>
    %swap3A_127 = vector.shape_cast %add3A_119 : vector<16xi32> to vector<1x1x16xi32>
    tpu.vector_store %arg8[%swap3A_122, %swap3A_123, %swap3A_124], %swap3A_127 {strides = array<i32>} : memref<8x4x64xi32, #tpu.memory_space<vmem>>, vector<1x1x16xi32>,
    %add3A_128 = arith.constant 0 : i32
    %add3A_129 = arith.addi %mul3A_2, %add3A_128 : i32
    %add3A_130 = arith.constant 32 : i32
    %add3A_131 = arith.addi %add3A_129, %add3A_130 : i32
    %mul3A_132 = arith.constant 4 : i32
    %mul3A_133 = vector.broadcast %mul3A_132 : i32 to vector<16xi32>
    %mul3A_134 = arith.muli %iota3A, %mul3A_133 : vector<16xi32>
    %mul3A_135 = arith.constant 4 : i32
    %mul3A_136 = arith.muli %mul3A_135, %add3A_131 : i32
    %add3A_137 = arith.constant 1 : i32
    %add3A_138 = arith.addi %mul3A_136, %add3A_137 : i32
    %add3A_139 = vector.broadcast %add3A_138 : i32 to vector<16xi32>
    %add3A_140 = arith.addi %mul3A_134, %add3A_139 : vector<16xi32>
    %swap3A_141 = arith.constant 0 : i32
    %swap3A_142 = arith.constant 1 : i32
    %swap3A_143 = arith.index_cast %swap3A_141 : i32 to index
    %swap3A_144 = arith.index_cast %swap3A_142 : i32 to index
    %swap3A_145 = arith.constant 32 : index
    %swap3A_146 = tpu.vector_load %arg8[%swap3A_143, %swap3A_144, %swap3A_145] {strides = array<i32>} : memref<8x4x64xi32, #tpu.memory_space<vmem>>, vector<1x1x16xi32>,
    %swap3A_147 = vector.shape_cast %swap3A_146 : vector<1x1x16xi32> to vector<16xi32>
    %swap3A_148 = vector.shape_cast %add3A_140 : vector<16xi32> to vector<1x1x16xi32>
    tpu.vector_store %arg8[%swap3A_143, %swap3A_144, %swap3A_145], %swap3A_148 {strides = array<i32>} : memref<8x4x64xi32, #tpu.memory_space<vmem>>, vector<1x1x16xi32>,
    %add3A_149 = arith.constant 0 : i32
    %add3A_150 = arith.addi %mul3A_2, %add3A_149 : i32
    %add3A_151 = arith.constant 48 : i32
    %add3A_152 = arith.addi %add3A_150, %add3A_151 : i32
    %mul3A_153 = arith.constant 4 : i32
    %mul3A_154 = vector.broadcast %mul3A_153 : i32 to vector<16xi32>
    %mul3A_155 = arith.muli %iota3A, %mul3A_154 : vector<16xi32>
    %mul3A_156 = arith.constant 4 : i32
    %mul3A_157 = arith.muli %mul3A_156, %add3A_152 : i32
    %add3A_158 = arith.constant 1 : i32
    %add3A_159 = arith.addi %mul3A_157, %add3A_158 : i32
    %add3A_160 = vector.broadcast %add3A_159 : i32 to vector<16xi32>
    %add3A_161 = arith.addi %mul3A_155, %add3A_160 : vector<16xi32>
    %swap3A_162 = arith.constant 0 : i32
    %swap3A_163 = arith.constant 1 : i32
    %swap3A_164 = arith.index_cast %swap3A_162 : i32 to index
    %swap3A_165 = arith.index_cast %swap3A_163 : i32 to index
    %swap3A_166 = arith.constant 48 : index
    %swap3A_167 = tpu.vector_load %arg8[%swap3A_164, %swap3A_165, %swap3A_166] {strides = array<i32>} : memref<8x4x64xi32, #tpu.memory_space<vmem>>, vector<1x1x16xi32>,
    %swap3A_168 = vector.shape_cast %swap3A_167 : vector<1x1x16xi32> to vector<16xi32>
    %swap3A_169 = vector.shape_cast %add3A_161 : vector<16xi32> to vector<1x1x16xi32>
    tpu.vector_store %arg8[%swap3A_164, %swap3A_165, %swap3A_166], %swap3A_169 {strides = array<i32>} : memref<8x4x64xi32, #tpu.memory_space<vmem>>, vector<1x1x16xi32>,
    %add3A_170 = arith.constant 0 : i32
    %add3A_171 = arith.addi %mul3A_2, %add3A_170 : i32
    %add3A_172 = arith.constant 0 : i32
    %add3A_173 = arith.addi %add3A_171, %add3A_172 : i32
    %mul3A_174 = arith.constant 4 : i32
    %mul3A_175 = vector.broadcast %mul3A_174 : i32 to vector<16xi32>
    %mul3A_176 = arith.muli %iota3A, %mul3A_175 : vector<16xi32>
    %mul3A_177 = arith.constant 4 : i32
    %mul3A_178 = arith.muli %mul3A_177, %add3A_173 : i32
    %add3A_179 = arith.constant 2 : i32
    %add3A_180 = arith.addi %mul3A_178, %add3A_179 : i32
    %add3A_181 = vector.broadcast %add3A_180 : i32 to vector<16xi32>
    %add3A_182 = arith.addi %mul3A_176, %add3A_181 : vector<16xi32>
    %swap3A_183 = arith.constant 0 : i32
    %swap3A_184 = arith.constant 2 : i32
    %swap3A_185 = arith.index_cast %swap3A_183 : i32 to index
    %swap3A_186 = arith.index_cast %swap3A_184 : i32 to index
    %swap3A_187 = arith.constant 0 : index
    %swap3A_188 = tpu.vector_load %arg8[%swap3A_185, %swap3A_186, %swap3A_187] {strides = array<i32>} : memref<8x4x64xi32, #tpu.memory_space<vmem>>, vector<1x1x16xi32>,
    %swap3A_189 = vector.shape_cast %swap3A_188 : vector<1x1x16xi32> to vector<16xi32>
    %swap3A_190 = vector.shape_cast %add3A_182 : vector<16xi32> to vector<1x1x16xi32>
    tpu.vector_store %arg8[%swap3A_185, %swap3A_186, %swap3A_187], %swap3A_190 {strides = array<i32>} : memref<8x4x64xi32, #tpu.memory_space<vmem>>, vector<1x1x16xi32>,
    %add3A_191 = arith.constant 0 : i32
    %add3A_192 = arith.addi %mul3A_2, %add3A_191 : i32
    %add3A_193 = arith.constant 16 : i32
    %add3A_194 = arith.addi %add3A_192, %add3A_193 : i32
    %mul3A_195 = arith.constant 4 : i32
    %mul3A_196 = vector.broadcast %mul3A_195 : i32 to vector<16xi32>
    %mul3A_197 = arith.muli %iota3A, %mul3A_196 : vector<16xi32>
    %mul3A_198 = arith.constant 4 : i32
    %mul3A_199 = arith.muli %mul3A_198, %add3A_194 : i32
    %add3A_200 = arith.constant 2 : i32
    %add3A_201 = arith.addi %mul3A_199, %add3A_200 : i32
    %add3A_202 = vector.broadcast %add3A_201 : i32 to vector<16xi32>
    %add3A_203 = arith.addi %mul3A_197, %add3A_202 : vector<16xi32>
    %swap3A_204 = arith.constant 0 : i32
    %swap3A_205 = arith.constant 2 : i32
    %swap3A_206 = arith.index_cast %swap3A_204 : i32 to index
    %swap3A_207 = arith.index_cast %swap3A_205 : i32 to index
    %swap3A_208 = arith.constant 16 : index
    %swap3A_209 = tpu.vector_load %arg8[%swap3A_206, %swap3A_207, %swap3A_208] {strides = array<i32>} : memref<8x4x64xi32, #tpu.memory_space<vmem>>, vector<1x1x16xi32>,
    %swap3A_210 = vector.shape_cast %swap3A_209 : vector<1x1x16xi32> to vector<16xi32>
    %swap3A_211 = vector.shape_cast %add3A_203 : vector<16xi32> to vector<1x1x16xi32>
    tpu.vector_store %arg8[%swap3A_206, %swap3A_207, %swap3A_208], %swap3A_211 {strides = array<i32>} : memref<8x4x64xi32, #tpu.memory_space<vmem>>, vector<1x1x16xi32>,
    %add3A_212 = arith.constant 0 : i32
    %add3A_213 = arith.addi %mul3A_2, %add3A_212 : i32
    %add3A_214 = arith.constant 32 : i32
    %add3A_215 = arith.addi %add3A_213, %add3A_214 : i32
    %mul3A_216 = arith.constant 4 : i32
    %mul3A_217 = vector.broadcast %mul3A_216 : i32 to vector<16xi32>
    %mul3A_218 = arith.muli %iota3A, %mul3A_217 : vector<16xi32>
    %mul3A_219 = arith.constant 4 : i32
    %mul3A_220 = arith.muli %mul3A_219, %add3A_215 : i32
    %add3A_221 = arith.constant 2 : i32
    %add3A_222 = arith.addi %mul3A_220, %add3A_221 : i32
    %add3A_223 = vector.broadcast %add3A_222 : i32 to vector<16xi32>
    %add3A_224 = arith.addi %mul3A_218, %add3A_223 : vector<16xi32>
    %swap3A_225 = arith.constant 0 : i32
    %swap3A_226 = arith.constant 2 : i32
    %swap3A_227 = arith.index_cast %swap3A_225 : i32 to index
    %swap3A_228 = arith.index_cast %swap3A_226 : i32 to index
    %swap3A_229 = arith.constant 32 : index
    %swap3A_230 = tpu.vector_load %arg8[%swap3A_227, %swap3A_228, %swap3A_229] {strides = array<i32>} : memref<8x4x64xi32, #tpu.memory_space<vmem>>, vector<1x1x16xi32>,
    %swap3A_231 = vector.shape_cast %swap3A_230 : vector<1x1x16xi32> to vector<16xi32>
    %swap3A_232 = vector.shape_cast %add3A_224 : vector<16xi32> to vector<1x1x16xi32>
    tpu.vector_store %arg8[%swap3A_227, %swap3A_228, %swap3A_229], %swap3A_232 {strides = array<i32>} : memref<8x4x64xi32, #tpu.memory_space<vmem>>, vector<1x1x16xi32>,
    %add3A_233 = arith.constant 0 : i32
    %add3A_234 = arith.addi %mul3A_2, %add3A_233 : i32
    %add3A_235 = arith.constant 48 : i32
    %add3A_236 = arith.addi %add3A_234, %add3A_235 : i32
    %mul3A_237 = arith.constant 4 : i32
    %mul3A_238 = vector.broadcast %mul3A_237 : i32 to vector<16xi32>
    %mul3A_239 = arith.muli %iota3A, %mul3A_238 : vector<16xi32>
    %mul3A_240 = arith.constant 4 : i32
    %mul3A_241 = arith.muli %mul3A_240, %add3A_236 : i32
    %add3A_242 = arith.constant 2 : i32
    %add3A_243 = arith.addi %mul3A_241, %add3A_242 : i32
    %add3A_244 = vector.broadcast %add3A_243 : i32 to vector<16xi32>
    %add3A_245 = arith.addi %mul3A_239, %add3A_244 : vector<16xi32>
    %swap3A_246 = arith.constant 0 : i32
    %swap3A_247 = arith.constant 2 : i32
    %swap3A_248 = arith.index_cast %swap3A_246 : i32 to index
    %swap3A_249 = arith.index_cast %swap3A_247 : i32 to index
    %swap3A_250 = arith.constant 48 : index
    %swap3A_251 = tpu.vector_load %arg8[%swap3A_248, %swap3A_249, %swap3A_250] {strides = array<i32>} : memref<8x4x64xi32, #tpu.memory_space<vmem>>, vector<1x1x16xi32>,
    %swap3A_252 = vector.shape_cast %swap3A_251 : vector<1x1x16xi32> to vector<16xi32>
    %swap3A_253 = vector.shape_cast %add3A_245 : vector<16xi32> to vector<1x1x16xi32>
    tpu.vector_store %arg8[%swap3A_248, %swap3A_249, %swap3A_250], %swap3A_253 {strides = array<i32>} : memref<8x4x64xi32, #tpu.memory_space<vmem>>, vector<1x1x16xi32>,
    %add3A_254 = arith.constant 0 : i32
    %add3A_255 = arith.addi %mul3A_2, %add3A_254 : i32
    %add3A_256 = arith.constant 0 : i32
    %add3A_257 = arith.addi %add3A_255, %add3A_256 : i32
    %mul3A_258 = arith.constant 4 : i32
    %mul3A_259 = vector.broadcast %mul3A_258 : i32 to vector<16xi32>
    %mul3A_260 = arith.muli %iota3A, %mul3A_259 : vector<16xi32>
    %mul3A_261 = arith.constant 4 : i32
    %mul3A_262 = arith.muli %mul3A_261, %add3A_257 : i32
    %add3A_263 = arith.constant 3 : i32
    %add3A_264 = arith.addi %mul3A_262, %add3A_263 : i32
    %add3A_265 = vector.broadcast %add3A_264 : i32 to vector<16xi32>
    %add3A_266 = arith.addi %mul3A_260, %add3A_265 : vector<16xi32>
    %swap3A_267 = arith.constant 0 : i32
    %swap3A_268 = arith.constant 3 : i32
    %swap3A_269 = arith.index_cast %swap3A_267 : i32 to index
    %swap3A_270 = arith.index_cast %swap3A_268 : i32 to index
    %swap3A_271 = arith.constant 0 : index
    %swap3A_272 = tpu.vector_load %arg8[%swap3A_269, %swap3A_270, %swap3A_271] {strides = array<i32>} : memref<8x4x64xi32, #tpu.memory_space<vmem>>, vector<1x1x16xi32>,
    %swap3A_273 = vector.shape_cast %swap3A_272 : vector<1x1x16xi32> to vector<16xi32>
    %swap3A_274 = vector.shape_cast %add3A_266 : vector<16xi32> to vector<1x1x16xi32>
    tpu.vector_store %arg8[%swap3A_269, %swap3A_270, %swap3A_271], %swap3A_274 {strides = array<i32>} : memref<8x4x64xi32, #tpu.memory_space<vmem>>, vector<1x1x16xi32>,
    %add3A_275 = arith.constant 0 : i32
    %add3A_276 = arith.addi %mul3A_2, %add3A_275 : i32
    %add3A_277 = arith.constant 16 : i32
    %add3A_278 = arith.addi %add3A_276, %add3A_277 : i32
    %mul3A_279 = arith.constant 4 : i32
    %mul3A_280 = vector.broadcast %mul3A_279 : i32 to vector<16xi32>
    %mul3A_281 = arith.muli %iota3A, %mul3A_280 : vector<16xi32>
    %mul3A_282 = arith.constant 4 : i32
    %mul3A_283 = arith.muli %mul3A_282, %add3A_278 : i32
    %add3A_284 = arith.constant 3 : i32
    %add3A_285 = arith.addi %mul3A_283, %add3A_284 : i32
    %add3A_286 = vector.broadcast %add3A_285 : i32 to vector<16xi32>
    %add3A_287 = arith.addi %mul3A_281, %add3A_286 : vector<16xi32>
    %swap3A_288 = arith.constant 0 : i32
    %swap3A_289 = arith.constant 3 : i32
    %swap3A_290 = arith.index_cast %swap3A_288 : i32 to index
    %swap3A_291 = arith.index_cast %swap3A_289 : i32 to index
    %swap3A_292 = arith.constant 16 : index
    %swap3A_293 = tpu.vector_load %arg8[%swap3A_290, %swap3A_291, %swap3A_292] {strides = array<i32>} : memref<8x4x64xi32, #tpu.memory_space<vmem>>, vector<1x1x16xi32>,
    %swap3A_294 = vector.shape_cast %swap3A_293 : vector<1x1x16xi32> to vector<16xi32>
    %swap3A_295 = vector.shape_cast %add3A_287 : vector<16xi32> to vector<1x1x16xi32>
    tpu.vector_store %arg8[%swap3A_290, %swap3A_291, %swap3A_292], %swap3A_295 {strides = array<i32>} : memref<8x4x64xi32, #tpu.memory_space<vmem>>, vector<1x1x16xi32>,
    %add3A_296 = arith.constant 0 : i32
    %add3A_297 = arith.addi %mul3A_2, %add3A_296 : i32
    %add3A_298 = arith.constant 32 : i32
    %add3A_299 = arith.addi %add3A_297, %add3A_298 : i32
    %mul3A_300 = arith.constant 4 : i32
    %mul3A_301 = vector.broadcast %mul3A_300 : i32 to vector<16xi32>
    %mul3A_302 = arith.muli %iota3A, %mul3A_301 : vector<16xi32>
    %mul3A_303 = arith.constant 4 : i32
    %mul3A_304 = arith.muli %mul3A_303, %add3A_299 : i32
    %add3A_305 = arith.constant 3 : i32
    %add3A_306 = arith.addi %mul3A_304, %add3A_305 : i32
    %add3A_307 = vector.broadcast %add3A_306 : i32 to vector<16xi32>
    %add3A_308 = arith.addi %mul3A_302, %add3A_307 : vector<16xi32>
    %swap3A_309 = arith.constant 0 : i32
    %swap3A_310 = arith.constant 3 : i32
    %swap3A_311 = arith.index_cast %swap3A_309 : i32 to index
    %swap3A_312 = arith.index_cast %swap3A_310 : i32 to index
    %swap3A_313 = arith.constant 32 : index
    %swap3A_314 = tpu.vector_load %arg8[%swap3A_311, %swap3A_312, %swap3A_313] {strides = array<i32>} : memref<8x4x64xi32, #tpu.memory_space<vmem>>, vector<1x1x16xi32>,
    %swap3A_315 = vector.shape_cast %swap3A_314 : vector<1x1x16xi32> to vector<16xi32>
    %swap3A_316 = vector.shape_cast %add3A_308 : vector<16xi32> to vector<1x1x16xi32>
    tpu.vector_store %arg8[%swap3A_311, %swap3A_312, %swap3A_313], %swap3A_316 {strides = array<i32>} : memref<8x4x64xi32, #tpu.memory_space<vmem>>, vector<1x1x16xi32>,
    %add3A_317 = arith.constant 0 : i32
    %add3A_318 = arith.addi %mul3A_2, %add3A_317 : i32
    %add3A_319 = arith.constant 48 : i32
    %add3A_320 = arith.addi %add3A_318, %add3A_319 : i32
    %mul3A_321 = arith.constant 4 : i32
    %mul3A_322 = vector.broadcast %mul3A_321 : i32 to vector<16xi32>
    %mul3A_323 = arith.muli %iota3A, %mul3A_322 : vector<16xi32>
    %mul3A_324 = arith.constant 4 : i32
    %mul3A_325 = arith.muli %mul3A_324, %add3A_320 : i32
    %add3A_326 = arith.constant 3 : i32
    %add3A_327 = arith.addi %mul3A_325, %add3A_326 : i32
    %add3A_328 = vector.broadcast %add3A_327 : i32 to vector<16xi32>
    %add3A_329 = arith.addi %mul3A_323, %add3A_328 : vector<16xi32>
    %swap3A_330 = arith.constant 0 : i32
    %swap3A_331 = arith.constant 3 : i32
    %swap3A_332 = arith.index_cast %swap3A_330 : i32 to index
    %swap3A_333 = arith.index_cast %swap3A_331 : i32 to index
    %swap3A_334 = arith.constant 48 : index
    %swap3A_335 = tpu.vector_load %arg8[%swap3A_332, %swap3A_333, %swap3A_334] {strides = array<i32>} : memref<8x4x64xi32, #tpu.memory_space<vmem>>, vector<1x1x16xi32>,
    %swap3A_336 = vector.shape_cast %swap3A_335 : vector<1x1x16xi32> to vector<16xi32>
    %swap3A_337 = vector.shape_cast %add3A_329 : vector<16xi32> to vector<1x1x16xi32>
    tpu.vector_store %arg8[%swap3A_332, %swap3A_333, %swap3A_334], %swap3A_337 {strides = array<i32>} : memref<8x4x64xi32, #tpu.memory_space<vmem>>, vector<1x1x16xi32>,
    %add3A_338 = arith.constant 64 : i32
    %add3A_339 = arith.addi %mul3A_2, %add3A_338 : i32
    %add3A_340 = arith.constant 0 : i32
    %add3A_341 = arith.addi %add3A_339, %add3A_340 : i32
    %mul3A_342 = arith.constant 4 : i32
    %mul3A_343 = vector.broadcast %mul3A_342 : i32 to vector<16xi32>
    %mul3A_344 = arith.muli %iota3A, %mul3A_343 : vector<16xi32>
    %mul3A_345 = arith.constant 4 : i32
    %mul3A_346 = arith.muli %mul3A_345, %add3A_341 : i32
    %add3A_347 = arith.constant 0 : i32
    %add3A_348 = arith.addi %mul3A_346, %add3A_347 : i32
    %add3A_349 = vector.broadcast %add3A_348 : i32 to vector<16xi32>
    %add3A_350 = arith.addi %mul3A_344, %add3A_349 : vector<16xi32>
    %swap3A_351 = arith.constant 1 : i32
    %swap3A_352 = arith.constant 0 : i32
    %swap3A_353 = arith.index_cast %swap3A_351 : i32 to index
    %swap3A_354 = arith.index_cast %swap3A_352 : i32 to index
    %swap3A_355 = arith.constant 0 : index
    %swap3A_356 = tpu.vector_load %arg8[%swap3A_353, %swap3A_354, %swap3A_355] {strides = array<i32>} : memref<8x4x64xi32, #tpu.memory_space<vmem>>, vector<1x1x16xi32>,
    %swap3A_357 = vector.shape_cast %swap3A_356 : vector<1x1x16xi32> to vector<16xi32>
    %swap3A_358 = vector.shape_cast %add3A_350 : vector<16xi32> to vector<1x1x16xi32>
    tpu.vector_store %arg8[%swap3A_353, %swap3A_354, %swap3A_355], %swap3A_358 {strides = array<i32>} : memref<8x4x64xi32, #tpu.memory_space<vmem>>, vector<1x1x16xi32>,
    %add3A_359 = arith.constant 64 : i32
    %add3A_360 = arith.addi %mul3A_2, %add3A_359 : i32
    %add3A_361 = arith.constant 16 : i32
    %add3A_362 = arith.addi %add3A_360, %add3A_361 : i32
    %mul3A_363 = arith.constant 4 : i32
    %mul3A_364 = vector.broadcast %mul3A_363 : i32 to vector<16xi32>
    %mul3A_365 = arith.muli %iota3A, %mul3A_364 : vector<16xi32>
    %mul3A_366 = arith.constant 4 : i32
    %mul3A_367 = arith.muli %mul3A_366, %add3A_362 : i32
    %add3A_368 = arith.constant 0 : i32
    %add3A_369 = arith.addi %mul3A_367, %add3A_368 : i32
    %add3A_370 = vector.broadcast %add3A_369 : i32 to vector<16xi32>
    %add3A_371 = arith.addi %mul3A_365, %add3A_370 : vector<16xi32>
    %swap3A_372 = arith.constant 1 : i32
    %swap3A_373 = arith.constant 0 : i32
    %swap3A_374 = arith.index_cast %swap3A_372 : i32 to index
    %swap3A_375 = arith.index_cast %swap3A_373 : i32 to index
    %swap3A_376 = arith.constant 16 : index
    %swap3A_377 = tpu.vector_load %arg8[%swap3A_374, %swap3A_375, %swap3A_376] {strides = array<i32>} : memref<8x4x64xi32, #tpu.memory_space<vmem>>, vector<1x1x16xi32>,
    %swap3A_378 = vector.shape_cast %swap3A_377 : vector<1x1x16xi32> to vector<16xi32>
    %swap3A_379 = vector.shape_cast %add3A_371 : vector<16xi32> to vector<1x1x16xi32>
    tpu.vector_store %arg8[%swap3A_374, %swap3A_375, %swap3A_376], %swap3A_379 {strides = array<i32>} : memref<8x4x64xi32, #tpu.memory_space<vmem>>, vector<1x1x16xi32>,
    %add3A_380 = arith.constant 64 : i32
    %add3A_381 = arith.addi %mul3A_2, %add3A_380 : i32
    %add3A_382 = arith.constant 32 : i32
    %add3A_383 = arith.addi %add3A_381, %add3A_382 : i32
    %mul3A_384 = arith.constant 4 : i32
    %mul3A_385 = vector.broadcast %mul3A_384 : i32 to vector<16xi32>
    %mul3A_386 = arith.muli %iota3A, %mul3A_385 : vector<16xi32>
    %mul3A_387 = arith.constant 4 : i32
    %mul3A_388 = arith.muli %mul3A_387, %add3A_383 : i32
    %add3A_389 = arith.constant 0 : i32
    %add3A_390 = arith.addi %mul3A_388, %add3A_389 : i32
    %add3A_391 = vector.broadcast %add3A_390 : i32 to vector<16xi32>
    %add3A_392 = arith.addi %mul3A_386, %add3A_391 : vector<16xi32>
    %swap3A_393 = arith.constant 1 : i32
    %swap3A_394 = arith.constant 0 : i32
    %swap3A_395 = arith.index_cast %swap3A_393 : i32 to index
    %swap3A_396 = arith.index_cast %swap3A_394 : i32 to index
    %swap3A_397 = arith.constant 32 : index
    %swap3A_398 = tpu.vector_load %arg8[%swap3A_395, %swap3A_396, %swap3A_397] {strides = array<i32>} : memref<8x4x64xi32, #tpu.memory_space<vmem>>, vector<1x1x16xi32>,
    %swap3A_399 = vector.shape_cast %swap3A_398 : vector<1x1x16xi32> to vector<16xi32>
    %swap3A_400 = vector.shape_cast %add3A_392 : vector<16xi32> to vector<1x1x16xi32>
    tpu.vector_store %arg8[%swap3A_395, %swap3A_396, %swap3A_397], %swap3A_400 {strides = array<i32>} : memref<8x4x64xi32, #tpu.memory_space<vmem>>, vector<1x1x16xi32>,
    %add3A_401 = arith.constant 64 : i32
    %add3A_402 = arith.addi %mul3A_2, %add3A_401 : i32
    %add3A_403 = arith.constant 48 : i32
    %add3A_404 = arith.addi %add3A_402, %add3A_403 : i32
    %mul3A_405 = arith.constant 4 : i32
    %mul3A_406 = vector.broadcast %mul3A_405 : i32 to vector<16xi32>
    %mul3A_407 = arith.muli %iota3A, %mul3A_406 : vector<16xi32>
    %mul3A_408 = arith.constant 4 : i32
    %mul3A_409 = arith.muli %mul3A_408, %add3A_404 : i32
    %add3A_410 = arith.constant 0 : i32
    %add3A_411 = arith.addi %mul3A_409, %add3A_410 : i32
    %add3A_412 = vector.broadcast %add3A_411 : i32 to vector<16xi32>
    %add3A_413 = arith.addi %mul3A_407, %add3A_412 : vector<16xi32>
    %swap3A_414 = arith.constant 1 : i32
    %swap3A_415 = arith.constant 0 : i32
    %swap3A_416 = arith.index_cast %swap3A_414 : i32 to index
    %swap3A_417 = arith.index_cast %swap3A_415 : i32 to index
    %swap3A_418 = arith.constant 48 : index
    %swap3A_419 = tpu.vector_load %arg8[%swap3A_416, %swap3A_417, %swap3A_418] {strides = array<i32>} : memref<8x4x64xi32, #tpu.memory_space<vmem>>, vector<1x1x16xi32>,
    %swap3A_420 = vector.shape_cast %swap3A_419 : vector<1x1x16xi32> to vector<16xi32>
    %swap3A_421 = vector.shape_cast %add3A_413 : vector<16xi32> to vector<1x1x16xi32>
    tpu.vector_store %arg8[%swap3A_416, %swap3A_417, %swap3A_418], %swap3A_421 {strides = array<i32>} : memref<8x4x64xi32, #tpu.memory_space<vmem>>, vector<1x1x16xi32>,
    %add3A_422 = arith.constant 64 : i32
    %add3A_423 = arith.addi %mul3A_2, %add3A_422 : i32
    %add3A_424 = arith.constant 0 : i32
    %add3A_425 = arith.addi %add3A_423, %add3A_424 : i32
    %mul3A_426 = arith.constant 4 : i32
    %mul3A_427 = vector.broadcast %mul3A_426 : i32 to vector<16xi32>
    %mul3A_428 = arith.muli %iota3A, %mul3A_427 : vector<16xi32>
    %mul3A_429 = arith.constant 4 : i32
    %mul3A_430 = arith.muli %mul3A_429, %add3A_425 : i32
    %add3A_431 = arith.constant 1 : i32
    %add3A_432 = arith.addi %mul3A_430, %add3A_431 : i32
    %add3A_433 = vector.broadcast %add3A_432 : i32 to vector<16xi32>
    %add3A_434 = arith.addi %mul3A_428, %add3A_433 : vector<16xi32>
    %swap3A_435 = arith.constant 1 : i32
    %swap3A_436 = arith.constant 1 : i32
    %swap3A_437 = arith.index_cast %swap3A_435 : i32 to index
    %swap3A_438 = arith.index_cast %swap3A_436 : i32 to index
    %swap3A_439 = arith.constant 0 : index
    %swap3A_440 = tpu.vector_load %arg8[%swap3A_437, %swap3A_438, %swap3A_439] {strides = array<i32>} : memref<8x4x64xi32, #tpu.memory_space<vmem>>, vector<1x1x16xi32>,
    %swap3A_441 = vector.shape_cast %swap3A_440 : vector<1x1x16xi32> to vector<16xi32>
    %swap3A_442 = vector.shape_cast %add3A_434 : vector<16xi32> to vector<1x1x16xi32>
    tpu.vector_store %arg8[%swap3A_437, %swap3A_438, %swap3A_439], %swap3A_442 {strides = array<i32>} : memref<8x4x64xi32, #tpu.memory_space<vmem>>, vector<1x1x16xi32>,
    %add3A_443 = arith.constant 64 : i32
    %add3A_444 = arith.addi %mul3A_2, %add3A_443 : i32
    %add3A_445 = arith.constant 16 : i32
    %add3A_446 = arith.addi %add3A_444, %add3A_445 : i32
    %mul3A_447 = arith.constant 4 : i32
    %mul3A_448 = vector.broadcast %mul3A_447 : i32 to vector<16xi32>
    %mul3A_449 = arith.muli %iota3A, %mul3A_448 : vector<16xi32>
    %mul3A_450 = arith.constant 4 : i32
    %mul3A_451 = arith.muli %mul3A_450, %add3A_446 : i32
    %add3A_452 = arith.constant 1 : i32
    %add3A_453 = arith.addi %mul3A_451, %add3A_452 : i32
    %add3A_454 = vector.broadcast %add3A_453 : i32 to vector<16xi32>
    %add3A_455 = arith.addi %mul3A_449, %add3A_454 : vector<16xi32>
    %swap3A_456 = arith.constant 1 : i32
    %swap3A_457 = arith.constant 1 : i32
    %swap3A_458 = arith.index_cast %swap3A_456 : i32 to index
    %swap3A_459 = arith.index_cast %swap3A_457 : i32 to index
    %swap3A_460 = arith.constant 16 : index
    %swap3A_461 = tpu.vector_load %arg8[%swap3A_458, %swap3A_459, %swap3A_460] {strides = array<i32>} : memref<8x4x64xi32, #tpu.memory_space<vmem>>, vector<1x1x16xi32>,
    %swap3A_462 = vector.shape_cast %swap3A_461 : vector<1x1x16xi32> to vector<16xi32>
    %swap3A_463 = vector.shape_cast %add3A_455 : vector<16xi32> to vector<1x1x16xi32>
    tpu.vector_store %arg8[%swap3A_458, %swap3A_459, %swap3A_460], %swap3A_463 {strides = array<i32>} : memref<8x4x64xi32, #tpu.memory_space<vmem>>, vector<1x1x16xi32>,
    %add3A_464 = arith.constant 64 : i32
    %add3A_465 = arith.addi %mul3A_2, %add3A_464 : i32
    %add3A_466 = arith.constant 32 : i32
    %add3A_467 = arith.addi %add3A_465, %add3A_466 : i32
    %mul3A_468 = arith.constant 4 : i32
    %mul3A_469 = vector.broadcast %mul3A_468 : i32 to vector<16xi32>
    %mul3A_470 = arith.muli %iota3A, %mul3A_469 : vector<16xi32>
    %mul3A_471 = arith.constant 4 : i32
    %mul3A_472 = arith.muli %mul3A_471, %add3A_467 : i32
    %add3A_473 = arith.constant 1 : i32
    %add3A_474 = arith.addi %mul3A_472, %add3A_473 : i32
    %add3A_475 = vector.broadcast %add3A_474 : i32 to vector<16xi32>
    %add3A_476 = arith.addi %mul3A_470, %add3A_475 : vector<16xi32>
    %swap3A_477 = arith.constant 1 : i32
    %swap3A_478 = arith.constant 1 : i32
    %swap3A_479 = arith.index_cast %swap3A_477 : i32 to index
    %swap3A_480 = arith.index_cast %swap3A_478 : i32 to index
    %swap3A_481 = arith.constant 32 : index
    %swap3A_482 = tpu.vector_load %arg8[%swap3A_479, %swap3A_480, %swap3A_481] {strides = array<i32>} : memref<8x4x64xi32, #tpu.memory_space<vmem>>, vector<1x1x16xi32>,
    %swap3A_483 = vector.shape_cast %swap3A_482 : vector<1x1x16xi32> to vector<16xi32>
    %swap3A_484 = vector.shape_cast %add3A_476 : vector<16xi32> to vector<1x1x16xi32>
    tpu.vector_store %arg8[%swap3A_479, %swap3A_480, %swap3A_481], %swap3A_484 {strides = array<i32>} : memref<8x4x64xi32, #tpu.memory_space<vmem>>, vector<1x1x16xi32>,
    %add3A_485 = arith.constant 64 : i32
    %add3A_486 = arith.addi %mul3A_2, %add3A_485 : i32
    %add3A_487 = arith.constant 48 : i32
    %add3A_488 = arith.addi %add3A_486, %add3A_487 : i32
    %mul3A_489 = arith.constant 4 : i32
    %mul3A_490 = vector.broadcast %mul3A_489 : i32 to vector<16xi32>
    %mul3A_491 = arith.muli %iota3A, %mul3A_490 : vector<16xi32>
    %mul3A_492 = arith.constant 4 : i32
    %mul3A_493 = arith.muli %mul3A_492, %add3A_488 : i32
    %add3A_494 = arith.constant 1 : i32
    %add3A_495 = arith.addi %mul3A_493, %add3A_494 : i32
    %add3A_496 = vector.broadcast %add3A_495 : i32 to vector<16xi32>
    %add3A_497 = arith.addi %mul3A_491, %add3A_496 : vector<16xi32>
    %swap3A_498 = arith.constant 1 : i32
    %swap3A_499 = arith.constant 1 : i32
    %swap3A_500 = arith.index_cast %swap3A_498 : i32 to index
    %swap3A_501 = arith.index_cast %swap3A_499 : i32 to index
    %swap3A_502 = arith.constant 48 : index
    %swap3A_503 = tpu.vector_load %arg8[%swap3A_500, %swap3A_501, %swap3A_502] {strides = array<i32>} : memref<8x4x64xi32, #tpu.memory_space<vmem>>, vector<1x1x16xi32>,
    %swap3A_504 = vector.shape_cast %swap3A_503 : vector<1x1x16xi32> to vector<16xi32>
    %swap3A_505 = vector.shape_cast %add3A_497 : vector<16xi32> to vector<1x1x16xi32>
    tpu.vector_store %arg8[%swap3A_500, %swap3A_501, %swap3A_502], %swap3A_505 {strides = array<i32>} : memref<8x4x64xi32, #tpu.memory_space<vmem>>, vector<1x1x16xi32>,
    %add3A_506 = arith.constant 64 : i32
    %add3A_507 = arith.addi %mul3A_2, %add3A_506 : i32
    %add3A_508 = arith.constant 0 : i32
    %add3A_509 = arith.addi %add3A_507, %add3A_508 : i32
    %mul3A_510 = arith.constant 4 : i32
    %mul3A_511 = vector.broadcast %mul3A_510 : i32 to vector<16xi32>
    %mul3A_512 = arith.muli %iota3A, %mul3A_511 : vector<16xi32>
    %mul3A_513 = arith.constant 4 : i32
    %mul3A_514 = arith.muli %mul3A_513, %add3A_509 : i32
    %add3A_515 = arith.constant 2 : i32
    %add3A_516 = arith.addi %mul3A_514, %add3A_515 : i32
    %add3A_517 = vector.broadcast %add3A_516 : i32 to vector<16xi32>
    %add3A_518 = arith.addi %mul3A_512, %add3A_517 : vector<16xi32>
    %swap3A_519 = arith.constant 1 : i32
    %swap3A_520 = arith.constant 2 : i32
    %swap3A_521 = arith.index_cast %swap3A_519 : i32 to index
    %swap3A_522 = arith.index_cast %swap3A_520 : i32 to index
    %swap3A_523 = arith.constant 0 : index
    %swap3A_524 = tpu.vector_load %arg8[%swap3A_521, %swap3A_522, %swap3A_523] {strides = array<i32>} : memref<8x4x64xi32, #tpu.memory_space<vmem>>, vector<1x1x16xi32>,
    %swap3A_525 = vector.shape_cast %swap3A_524 : vector<1x1x16xi32> to vector<16xi32>
    %swap3A_526 = vector.shape_cast %add3A_518 : vector<16xi32> to vector<1x1x16xi32>
    tpu.vector_store %arg8[%swap3A_521, %swap3A_522, %swap3A_523], %swap3A_526 {strides = array<i32>} : memref<8x4x64xi32, #tpu.memory_space<vmem>>, vector<1x1x16xi32>,
    %add3A_527 = arith.constant 64 : i32
    %add3A_528 = arith.addi %mul3A_2, %add3A_527 : i32
    %add3A_529 = arith.constant 16 : i32
    %add3A_530 = arith.addi %add3A_528, %add3A_529 : i32
    %mul3A_531 = arith.constant 4 : i32
    %mul3A_532 = vector.broadcast %mul3A_531 : i32 to vector<16xi32>
    %mul3A_533 = arith.muli %iota3A, %mul3A_532 : vector<16xi32>
    %mul3A_534 = arith.constant 4 : i32
    %mul3A_535 = arith.muli %mul3A_534, %add3A_530 : i32
    %add3A_536 = arith.constant 2 : i32
    %add3A_537 = arith.addi %mul3A_535, %add3A_536 : i32
    %add3A_538 = vector.broadcast %add3A_537 : i32 to vector<16xi32>
    %add3A_539 = arith.addi %mul3A_533, %add3A_538 : vector<16xi32>
    %swap3A_540 = arith.constant 1 : i32
    %swap3A_541 = arith.constant 2 : i32
    %swap3A_542 = arith.index_cast %swap3A_540 : i32 to index
    %swap3A_543 = arith.index_cast %swap3A_541 : i32 to index
    %swap3A_544 = arith.constant 16 : index
    %swap3A_545 = tpu.vector_load %arg8[%swap3A_542, %swap3A_543, %swap3A_544] {strides = array<i32>} : memref<8x4x64xi32, #tpu.memory_space<vmem>>, vector<1x1x16xi32>,
    %swap3A_546 = vector.shape_cast %swap3A_545 : vector<1x1x16xi32> to vector<16xi32>
    %swap3A_547 = vector.shape_cast %add3A_539 : vector<16xi32> to vector<1x1x16xi32>
    tpu.vector_store %arg8[%swap3A_542, %swap3A_543, %swap3A_544], %swap3A_547 {strides = array<i32>} : memref<8x4x64xi32, #tpu.memory_space<vmem>>, vector<1x1x16xi32>,
    %add3A_548 = arith.constant 64 : i32
    %add3A_549 = arith.addi %mul3A_2, %add3A_548 : i32
    %add3A_550 = arith.constant 32 : i32
    %add3A_551 = arith.addi %add3A_549, %add3A_550 : i32
    %mul3A_552 = arith.constant 4 : i32
    %mul3A_553 = vector.broadcast %mul3A_552 : i32 to vector<16xi32>
    %mul3A_554 = arith.muli %iota3A, %mul3A_553 : vector<16xi32>
    %mul3A_555 = arith.constant 4 : i32
    %mul3A_556 = arith.muli %mul3A_555, %add3A_551 : i32
    %add3A_557 = arith.constant 2 : i32
    %add3A_558 = arith.addi %mul3A_556, %add3A_557 : i32
    %add3A_559 = vector.broadcast %add3A_558 : i32 to vector<16xi32>
    %add3A_560 = arith.addi %mul3A_554, %add3A_559 : vector<16xi32>
    %swap3A_561 = arith.constant 1 : i32
    %swap3A_562 = arith.constant 2 : i32
    %swap3A_563 = arith.index_cast %swap3A_561 : i32 to index
    %swap3A_564 = arith.index_cast %swap3A_562 : i32 to index
    %swap3A_565 = arith.constant 32 : index
    %swap3A_566 = tpu.vector_load %arg8[%swap3A_563, %swap3A_564, %swap3A_565] {strides = array<i32>} : memref<8x4x64xi32, #tpu.memory_space<vmem>>, vector<1x1x16xi32>,
    %swap3A_567 = vector.shape_cast %swap3A_566 : vector<1x1x16xi32> to vector<16xi32>
    %swap3A_568 = vector.shape_cast %add3A_560 : vector<16xi32> to vector<1x1x16xi32>
    tpu.vector_store %arg8[%swap3A_563, %swap3A_564, %swap3A_565], %swap3A_568 {strides = array<i32>} : memref<8x4x64xi32, #tpu.memory_space<vmem>>, vector<1x1x16xi32>,
    %add3A_569 = arith.constant 64 : i32
    %add3A_570 = arith.addi %mul3A_2, %add3A_569 : i32
    %add3A_571 = arith.constant 48 : i32
    %add3A_572 = arith.addi %add3A_570, %add3A_571 : i32
    %mul3A_573 = arith.constant 4 : i32
    %mul3A_574 = vector.broadcast %mul3A_573 : i32 to vector<16xi32>
    %mul3A_575 = arith.muli %iota3A, %mul3A_574 : vector<16xi32>
    %mul3A_576 = arith.constant 4 : i32
    %mul3A_577 = arith.muli %mul3A_576, %add3A_572 : i32
    %add3A_578 = arith.constant 2 : i32
    %add3A_579 = arith.addi %mul3A_577, %add3A_578 : i32
    %add3A_580 = vector.broadcast %add3A_579 : i32 to vector<16xi32>
    %add3A_581 = arith.addi %mul3A_575, %add3A_580 : vector<16xi32>
    %swap3A_582 = arith.constant 1 : i32
    %swap3A_583 = arith.constant 2 : i32
    %swap3A_584 = arith.index_cast %swap3A_582 : i32 to index
    %swap3A_585 = arith.index_cast %swap3A_583 : i32 to index
    %swap3A_586 = arith.constant 48 : index
    %swap3A_587 = tpu.vector_load %arg8[%swap3A_584, %swap3A_585, %swap3A_586] {strides = array<i32>} : memref<8x4x64xi32, #tpu.memory_space<vmem>>, vector<1x1x16xi32>,
    %swap3A_588 = vector.shape_cast %swap3A_587 : vector<1x1x16xi32> to vector<16xi32>
    %swap3A_589 = vector.shape_cast %add3A_581 : vector<16xi32> to vector<1x1x16xi32>
    tpu.vector_store %arg8[%swap3A_584, %swap3A_585, %swap3A_586], %swap3A_589 {strides = array<i32>} : memref<8x4x64xi32, #tpu.memory_space<vmem>>, vector<1x1x16xi32>,
    %add3A_590 = arith.constant 64 : i32
    %add3A_591 = arith.addi %mul3A_2, %add3A_590 : i32
    %add3A_592 = arith.constant 0 : i32
    %add3A_593 = arith.addi %add3A_591, %add3A_592 : i32
    %mul3A_594 = arith.constant 4 : i32
    %mul3A_595 = vector.broadcast %mul3A_594 : i32 to vector<16xi32>
    %mul3A_596 = arith.muli %iota3A, %mul3A_595 : vector<16xi32>
    %mul3A_597 = arith.constant 4 : i32
    %mul3A_598 = arith.muli %mul3A_597, %add3A_593 : i32
    %add3A_599 = arith.constant 3 : i32
    %add3A_600 = arith.addi %mul3A_598, %add3A_599 : i32
    %add3A_601 = vector.broadcast %add3A_600 : i32 to vector<16xi32>
    %add3A_602 = arith.addi %mul3A_596, %add3A_601 : vector<16xi32>
    %swap3A_603 = arith.constant 1 : i32
    %swap3A_604 = arith.constant 3 : i32
    %swap3A_605 = arith.index_cast %swap3A_603 : i32 to index
    %swap3A_606 = arith.index_cast %swap3A_604 : i32 to index
    %swap3A_607 = arith.constant 0 : index
    %swap3A_608 = tpu.vector_load %arg8[%swap3A_605, %swap3A_606, %swap3A_607] {strides = array<i32>} : memref<8x4x64xi32, #tpu.memory_space<vmem>>, vector<1x1x16xi32>,
    %swap3A_609 = vector.shape_cast %swap3A_608 : vector<1x1x16xi32> to vector<16xi32>
    %swap3A_610 = vector.shape_cast %add3A_602 : vector<16xi32> to vector<1x1x16xi32>
    tpu.vector_store %arg8[%swap3A_605, %swap3A_606, %swap3A_607], %swap3A_610 {strides = array<i32>} : memref<8x4x64xi32, #tpu.memory_space<vmem>>, vector<1x1x16xi32>,
    %add3A_611 = arith.constant 64 : i32
    %add3A_612 = arith.addi %mul3A_2, %add3A_611 : i32
    %add3A_613 = arith.constant 16 : i32
    %add3A_614 = arith.addi %add3A_612, %add3A_613 : i32
    %mul3A_615 = arith.constant 4 : i32
    %mul3A_616 = vector.broadcast %mul3A_615 : i32 to vector<16xi32>
    %mul3A_617 = arith.muli %iota3A, %mul3A_616 : vector<16xi32>
    %mul3A_618 = arith.constant 4 : i32
    %mul3A_619 = arith.muli %mul3A_618, %add3A_614 : i32
    %add3A_620 = arith.constant 3 : i32
    %add3A_621 = arith.addi %mul3A_619, %add3A_620 : i32
    %add3A_622 = vector.broadcast %add3A_621 : i32 to vector<16xi32>
    %add3A_623 = arith.addi %mul3A_617, %add3A_622 : vector<16xi32>
    %swap3A_624 = arith.constant 1 : i32
    %swap3A_625 = arith.constant 3 : i32
    %swap3A_626 = arith.index_cast %swap3A_624 : i32 to index
    %swap3A_627 = arith.index_cast %swap3A_625 : i32 to index
    %swap3A_628 = arith.constant 16 : index
    %swap3A_629 = tpu.vector_load %arg8[%swap3A_626, %swap3A_627, %swap3A_628] {strides = array<i32>} : memref<8x4x64xi32, #tpu.memory_space<vmem>>, vector<1x1x16xi32>,
    %swap3A_630 = vector.shape_cast %swap3A_629 : vector<1x1x16xi32> to vector<16xi32>
    %swap3A_631 = vector.shape_cast %add3A_623 : vector<16xi32> to vector<1x1x16xi32>
    tpu.vector_store %arg8[%swap3A_626, %swap3A_627, %swap3A_628], %swap3A_631 {strides = array<i32>} : memref<8x4x64xi32, #tpu.memory_space<vmem>>, vector<1x1x16xi32>,
    %add3A_632 = arith.constant 64 : i32
    %add3A_633 = arith.addi %mul3A_2, %add3A_632 : i32
    %add3A_634 = arith.constant 32 : i32
    %add3A_635 = arith.addi %add3A_633, %add3A_634 : i32
    %mul3A_636 = arith.constant 4 : i32
    %mul3A_637 = vector.broadcast %mul3A_636 : i32 to vector<16xi32>
    %mul3A_638 = arith.muli %iota3A, %mul3A_637 : vector<16xi32>
    %mul3A_639 = arith.constant 4 : i32
    %mul3A_640 = arith.muli %mul3A_639, %add3A_635 : i32
    %add3A_641 = arith.constant 3 : i32
    %add3A_642 = arith.addi %mul3A_640, %add3A_641 : i32
    %add3A_643 = vector.broadcast %add3A_642 : i32 to vector<16xi32>
    %add3A_644 = arith.addi %mul3A_638, %add3A_643 : vector<16xi32>
    %swap3A_645 = arith.constant 1 : i32
    %swap3A_646 = arith.constant 3 : i32
    %swap3A_647 = arith.index_cast %swap3A_645 : i32 to index
    %swap3A_648 = arith.index_cast %swap3A_646 : i32 to index
    %swap3A_649 = arith.constant 32 : index
    %swap3A_650 = tpu.vector_load %arg8[%swap3A_647, %swap3A_648, %swap3A_649] {strides = array<i32>} : memref<8x4x64xi32, #tpu.memory_space<vmem>>, vector<1x1x16xi32>,
    %swap3A_651 = vector.shape_cast %swap3A_650 : vector<1x1x16xi32> to vector<16xi32>
    %swap3A_652 = vector.shape_cast %add3A_644 : vector<16xi32> to vector<1x1x16xi32>
    tpu.vector_store %arg8[%swap3A_647, %swap3A_648, %swap3A_649], %swap3A_652 {strides = array<i32>} : memref<8x4x64xi32, #tpu.memory_space<vmem>>, vector<1x1x16xi32>,
    %add3A_653 = arith.constant 64 : i32
    %add3A_654 = arith.addi %mul3A_2, %add3A_653 : i32
    %add3A_655 = arith.constant 48 : i32
    %add3A_656 = arith.addi %add3A_654, %add3A_655 : i32
    %mul3A_657 = arith.constant 4 : i32
    %mul3A_658 = vector.broadcast %mul3A_657 : i32 to vector<16xi32>
    %mul3A_659 = arith.muli %iota3A, %mul3A_658 : vector<16xi32>
    %mul3A_660 = arith.constant 4 : i32
    %mul3A_661 = arith.muli %mul3A_660, %add3A_656 : i32
    %add3A_662 = arith.constant 3 : i32
    %add3A_663 = arith.addi %mul3A_661, %add3A_662 : i32
    %add3A_664 = vector.broadcast %add3A_663 : i32 to vector<16xi32>
    %add3A_665 = arith.addi %mul3A_659, %add3A_664 : vector<16xi32>
    %swap3A_666 = arith.constant 1 : i32
    %swap3A_667 = arith.constant 3 : i32
    %swap3A_668 = arith.index_cast %swap3A_666 : i32 to index
    %swap3A_669 = arith.index_cast %swap3A_667 : i32 to index
    %swap3A_670 = arith.constant 48 : index
    %swap3A_671 = tpu.vector_load %arg8[%swap3A_668, %swap3A_669, %swap3A_670] {strides = array<i32>} : memref<8x4x64xi32, #tpu.memory_space<vmem>>, vector<1x1x16xi32>,
    %swap3A_672 = vector.shape_cast %swap3A_671 : vector<1x1x16xi32> to vector<16xi32>
    %swap3A_673 = vector.shape_cast %add3A_665 : vector<16xi32> to vector<1x1x16xi32>
    tpu.vector_store %arg8[%swap3A_668, %swap3A_669, %swap3A_670], %swap3A_673 {strides = array<i32>} : memref<8x4x64xi32, #tpu.memory_space<vmem>>, vector<1x1x16xi32>,
    %add3A_674 = arith.constant 128 : i32
    %add3A_675 = arith.addi %mul3A_2, %add3A_674 : i32
    %add3A_676 = arith.constant 0 : i32
    %add3A_677 = arith.addi %add3A_675, %add3A_676 : i32
    %mul3A_678 = arith.constant 4 : i32
    %mul3A_679 = vector.broadcast %mul3A_678 : i32 to vector<16xi32>
    %mul3A_680 = arith.muli %iota3A, %mul3A_679 : vector<16xi32>
    %mul3A_681 = arith.constant 4 : i32
    %mul3A_682 = arith.muli %mul3A_681, %add3A_677 : i32
    %add3A_683 = arith.constant 0 : i32
    %add3A_684 = arith.addi %mul3A_682, %add3A_683 : i32
    %add3A_685 = vector.broadcast %add3A_684 : i32 to vector<16xi32>
    %add3A_686 = arith.addi %mul3A_680, %add3A_685 : vector<16xi32>
    %swap3A_687 = arith.constant 2 : i32
    %swap3A_688 = arith.constant 0 : i32
    %swap3A_689 = arith.index_cast %swap3A_687 : i32 to index
    %swap3A_690 = arith.index_cast %swap3A_688 : i32 to index
    %swap3A_691 = arith.constant 0 : index
    %swap3A_692 = tpu.vector_load %arg8[%swap3A_689, %swap3A_690, %swap3A_691] {strides = array<i32>} : memref<8x4x64xi32, #tpu.memory_space<vmem>>, vector<1x1x16xi32>,
    %swap3A_693 = vector.shape_cast %swap3A_692 : vector<1x1x16xi32> to vector<16xi32>
    %swap3A_694 = vector.shape_cast %add3A_686 : vector<16xi32> to vector<1x1x16xi32>
    tpu.vector_store %arg8[%swap3A_689, %swap3A_690, %swap3A_691], %swap3A_694 {strides = array<i32>} : memref<8x4x64xi32, #tpu.memory_space<vmem>>, vector<1x1x16xi32>,
    %add3A_695 = arith.constant 128 : i32
    %add3A_696 = arith.addi %mul3A_2, %add3A_695 : i32
    %add3A_697 = arith.constant 16 : i32
    %add3A_698 = arith.addi %add3A_696, %add3A_697 : i32
    %mul3A_699 = arith.constant 4 : i32
    %mul3A_700 = vector.broadcast %mul3A_699 : i32 to vector<16xi32>
    %mul3A_701 = arith.muli %iota3A, %mul3A_700 : vector<16xi32>
    %mul3A_702 = arith.constant 4 : i32
    %mul3A_703 = arith.muli %mul3A_702, %add3A_698 : i32
    %add3A_704 = arith.constant 0 : i32
    %add3A_705 = arith.addi %mul3A_703, %add3A_704 : i32
    %add3A_706 = vector.broadcast %add3A_705 : i32 to vector<16xi32>
    %add3A_707 = arith.addi %mul3A_701, %add3A_706 : vector<16xi32>
    %swap3A_708 = arith.constant 2 : i32
    %swap3A_709 = arith.constant 0 : i32
    %swap3A_710 = arith.index_cast %swap3A_708 : i32 to index
    %swap3A_711 = arith.index_cast %swap3A_709 : i32 to index
    %swap3A_712 = arith.constant 16 : index
    %swap3A_713 = tpu.vector_load %arg8[%swap3A_710, %swap3A_711, %swap3A_712] {strides = array<i32>} : memref<8x4x64xi32, #tpu.memory_space<vmem>>, vector<1x1x16xi32>,
    %swap3A_714 = vector.shape_cast %swap3A_713 : vector<1x1x16xi32> to vector<16xi32>
    %swap3A_715 = vector.shape_cast %add3A_707 : vector<16xi32> to vector<1x1x16xi32>
    tpu.vector_store %arg8[%swap3A_710, %swap3A_711, %swap3A_712], %swap3A_715 {strides = array<i32>} : memref<8x4x64xi32, #tpu.memory_space<vmem>>, vector<1x1x16xi32>,
    %add3A_716 = arith.constant 128 : i32
    %add3A_717 = arith.addi %mul3A_2, %add3A_716 : i32
    %add3A_718 = arith.constant 32 : i32
    %add3A_719 = arith.addi %add3A_717, %add3A_718 : i32
    %mul3A_720 = arith.constant 4 : i32
    %mul3A_721 = vector.broadcast %mul3A_720 : i32 to vector<16xi32>
    %mul3A_722 = arith.muli %iota3A, %mul3A_721 : vector<16xi32>
    %mul3A_723 = arith.constant 4 : i32
    %mul3A_724 = arith.muli %mul3A_723, %add3A_719 : i32
    %add3A_725 = arith.constant 0 : i32
    %add3A_726 = arith.addi %mul3A_724, %add3A_725 : i32
    %add3A_727 = vector.broadcast %add3A_726 : i32 to vector<16xi32>
    %add3A_728 = arith.addi %mul3A_722, %add3A_727 : vector<16xi32>
    %swap3A_729 = arith.constant 2 : i32
    %swap3A_730 = arith.constant 0 : i32
    %swap3A_731 = arith.index_cast %swap3A_729 : i32 to index
    %swap3A_732 = arith.index_cast %swap3A_730 : i32 to index
    %swap3A_733 = arith.constant 32 : index
    %swap3A_734 = tpu.vector_load %arg8[%swap3A_731, %swap3A_732, %swap3A_733] {strides = array<i32>} : memref<8x4x64xi32, #tpu.memory_space<vmem>>, vector<1x1x16xi32>,
    %swap3A_735 = vector.shape_cast %swap3A_734 : vector<1x1x16xi32> to vector<16xi32>
    %swap3A_736 = vector.shape_cast %add3A_728 : vector<16xi32> to vector<1x1x16xi32>
    tpu.vector_store %arg8[%swap3A_731, %swap3A_732, %swap3A_733], %swap3A_736 {strides = array<i32>} : memref<8x4x64xi32, #tpu.memory_space<vmem>>, vector<1x1x16xi32>,
    %add3A_737 = arith.constant 128 : i32
    %add3A_738 = arith.addi %mul3A_2, %add3A_737 : i32
    %add3A_739 = arith.constant 48 : i32
    %add3A_740 = arith.addi %add3A_738, %add3A_739 : i32
    %mul3A_741 = arith.constant 4 : i32
    %mul3A_742 = vector.broadcast %mul3A_741 : i32 to vector<16xi32>
    %mul3A_743 = arith.muli %iota3A, %mul3A_742 : vector<16xi32>
    %mul3A_744 = arith.constant 4 : i32
    %mul3A_745 = arith.muli %mul3A_744, %add3A_740 : i32
    %add3A_746 = arith.constant 0 : i32
    %add3A_747 = arith.addi %mul3A_745, %add3A_746 : i32
    %add3A_748 = vector.broadcast %add3A_747 : i32 to vector<16xi32>
    %add3A_749 = arith.addi %mul3A_743, %add3A_748 : vector<16xi32>
    %swap3A_750 = arith.constant 2 : i32
    %swap3A_751 = arith.constant 0 : i32
    %swap3A_752 = arith.index_cast %swap3A_750 : i32 to index
    %swap3A_753 = arith.index_cast %swap3A_751 : i32 to index
    %swap3A_754 = arith.constant 48 : index
    %swap3A_755 = tpu.vector_load %arg8[%swap3A_752, %swap3A_753, %swap3A_754] {strides = array<i32>} : memref<8x4x64xi32, #tpu.memory_space<vmem>>, vector<1x1x16xi32>,
    %swap3A_756 = vector.shape_cast %swap3A_755 : vector<1x1x16xi32> to vector<16xi32>
    %swap3A_757 = vector.shape_cast %add3A_749 : vector<16xi32> to vector<1x1x16xi32>
    tpu.vector_store %arg8[%swap3A_752, %swap3A_753, %swap3A_754], %swap3A_757 {strides = array<i32>} : memref<8x4x64xi32, #tpu.memory_space<vmem>>, vector<1x1x16xi32>,
    %add3A_758 = arith.constant 128 : i32
    %add3A_759 = arith.addi %mul3A_2, %add3A_758 : i32
    %add3A_760 = arith.constant 0 : i32
    %add3A_761 = arith.addi %add3A_759, %add3A_760 : i32
    %mul3A_762 = arith.constant 4 : i32
    %mul3A_763 = vector.broadcast %mul3A_762 : i32 to vector<16xi32>
    %mul3A_764 = arith.muli %iota3A, %mul3A_763 : vector<16xi32>
    %mul3A_765 = arith.constant 4 : i32
    %mul3A_766 = arith.muli %mul3A_765, %add3A_761 : i32
    %add3A_767 = arith.constant 1 : i32
    %add3A_768 = arith.addi %mul3A_766, %add3A_767 : i32
    %add3A_769 = vector.broadcast %add3A_768 : i32 to vector<16xi32>
    %add3A_770 = arith.addi %mul3A_764, %add3A_769 : vector<16xi32>
    %swap3A_771 = arith.constant 2 : i32
    %swap3A_772 = arith.constant 1 : i32
    %swap3A_773 = arith.index_cast %swap3A_771 : i32 to index
    %swap3A_774 = arith.index_cast %swap3A_772 : i32 to index
    %swap3A_775 = arith.constant 0 : index
    %swap3A_776 = tpu.vector_load %arg8[%swap3A_773, %swap3A_774, %swap3A_775] {strides = array<i32>} : memref<8x4x64xi32, #tpu.memory_space<vmem>>, vector<1x1x16xi32>,
    %swap3A_777 = vector.shape_cast %swap3A_776 : vector<1x1x16xi32> to vector<16xi32>
    %swap3A_778 = vector.shape_cast %add3A_770 : vector<16xi32> to vector<1x1x16xi32>
    tpu.vector_store %arg8[%swap3A_773, %swap3A_774, %swap3A_775], %swap3A_778 {strides = array<i32>} : memref<8x4x64xi32, #tpu.memory_space<vmem>>, vector<1x1x16xi32>,
    %add3A_779 = arith.constant 128 : i32
    %add3A_780 = arith.addi %mul3A_2, %add3A_779 : i32
    %add3A_781 = arith.constant 16 : i32
    %add3A_782 = arith.addi %add3A_780, %add3A_781 : i32
    %mul3A_783 = arith.constant 4 : i32
    %mul3A_784 = vector.broadcast %mul3A_783 : i32 to vector<16xi32>
    %mul3A_785 = arith.muli %iota3A, %mul3A_784 : vector<16xi32>
    %mul3A_786 = arith.constant 4 : i32
    %mul3A_787 = arith.muli %mul3A_786, %add3A_782 : i32
    %add3A_788 = arith.constant 1 : i32
    %add3A_789 = arith.addi %mul3A_787, %add3A_788 : i32
    %add3A_790 = vector.broadcast %add3A_789 : i32 to vector<16xi32>
    %add3A_791 = arith.addi %mul3A_785, %add3A_790 : vector<16xi32>
    %swap3A_792 = arith.constant 2 : i32
    %swap3A_793 = arith.constant 1 : i32
    %swap3A_794 = arith.index_cast %swap3A_792 : i32 to index
    %swap3A_795 = arith.index_cast %swap3A_793 : i32 to index
    %swap3A_796 = arith.constant 16 : index
    %swap3A_797 = tpu.vector_load %arg8[%swap3A_794, %swap3A_795, %swap3A_796] {strides = array<i32>} : memref<8x4x64xi32, #tpu.memory_space<vmem>>, vector<1x1x16xi32>,
    %swap3A_798 = vector.shape_cast %swap3A_797 : vector<1x1x16xi32> to vector<16xi32>
    %swap3A_799 = vector.shape_cast %add3A_791 : vector<16xi32> to vector<1x1x16xi32>
    tpu.vector_store %arg8[%swap3A_794, %swap3A_795, %swap3A_796], %swap3A_799 {strides = array<i32>} : memref<8x4x64xi32, #tpu.memory_space<vmem>>, vector<1x1x16xi32>,
    %add3A_800 = arith.constant 128 : i32
    %add3A_801 = arith.addi %mul3A_2, %add3A_800 : i32
    %add3A_802 = arith.constant 32 : i32
    %add3A_803 = arith.addi %add3A_801, %add3A_802 : i32
    %mul3A_804 = arith.constant 4 : i32
    %mul3A_805 = vector.broadcast %mul3A_804 : i32 to vector<16xi32>
    %mul3A_806 = arith.muli %iota3A, %mul3A_805 : vector<16xi32>
    %mul3A_807 = arith.constant 4 : i32
    %mul3A_808 = arith.muli %mul3A_807, %add3A_803 : i32
    %add3A_809 = arith.constant 1 : i32
    %add3A_810 = arith.addi %mul3A_808, %add3A_809 : i32
    %add3A_811 = vector.broadcast %add3A_810 : i32 to vector<16xi32>
    %add3A_812 = arith.addi %mul3A_806, %add3A_811 : vector<16xi32>
    %swap3A_813 = arith.constant 2 : i32
    %swap3A_814 = arith.constant 1 : i32
    %swap3A_815 = arith.index_cast %swap3A_813 : i32 to index
    %swap3A_816 = arith.index_cast %swap3A_814 : i32 to index
    %swap3A_817 = arith.constant 32 : index
    %swap3A_818 = tpu.vector_load %arg8[%swap3A_815, %swap3A_816, %swap3A_817] {strides = array<i32>} : memref<8x4x64xi32, #tpu.memory_space<vmem>>, vector<1x1x16xi32>,
    %swap3A_819 = vector.shape_cast %swap3A_818 : vector<1x1x16xi32> to vector<16xi32>
    %swap3A_820 = vector.shape_cast %add3A_812 : vector<16xi32> to vector<1x1x16xi32>
    tpu.vector_store %arg8[%swap3A_815, %swap3A_816, %swap3A_817], %swap3A_820 {strides = array<i32>} : memref<8x4x64xi32, #tpu.memory_space<vmem>>, vector<1x1x16xi32>,
    %add3A_821 = arith.constant 128 : i32
    %add3A_822 = arith.addi %mul3A_2, %add3A_821 : i32
    %add3A_823 = arith.constant 48 : i32
    %add3A_824 = arith.addi %add3A_822, %add3A_823 : i32
    %mul3A_825 = arith.constant 4 : i32
    %mul3A_826 = vector.broadcast %mul3A_825 : i32 to vector<16xi32>
    %mul3A_827 = arith.muli %iota3A, %mul3A_826 : vector<16xi32>
    %mul3A_828 = arith.constant 4 : i32
    %mul3A_829 = arith.muli %mul3A_828, %add3A_824 : i32
    %add3A_830 = arith.constant 1 : i32
    %add3A_831 = arith.addi %mul3A_829, %add3A_830 : i32
    %add3A_832 = vector.broadcast %add3A_831 : i32 to vector<16xi32>
    %add3A_833 = arith.addi %mul3A_827, %add3A_832 : vector<16xi32>
    %swap3A_834 = arith.constant 2 : i32
    %swap3A_835 = arith.constant 1 : i32
    %swap3A_836 = arith.index_cast %swap3A_834 : i32 to index
    %swap3A_837 = arith.index_cast %swap3A_835 : i32 to index
    %swap3A_838 = arith.constant 48 : index
    %swap3A_839 = tpu.vector_load %arg8[%swap3A_836, %swap3A_837, %swap3A_838] {strides = array<i32>} : memref<8x4x64xi32, #tpu.memory_space<vmem>>, vector<1x1x16xi32>,
    %swap3A_840 = vector.shape_cast %swap3A_839 : vector<1x1x16xi32> to vector<16xi32>
    %swap3A_841 = vector.shape_cast %add3A_833 : vector<16xi32> to vector<1x1x16xi32>
    tpu.vector_store %arg8[%swap3A_836, %swap3A_837, %swap3A_838], %swap3A_841 {strides = array<i32>} : memref<8x4x64xi32, #tpu.memory_space<vmem>>, vector<1x1x16xi32>,
    %add3A_842 = arith.constant 128 : i32
    %add3A_843 = arith.addi %mul3A_2, %add3A_842 : i32
    %add3A_844 = arith.constant 0 : i32
    %add3A_845 = arith.addi %add3A_843, %add3A_844 : i32
    %mul3A_846 = arith.constant 4 : i32
    %mul3A_847 = vector.broadcast %mul3A_846 : i32 to vector<16xi32>
    %mul3A_848 = arith.muli %iota3A, %mul3A_847 : vector<16xi32>
    %mul3A_849 = arith.constant 4 : i32
    %mul3A_850 = arith.muli %mul3A_849, %add3A_845 : i32
    %add3A_851 = arith.constant 2 : i32
    %add3A_852 = arith.addi %mul3A_850, %add3A_851 : i32
    %add3A_853 = vector.broadcast %add3A_852 : i32 to vector<16xi32>
    %add3A_854 = arith.addi %mul3A_848, %add3A_853 : vector<16xi32>
    %swap3A_855 = arith.constant 2 : i32
    %swap3A_856 = arith.constant 2 : i32
    %swap3A_857 = arith.index_cast %swap3A_855 : i32 to index
    %swap3A_858 = arith.index_cast %swap3A_856 : i32 to index
    %swap3A_859 = arith.constant 0 : index
    %swap3A_860 = tpu.vector_load %arg8[%swap3A_857, %swap3A_858, %swap3A_859] {strides = array<i32>} : memref<8x4x64xi32, #tpu.memory_space<vmem>>, vector<1x1x16xi32>,
    %swap3A_861 = vector.shape_cast %swap3A_860 : vector<1x1x16xi32> to vector<16xi32>
    %swap3A_862 = vector.shape_cast %add3A_854 : vector<16xi32> to vector<1x1x16xi32>
    tpu.vector_store %arg8[%swap3A_857, %swap3A_858, %swap3A_859], %swap3A_862 {strides = array<i32>} : memref<8x4x64xi32, #tpu.memory_space<vmem>>, vector<1x1x16xi32>,
    %add3A_863 = arith.constant 128 : i32
    %add3A_864 = arith.addi %mul3A_2, %add3A_863 : i32
    %add3A_865 = arith.constant 16 : i32
    %add3A_866 = arith.addi %add3A_864, %add3A_865 : i32
    %mul3A_867 = arith.constant 4 : i32
    %mul3A_868 = vector.broadcast %mul3A_867 : i32 to vector<16xi32>
    %mul3A_869 = arith.muli %iota3A, %mul3A_868 : vector<16xi32>
    %mul3A_870 = arith.constant 4 : i32
    %mul3A_871 = arith.muli %mul3A_870, %add3A_866 : i32
    %add3A_872 = arith.constant 2 : i32
    %add3A_873 = arith.addi %mul3A_871, %add3A_872 : i32
    %add3A_874 = vector.broadcast %add3A_873 : i32 to vector<16xi32>
    %add3A_875 = arith.addi %mul3A_869, %add3A_874 : vector<16xi32>
    %swap3A_876 = arith.constant 2 : i32
    %swap3A_877 = arith.constant 2 : i32
    %swap3A_878 = arith.index_cast %swap3A_876 : i32 to index
    %swap3A_879 = arith.index_cast %swap3A_877 : i32 to index
    %swap3A_880 = arith.constant 16 : index
    %swap3A_881 = tpu.vector_load %arg8[%swap3A_878, %swap3A_879, %swap3A_880] {strides = array<i32>} : memref<8x4x64xi32, #tpu.memory_space<vmem>>, vector<1x1x16xi32>,
    %swap3A_882 = vector.shape_cast %swap3A_881 : vector<1x1x16xi32> to vector<16xi32>
    %swap3A_883 = vector.shape_cast %add3A_875 : vector<16xi32> to vector<1x1x16xi32>
    tpu.vector_store %arg8[%swap3A_878, %swap3A_879, %swap3A_880], %swap3A_883 {strides = array<i32>} : memref<8x4x64xi32, #tpu.memory_space<vmem>>, vector<1x1x16xi32>,
    %add3A_884 = arith.constant 128 : i32
    %add3A_885 = arith.addi %mul3A_2, %add3A_884 : i32
    %add3A_886 = arith.constant 32 : i32
    %add3A_887 = arith.addi %add3A_885, %add3A_886 : i32
    %mul3A_888 = arith.constant 4 : i32
    %mul3A_889 = vector.broadcast %mul3A_888 : i32 to vector<16xi32>
    %mul3A_890 = arith.muli %iota3A, %mul3A_889 : vector<16xi32>
    %mul3A_891 = arith.constant 4 : i32
    %mul3A_892 = arith.muli %mul3A_891, %add3A_887 : i32
    %add3A_893 = arith.constant 2 : i32
    %add3A_894 = arith.addi %mul3A_892, %add3A_893 : i32
    %add3A_895 = vector.broadcast %add3A_894 : i32 to vector<16xi32>
    %add3A_896 = arith.addi %mul3A_890, %add3A_895 : vector<16xi32>
    %swap3A_897 = arith.constant 2 : i32
    %swap3A_898 = arith.constant 2 : i32
    %swap3A_899 = arith.index_cast %swap3A_897 : i32 to index
    %swap3A_900 = arith.index_cast %swap3A_898 : i32 to index
    %swap3A_901 = arith.constant 32 : index
    %swap3A_902 = tpu.vector_load %arg8[%swap3A_899, %swap3A_900, %swap3A_901] {strides = array<i32>} : memref<8x4x64xi32, #tpu.memory_space<vmem>>, vector<1x1x16xi32>,
    %swap3A_903 = vector.shape_cast %swap3A_902 : vector<1x1x16xi32> to vector<16xi32>
    %swap3A_904 = vector.shape_cast %add3A_896 : vector<16xi32> to vector<1x1x16xi32>
    tpu.vector_store %arg8[%swap3A_899, %swap3A_900, %swap3A_901], %swap3A_904 {strides = array<i32>} : memref<8x4x64xi32, #tpu.memory_space<vmem>>, vector<1x1x16xi32>,
    %add3A_905 = arith.constant 128 : i32
    %add3A_906 = arith.addi %mul3A_2, %add3A_905 : i32
    %add3A_907 = arith.constant 48 : i32
    %add3A_908 = arith.addi %add3A_906, %add3A_907 : i32
    %mul3A_909 = arith.constant 4 : i32
    %mul3A_910 = vector.broadcast %mul3A_909 : i32 to vector<16xi32>
    %mul3A_911 = arith.muli %iota3A, %mul3A_910 : vector<16xi32>
    %mul3A_912 = arith.constant 4 : i32
    %mul3A_913 = arith.muli %mul3A_912, %add3A_908 : i32
    %add3A_914 = arith.constant 2 : i32
    %add3A_915 = arith.addi %mul3A_913, %add3A_914 : i32
    %add3A_916 = vector.broadcast %add3A_915 : i32 to vector<16xi32>
    %add3A_917 = arith.addi %mul3A_911, %add3A_916 : vector<16xi32>
    %swap3A_918 = arith.constant 2 : i32
    %swap3A_919 = arith.constant 2 : i32
    %swap3A_920 = arith.index_cast %swap3A_918 : i32 to index
    %swap3A_921 = arith.index_cast %swap3A_919 : i32 to index
    %swap3A_922 = arith.constant 48 : index
    %swap3A_923 = tpu.vector_load %arg8[%swap3A_920, %swap3A_921, %swap3A_922] {strides = array<i32>} : memref<8x4x64xi32, #tpu.memory_space<vmem>>, vector<1x1x16xi32>,
    %swap3A_924 = vector.shape_cast %swap3A_923 : vector<1x1x16xi32> to vector<16xi32>
    %swap3A_925 = vector.shape_cast %add3A_917 : vector<16xi32> to vector<1x1x16xi32>
    tpu.vector_store %arg8[%swap3A_920, %swap3A_921, %swap3A_922], %swap3A_925 {strides = array<i32>} : memref<8x4x64xi32, #tpu.memory_space<vmem>>, vector<1x1x16xi32>,
    %add3A_926 = arith.constant 128 : i32
    %add3A_927 = arith.addi %mul3A_2, %add3A_926 : i32
    %add3A_928 = arith.constant 0 : i32
    %add3A_929 = arith.addi %add3A_927, %add3A_928 : i32
    %mul3A_930 = arith.constant 4 : i32
    %mul3A_931 = vector.broadcast %mul3A_930 : i32 to vector<16xi32>
    %mul3A_932 = arith.muli %iota3A, %mul3A_931 : vector<16xi32>
    %mul3A_933 = arith.constant 4 : i32
    %mul3A_934 = arith.muli %mul3A_933, %add3A_929 : i32
    %add3A_935 = arith.constant 3 : i32
    %add3A_936 = arith.addi %mul3A_934, %add3A_935 : i32
    %add3A_937 = vector.broadcast %add3A_936 : i32 to vector<16xi32>
    %add3A_938 = arith.addi %mul3A_932, %add3A_937 : vector<16xi32>
    %swap3A_939 = arith.constant 2 : i32
    %swap3A_940 = arith.constant 3 : i32
    %swap3A_941 = arith.index_cast %swap3A_939 : i32 to index
    %swap3A_942 = arith.index_cast %swap3A_940 : i32 to index
    %swap3A_943 = arith.constant 0 : index
    %swap3A_944 = tpu.vector_load %arg8[%swap3A_941, %swap3A_942, %swap3A_943] {strides = array<i32>} : memref<8x4x64xi32, #tpu.memory_space<vmem>>, vector<1x1x16xi32>,
    %swap3A_945 = vector.shape_cast %swap3A_944 : vector<1x1x16xi32> to vector<16xi32>
    %swap3A_946 = vector.shape_cast %add3A_938 : vector<16xi32> to vector<1x1x16xi32>
    tpu.vector_store %arg8[%swap3A_941, %swap3A_942, %swap3A_943], %swap3A_946 {strides = array<i32>} : memref<8x4x64xi32, #tpu.memory_space<vmem>>, vector<1x1x16xi32>,
    %add3A_947 = arith.constant 128 : i32
    %add3A_948 = arith.addi %mul3A_2, %add3A_947 : i32
    %add3A_949 = arith.constant 16 : i32
    %add3A_950 = arith.addi %add3A_948, %add3A_949 : i32
    %mul3A_951 = arith.constant 4 : i32
    %mul3A_952 = vector.broadcast %mul3A_951 : i32 to vector<16xi32>
    %mul3A_953 = arith.muli %iota3A, %mul3A_952 : vector<16xi32>
    %mul3A_954 = arith.constant 4 : i32
    %mul3A_955 = arith.muli %mul3A_954, %add3A_950 : i32
    %add3A_956 = arith.constant 3 : i32
    %add3A_957 = arith.addi %mul3A_955, %add3A_956 : i32
    %add3A_958 = vector.broadcast %add3A_957 : i32 to vector<16xi32>
    %add3A_959 = arith.addi %mul3A_953, %add3A_958 : vector<16xi32>
    %swap3A_960 = arith.constant 2 : i32
    %swap3A_961 = arith.constant 3 : i32
    %swap3A_962 = arith.index_cast %swap3A_960 : i32 to index
    %swap3A_963 = arith.index_cast %swap3A_961 : i32 to index
    %swap3A_964 = arith.constant 16 : index
    %swap3A_965 = tpu.vector_load %arg8[%swap3A_962, %swap3A_963, %swap3A_964] {strides = array<i32>} : memref<8x4x64xi32, #tpu.memory_space<vmem>>, vector<1x1x16xi32>,
    %swap3A_966 = vector.shape_cast %swap3A_965 : vector<1x1x16xi32> to vector<16xi32>
    %swap3A_967 = vector.shape_cast %add3A_959 : vector<16xi32> to vector<1x1x16xi32>
    tpu.vector_store %arg8[%swap3A_962, %swap3A_963, %swap3A_964], %swap3A_967 {strides = array<i32>} : memref<8x4x64xi32, #tpu.memory_space<vmem>>, vector<1x1x16xi32>,
    %add3A_968 = arith.constant 128 : i32
    %add3A_969 = arith.addi %mul3A_2, %add3A_968 : i32
    %add3A_970 = arith.constant 32 : i32
    %add3A_971 = arith.addi %add3A_969, %add3A_970 : i32
    %mul3A_972 = arith.constant 4 : i32
    %mul3A_973 = vector.broadcast %mul3A_972 : i32 to vector<16xi32>
    %mul3A_974 = arith.muli %iota3A, %mul3A_973 : vector<16xi32>
    %mul3A_975 = arith.constant 4 : i32
    %mul3A_976 = arith.muli %mul3A_975, %add3A_971 : i32
    %add3A_977 = arith.constant 3 : i32
    %add3A_978 = arith.addi %mul3A_976, %add3A_977 : i32
    %add3A_979 = vector.broadcast %add3A_978 : i32 to vector<16xi32>
    %add3A_980 = arith.addi %mul3A_974, %add3A_979 : vector<16xi32>
    %swap3A_981 = arith.constant 2 : i32
    %swap3A_982 = arith.constant 3 : i32
    %swap3A_983 = arith.index_cast %swap3A_981 : i32 to index
    %swap3A_984 = arith.index_cast %swap3A_982 : i32 to index
    %swap3A_985 = arith.constant 32 : index
    %swap3A_986 = tpu.vector_load %arg8[%swap3A_983, %swap3A_984, %swap3A_985] {strides = array<i32>} : memref<8x4x64xi32, #tpu.memory_space<vmem>>, vector<1x1x16xi32>,
    %swap3A_987 = vector.shape_cast %swap3A_986 : vector<1x1x16xi32> to vector<16xi32>
    %swap3A_988 = vector.shape_cast %add3A_980 : vector<16xi32> to vector<1x1x16xi32>
    tpu.vector_store %arg8[%swap3A_983, %swap3A_984, %swap3A_985], %swap3A_988 {strides = array<i32>} : memref<8x4x64xi32, #tpu.memory_space<vmem>>, vector<1x1x16xi32>,
    %add3A_989 = arith.constant 128 : i32
    %add3A_990 = arith.addi %mul3A_2, %add3A_989 : i32
    %add3A_991 = arith.constant 48 : i32
    %add3A_992 = arith.addi %add3A_990, %add3A_991 : i32
    %mul3A_993 = arith.constant 4 : i32
    %mul3A_994 = vector.broadcast %mul3A_993 : i32 to vector<16xi32>
    %mul3A_995 = arith.muli %iota3A, %mul3A_994 : vector<16xi32>
    %mul3A_996 = arith.constant 4 : i32
    %mul3A_997 = arith.muli %mul3A_996, %add3A_992 : i32
    %add3A_998 = arith.constant 3 : i32
    %add3A_999 = arith.addi %mul3A_997, %add3A_998 : i32
    %add3A_1000 = vector.broadcast %add3A_999 : i32 to vector<16xi32>
    %add3A_1001 = arith.addi %mul3A_995, %add3A_1000 : vector<16xi32>
    %swap3A_1002 = arith.constant 2 : i32
    %swap3A_1003 = arith.constant 3 : i32
    %swap3A_1004 = arith.index_cast %swap3A_1002 : i32 to index
    %swap3A_1005 = arith.index_cast %swap3A_1003 : i32 to index
    %swap3A_1006 = arith.constant 48 : index
    %swap3A_1007 = tpu.vector_load %arg8[%swap3A_1004, %swap3A_1005, %swap3A_1006] {strides = array<i32>} : memref<8x4x64xi32, #tpu.memory_space<vmem>>, vector<1x1x16xi32>,
    %swap3A_1008 = vector.shape_cast %swap3A_1007 : vector<1x1x16xi32> to vector<16xi32>
    %swap3A_1009 = vector.shape_cast %add3A_1001 : vector<16xi32> to vector<1x1x16xi32>
    tpu.vector_store %arg8[%swap3A_1004, %swap3A_1005, %swap3A_1006], %swap3A_1009 {strides = array<i32>} : memref<8x4x64xi32, #tpu.memory_space<vmem>>, vector<1x1x16xi32>,
    %add3A_1010 = arith.constant 192 : i32
    %add3A_1011 = arith.addi %mul3A_2, %add3A_1010 : i32
    %add3A_1012 = arith.constant 0 : i32
    %add3A_1013 = arith.addi %add3A_1011, %add3A_1012 : i32
    %mul3A_1014 = arith.constant 4 : i32
    %mul3A_1015 = vector.broadcast %mul3A_1014 : i32 to vector<16xi32>
    %mul3A_1016 = arith.muli %iota3A, %mul3A_1015 : vector<16xi32>
    %mul3A_1017 = arith.constant 4 : i32
    %mul3A_1018 = arith.muli %mul3A_1017, %add3A_1013 : i32
    %add3A_1019 = arith.constant 0 : i32
    %add3A_1020 = arith.addi %mul3A_1018, %add3A_1019 : i32
    %add3A_1021 = vector.broadcast %add3A_1020 : i32 to vector<16xi32>
    %add3A_1022 = arith.addi %mul3A_1016, %add3A_1021 : vector<16xi32>
    %swap3A_1023 = arith.constant 3 : i32
    %swap3A_1024 = arith.constant 0 : i32
    %swap3A_1025 = arith.index_cast %swap3A_1023 : i32 to index
    %swap3A_1026 = arith.index_cast %swap3A_1024 : i32 to index
    %swap3A_1027 = arith.constant 0 : index
    %swap3A_1028 = tpu.vector_load %arg8[%swap3A_1025, %swap3A_1026, %swap3A_1027] {strides = array<i32>} : memref<8x4x64xi32, #tpu.memory_space<vmem>>, vector<1x1x16xi32>,
    %swap3A_1029 = vector.shape_cast %swap3A_1028 : vector<1x1x16xi32> to vector<16xi32>
    %swap3A_1030 = vector.shape_cast %add3A_1022 : vector<16xi32> to vector<1x1x16xi32>
    tpu.vector_store %arg8[%swap3A_1025, %swap3A_1026, %swap3A_1027], %swap3A_1030 {strides = array<i32>} : memref<8x4x64xi32, #tpu.memory_space<vmem>>, vector<1x1x16xi32>,
    %add3A_1031 = arith.constant 192 : i32
    %add3A_1032 = arith.addi %mul3A_2, %add3A_1031 : i32
    %add3A_1033 = arith.constant 16 : i32
    %add3A_1034 = arith.addi %add3A_1032, %add3A_1033 : i32
    %mul3A_1035 = arith.constant 4 : i32
    %mul3A_1036 = vector.broadcast %mul3A_1035 : i32 to vector<16xi32>
    %mul3A_1037 = arith.muli %iota3A, %mul3A_1036 : vector<16xi32>
    %mul3A_1038 = arith.constant 4 : i32
    %mul3A_1039 = arith.muli %mul3A_1038, %add3A_1034 : i32
    %add3A_1040 = arith.constant 0 : i32
    %add3A_1041 = arith.addi %mul3A_1039, %add3A_1040 : i32
    %add3A_1042 = vector.broadcast %add3A_1041 : i32 to vector<16xi32>
    %add3A_1043 = arith.addi %mul3A_1037, %add3A_1042 : vector<16xi32>
    %swap3A_1044 = arith.constant 3 : i32
    %swap3A_1045 = arith.constant 0 : i32
    %swap3A_1046 = arith.index_cast %swap3A_1044 : i32 to index
    %swap3A_1047 = arith.index_cast %swap3A_1045 : i32 to index
    %swap3A_1048 = arith.constant 16 : index
    %swap3A_1049 = tpu.vector_load %arg8[%swap3A_1046, %swap3A_1047, %swap3A_1048] {strides = array<i32>} : memref<8x4x64xi32, #tpu.memory_space<vmem>>, vector<1x1x16xi32>,
    %swap3A_1050 = vector.shape_cast %swap3A_1049 : vector<1x1x16xi32> to vector<16xi32>
    %swap3A_1051 = vector.shape_cast %add3A_1043 : vector<16xi32> to vector<1x1x16xi32>
    tpu.vector_store %arg8[%swap3A_1046, %swap3A_1047, %swap3A_1048], %swap3A_1051 {strides = array<i32>} : memref<8x4x64xi32, #tpu.memory_space<vmem>>, vector<1x1x16xi32>,
    %add3A_1052 = arith.constant 192 : i32
    %add3A_1053 = arith.addi %mul3A_2, %add3A_1052 : i32
    %add3A_1054 = arith.constant 32 : i32
    %add3A_1055 = arith.addi %add3A_1053, %add3A_1054 : i32
    %mul3A_1056 = arith.constant 4 : i32
    %mul3A_1057 = vector.broadcast %mul3A_1056 : i32 to vector<16xi32>
    %mul3A_1058 = arith.muli %iota3A, %mul3A_1057 : vector<16xi32>
    %mul3A_1059 = arith.constant 4 : i32
    %mul3A_1060 = arith.muli %mul3A_1059, %add3A_1055 : i32
    %add3A_1061 = arith.constant 0 : i32
    %add3A_1062 = arith.addi %mul3A_1060, %add3A_1061 : i32
    %add3A_1063 = vector.broadcast %add3A_1062 : i32 to vector<16xi32>
    %add3A_1064 = arith.addi %mul3A_1058, %add3A_1063 : vector<16xi32>
    %swap3A_1065 = arith.constant 3 : i32
    %swap3A_1066 = arith.constant 0 : i32
    %swap3A_1067 = arith.index_cast %swap3A_1065 : i32 to index
    %swap3A_1068 = arith.index_cast %swap3A_1066 : i32 to index
    %swap3A_1069 = arith.constant 32 : index
    %swap3A_1070 = tpu.vector_load %arg8[%swap3A_1067, %swap3A_1068, %swap3A_1069] {strides = array<i32>} : memref<8x4x64xi32, #tpu.memory_space<vmem>>, vector<1x1x16xi32>,
    %swap3A_1071 = vector.shape_cast %swap3A_1070 : vector<1x1x16xi32> to vector<16xi32>
    %swap3A_1072 = vector.shape_cast %add3A_1064 : vector<16xi32> to vector<1x1x16xi32>
    tpu.vector_store %arg8[%swap3A_1067, %swap3A_1068, %swap3A_1069], %swap3A_1072 {strides = array<i32>} : memref<8x4x64xi32, #tpu.memory_space<vmem>>, vector<1x1x16xi32>,
    %add3A_1073 = arith.constant 192 : i32
    %add3A_1074 = arith.addi %mul3A_2, %add3A_1073 : i32
    %add3A_1075 = arith.constant 48 : i32
    %add3A_1076 = arith.addi %add3A_1074, %add3A_1075 : i32
    %mul3A_1077 = arith.constant 4 : i32
    %mul3A_1078 = vector.broadcast %mul3A_1077 : i32 to vector<16xi32>
    %mul3A_1079 = arith.muli %iota3A, %mul3A_1078 : vector<16xi32>
    %mul3A_1080 = arith.constant 4 : i32
    %mul3A_1081 = arith.muli %mul3A_1080, %add3A_1076 : i32
    %add3A_1082 = arith.constant 0 : i32
    %add3A_1083 = arith.addi %mul3A_1081, %add3A_1082 : i32
    %add3A_1084 = vector.broadcast %add3A_1083 : i32 to vector<16xi32>
    %add3A_1085 = arith.addi %mul3A_1079, %add3A_1084 : vector<16xi32>
    %swap3A_1086 = arith.constant 3 : i32
    %swap3A_1087 = arith.constant 0 : i32
    %swap3A_1088 = arith.index_cast %swap3A_1086 : i32 to index
    %swap3A_1089 = arith.index_cast %swap3A_1087 : i32 to index
    %swap3A_1090 = arith.constant 48 : index
    %swap3A_1091 = tpu.vector_load %arg8[%swap3A_1088, %swap3A_1089, %swap3A_1090] {strides = array<i32>} : memref<8x4x64xi32, #tpu.memory_space<vmem>>, vector<1x1x16xi32>,
    %swap3A_1092 = vector.shape_cast %swap3A_1091 : vector<1x1x16xi32> to vector<16xi32>
    %swap3A_1093 = vector.shape_cast %add3A_1085 : vector<16xi32> to vector<1x1x16xi32>
    tpu.vector_store %arg8[%swap3A_1088, %swap3A_1089, %swap3A_1090], %swap3A_1093 {strides = array<i32>} : memref<8x4x64xi32, #tpu.memory_space<vmem>>, vector<1x1x16xi32>,
    %add3A_1094 = arith.constant 192 : i32
    %add3A_1095 = arith.addi %mul3A_2, %add3A_1094 : i32
    %add3A_1096 = arith.constant 0 : i32
    %add3A_1097 = arith.addi %add3A_1095, %add3A_1096 : i32
    %mul3A_1098 = arith.constant 4 : i32
    %mul3A_1099 = vector.broadcast %mul3A_1098 : i32 to vector<16xi32>
    %mul3A_1100 = arith.muli %iota3A, %mul3A_1099 : vector<16xi32>
    %mul3A_1101 = arith.constant 4 : i32
    %mul3A_1102 = arith.muli %mul3A_1101, %add3A_1097 : i32
    %add3A_1103 = arith.constant 1 : i32
    %add3A_1104 = arith.addi %mul3A_1102, %add3A_1103 : i32
    %add3A_1105 = vector.broadcast %add3A_1104 : i32 to vector<16xi32>
    %add3A_1106 = arith.addi %mul3A_1100, %add3A_1105 : vector<16xi32>
    %swap3A_1107 = arith.constant 3 : i32
    %swap3A_1108 = arith.constant 1 : i32
    %swap3A_1109 = arith.index_cast %swap3A_1107 : i32 to index
    %swap3A_1110 = arith.index_cast %swap3A_1108 : i32 to index
    %swap3A_1111 = arith.constant 0 : index
    %swap3A_1112 = tpu.vector_load %arg8[%swap3A_1109, %swap3A_1110, %swap3A_1111] {strides = array<i32>} : memref<8x4x64xi32, #tpu.memory_space<vmem>>, vector<1x1x16xi32>,
    %swap3A_1113 = vector.shape_cast %swap3A_1112 : vector<1x1x16xi32> to vector<16xi32>
    %swap3A_1114 = vector.shape_cast %add3A_1106 : vector<16xi32> to vector<1x1x16xi32>
    tpu.vector_store %arg8[%swap3A_1109, %swap3A_1110, %swap3A_1111], %swap3A_1114 {strides = array<i32>} : memref<8x4x64xi32, #tpu.memory_space<vmem>>, vector<1x1x16xi32>,
    %add3A_1115 = arith.constant 192 : i32
    %add3A_1116 = arith.addi %mul3A_2, %add3A_1115 : i32
    %add3A_1117 = arith.constant 16 : i32
    %add3A_1118 = arith.addi %add3A_1116, %add3A_1117 : i32
    %mul3A_1119 = arith.constant 4 : i32
    %mul3A_1120 = vector.broadcast %mul3A_1119 : i32 to vector<16xi32>
    %mul3A_1121 = arith.muli %iota3A, %mul3A_1120 : vector<16xi32>
    %mul3A_1122 = arith.constant 4 : i32
    %mul3A_1123 = arith.muli %mul3A_1122, %add3A_1118 : i32
    %add3A_1124 = arith.constant 1 : i32
    %add3A_1125 = arith.addi %mul3A_1123, %add3A_1124 : i32
    %add3A_1126 = vector.broadcast %add3A_1125 : i32 to vector<16xi32>
    %add3A_1127 = arith.addi %mul3A_1121, %add3A_1126 : vector<16xi32>
    %swap3A_1128 = arith.constant 3 : i32
    %swap3A_1129 = arith.constant 1 : i32
    %swap3A_1130 = arith.index_cast %swap3A_1128 : i32 to index
    %swap3A_1131 = arith.index_cast %swap3A_1129 : i32 to index
    %swap3A_1132 = arith.constant 16 : index
    %swap3A_1133 = tpu.vector_load %arg8[%swap3A_1130, %swap3A_1131, %swap3A_1132] {strides = array<i32>} : memref<8x4x64xi32, #tpu.memory_space<vmem>>, vector<1x1x16xi32>,
    %swap3A_1134 = vector.shape_cast %swap3A_1133 : vector<1x1x16xi32> to vector<16xi32>
    %swap3A_1135 = vector.shape_cast %add3A_1127 : vector<16xi32> to vector<1x1x16xi32>
    tpu.vector_store %arg8[%swap3A_1130, %swap3A_1131, %swap3A_1132], %swap3A_1135 {strides = array<i32>} : memref<8x4x64xi32, #tpu.memory_space<vmem>>, vector<1x1x16xi32>,
    %add3A_1136 = arith.constant 192 : i32
    %add3A_1137 = arith.addi %mul3A_2, %add3A_1136 : i32
    %add3A_1138 = arith.constant 32 : i32
    %add3A_1139 = arith.addi %add3A_1137, %add3A_1138 : i32
    %mul3A_1140 = arith.constant 4 : i32
    %mul3A_1141 = vector.broadcast %mul3A_1140 : i32 to vector<16xi32>
    %mul3A_1142 = arith.muli %iota3A, %mul3A_1141 : vector<16xi32>
    %mul3A_1143 = arith.constant 4 : i32
    %mul3A_1144 = arith.muli %mul3A_1143, %add3A_1139 : i32
    %add3A_1145 = arith.constant 1 : i32
    %add3A_1146 = arith.addi %mul3A_1144, %add3A_1145 : i32
    %add3A_1147 = vector.broadcast %add3A_1146 : i32 to vector<16xi32>
    %add3A_1148 = arith.addi %mul3A_1142, %add3A_1147 : vector<16xi32>
    %swap3A_1149 = arith.constant 3 : i32
    %swap3A_1150 = arith.constant 1 : i32
    %swap3A_1151 = arith.index_cast %swap3A_1149 : i32 to index
    %swap3A_1152 = arith.index_cast %swap3A_1150 : i32 to index
    %swap3A_1153 = arith.constant 32 : index
    %swap3A_1154 = tpu.vector_load %arg8[%swap3A_1151, %swap3A_1152, %swap3A_1153] {strides = array<i32>} : memref<8x4x64xi32, #tpu.memory_space<vmem>>, vector<1x1x16xi32>,
    %swap3A_1155 = vector.shape_cast %swap3A_1154 : vector<1x1x16xi32> to vector<16xi32>
    %swap3A_1156 = vector.shape_cast %add3A_1148 : vector<16xi32> to vector<1x1x16xi32>
    tpu.vector_store %arg8[%swap3A_1151, %swap3A_1152, %swap3A_1153], %swap3A_1156 {strides = array<i32>} : memref<8x4x64xi32, #tpu.memory_space<vmem>>, vector<1x1x16xi32>,
    %add3A_1157 = arith.constant 192 : i32
    %add3A_1158 = arith.addi %mul3A_2, %add3A_1157 : i32
    %add3A_1159 = arith.constant 48 : i32
    %add3A_1160 = arith.addi %add3A_1158, %add3A_1159 : i32
    %mul3A_1161 = arith.constant 4 : i32
    %mul3A_1162 = vector.broadcast %mul3A_1161 : i32 to vector<16xi32>
    %mul3A_1163 = arith.muli %iota3A, %mul3A_1162 : vector<16xi32>
    %mul3A_1164 = arith.constant 4 : i32
    %mul3A_1165 = arith.muli %mul3A_1164, %add3A_1160 : i32
    %add3A_1166 = arith.constant 1 : i32
    %add3A_1167 = arith.addi %mul3A_1165, %add3A_1166 : i32
    %add3A_1168 = vector.broadcast %add3A_1167 : i32 to vector<16xi32>
    %add3A_1169 = arith.addi %mul3A_1163, %add3A_1168 : vector<16xi32>
    %swap3A_1170 = arith.constant 3 : i32
    %swap3A_1171 = arith.constant 1 : i32
    %swap3A_1172 = arith.index_cast %swap3A_1170 : i32 to index
    %swap3A_1173 = arith.index_cast %swap3A_1171 : i32 to index
    %swap3A_1174 = arith.constant 48 : index
    %swap3A_1175 = tpu.vector_load %arg8[%swap3A_1172, %swap3A_1173, %swap3A_1174] {strides = array<i32>} : memref<8x4x64xi32, #tpu.memory_space<vmem>>, vector<1x1x16xi32>,
    %swap3A_1176 = vector.shape_cast %swap3A_1175 : vector<1x1x16xi32> to vector<16xi32>
    %swap3A_1177 = vector.shape_cast %add3A_1169 : vector<16xi32> to vector<1x1x16xi32>
    tpu.vector_store %arg8[%swap3A_1172, %swap3A_1173, %swap3A_1174], %swap3A_1177 {strides = array<i32>} : memref<8x4x64xi32, #tpu.memory_space<vmem>>, vector<1x1x16xi32>,
    %add3A_1178 = arith.constant 192 : i32
    %add3A_1179 = arith.addi %mul3A_2, %add3A_1178 : i32
    %add3A_1180 = arith.constant 0 : i32
    %add3A_1181 = arith.addi %add3A_1179, %add3A_1180 : i32
    %mul3A_1182 = arith.constant 4 : i32
    %mul3A_1183 = vector.broadcast %mul3A_1182 : i32 to vector<16xi32>
    %mul3A_1184 = arith.muli %iota3A, %mul3A_1183 : vector<16xi32>
    %mul3A_1185 = arith.constant 4 : i32
    %mul3A_1186 = arith.muli %mul3A_1185, %add3A_1181 : i32
    %add3A_1187 = arith.constant 2 : i32
    %add3A_1188 = arith.addi %mul3A_1186, %add3A_1187 : i32
    %add3A_1189 = vector.broadcast %add3A_1188 : i32 to vector<16xi32>
    %add3A_1190 = arith.addi %mul3A_1184, %add3A_1189 : vector<16xi32>
    %swap3A_1191 = arith.constant 3 : i32
    %swap3A_1192 = arith.constant 2 : i32
    %swap3A_1193 = arith.index_cast %swap3A_1191 : i32 to index
    %swap3A_1194 = arith.index_cast %swap3A_1192 : i32 to index
    %swap3A_1195 = arith.constant 0 : index
    %swap3A_1196 = tpu.vector_load %arg8[%swap3A_1193, %swap3A_1194, %swap3A_1195] {strides = array<i32>} : memref<8x4x64xi32, #tpu.memory_space<vmem>>, vector<1x1x16xi32>,
    %swap3A_1197 = vector.shape_cast %swap3A_1196 : vector<1x1x16xi32> to vector<16xi32>
    %swap3A_1198 = vector.shape_cast %add3A_1190 : vector<16xi32> to vector<1x1x16xi32>
    tpu.vector_store %arg8[%swap3A_1193, %swap3A_1194, %swap3A_1195], %swap3A_1198 {strides = array<i32>} : memref<8x4x64xi32, #tpu.memory_space<vmem>>, vector<1x1x16xi32>,
    %add3A_1199 = arith.constant 192 : i32
    %add3A_1200 = arith.addi %mul3A_2, %add3A_1199 : i32
    %add3A_1201 = arith.constant 16 : i32
    %add3A_1202 = arith.addi %add3A_1200, %add3A_1201 : i32
    %mul3A_1203 = arith.constant 4 : i32
    %mul3A_1204 = vector.broadcast %mul3A_1203 : i32 to vector<16xi32>
    %mul3A_1205 = arith.muli %iota3A, %mul3A_1204 : vector<16xi32>
    %mul3A_1206 = arith.constant 4 : i32
    %mul3A_1207 = arith.muli %mul3A_1206, %add3A_1202 : i32
    %add3A_1208 = arith.constant 2 : i32
    %add3A_1209 = arith.addi %mul3A_1207, %add3A_1208 : i32
    %add3A_1210 = vector.broadcast %add3A_1209 : i32 to vector<16xi32>
    %add3A_1211 = arith.addi %mul3A_1205, %add3A_1210 : vector<16xi32>
    %swap3A_1212 = arith.constant 3 : i32
    %swap3A_1213 = arith.constant 2 : i32
    %swap3A_1214 = arith.index_cast %swap3A_1212 : i32 to index
    %swap3A_1215 = arith.index_cast %swap3A_1213 : i32 to index
    %swap3A_1216 = arith.constant 16 : index
    %swap3A_1217 = tpu.vector_load %arg8[%swap3A_1214, %swap3A_1215, %swap3A_1216] {strides = array<i32>} : memref<8x4x64xi32, #tpu.memory_space<vmem>>, vector<1x1x16xi32>,
    %swap3A_1218 = vector.shape_cast %swap3A_1217 : vector<1x1x16xi32> to vector<16xi32>
    %swap3A_1219 = vector.shape_cast %add3A_1211 : vector<16xi32> to vector<1x1x16xi32>
    tpu.vector_store %arg8[%swap3A_1214, %swap3A_1215, %swap3A_1216], %swap3A_1219 {strides = array<i32>} : memref<8x4x64xi32, #tpu.memory_space<vmem>>, vector<1x1x16xi32>,
    %add3A_1220 = arith.constant 192 : i32
    %add3A_1221 = arith.addi %mul3A_2, %add3A_1220 : i32
    %add3A_1222 = arith.constant 32 : i32
    %add3A_1223 = arith.addi %add3A_1221, %add3A_1222 : i32
    %mul3A_1224 = arith.constant 4 : i32
    %mul3A_1225 = vector.broadcast %mul3A_1224 : i32 to vector<16xi32>
    %mul3A_1226 = arith.muli %iota3A, %mul3A_1225 : vector<16xi32>
    %mul3A_1227 = arith.constant 4 : i32
    %mul3A_1228 = arith.muli %mul3A_1227, %add3A_1223 : i32
    %add3A_1229 = arith.constant 2 : i32
    %add3A_1230 = arith.addi %mul3A_1228, %add3A_1229 : i32
    %add3A_1231 = vector.broadcast %add3A_1230 : i32 to vector<16xi32>
    %add3A_1232 = arith.addi %mul3A_1226, %add3A_1231 : vector<16xi32>
    %swap3A_1233 = arith.constant 3 : i32
    %swap3A_1234 = arith.constant 2 : i32
    %swap3A_1235 = arith.index_cast %swap3A_1233 : i32 to index
    %swap3A_1236 = arith.index_cast %swap3A_1234 : i32 to index
    %swap3A_1237 = arith.constant 32 : index
    %swap3A_1238 = tpu.vector_load %arg8[%swap3A_1235, %swap3A_1236, %swap3A_1237] {strides = array<i32>} : memref<8x4x64xi32, #tpu.memory_space<vmem>>, vector<1x1x16xi32>,
    %swap3A_1239 = vector.shape_cast %swap3A_1238 : vector<1x1x16xi32> to vector<16xi32>
    %swap3A_1240 = vector.shape_cast %add3A_1232 : vector<16xi32> to vector<1x1x16xi32>
    tpu.vector_store %arg8[%swap3A_1235, %swap3A_1236, %swap3A_1237], %swap3A_1240 {strides = array<i32>} : memref<8x4x64xi32, #tpu.memory_space<vmem>>, vector<1x1x16xi32>,
    %add3A_1241 = arith.constant 192 : i32
    %add3A_1242 = arith.addi %mul3A_2, %add3A_1241 : i32
    %add3A_1243 = arith.constant 48 : i32
    %add3A_1244 = arith.addi %add3A_1242, %add3A_1243 : i32
    %mul3A_1245 = arith.constant 4 : i32
    %mul3A_1246 = vector.broadcast %mul3A_1245 : i32 to vector<16xi32>
    %mul3A_1247 = arith.muli %iota3A, %mul3A_1246 : vector<16xi32>
    %mul3A_1248 = arith.constant 4 : i32
    %mul3A_1249 = arith.muli %mul3A_1248, %add3A_1244 : i32
    %add3A_1250 = arith.constant 2 : i32
    %add3A_1251 = arith.addi %mul3A_1249, %add3A_1250 : i32
    %add3A_1252 = vector.broadcast %add3A_1251 : i32 to vector<16xi32>
    %add3A_1253 = arith.addi %mul3A_1247, %add3A_1252 : vector<16xi32>
    %swap3A_1254 = arith.constant 3 : i32
    %swap3A_1255 = arith.constant 2 : i32
    %swap3A_1256 = arith.index_cast %swap3A_1254 : i32 to index
    %swap3A_1257 = arith.index_cast %swap3A_1255 : i32 to index
    %swap3A_1258 = arith.constant 48 : index
    %swap3A_1259 = tpu.vector_load %arg8[%swap3A_1256, %swap3A_1257, %swap3A_1258] {strides = array<i32>} : memref<8x4x64xi32, #tpu.memory_space<vmem>>, vector<1x1x16xi32>,
    %swap3A_1260 = vector.shape_cast %swap3A_1259 : vector<1x1x16xi32> to vector<16xi32>
    %swap3A_1261 = vector.shape_cast %add3A_1253 : vector<16xi32> to vector<1x1x16xi32>
    tpu.vector_store %arg8[%swap3A_1256, %swap3A_1257, %swap3A_1258], %swap3A_1261 {strides = array<i32>} : memref<8x4x64xi32, #tpu.memory_space<vmem>>, vector<1x1x16xi32>,
    %add3A_1262 = arith.constant 192 : i32
    %add3A_1263 = arith.addi %mul3A_2, %add3A_1262 : i32
    %add3A_1264 = arith.constant 0 : i32
    %add3A_1265 = arith.addi %add3A_1263, %add3A_1264 : i32
    %mul3A_1266 = arith.constant 4 : i32
    %mul3A_1267 = vector.broadcast %mul3A_1266 : i32 to vector<16xi32>
    %mul3A_1268 = arith.muli %iota3A, %mul3A_1267 : vector<16xi32>
    %mul3A_1269 = arith.constant 4 : i32
    %mul3A_1270 = arith.muli %mul3A_1269, %add3A_1265 : i32
    %add3A_1271 = arith.constant 3 : i32
    %add3A_1272 = arith.addi %mul3A_1270, %add3A_1271 : i32
    %add3A_1273 = vector.broadcast %add3A_1272 : i32 to vector<16xi32>
    %add3A_1274 = arith.addi %mul3A_1268, %add3A_1273 : vector<16xi32>
    %swap3A_1275 = arith.constant 3 : i32
    %swap3A_1276 = arith.constant 3 : i32
    %swap3A_1277 = arith.index_cast %swap3A_1275 : i32 to index
    %swap3A_1278 = arith.index_cast %swap3A_1276 : i32 to index
    %swap3A_1279 = arith.constant 0 : index
    %swap3A_1280 = tpu.vector_load %arg8[%swap3A_1277, %swap3A_1278, %swap3A_1279] {strides = array<i32>} : memref<8x4x64xi32, #tpu.memory_space<vmem>>, vector<1x1x16xi32>,
    %swap3A_1281 = vector.shape_cast %swap3A_1280 : vector<1x1x16xi32> to vector<16xi32>
    %swap3A_1282 = vector.shape_cast %add3A_1274 : vector<16xi32> to vector<1x1x16xi32>
    tpu.vector_store %arg8[%swap3A_1277, %swap3A_1278, %swap3A_1279], %swap3A_1282 {strides = array<i32>} : memref<8x4x64xi32, #tpu.memory_space<vmem>>, vector<1x1x16xi32>,
    %add3A_1283 = arith.constant 192 : i32
    %add3A_1284 = arith.addi %mul3A_2, %add3A_1283 : i32
    %add3A_1285 = arith.constant 16 : i32
    %add3A_1286 = arith.addi %add3A_1284, %add3A_1285 : i32
    %mul3A_1287 = arith.constant 4 : i32
    %mul3A_1288 = vector.broadcast %mul3A_1287 : i32 to vector<16xi32>
    %mul3A_1289 = arith.muli %iota3A, %mul3A_1288 : vector<16xi32>
    %mul3A_1290 = arith.constant 4 : i32
    %mul3A_1291 = arith.muli %mul3A_1290, %add3A_1286 : i32
    %add3A_1292 = arith.constant 3 : i32
    %add3A_1293 = arith.addi %mul3A_1291, %add3A_1292 : i32
    %add3A_1294 = vector.broadcast %add3A_1293 : i32 to vector<16xi32>
    %add3A_1295 = arith.addi %mul3A_1289, %add3A_1294 : vector<16xi32>
    %swap3A_1296 = arith.constant 3 : i32
    %swap3A_1297 = arith.constant 3 : i32
    %swap3A_1298 = arith.index_cast %swap3A_1296 : i32 to index
    %swap3A_1299 = arith.index_cast %swap3A_1297 : i32 to index
    %swap3A_1300 = arith.constant 16 : index
    %swap3A_1301 = tpu.vector_load %arg8[%swap3A_1298, %swap3A_1299, %swap3A_1300] {strides = array<i32>} : memref<8x4x64xi32, #tpu.memory_space<vmem>>, vector<1x1x16xi32>,
    %swap3A_1302 = vector.shape_cast %swap3A_1301 : vector<1x1x16xi32> to vector<16xi32>
    %swap3A_1303 = vector.shape_cast %add3A_1295 : vector<16xi32> to vector<1x1x16xi32>
    tpu.vector_store %arg8[%swap3A_1298, %swap3A_1299, %swap3A_1300], %swap3A_1303 {strides = array<i32>} : memref<8x4x64xi32, #tpu.memory_space<vmem>>, vector<1x1x16xi32>,
    %add3A_1304 = arith.constant 192 : i32
    %add3A_1305 = arith.addi %mul3A_2, %add3A_1304 : i32
    %add3A_1306 = arith.constant 32 : i32
    %add3A_1307 = arith.addi %add3A_1305, %add3A_1306 : i32
    %mul3A_1308 = arith.constant 4 : i32
    %mul3A_1309 = vector.broadcast %mul3A_1308 : i32 to vector<16xi32>
    %mul3A_1310 = arith.muli %iota3A, %mul3A_1309 : vector<16xi32>
    %mul3A_1311 = arith.constant 4 : i32
    %mul3A_1312 = arith.muli %mul3A_1311, %add3A_1307 : i32
    %add3A_1313 = arith.constant 3 : i32
    %add3A_1314 = arith.addi %mul3A_1312, %add3A_1313 : i32
    %add3A_1315 = vector.broadcast %add3A_1314 : i32 to vector<16xi32>
    %add3A_1316 = arith.addi %mul3A_1310, %add3A_1315 : vector<16xi32>
    %swap3A_1317 = arith.constant 3 : i32
    %swap3A_1318 = arith.constant 3 : i32
    %swap3A_1319 = arith.index_cast %swap3A_1317 : i32 to index
    %swap3A_1320 = arith.index_cast %swap3A_1318 : i32 to index
    %swap3A_1321 = arith.constant 32 : index
    %swap3A_1322 = tpu.vector_load %arg8[%swap3A_1319, %swap3A_1320, %swap3A_1321] {strides = array<i32>} : memref<8x4x64xi32, #tpu.memory_space<vmem>>, vector<1x1x16xi32>,
    %swap3A_1323 = vector.shape_cast %swap3A_1322 : vector<1x1x16xi32> to vector<16xi32>
    %swap3A_1324 = vector.shape_cast %add3A_1316 : vector<16xi32> to vector<1x1x16xi32>
    tpu.vector_store %arg8[%swap3A_1319, %swap3A_1320, %swap3A_1321], %swap3A_1324 {strides = array<i32>} : memref<8x4x64xi32, #tpu.memory_space<vmem>>, vector<1x1x16xi32>,
    %add3A_1325 = arith.constant 192 : i32
    %add3A_1326 = arith.addi %mul3A_2, %add3A_1325 : i32
    %add3A_1327 = arith.constant 48 : i32
    %add3A_1328 = arith.addi %add3A_1326, %add3A_1327 : i32
    %mul3A_1329 = arith.constant 4 : i32
    %mul3A_1330 = vector.broadcast %mul3A_1329 : i32 to vector<16xi32>
    %mul3A_1331 = arith.muli %iota3A, %mul3A_1330 : vector<16xi32>
    %mul3A_1332 = arith.constant 4 : i32
    %mul3A_1333 = arith.muli %mul3A_1332, %add3A_1328 : i32
    %add3A_1334 = arith.constant 3 : i32
    %add3A_1335 = arith.addi %mul3A_1333, %add3A_1334 : i32
    %add3A_1336 = vector.broadcast %add3A_1335 : i32 to vector<16xi32>
    %add3A_1337 = arith.addi %mul3A_1331, %add3A_1336 : vector<16xi32>
    %swap3A_1338 = arith.constant 3 : i32
    %swap3A_1339 = arith.constant 3 : i32
    %swap3A_1340 = arith.index_cast %swap3A_1338 : i32 to index
    %swap3A_1341 = arith.index_cast %swap3A_1339 : i32 to index
    %swap3A_1342 = arith.constant 48 : index
    %swap3A_1343 = tpu.vector_load %arg8[%swap3A_1340, %swap3A_1341, %swap3A_1342] {strides = array<i32>} : memref<8x4x64xi32, #tpu.memory_space<vmem>>, vector<1x1x16xi32>,
    %swap3A_1344 = vector.shape_cast %swap3A_1343 : vector<1x1x16xi32> to vector<16xi32>
    %swap3A_1345 = vector.shape_cast %add3A_1337 : vector<16xi32> to vector<1x1x16xi32>
    tpu.vector_store %arg8[%swap3A_1340, %swap3A_1341, %swap3A_1342], %swap3A_1345 {strides = array<i32>} : memref<8x4x64xi32, #tpu.memory_space<vmem>>, vector<1x1x16xi32>,
    %add3A_1346 = arith.constant 256 : i32
    %add3A_1347 = arith.addi %mul3A_2, %add3A_1346 : i32
    %add3A_1348 = arith.constant 0 : i32
    %add3A_1349 = arith.addi %add3A_1347, %add3A_1348 : i32
    %mul3A_1350 = arith.constant 4 : i32
    %mul3A_1351 = vector.broadcast %mul3A_1350 : i32 to vector<16xi32>
    %mul3A_1352 = arith.muli %iota3A, %mul3A_1351 : vector<16xi32>
    %mul3A_1353 = arith.constant 4 : i32
    %mul3A_1354 = arith.muli %mul3A_1353, %add3A_1349 : i32
    %add3A_1355 = arith.constant 0 : i32
    %add3A_1356 = arith.addi %mul3A_1354, %add3A_1355 : i32
    %add3A_1357 = vector.broadcast %add3A_1356 : i32 to vector<16xi32>
    %add3A_1358 = arith.addi %mul3A_1352, %add3A_1357 : vector<16xi32>
    %swap3A_1359 = arith.constant 4 : i32
    %swap3A_1360 = arith.constant 0 : i32
    %swap3A_1361 = arith.index_cast %swap3A_1359 : i32 to index
    %swap3A_1362 = arith.index_cast %swap3A_1360 : i32 to index
    %swap3A_1363 = arith.constant 0 : index
    %swap3A_1364 = tpu.vector_load %arg8[%swap3A_1361, %swap3A_1362, %swap3A_1363] {strides = array<i32>} : memref<8x4x64xi32, #tpu.memory_space<vmem>>, vector<1x1x16xi32>,
    %swap3A_1365 = vector.shape_cast %swap3A_1364 : vector<1x1x16xi32> to vector<16xi32>
    %swap3A_1366 = vector.shape_cast %add3A_1358 : vector<16xi32> to vector<1x1x16xi32>
    tpu.vector_store %arg8[%swap3A_1361, %swap3A_1362, %swap3A_1363], %swap3A_1366 {strides = array<i32>} : memref<8x4x64xi32, #tpu.memory_space<vmem>>, vector<1x1x16xi32>,
    %add3A_1367 = arith.constant 256 : i32
    %add3A_1368 = arith.addi %mul3A_2, %add3A_1367 : i32
    %add3A_1369 = arith.constant 16 : i32
    %add3A_1370 = arith.addi %add3A_1368, %add3A_1369 : i32
    %mul3A_1371 = arith.constant 4 : i32
    %mul3A_1372 = vector.broadcast %mul3A_1371 : i32 to vector<16xi32>
    %mul3A_1373 = arith.muli %iota3A, %mul3A_1372 : vector<16xi32>
    %mul3A_1374 = arith.constant 4 : i32
    %mul3A_1375 = arith.muli %mul3A_1374, %add3A_1370 : i32
    %add3A_1376 = arith.constant 0 : i32
    %add3A_1377 = arith.addi %mul3A_1375, %add3A_1376 : i32
    %add3A_1378 = vector.broadcast %add3A_1377 : i32 to vector<16xi32>
    %add3A_1379 = arith.addi %mul3A_1373, %add3A_1378 : vector<16xi32>
    %swap3A_1380 = arith.constant 4 : i32
    %swap3A_1381 = arith.constant 0 : i32
    %swap3A_1382 = arith.index_cast %swap3A_1380 : i32 to index
    %swap3A_1383 = arith.index_cast %swap3A_1381 : i32 to index
    %swap3A_1384 = arith.constant 16 : index
    %swap3A_1385 = tpu.vector_load %arg8[%swap3A_1382, %swap3A_1383, %swap3A_1384] {strides = array<i32>} : memref<8x4x64xi32, #tpu.memory_space<vmem>>, vector<1x1x16xi32>,
    %swap3A_1386 = vector.shape_cast %swap3A_1385 : vector<1x1x16xi32> to vector<16xi32>
    %swap3A_1387 = vector.shape_cast %add3A_1379 : vector<16xi32> to vector<1x1x16xi32>
    tpu.vector_store %arg8[%swap3A_1382, %swap3A_1383, %swap3A_1384], %swap3A_1387 {strides = array<i32>} : memref<8x4x64xi32, #tpu.memory_space<vmem>>, vector<1x1x16xi32>,
    %add3A_1388 = arith.constant 256 : i32
    %add3A_1389 = arith.addi %mul3A_2, %add3A_1388 : i32
    %add3A_1390 = arith.constant 32 : i32
    %add3A_1391 = arith.addi %add3A_1389, %add3A_1390 : i32
    %mul3A_1392 = arith.constant 4 : i32
    %mul3A_1393 = vector.broadcast %mul3A_1392 : i32 to vector<16xi32>
    %mul3A_1394 = arith.muli %iota3A, %mul3A_1393 : vector<16xi32>
    %mul3A_1395 = arith.constant 4 : i32
    %mul3A_1396 = arith.muli %mul3A_1395, %add3A_1391 : i32
    %add3A_1397 = arith.constant 0 : i32
    %add3A_1398 = arith.addi %mul3A_1396, %add3A_1397 : i32
    %add3A_1399 = vector.broadcast %add3A_1398 : i32 to vector<16xi32>
    %add3A_1400 = arith.addi %mul3A_1394, %add3A_1399 : vector<16xi32>
    %swap3A_1401 = arith.constant 4 : i32
    %swap3A_1402 = arith.constant 0 : i32
    %swap3A_1403 = arith.index_cast %swap3A_1401 : i32 to index
    %swap3A_1404 = arith.index_cast %swap3A_1402 : i32 to index
    %swap3A_1405 = arith.constant 32 : index
    %swap3A_1406 = tpu.vector_load %arg8[%swap3A_1403, %swap3A_1404, %swap3A_1405] {strides = array<i32>} : memref<8x4x64xi32, #tpu.memory_space<vmem>>, vector<1x1x16xi32>,
    %swap3A_1407 = vector.shape_cast %swap3A_1406 : vector<1x1x16xi32> to vector<16xi32>
    %swap3A_1408 = vector.shape_cast %add3A_1400 : vector<16xi32> to vector<1x1x16xi32>
    tpu.vector_store %arg8[%swap3A_1403, %swap3A_1404, %swap3A_1405], %swap3A_1408 {strides = array<i32>} : memref<8x4x64xi32, #tpu.memory_space<vmem>>, vector<1x1x16xi32>,
    %add3A_1409 = arith.constant 256 : i32
    %add3A_1410 = arith.addi %mul3A_2, %add3A_1409 : i32
    %add3A_1411 = arith.constant 48 : i32
    %add3A_1412 = arith.addi %add3A_1410, %add3A_1411 : i32
    %mul3A_1413 = arith.constant 4 : i32
    %mul3A_1414 = vector.broadcast %mul3A_1413 : i32 to vector<16xi32>
    %mul3A_1415 = arith.muli %iota3A, %mul3A_1414 : vector<16xi32>
    %mul3A_1416 = arith.constant 4 : i32
    %mul3A_1417 = arith.muli %mul3A_1416, %add3A_1412 : i32
    %add3A_1418 = arith.constant 0 : i32
    %add3A_1419 = arith.addi %mul3A_1417, %add3A_1418 : i32
    %add3A_1420 = vector.broadcast %add3A_1419 : i32 to vector<16xi32>
    %add3A_1421 = arith.addi %mul3A_1415, %add3A_1420 : vector<16xi32>
    %swap3A_1422 = arith.constant 4 : i32
    %swap3A_1423 = arith.constant 0 : i32
    %swap3A_1424 = arith.index_cast %swap3A_1422 : i32 to index
    %swap3A_1425 = arith.index_cast %swap3A_1423 : i32 to index
    %swap3A_1426 = arith.constant 48 : index
    %swap3A_1427 = tpu.vector_load %arg8[%swap3A_1424, %swap3A_1425, %swap3A_1426] {strides = array<i32>} : memref<8x4x64xi32, #tpu.memory_space<vmem>>, vector<1x1x16xi32>,
    %swap3A_1428 = vector.shape_cast %swap3A_1427 : vector<1x1x16xi32> to vector<16xi32>
    %swap3A_1429 = vector.shape_cast %add3A_1421 : vector<16xi32> to vector<1x1x16xi32>
    tpu.vector_store %arg8[%swap3A_1424, %swap3A_1425, %swap3A_1426], %swap3A_1429 {strides = array<i32>} : memref<8x4x64xi32, #tpu.memory_space<vmem>>, vector<1x1x16xi32>,
    %add3A_1430 = arith.constant 256 : i32
    %add3A_1431 = arith.addi %mul3A_2, %add3A_1430 : i32
    %add3A_1432 = arith.constant 0 : i32
    %add3A_1433 = arith.addi %add3A_1431, %add3A_1432 : i32
    %mul3A_1434 = arith.constant 4 : i32
    %mul3A_1435 = vector.broadcast %mul3A_1434 : i32 to vector<16xi32>
    %mul3A_1436 = arith.muli %iota3A, %mul3A_1435 : vector<16xi32>
    %mul3A_1437 = arith.constant 4 : i32
    %mul3A_1438 = arith.muli %mul3A_1437, %add3A_1433 : i32
    %add3A_1439 = arith.constant 1 : i32
    %add3A_1440 = arith.addi %mul3A_1438, %add3A_1439 : i32
    %add3A_1441 = vector.broadcast %add3A_1440 : i32 to vector<16xi32>
    %add3A_1442 = arith.addi %mul3A_1436, %add3A_1441 : vector<16xi32>
    %swap3A_1443 = arith.constant 4 : i32
    %swap3A_1444 = arith.constant 1 : i32
    %swap3A_1445 = arith.index_cast %swap3A_1443 : i32 to index
    %swap3A_1446 = arith.index_cast %swap3A_1444 : i32 to index
    %swap3A_1447 = arith.constant 0 : index
    %swap3A_1448 = tpu.vector_load %arg8[%swap3A_1445, %swap3A_1446, %swap3A_1447] {strides = array<i32>} : memref<8x4x64xi32, #tpu.memory_space<vmem>>, vector<1x1x16xi32>,
    %swap3A_1449 = vector.shape_cast %swap3A_1448 : vector<1x1x16xi32> to vector<16xi32>
    %swap3A_1450 = vector.shape_cast %add3A_1442 : vector<16xi32> to vector<1x1x16xi32>
    tpu.vector_store %arg8[%swap3A_1445, %swap3A_1446, %swap3A_1447], %swap3A_1450 {strides = array<i32>} : memref<8x4x64xi32, #tpu.memory_space<vmem>>, vector<1x1x16xi32>,
    %add3A_1451 = arith.constant 256 : i32
    %add3A_1452 = arith.addi %mul3A_2, %add3A_1451 : i32
    %add3A_1453 = arith.constant 16 : i32
    %add3A_1454 = arith.addi %add3A_1452, %add3A_1453 : i32
    %mul3A_1455 = arith.constant 4 : i32
    %mul3A_1456 = vector.broadcast %mul3A_1455 : i32 to vector<16xi32>
    %mul3A_1457 = arith.muli %iota3A, %mul3A_1456 : vector<16xi32>
    %mul3A_1458 = arith.constant 4 : i32
    %mul3A_1459 = arith.muli %mul3A_1458, %add3A_1454 : i32
    %add3A_1460 = arith.constant 1 : i32
    %add3A_1461 = arith.addi %mul3A_1459, %add3A_1460 : i32
    %add3A_1462 = vector.broadcast %add3A_1461 : i32 to vector<16xi32>
    %add3A_1463 = arith.addi %mul3A_1457, %add3A_1462 : vector<16xi32>
    %swap3A_1464 = arith.constant 4 : i32
    %swap3A_1465 = arith.constant 1 : i32
    %swap3A_1466 = arith.index_cast %swap3A_1464 : i32 to index
    %swap3A_1467 = arith.index_cast %swap3A_1465 : i32 to index
    %swap3A_1468 = arith.constant 16 : index
    %swap3A_1469 = tpu.vector_load %arg8[%swap3A_1466, %swap3A_1467, %swap3A_1468] {strides = array<i32>} : memref<8x4x64xi32, #tpu.memory_space<vmem>>, vector<1x1x16xi32>,
    %swap3A_1470 = vector.shape_cast %swap3A_1469 : vector<1x1x16xi32> to vector<16xi32>
    %swap3A_1471 = vector.shape_cast %add3A_1463 : vector<16xi32> to vector<1x1x16xi32>
    tpu.vector_store %arg8[%swap3A_1466, %swap3A_1467, %swap3A_1468], %swap3A_1471 {strides = array<i32>} : memref<8x4x64xi32, #tpu.memory_space<vmem>>, vector<1x1x16xi32>,
    %add3A_1472 = arith.constant 256 : i32
    %add3A_1473 = arith.addi %mul3A_2, %add3A_1472 : i32
    %add3A_1474 = arith.constant 32 : i32
    %add3A_1475 = arith.addi %add3A_1473, %add3A_1474 : i32
    %mul3A_1476 = arith.constant 4 : i32
    %mul3A_1477 = vector.broadcast %mul3A_1476 : i32 to vector<16xi32>
    %mul3A_1478 = arith.muli %iota3A, %mul3A_1477 : vector<16xi32>
    %mul3A_1479 = arith.constant 4 : i32
    %mul3A_1480 = arith.muli %mul3A_1479, %add3A_1475 : i32
    %add3A_1481 = arith.constant 1 : i32
    %add3A_1482 = arith.addi %mul3A_1480, %add3A_1481 : i32
    %add3A_1483 = vector.broadcast %add3A_1482 : i32 to vector<16xi32>
    %add3A_1484 = arith.addi %mul3A_1478, %add3A_1483 : vector<16xi32>
    %swap3A_1485 = arith.constant 4 : i32
    %swap3A_1486 = arith.constant 1 : i32
    %swap3A_1487 = arith.index_cast %swap3A_1485 : i32 to index
    %swap3A_1488 = arith.index_cast %swap3A_1486 : i32 to index
    %swap3A_1489 = arith.constant 32 : index
    %swap3A_1490 = tpu.vector_load %arg8[%swap3A_1487, %swap3A_1488, %swap3A_1489] {strides = array<i32>} : memref<8x4x64xi32, #tpu.memory_space<vmem>>, vector<1x1x16xi32>,
    %swap3A_1491 = vector.shape_cast %swap3A_1490 : vector<1x1x16xi32> to vector<16xi32>
    %swap3A_1492 = vector.shape_cast %add3A_1484 : vector<16xi32> to vector<1x1x16xi32>
    tpu.vector_store %arg8[%swap3A_1487, %swap3A_1488, %swap3A_1489], %swap3A_1492 {strides = array<i32>} : memref<8x4x64xi32, #tpu.memory_space<vmem>>, vector<1x1x16xi32>,
    %add3A_1493 = arith.constant 256 : i32
    %add3A_1494 = arith.addi %mul3A_2, %add3A_1493 : i32
    %add3A_1495 = arith.constant 48 : i32
    %add3A_1496 = arith.addi %add3A_1494, %add3A_1495 : i32
    %mul3A_1497 = arith.constant 4 : i32
    %mul3A_1498 = vector.broadcast %mul3A_1497 : i32 to vector<16xi32>
    %mul3A_1499 = arith.muli %iota3A, %mul3A_1498 : vector<16xi32>
    %mul3A_1500 = arith.constant 4 : i32
    %mul3A_1501 = arith.muli %mul3A_1500, %add3A_1496 : i32
    %add3A_1502 = arith.constant 1 : i32
    %add3A_1503 = arith.addi %mul3A_1501, %add3A_1502 : i32
    %add3A_1504 = vector.broadcast %add3A_1503 : i32 to vector<16xi32>
    %add3A_1505 = arith.addi %mul3A_1499, %add3A_1504 : vector<16xi32>
    %swap3A_1506 = arith.constant 4 : i32
    %swap3A_1507 = arith.constant 1 : i32
    %swap3A_1508 = arith.index_cast %swap3A_1506 : i32 to index
    %swap3A_1509 = arith.index_cast %swap3A_1507 : i32 to index
    %swap3A_1510 = arith.constant 48 : index
    %swap3A_1511 = tpu.vector_load %arg8[%swap3A_1508, %swap3A_1509, %swap3A_1510] {strides = array<i32>} : memref<8x4x64xi32, #tpu.memory_space<vmem>>, vector<1x1x16xi32>,
    %swap3A_1512 = vector.shape_cast %swap3A_1511 : vector<1x1x16xi32> to vector<16xi32>
    %swap3A_1513 = vector.shape_cast %add3A_1505 : vector<16xi32> to vector<1x1x16xi32>
    tpu.vector_store %arg8[%swap3A_1508, %swap3A_1509, %swap3A_1510], %swap3A_1513 {strides = array<i32>} : memref<8x4x64xi32, #tpu.memory_space<vmem>>, vector<1x1x16xi32>,
    %add3A_1514 = arith.constant 256 : i32
    %add3A_1515 = arith.addi %mul3A_2, %add3A_1514 : i32
    %add3A_1516 = arith.constant 0 : i32
    %add3A_1517 = arith.addi %add3A_1515, %add3A_1516 : i32
    %mul3A_1518 = arith.constant 4 : i32
    %mul3A_1519 = vector.broadcast %mul3A_1518 : i32 to vector<16xi32>
    %mul3A_1520 = arith.muli %iota3A, %mul3A_1519 : vector<16xi32>
    %mul3A_1521 = arith.constant 4 : i32
    %mul3A_1522 = arith.muli %mul3A_1521, %add3A_1517 : i32
    %add3A_1523 = arith.constant 2 : i32
    %add3A_1524 = arith.addi %mul3A_1522, %add3A_1523 : i32
    %add3A_1525 = vector.broadcast %add3A_1524 : i32 to vector<16xi32>
    %add3A_1526 = arith.addi %mul3A_1520, %add3A_1525 : vector<16xi32>
    %swap3A_1527 = arith.constant 4 : i32
    %swap3A_1528 = arith.constant 2 : i32
    %swap3A_1529 = arith.index_cast %swap3A_1527 : i32 to index
    %swap3A_1530 = arith.index_cast %swap3A_1528 : i32 to index
    %swap3A_1531 = arith.constant 0 : index
    %swap3A_1532 = tpu.vector_load %arg8[%swap3A_1529, %swap3A_1530, %swap3A_1531] {strides = array<i32>} : memref<8x4x64xi32, #tpu.memory_space<vmem>>, vector<1x1x16xi32>,
    %swap3A_1533 = vector.shape_cast %swap3A_1532 : vector<1x1x16xi32> to vector<16xi32>
    %swap3A_1534 = vector.shape_cast %add3A_1526 : vector<16xi32> to vector<1x1x16xi32>
    tpu.vector_store %arg8[%swap3A_1529, %swap3A_1530, %swap3A_1531], %swap3A_1534 {strides = array<i32>} : memref<8x4x64xi32, #tpu.memory_space<vmem>>, vector<1x1x16xi32>,
    %add3A_1535 = arith.constant 256 : i32
    %add3A_1536 = arith.addi %mul3A_2, %add3A_1535 : i32
    %add3A_1537 = arith.constant 16 : i32
    %add3A_1538 = arith.addi %add3A_1536, %add3A_1537 : i32
    %mul3A_1539 = arith.constant 4 : i32
    %mul3A_1540 = vector.broadcast %mul3A_1539 : i32 to vector<16xi32>
    %mul3A_1541 = arith.muli %iota3A, %mul3A_1540 : vector<16xi32>
    %mul3A_1542 = arith.constant 4 : i32
    %mul3A_1543 = arith.muli %mul3A_1542, %add3A_1538 : i32
    %add3A_1544 = arith.constant 2 : i32
    %add3A_1545 = arith.addi %mul3A_1543, %add3A_1544 : i32
    %add3A_1546 = vector.broadcast %add3A_1545 : i32 to vector<16xi32>
    %add3A_1547 = arith.addi %mul3A_1541, %add3A_1546 : vector<16xi32>
    %swap3A_1548 = arith.constant 4 : i32
    %swap3A_1549 = arith.constant 2 : i32
    %swap3A_1550 = arith.index_cast %swap3A_1548 : i32 to index
    %swap3A_1551 = arith.index_cast %swap3A_1549 : i32 to index
    %swap3A_1552 = arith.constant 16 : index
    %swap3A_1553 = tpu.vector_load %arg8[%swap3A_1550, %swap3A_1551, %swap3A_1552] {strides = array<i32>} : memref<8x4x64xi32, #tpu.memory_space<vmem>>, vector<1x1x16xi32>,
    %swap3A_1554 = vector.shape_cast %swap3A_1553 : vector<1x1x16xi32> to vector<16xi32>
    %swap3A_1555 = vector.shape_cast %add3A_1547 : vector<16xi32> to vector<1x1x16xi32>
    tpu.vector_store %arg8[%swap3A_1550, %swap3A_1551, %swap3A_1552], %swap3A_1555 {strides = array<i32>} : memref<8x4x64xi32, #tpu.memory_space<vmem>>, vector<1x1x16xi32>,
    %add3A_1556 = arith.constant 256 : i32
    %add3A_1557 = arith.addi %mul3A_2, %add3A_1556 : i32
    %add3A_1558 = arith.constant 32 : i32
    %add3A_1559 = arith.addi %add3A_1557, %add3A_1558 : i32
    %mul3A_1560 = arith.constant 4 : i32
    %mul3A_1561 = vector.broadcast %mul3A_1560 : i32 to vector<16xi32>
    %mul3A_1562 = arith.muli %iota3A, %mul3A_1561 : vector<16xi32>
    %mul3A_1563 = arith.constant 4 : i32
    %mul3A_1564 = arith.muli %mul3A_1563, %add3A_1559 : i32
    %add3A_1565 = arith.constant 2 : i32
    %add3A_1566 = arith.addi %mul3A_1564, %add3A_1565 : i32
    %add3A_1567 = vector.broadcast %add3A_1566 : i32 to vector<16xi32>
    %add3A_1568 = arith.addi %mul3A_1562, %add3A_1567 : vector<16xi32>
    %swap3A_1569 = arith.constant 4 : i32
    %swap3A_1570 = arith.constant 2 : i32
    %swap3A_1571 = arith.index_cast %swap3A_1569 : i32 to index
    %swap3A_1572 = arith.index_cast %swap3A_1570 : i32 to index
    %swap3A_1573 = arith.constant 32 : index
    %swap3A_1574 = tpu.vector_load %arg8[%swap3A_1571, %swap3A_1572, %swap3A_1573] {strides = array<i32>} : memref<8x4x64xi32, #tpu.memory_space<vmem>>, vector<1x1x16xi32>,
    %swap3A_1575 = vector.shape_cast %swap3A_1574 : vector<1x1x16xi32> to vector<16xi32>
    %swap3A_1576 = vector.shape_cast %add3A_1568 : vector<16xi32> to vector<1x1x16xi32>
    tpu.vector_store %arg8[%swap3A_1571, %swap3A_1572, %swap3A_1573], %swap3A_1576 {strides = array<i32>} : memref<8x4x64xi32, #tpu.memory_space<vmem>>, vector<1x1x16xi32>,
    %add3A_1577 = arith.constant 256 : i32
    %add3A_1578 = arith.addi %mul3A_2, %add3A_1577 : i32
    %add3A_1579 = arith.constant 48 : i32
    %add3A_1580 = arith.addi %add3A_1578, %add3A_1579 : i32
    %mul3A_1581 = arith.constant 4 : i32
    %mul3A_1582 = vector.broadcast %mul3A_1581 : i32 to vector<16xi32>
    %mul3A_1583 = arith.muli %iota3A, %mul3A_1582 : vector<16xi32>
    %mul3A_1584 = arith.constant 4 : i32
    %mul3A_1585 = arith.muli %mul3A_1584, %add3A_1580 : i32
    %add3A_1586 = arith.constant 2 : i32
    %add3A_1587 = arith.addi %mul3A_1585, %add3A_1586 : i32
    %add3A_1588 = vector.broadcast %add3A_1587 : i32 to vector<16xi32>
    %add3A_1589 = arith.addi %mul3A_1583, %add3A_1588 : vector<16xi32>
    %swap3A_1590 = arith.constant 4 : i32
    %swap3A_1591 = arith.constant 2 : i32
    %swap3A_1592 = arith.index_cast %swap3A_1590 : i32 to index
    %swap3A_1593 = arith.index_cast %swap3A_1591 : i32 to index
    %swap3A_1594 = arith.constant 48 : index
    %swap3A_1595 = tpu.vector_load %arg8[%swap3A_1592, %swap3A_1593, %swap3A_1594] {strides = array<i32>} : memref<8x4x64xi32, #tpu.memory_space<vmem>>, vector<1x1x16xi32>,
    %swap3A_1596 = vector.shape_cast %swap3A_1595 : vector<1x1x16xi32> to vector<16xi32>
    %swap3A_1597 = vector.shape_cast %add3A_1589 : vector<16xi32> to vector<1x1x16xi32>
    tpu.vector_store %arg8[%swap3A_1592, %swap3A_1593, %swap3A_1594], %swap3A_1597 {strides = array<i32>} : memref<8x4x64xi32, #tpu.memory_space<vmem>>, vector<1x1x16xi32>,
    %add3A_1598 = arith.constant 256 : i32
    %add3A_1599 = arith.addi %mul3A_2, %add3A_1598 : i32
    %add3A_1600 = arith.constant 0 : i32
    %add3A_1601 = arith.addi %add3A_1599, %add3A_1600 : i32
    %mul3A_1602 = arith.constant 4 : i32
    %mul3A_1603 = vector.broadcast %mul3A_1602 : i32 to vector<16xi32>
    %mul3A_1604 = arith.muli %iota3A, %mul3A_1603 : vector<16xi32>
    %mul3A_1605 = arith.constant 4 : i32
    %mul3A_1606 = arith.muli %mul3A_1605, %add3A_1601 : i32
    %add3A_1607 = arith.constant 3 : i32
    %add3A_1608 = arith.addi %mul3A_1606, %add3A_1607 : i32
    %add3A_1609 = vector.broadcast %add3A_1608 : i32 to vector<16xi32>
    %add3A_1610 = arith.addi %mul3A_1604, %add3A_1609 : vector<16xi32>
    %swap3A_1611 = arith.constant 4 : i32
    %swap3A_1612 = arith.constant 3 : i32
    %swap3A_1613 = arith.index_cast %swap3A_1611 : i32 to index
    %swap3A_1614 = arith.index_cast %swap3A_1612 : i32 to index
    %swap3A_1615 = arith.constant 0 : index
    %swap3A_1616 = tpu.vector_load %arg8[%swap3A_1613, %swap3A_1614, %swap3A_1615] {strides = array<i32>} : memref<8x4x64xi32, #tpu.memory_space<vmem>>, vector<1x1x16xi32>,
    %swap3A_1617 = vector.shape_cast %swap3A_1616 : vector<1x1x16xi32> to vector<16xi32>
    %swap3A_1618 = vector.shape_cast %add3A_1610 : vector<16xi32> to vector<1x1x16xi32>
    tpu.vector_store %arg8[%swap3A_1613, %swap3A_1614, %swap3A_1615], %swap3A_1618 {strides = array<i32>} : memref<8x4x64xi32, #tpu.memory_space<vmem>>, vector<1x1x16xi32>,
    %add3A_1619 = arith.constant 256 : i32
    %add3A_1620 = arith.addi %mul3A_2, %add3A_1619 : i32
    %add3A_1621 = arith.constant 16 : i32
    %add3A_1622 = arith.addi %add3A_1620, %add3A_1621 : i32
    %mul3A_1623 = arith.constant 4 : i32
    %mul3A_1624 = vector.broadcast %mul3A_1623 : i32 to vector<16xi32>
    %mul3A_1625 = arith.muli %iota3A, %mul3A_1624 : vector<16xi32>
    %mul3A_1626 = arith.constant 4 : i32
    %mul3A_1627 = arith.muli %mul3A_1626, %add3A_1622 : i32
    %add3A_1628 = arith.constant 3 : i32
    %add3A_1629 = arith.addi %mul3A_1627, %add3A_1628 : i32
    %add3A_1630 = vector.broadcast %add3A_1629 : i32 to vector<16xi32>
    %add3A_1631 = arith.addi %mul3A_1625, %add3A_1630 : vector<16xi32>
    %swap3A_1632 = arith.constant 4 : i32
    %swap3A_1633 = arith.constant 3 : i32
    %swap3A_1634 = arith.index_cast %swap3A_1632 : i32 to index
    %swap3A_1635 = arith.index_cast %swap3A_1633 : i32 to index
    %swap3A_1636 = arith.constant 16 : index
    %swap3A_1637 = tpu.vector_load %arg8[%swap3A_1634, %swap3A_1635, %swap3A_1636] {strides = array<i32>} : memref<8x4x64xi32, #tpu.memory_space<vmem>>, vector<1x1x16xi32>,
    %swap3A_1638 = vector.shape_cast %swap3A_1637 : vector<1x1x16xi32> to vector<16xi32>
    %swap3A_1639 = vector.shape_cast %add3A_1631 : vector<16xi32> to vector<1x1x16xi32>
    tpu.vector_store %arg8[%swap3A_1634, %swap3A_1635, %swap3A_1636], %swap3A_1639 {strides = array<i32>} : memref<8x4x64xi32, #tpu.memory_space<vmem>>, vector<1x1x16xi32>,
    %add3A_1640 = arith.constant 256 : i32
    %add3A_1641 = arith.addi %mul3A_2, %add3A_1640 : i32
    %add3A_1642 = arith.constant 32 : i32
    %add3A_1643 = arith.addi %add3A_1641, %add3A_1642 : i32
    %mul3A_1644 = arith.constant 4 : i32
    %mul3A_1645 = vector.broadcast %mul3A_1644 : i32 to vector<16xi32>
    %mul3A_1646 = arith.muli %iota3A, %mul3A_1645 : vector<16xi32>
    %mul3A_1647 = arith.constant 4 : i32
    %mul3A_1648 = arith.muli %mul3A_1647, %add3A_1643 : i32
    %add3A_1649 = arith.constant 3 : i32
    %add3A_1650 = arith.addi %mul3A_1648, %add3A_1649 : i32
    %add3A_1651 = vector.broadcast %add3A_1650 : i32 to vector<16xi32>
    %add3A_1652 = arith.addi %mul3A_1646, %add3A_1651 : vector<16xi32>
    %swap3A_1653 = arith.constant 4 : i32
    %swap3A_1654 = arith.constant 3 : i32
    %swap3A_1655 = arith.index_cast %swap3A_1653 : i32 to index
    %swap3A_1656 = arith.index_cast %swap3A_1654 : i32 to index
    %swap3A_1657 = arith.constant 32 : index
    %swap3A_1658 = tpu.vector_load %arg8[%swap3A_1655, %swap3A_1656, %swap3A_1657] {strides = array<i32>} : memref<8x4x64xi32, #tpu.memory_space<vmem>>, vector<1x1x16xi32>,
    %swap3A_1659 = vector.shape_cast %swap3A_1658 : vector<1x1x16xi32> to vector<16xi32>
    %swap3A_1660 = vector.shape_cast %add3A_1652 : vector<16xi32> to vector<1x1x16xi32>
    tpu.vector_store %arg8[%swap3A_1655, %swap3A_1656, %swap3A_1657], %swap3A_1660 {strides = array<i32>} : memref<8x4x64xi32, #tpu.memory_space<vmem>>, vector<1x1x16xi32>,
    %add3A_1661 = arith.constant 256 : i32
    %add3A_1662 = arith.addi %mul3A_2, %add3A_1661 : i32
    %add3A_1663 = arith.constant 48 : i32
    %add3A_1664 = arith.addi %add3A_1662, %add3A_1663 : i32
    %mul3A_1665 = arith.constant 4 : i32
    %mul3A_1666 = vector.broadcast %mul3A_1665 : i32 to vector<16xi32>
    %mul3A_1667 = arith.muli %iota3A, %mul3A_1666 : vector<16xi32>
    %mul3A_1668 = arith.constant 4 : i32
    %mul3A_1669 = arith.muli %mul3A_1668, %add3A_1664 : i32
    %add3A_1670 = arith.constant 3 : i32
    %add3A_1671 = arith.addi %mul3A_1669, %add3A_1670 : i32
    %add3A_1672 = vector.broadcast %add3A_1671 : i32 to vector<16xi32>
    %add3A_1673 = arith.addi %mul3A_1667, %add3A_1672 : vector<16xi32>
    %swap3A_1674 = arith.constant 4 : i32
    %swap3A_1675 = arith.constant 3 : i32
    %swap3A_1676 = arith.index_cast %swap3A_1674 : i32 to index
    %swap3A_1677 = arith.index_cast %swap3A_1675 : i32 to index
    %swap3A_1678 = arith.constant 48 : index
    %swap3A_1679 = tpu.vector_load %arg8[%swap3A_1676, %swap3A_1677, %swap3A_1678] {strides = array<i32>} : memref<8x4x64xi32, #tpu.memory_space<vmem>>, vector<1x1x16xi32>,
    %swap3A_1680 = vector.shape_cast %swap3A_1679 : vector<1x1x16xi32> to vector<16xi32>
    %swap3A_1681 = vector.shape_cast %add3A_1673 : vector<16xi32> to vector<1x1x16xi32>
    tpu.vector_store %arg8[%swap3A_1676, %swap3A_1677, %swap3A_1678], %swap3A_1681 {strides = array<i32>} : memref<8x4x64xi32, #tpu.memory_space<vmem>>, vector<1x1x16xi32>,
    %add3A_1682 = arith.constant 320 : i32
    %add3A_1683 = arith.addi %mul3A_2, %add3A_1682 : i32
    %add3A_1684 = arith.constant 0 : i32
    %add3A_1685 = arith.addi %add3A_1683, %add3A_1684 : i32
    %mul3A_1686 = arith.constant 4 : i32
    %mul3A_1687 = vector.broadcast %mul3A_1686 : i32 to vector<16xi32>
    %mul3A_1688 = arith.muli %iota3A, %mul3A_1687 : vector<16xi32>
    %mul3A_1689 = arith.constant 4 : i32
    %mul3A_1690 = arith.muli %mul3A_1689, %add3A_1685 : i32
    %add3A_1691 = arith.constant 0 : i32
    %add3A_1692 = arith.addi %mul3A_1690, %add3A_1691 : i32
    %add3A_1693 = vector.broadcast %add3A_1692 : i32 to vector<16xi32>
    %add3A_1694 = arith.addi %mul3A_1688, %add3A_1693 : vector<16xi32>
    %swap3A_1695 = arith.constant 5 : i32
    %swap3A_1696 = arith.constant 0 : i32
    %swap3A_1697 = arith.index_cast %swap3A_1695 : i32 to index
    %swap3A_1698 = arith.index_cast %swap3A_1696 : i32 to index
    %swap3A_1699 = arith.constant 0 : index
    %swap3A_1700 = tpu.vector_load %arg8[%swap3A_1697, %swap3A_1698, %swap3A_1699] {strides = array<i32>} : memref<8x4x64xi32, #tpu.memory_space<vmem>>, vector<1x1x16xi32>,
    %swap3A_1701 = vector.shape_cast %swap3A_1700 : vector<1x1x16xi32> to vector<16xi32>
    %swap3A_1702 = vector.shape_cast %add3A_1694 : vector<16xi32> to vector<1x1x16xi32>
    tpu.vector_store %arg8[%swap3A_1697, %swap3A_1698, %swap3A_1699], %swap3A_1702 {strides = array<i32>} : memref<8x4x64xi32, #tpu.memory_space<vmem>>, vector<1x1x16xi32>,
    %add3A_1703 = arith.constant 320 : i32
    %add3A_1704 = arith.addi %mul3A_2, %add3A_1703 : i32
    %add3A_1705 = arith.constant 16 : i32
    %add3A_1706 = arith.addi %add3A_1704, %add3A_1705 : i32
    %mul3A_1707 = arith.constant 4 : i32
    %mul3A_1708 = vector.broadcast %mul3A_1707 : i32 to vector<16xi32>
    %mul3A_1709 = arith.muli %iota3A, %mul3A_1708 : vector<16xi32>
    %mul3A_1710 = arith.constant 4 : i32
    %mul3A_1711 = arith.muli %mul3A_1710, %add3A_1706 : i32
    %add3A_1712 = arith.constant 0 : i32
    %add3A_1713 = arith.addi %mul3A_1711, %add3A_1712 : i32
    %add3A_1714 = vector.broadcast %add3A_1713 : i32 to vector<16xi32>
    %add3A_1715 = arith.addi %mul3A_1709, %add3A_1714 : vector<16xi32>
    %swap3A_1716 = arith.constant 5 : i32
    %swap3A_1717 = arith.constant 0 : i32
    %swap3A_1718 = arith.index_cast %swap3A_1716 : i32 to index
    %swap3A_1719 = arith.index_cast %swap3A_1717 : i32 to index
    %swap3A_1720 = arith.constant 16 : index
    %swap3A_1721 = tpu.vector_load %arg8[%swap3A_1718, %swap3A_1719, %swap3A_1720] {strides = array<i32>} : memref<8x4x64xi32, #tpu.memory_space<vmem>>, vector<1x1x16xi32>,
    %swap3A_1722 = vector.shape_cast %swap3A_1721 : vector<1x1x16xi32> to vector<16xi32>
    %swap3A_1723 = vector.shape_cast %add3A_1715 : vector<16xi32> to vector<1x1x16xi32>
    tpu.vector_store %arg8[%swap3A_1718, %swap3A_1719, %swap3A_1720], %swap3A_1723 {strides = array<i32>} : memref<8x4x64xi32, #tpu.memory_space<vmem>>, vector<1x1x16xi32>,
    %add3A_1724 = arith.constant 320 : i32
    %add3A_1725 = arith.addi %mul3A_2, %add3A_1724 : i32
    %add3A_1726 = arith.constant 32 : i32
    %add3A_1727 = arith.addi %add3A_1725, %add3A_1726 : i32
    %mul3A_1728 = arith.constant 4 : i32
    %mul3A_1729 = vector.broadcast %mul3A_1728 : i32 to vector<16xi32>
    %mul3A_1730 = arith.muli %iota3A, %mul3A_1729 : vector<16xi32>
    %mul3A_1731 = arith.constant 4 : i32
    %mul3A_1732 = arith.muli %mul3A_1731, %add3A_1727 : i32
    %add3A_1733 = arith.constant 0 : i32
    %add3A_1734 = arith.addi %mul3A_1732, %add3A_1733 : i32
    %add3A_1735 = vector.broadcast %add3A_1734 : i32 to vector<16xi32>
    %add3A_1736 = arith.addi %mul3A_1730, %add3A_1735 : vector<16xi32>
    %swap3A_1737 = arith.constant 5 : i32
    %swap3A_1738 = arith.constant 0 : i32
    %swap3A_1739 = arith.index_cast %swap3A_1737 : i32 to index
    %swap3A_1740 = arith.index_cast %swap3A_1738 : i32 to index
    %swap3A_1741 = arith.constant 32 : index
    %swap3A_1742 = tpu.vector_load %arg8[%swap3A_1739, %swap3A_1740, %swap3A_1741] {strides = array<i32>} : memref<8x4x64xi32, #tpu.memory_space<vmem>>, vector<1x1x16xi32>,
    %swap3A_1743 = vector.shape_cast %swap3A_1742 : vector<1x1x16xi32> to vector<16xi32>
    %swap3A_1744 = vector.shape_cast %add3A_1736 : vector<16xi32> to vector<1x1x16xi32>
    tpu.vector_store %arg8[%swap3A_1739, %swap3A_1740, %swap3A_1741], %swap3A_1744 {strides = array<i32>} : memref<8x4x64xi32, #tpu.memory_space<vmem>>, vector<1x1x16xi32>,
    %add3A_1745 = arith.constant 320 : i32
    %add3A_1746 = arith.addi %mul3A_2, %add3A_1745 : i32
    %add3A_1747 = arith.constant 48 : i32
    %add3A_1748 = arith.addi %add3A_1746, %add3A_1747 : i32
    %mul3A_1749 = arith.constant 4 : i32
    %mul3A_1750 = vector.broadcast %mul3A_1749 : i32 to vector<16xi32>
    %mul3A_1751 = arith.muli %iota3A, %mul3A_1750 : vector<16xi32>
    %mul3A_1752 = arith.constant 4 : i32
    %mul3A_1753 = arith.muli %mul3A_1752, %add3A_1748 : i32
    %add3A_1754 = arith.constant 0 : i32
    %add3A_1755 = arith.addi %mul3A_1753, %add3A_1754 : i32
    %add3A_1756 = vector.broadcast %add3A_1755 : i32 to vector<16xi32>
    %add3A_1757 = arith.addi %mul3A_1751, %add3A_1756 : vector<16xi32>
    %swap3A_1758 = arith.constant 5 : i32
    %swap3A_1759 = arith.constant 0 : i32
    %swap3A_1760 = arith.index_cast %swap3A_1758 : i32 to index
    %swap3A_1761 = arith.index_cast %swap3A_1759 : i32 to index
    %swap3A_1762 = arith.constant 48 : index
    %swap3A_1763 = tpu.vector_load %arg8[%swap3A_1760, %swap3A_1761, %swap3A_1762] {strides = array<i32>} : memref<8x4x64xi32, #tpu.memory_space<vmem>>, vector<1x1x16xi32>,
    %swap3A_1764 = vector.shape_cast %swap3A_1763 : vector<1x1x16xi32> to vector<16xi32>
    %swap3A_1765 = vector.shape_cast %add3A_1757 : vector<16xi32> to vector<1x1x16xi32>
    tpu.vector_store %arg8[%swap3A_1760, %swap3A_1761, %swap3A_1762], %swap3A_1765 {strides = array<i32>} : memref<8x4x64xi32, #tpu.memory_space<vmem>>, vector<1x1x16xi32>,
    %add3A_1766 = arith.constant 320 : i32
    %add3A_1767 = arith.addi %mul3A_2, %add3A_1766 : i32
    %add3A_1768 = arith.constant 0 : i32
    %add3A_1769 = arith.addi %add3A_1767, %add3A_1768 : i32
    %mul3A_1770 = arith.constant 4 : i32
    %mul3A_1771 = vector.broadcast %mul3A_1770 : i32 to vector<16xi32>
    %mul3A_1772 = arith.muli %iota3A, %mul3A_1771 : vector<16xi32>
    %mul3A_1773 = arith.constant 4 : i32
    %mul3A_1774 = arith.muli %mul3A_1773, %add3A_1769 : i32
    %add3A_1775 = arith.constant 1 : i32
    %add3A_1776 = arith.addi %mul3A_1774, %add3A_1775 : i32
    %add3A_1777 = vector.broadcast %add3A_1776 : i32 to vector<16xi32>
    %add3A_1778 = arith.addi %mul3A_1772, %add3A_1777 : vector<16xi32>
    %swap3A_1779 = arith.constant 5 : i32
    %swap3A_1780 = arith.constant 1 : i32
    %swap3A_1781 = arith.index_cast %swap3A_1779 : i32 to index
    %swap3A_1782 = arith.index_cast %swap3A_1780 : i32 to index
    %swap3A_1783 = arith.constant 0 : index
    %swap3A_1784 = tpu.vector_load %arg8[%swap3A_1781, %swap3A_1782, %swap3A_1783] {strides = array<i32>} : memref<8x4x64xi32, #tpu.memory_space<vmem>>, vector<1x1x16xi32>,
    %swap3A_1785 = vector.shape_cast %swap3A_1784 : vector<1x1x16xi32> to vector<16xi32>
    %swap3A_1786 = vector.shape_cast %add3A_1778 : vector<16xi32> to vector<1x1x16xi32>
    tpu.vector_store %arg8[%swap3A_1781, %swap3A_1782, %swap3A_1783], %swap3A_1786 {strides = array<i32>} : memref<8x4x64xi32, #tpu.memory_space<vmem>>, vector<1x1x16xi32>,
    %add3A_1787 = arith.constant 320 : i32
    %add3A_1788 = arith.addi %mul3A_2, %add3A_1787 : i32
    %add3A_1789 = arith.constant 16 : i32
    %add3A_1790 = arith.addi %add3A_1788, %add3A_1789 : i32
    %mul3A_1791 = arith.constant 4 : i32
    %mul3A_1792 = vector.broadcast %mul3A_1791 : i32 to vector<16xi32>
    %mul3A_1793 = arith.muli %iota3A, %mul3A_1792 : vector<16xi32>
    %mul3A_1794 = arith.constant 4 : i32
    %mul3A_1795 = arith.muli %mul3A_1794, %add3A_1790 : i32
    %add3A_1796 = arith.constant 1 : i32
    %add3A_1797 = arith.addi %mul3A_1795, %add3A_1796 : i32
    %add3A_1798 = vector.broadcast %add3A_1797 : i32 to vector<16xi32>
    %add3A_1799 = arith.addi %mul3A_1793, %add3A_1798 : vector<16xi32>
    %swap3A_1800 = arith.constant 5 : i32
    %swap3A_1801 = arith.constant 1 : i32
    %swap3A_1802 = arith.index_cast %swap3A_1800 : i32 to index
    %swap3A_1803 = arith.index_cast %swap3A_1801 : i32 to index
    %swap3A_1804 = arith.constant 16 : index
    %swap3A_1805 = tpu.vector_load %arg8[%swap3A_1802, %swap3A_1803, %swap3A_1804] {strides = array<i32>} : memref<8x4x64xi32, #tpu.memory_space<vmem>>, vector<1x1x16xi32>,
    %swap3A_1806 = vector.shape_cast %swap3A_1805 : vector<1x1x16xi32> to vector<16xi32>
    %swap3A_1807 = vector.shape_cast %add3A_1799 : vector<16xi32> to vector<1x1x16xi32>
    tpu.vector_store %arg8[%swap3A_1802, %swap3A_1803, %swap3A_1804], %swap3A_1807 {strides = array<i32>} : memref<8x4x64xi32, #tpu.memory_space<vmem>>, vector<1x1x16xi32>,
    %add3A_1808 = arith.constant 320 : i32
    %add3A_1809 = arith.addi %mul3A_2, %add3A_1808 : i32
    %add3A_1810 = arith.constant 32 : i32
    %add3A_1811 = arith.addi %add3A_1809, %add3A_1810 : i32
    %mul3A_1812 = arith.constant 4 : i32
    %mul3A_1813 = vector.broadcast %mul3A_1812 : i32 to vector<16xi32>
    %mul3A_1814 = arith.muli %iota3A, %mul3A_1813 : vector<16xi32>
    %mul3A_1815 = arith.constant 4 : i32
    %mul3A_1816 = arith.muli %mul3A_1815, %add3A_1811 : i32
    %add3A_1817 = arith.constant 1 : i32
    %add3A_1818 = arith.addi %mul3A_1816, %add3A_1817 : i32
    %add3A_1819 = vector.broadcast %add3A_1818 : i32 to vector<16xi32>
    %add3A_1820 = arith.addi %mul3A_1814, %add3A_1819 : vector<16xi32>
    %swap3A_1821 = arith.constant 5 : i32
    %swap3A_1822 = arith.constant 1 : i32
    %swap3A_1823 = arith.index_cast %swap3A_1821 : i32 to index
    %swap3A_1824 = arith.index_cast %swap3A_1822 : i32 to index
    %swap3A_1825 = arith.constant 32 : index
    %swap3A_1826 = tpu.vector_load %arg8[%swap3A_1823, %swap3A_1824, %swap3A_1825] {strides = array<i32>} : memref<8x4x64xi32, #tpu.memory_space<vmem>>, vector<1x1x16xi32>,
    %swap3A_1827 = vector.shape_cast %swap3A_1826 : vector<1x1x16xi32> to vector<16xi32>
    %swap3A_1828 = vector.shape_cast %add3A_1820 : vector<16xi32> to vector<1x1x16xi32>
    tpu.vector_store %arg8[%swap3A_1823, %swap3A_1824, %swap3A_1825], %swap3A_1828 {strides = array<i32>} : memref<8x4x64xi32, #tpu.memory_space<vmem>>, vector<1x1x16xi32>,
    %add3A_1829 = arith.constant 320 : i32
    %add3A_1830 = arith.addi %mul3A_2, %add3A_1829 : i32
    %add3A_1831 = arith.constant 48 : i32
    %add3A_1832 = arith.addi %add3A_1830, %add3A_1831 : i32
    %mul3A_1833 = arith.constant 4 : i32
    %mul3A_1834 = vector.broadcast %mul3A_1833 : i32 to vector<16xi32>
    %mul3A_1835 = arith.muli %iota3A, %mul3A_1834 : vector<16xi32>
    %mul3A_1836 = arith.constant 4 : i32
    %mul3A_1837 = arith.muli %mul3A_1836, %add3A_1832 : i32
    %add3A_1838 = arith.constant 1 : i32
    %add3A_1839 = arith.addi %mul3A_1837, %add3A_1838 : i32
    %add3A_1840 = vector.broadcast %add3A_1839 : i32 to vector<16xi32>
    %add3A_1841 = arith.addi %mul3A_1835, %add3A_1840 : vector<16xi32>
    %swap3A_1842 = arith.constant 5 : i32
    %swap3A_1843 = arith.constant 1 : i32
    %swap3A_1844 = arith.index_cast %swap3A_1842 : i32 to index
    %swap3A_1845 = arith.index_cast %swap3A_1843 : i32 to index
    %swap3A_1846 = arith.constant 48 : index
    %swap3A_1847 = tpu.vector_load %arg8[%swap3A_1844, %swap3A_1845, %swap3A_1846] {strides = array<i32>} : memref<8x4x64xi32, #tpu.memory_space<vmem>>, vector<1x1x16xi32>,
    %swap3A_1848 = vector.shape_cast %swap3A_1847 : vector<1x1x16xi32> to vector<16xi32>
    %swap3A_1849 = vector.shape_cast %add3A_1841 : vector<16xi32> to vector<1x1x16xi32>
    tpu.vector_store %arg8[%swap3A_1844, %swap3A_1845, %swap3A_1846], %swap3A_1849 {strides = array<i32>} : memref<8x4x64xi32, #tpu.memory_space<vmem>>, vector<1x1x16xi32>,
    %add3A_1850 = arith.constant 320 : i32
    %add3A_1851 = arith.addi %mul3A_2, %add3A_1850 : i32
    %add3A_1852 = arith.constant 0 : i32
    %add3A_1853 = arith.addi %add3A_1851, %add3A_1852 : i32
    %mul3A_1854 = arith.constant 4 : i32
    %mul3A_1855 = vector.broadcast %mul3A_1854 : i32 to vector<16xi32>
    %mul3A_1856 = arith.muli %iota3A, %mul3A_1855 : vector<16xi32>
    %mul3A_1857 = arith.constant 4 : i32
    %mul3A_1858 = arith.muli %mul3A_1857, %add3A_1853 : i32
    %add3A_1859 = arith.constant 2 : i32
    %add3A_1860 = arith.addi %mul3A_1858, %add3A_1859 : i32
    %add3A_1861 = vector.broadcast %add3A_1860 : i32 to vector<16xi32>
    %add3A_1862 = arith.addi %mul3A_1856, %add3A_1861 : vector<16xi32>
    %swap3A_1863 = arith.constant 5 : i32
    %swap3A_1864 = arith.constant 2 : i32
    %swap3A_1865 = arith.index_cast %swap3A_1863 : i32 to index
    %swap3A_1866 = arith.index_cast %swap3A_1864 : i32 to index
    %swap3A_1867 = arith.constant 0 : index
    %swap3A_1868 = tpu.vector_load %arg8[%swap3A_1865, %swap3A_1866, %swap3A_1867] {strides = array<i32>} : memref<8x4x64xi32, #tpu.memory_space<vmem>>, vector<1x1x16xi32>,
    %swap3A_1869 = vector.shape_cast %swap3A_1868 : vector<1x1x16xi32> to vector<16xi32>
    %swap3A_1870 = vector.shape_cast %add3A_1862 : vector<16xi32> to vector<1x1x16xi32>
    tpu.vector_store %arg8[%swap3A_1865, %swap3A_1866, %swap3A_1867], %swap3A_1870 {strides = array<i32>} : memref<8x4x64xi32, #tpu.memory_space<vmem>>, vector<1x1x16xi32>,
    %add3A_1871 = arith.constant 320 : i32
    %add3A_1872 = arith.addi %mul3A_2, %add3A_1871 : i32
    %add3A_1873 = arith.constant 16 : i32
    %add3A_1874 = arith.addi %add3A_1872, %add3A_1873 : i32
    %mul3A_1875 = arith.constant 4 : i32
    %mul3A_1876 = vector.broadcast %mul3A_1875 : i32 to vector<16xi32>
    %mul3A_1877 = arith.muli %iota3A, %mul3A_1876 : vector<16xi32>
    %mul3A_1878 = arith.constant 4 : i32
    %mul3A_1879 = arith.muli %mul3A_1878, %add3A_1874 : i32
    %add3A_1880 = arith.constant 2 : i32
    %add3A_1881 = arith.addi %mul3A_1879, %add3A_1880 : i32
    %add3A_1882 = vector.broadcast %add3A_1881 : i32 to vector<16xi32>
    %add3A_1883 = arith.addi %mul3A_1877, %add3A_1882 : vector<16xi32>
    %swap3A_1884 = arith.constant 5 : i32
    %swap3A_1885 = arith.constant 2 : i32
    %swap3A_1886 = arith.index_cast %swap3A_1884 : i32 to index
    %swap3A_1887 = arith.index_cast %swap3A_1885 : i32 to index
    %swap3A_1888 = arith.constant 16 : index
    %swap3A_1889 = tpu.vector_load %arg8[%swap3A_1886, %swap3A_1887, %swap3A_1888] {strides = array<i32>} : memref<8x4x64xi32, #tpu.memory_space<vmem>>, vector<1x1x16xi32>,
    %swap3A_1890 = vector.shape_cast %swap3A_1889 : vector<1x1x16xi32> to vector<16xi32>
    %swap3A_1891 = vector.shape_cast %add3A_1883 : vector<16xi32> to vector<1x1x16xi32>
    tpu.vector_store %arg8[%swap3A_1886, %swap3A_1887, %swap3A_1888], %swap3A_1891 {strides = array<i32>} : memref<8x4x64xi32, #tpu.memory_space<vmem>>, vector<1x1x16xi32>,
    %add3A_1892 = arith.constant 320 : i32
    %add3A_1893 = arith.addi %mul3A_2, %add3A_1892 : i32
    %add3A_1894 = arith.constant 32 : i32
    %add3A_1895 = arith.addi %add3A_1893, %add3A_1894 : i32
    %mul3A_1896 = arith.constant 4 : i32
    %mul3A_1897 = vector.broadcast %mul3A_1896 : i32 to vector<16xi32>
    %mul3A_1898 = arith.muli %iota3A, %mul3A_1897 : vector<16xi32>
    %mul3A_1899 = arith.constant 4 : i32
    %mul3A_1900 = arith.muli %mul3A_1899, %add3A_1895 : i32
    %add3A_1901 = arith.constant 2 : i32
    %add3A_1902 = arith.addi %mul3A_1900, %add3A_1901 : i32
    %add3A_1903 = vector.broadcast %add3A_1902 : i32 to vector<16xi32>
    %add3A_1904 = arith.addi %mul3A_1898, %add3A_1903 : vector<16xi32>
    %swap3A_1905 = arith.constant 5 : i32
    %swap3A_1906 = arith.constant 2 : i32
    %swap3A_1907 = arith.index_cast %swap3A_1905 : i32 to index
    %swap3A_1908 = arith.index_cast %swap3A_1906 : i32 to index
    %swap3A_1909 = arith.constant 32 : index
    %swap3A_1910 = tpu.vector_load %arg8[%swap3A_1907, %swap3A_1908, %swap3A_1909] {strides = array<i32>} : memref<8x4x64xi32, #tpu.memory_space<vmem>>, vector<1x1x16xi32>,
    %swap3A_1911 = vector.shape_cast %swap3A_1910 : vector<1x1x16xi32> to vector<16xi32>
    %swap3A_1912 = vector.shape_cast %add3A_1904 : vector<16xi32> to vector<1x1x16xi32>
    tpu.vector_store %arg8[%swap3A_1907, %swap3A_1908, %swap3A_1909], %swap3A_1912 {strides = array<i32>} : memref<8x4x64xi32, #tpu.memory_space<vmem>>, vector<1x1x16xi32>,
    %add3A_1913 = arith.constant 320 : i32
    %add3A_1914 = arith.addi %mul3A_2, %add3A_1913 : i32
    %add3A_1915 = arith.constant 48 : i32
    %add3A_1916 = arith.addi %add3A_1914, %add3A_1915 : i32
    %mul3A_1917 = arith.constant 4 : i32
    %mul3A_1918 = vector.broadcast %mul3A_1917 : i32 to vector<16xi32>
    %mul3A_1919 = arith.muli %iota3A, %mul3A_1918 : vector<16xi32>
    %mul3A_1920 = arith.constant 4 : i32
    %mul3A_1921 = arith.muli %mul3A_1920, %add3A_1916 : i32
    %add3A_1922 = arith.constant 2 : i32
    %add3A_1923 = arith.addi %mul3A_1921, %add3A_1922 : i32
    %add3A_1924 = vector.broadcast %add3A_1923 : i32 to vector<16xi32>
    %add3A_1925 = arith.addi %mul3A_1919, %add3A_1924 : vector<16xi32>
    %swap3A_1926 = arith.constant 5 : i32
    %swap3A_1927 = arith.constant 2 : i32
    %swap3A_1928 = arith.index_cast %swap3A_1926 : i32 to index
    %swap3A_1929 = arith.index_cast %swap3A_1927 : i32 to index
    %swap3A_1930 = arith.constant 48 : index
    %swap3A_1931 = tpu.vector_load %arg8[%swap3A_1928, %swap3A_1929, %swap3A_1930] {strides = array<i32>} : memref<8x4x64xi32, #tpu.memory_space<vmem>>, vector<1x1x16xi32>,
    %swap3A_1932 = vector.shape_cast %swap3A_1931 : vector<1x1x16xi32> to vector<16xi32>
    %swap3A_1933 = vector.shape_cast %add3A_1925 : vector<16xi32> to vector<1x1x16xi32>
    tpu.vector_store %arg8[%swap3A_1928, %swap3A_1929, %swap3A_1930], %swap3A_1933 {strides = array<i32>} : memref<8x4x64xi32, #tpu.memory_space<vmem>>, vector<1x1x16xi32>,
    %add3A_1934 = arith.constant 320 : i32
    %add3A_1935 = arith.addi %mul3A_2, %add3A_1934 : i32
    %add3A_1936 = arith.constant 0 : i32
    %add3A_1937 = arith.addi %add3A_1935, %add3A_1936 : i32
    %mul3A_1938 = arith.constant 4 : i32
    %mul3A_1939 = vector.broadcast %mul3A_1938 : i32 to vector<16xi32>
    %mul3A_1940 = arith.muli %iota3A, %mul3A_1939 : vector<16xi32>
    %mul3A_1941 = arith.constant 4 : i32
    %mul3A_1942 = arith.muli %mul3A_1941, %add3A_1937 : i32
    %add3A_1943 = arith.constant 3 : i32
    %add3A_1944 = arith.addi %mul3A_1942, %add3A_1943 : i32
    %add3A_1945 = vector.broadcast %add3A_1944 : i32 to vector<16xi32>
    %add3A_1946 = arith.addi %mul3A_1940, %add3A_1945 : vector<16xi32>
    %swap3A_1947 = arith.constant 5 : i32
    %swap3A_1948 = arith.constant 3 : i32
    %swap3A_1949 = arith.index_cast %swap3A_1947 : i32 to index
    %swap3A_1950 = arith.index_cast %swap3A_1948 : i32 to index
    %swap3A_1951 = arith.constant 0 : index
    %swap3A_1952 = tpu.vector_load %arg8[%swap3A_1949, %swap3A_1950, %swap3A_1951] {strides = array<i32>} : memref<8x4x64xi32, #tpu.memory_space<vmem>>, vector<1x1x16xi32>,
    %swap3A_1953 = vector.shape_cast %swap3A_1952 : vector<1x1x16xi32> to vector<16xi32>
    %swap3A_1954 = vector.shape_cast %add3A_1946 : vector<16xi32> to vector<1x1x16xi32>
    tpu.vector_store %arg8[%swap3A_1949, %swap3A_1950, %swap3A_1951], %swap3A_1954 {strides = array<i32>} : memref<8x4x64xi32, #tpu.memory_space<vmem>>, vector<1x1x16xi32>,
    %add3A_1955 = arith.constant 320 : i32
    %add3A_1956 = arith.addi %mul3A_2, %add3A_1955 : i32
    %add3A_1957 = arith.constant 16 : i32
    %add3A_1958 = arith.addi %add3A_1956, %add3A_1957 : i32
    %mul3A_1959 = arith.constant 4 : i32
    %mul3A_1960 = vector.broadcast %mul3A_1959 : i32 to vector<16xi32>
    %mul3A_1961 = arith.muli %iota3A, %mul3A_1960 : vector<16xi32>
    %mul3A_1962 = arith.constant 4 : i32
    %mul3A_1963 = arith.muli %mul3A_1962, %add3A_1958 : i32
    %add3A_1964 = arith.constant 3 : i32
    %add3A_1965 = arith.addi %mul3A_1963, %add3A_1964 : i32
    %add3A_1966 = vector.broadcast %add3A_1965 : i32 to vector<16xi32>
    %add3A_1967 = arith.addi %mul3A_1961, %add3A_1966 : vector<16xi32>
    %swap3A_1968 = arith.constant 5 : i32
    %swap3A_1969 = arith.constant 3 : i32
    %swap3A_1970 = arith.index_cast %swap3A_1968 : i32 to index
    %swap3A_1971 = arith.index_cast %swap3A_1969 : i32 to index
    %swap3A_1972 = arith.constant 16 : index
    %swap3A_1973 = tpu.vector_load %arg8[%swap3A_1970, %swap3A_1971, %swap3A_1972] {strides = array<i32>} : memref<8x4x64xi32, #tpu.memory_space<vmem>>, vector<1x1x16xi32>,
    %swap3A_1974 = vector.shape_cast %swap3A_1973 : vector<1x1x16xi32> to vector<16xi32>
    %swap3A_1975 = vector.shape_cast %add3A_1967 : vector<16xi32> to vector<1x1x16xi32>
    tpu.vector_store %arg8[%swap3A_1970, %swap3A_1971, %swap3A_1972], %swap3A_1975 {strides = array<i32>} : memref<8x4x64xi32, #tpu.memory_space<vmem>>, vector<1x1x16xi32>,
    %add3A_1976 = arith.constant 320 : i32
    %add3A_1977 = arith.addi %mul3A_2, %add3A_1976 : i32
    %add3A_1978 = arith.constant 32 : i32
    %add3A_1979 = arith.addi %add3A_1977, %add3A_1978 : i32
    %mul3A_1980 = arith.constant 4 : i32
    %mul3A_1981 = vector.broadcast %mul3A_1980 : i32 to vector<16xi32>
    %mul3A_1982 = arith.muli %iota3A, %mul3A_1981 : vector<16xi32>
    %mul3A_1983 = arith.constant 4 : i32
    %mul3A_1984 = arith.muli %mul3A_1983, %add3A_1979 : i32
    %add3A_1985 = arith.constant 3 : i32
    %add3A_1986 = arith.addi %mul3A_1984, %add3A_1985 : i32
    %add3A_1987 = vector.broadcast %add3A_1986 : i32 to vector<16xi32>
    %add3A_1988 = arith.addi %mul3A_1982, %add3A_1987 : vector<16xi32>
    %swap3A_1989 = arith.constant 5 : i32
    %swap3A_1990 = arith.constant 3 : i32
    %swap3A_1991 = arith.index_cast %swap3A_1989 : i32 to index
    %swap3A_1992 = arith.index_cast %swap3A_1990 : i32 to index
    %swap3A_1993 = arith.constant 32 : index
    %swap3A_1994 = tpu.vector_load %arg8[%swap3A_1991, %swap3A_1992, %swap3A_1993] {strides = array<i32>} : memref<8x4x64xi32, #tpu.memory_space<vmem>>, vector<1x1x16xi32>,
    %swap3A_1995 = vector.shape_cast %swap3A_1994 : vector<1x1x16xi32> to vector<16xi32>
    %swap3A_1996 = vector.shape_cast %add3A_1988 : vector<16xi32> to vector<1x1x16xi32>
    tpu.vector_store %arg8[%swap3A_1991, %swap3A_1992, %swap3A_1993], %swap3A_1996 {strides = array<i32>} : memref<8x4x64xi32, #tpu.memory_space<vmem>>, vector<1x1x16xi32>,
    %add3A_1997 = arith.constant 320 : i32
    %add3A_1998 = arith.addi %mul3A_2, %add3A_1997 : i32
    %add3A_1999 = arith.constant 48 : i32
    %add3A_2000 = arith.addi %add3A_1998, %add3A_1999 : i32
    %mul3A_2001 = arith.constant 4 : i32
    %mul3A_2002 = vector.broadcast %mul3A_2001 : i32 to vector<16xi32>
    %mul3A_2003 = arith.muli %iota3A, %mul3A_2002 : vector<16xi32>
    %mul3A_2004 = arith.constant 4 : i32
    %mul3A_2005 = arith.muli %mul3A_2004, %add3A_2000 : i32
    %add3A_2006 = arith.constant 3 : i32
    %add3A_2007 = arith.addi %mul3A_2005, %add3A_2006 : i32
    %add3A_2008 = vector.broadcast %add3A_2007 : i32 to vector<16xi32>
    %add3A_2009 = arith.addi %mul3A_2003, %add3A_2008 : vector<16xi32>
    %swap3A_2010 = arith.constant 5 : i32
    %swap3A_2011 = arith.constant 3 : i32
    %swap3A_2012 = arith.index_cast %swap3A_2010 : i32 to index
    %swap3A_2013 = arith.index_cast %swap3A_2011 : i32 to index
    %swap3A_2014 = arith.constant 48 : index
    %swap3A_2015 = tpu.vector_load %arg8[%swap3A_2012, %swap3A_2013, %swap3A_2014] {strides = array<i32>} : memref<8x4x64xi32, #tpu.memory_space<vmem>>, vector<1x1x16xi32>,
    %swap3A_2016 = vector.shape_cast %swap3A_2015 : vector<1x1x16xi32> to vector<16xi32>
    %swap3A_2017 = vector.shape_cast %add3A_2009 : vector<16xi32> to vector<1x1x16xi32>
    tpu.vector_store %arg8[%swap3A_2012, %swap3A_2013, %swap3A_2014], %swap3A_2017 {strides = array<i32>} : memref<8x4x64xi32, #tpu.memory_space<vmem>>, vector<1x1x16xi32>,
    %add3A_2018 = arith.constant 384 : i32
    %add3A_2019 = arith.addi %mul3A_2, %add3A_2018 : i32
    %add3A_2020 = arith.constant 0 : i32
    %add3A_2021 = arith.addi %add3A_2019, %add3A_2020 : i32
    %mul3A_2022 = arith.constant 4 : i32
    %mul3A_2023 = vector.broadcast %mul3A_2022 : i32 to vector<16xi32>
    %mul3A_2024 = arith.muli %iota3A, %mul3A_2023 : vector<16xi32>
    %mul3A_2025 = arith.constant 4 : i32
    %mul3A_2026 = arith.muli %mul3A_2025, %add3A_2021 : i32
    %add3A_2027 = arith.constant 0 : i32
    %add3A_2028 = arith.addi %mul3A_2026, %add3A_2027 : i32
    %add3A_2029 = vector.broadcast %add3A_2028 : i32 to vector<16xi32>
    %add3A_2030 = arith.addi %mul3A_2024, %add3A_2029 : vector<16xi32>
    %swap3A_2031 = arith.constant 6 : i32
    %swap3A_2032 = arith.constant 0 : i32
    %swap3A_2033 = arith.index_cast %swap3A_2031 : i32 to index
    %swap3A_2034 = arith.index_cast %swap3A_2032 : i32 to index
    %swap3A_2035 = arith.constant 0 : index
    %swap3A_2036 = tpu.vector_load %arg8[%swap3A_2033, %swap3A_2034, %swap3A_2035] {strides = array<i32>} : memref<8x4x64xi32, #tpu.memory_space<vmem>>, vector<1x1x16xi32>,
    %swap3A_2037 = vector.shape_cast %swap3A_2036 : vector<1x1x16xi32> to vector<16xi32>
    %swap3A_2038 = vector.shape_cast %add3A_2030 : vector<16xi32> to vector<1x1x16xi32>
    tpu.vector_store %arg8[%swap3A_2033, %swap3A_2034, %swap3A_2035], %swap3A_2038 {strides = array<i32>} : memref<8x4x64xi32, #tpu.memory_space<vmem>>, vector<1x1x16xi32>,
    %add3A_2039 = arith.constant 384 : i32
    %add3A_2040 = arith.addi %mul3A_2, %add3A_2039 : i32
    %add3A_2041 = arith.constant 16 : i32
    %add3A_2042 = arith.addi %add3A_2040, %add3A_2041 : i32
    %mul3A_2043 = arith.constant 4 : i32
    %mul3A_2044 = vector.broadcast %mul3A_2043 : i32 to vector<16xi32>
    %mul3A_2045 = arith.muli %iota3A, %mul3A_2044 : vector<16xi32>
    %mul3A_2046 = arith.constant 4 : i32
    %mul3A_2047 = arith.muli %mul3A_2046, %add3A_2042 : i32
    %add3A_2048 = arith.constant 0 : i32
    %add3A_2049 = arith.addi %mul3A_2047, %add3A_2048 : i32
    %add3A_2050 = vector.broadcast %add3A_2049 : i32 to vector<16xi32>
    %add3A_2051 = arith.addi %mul3A_2045, %add3A_2050 : vector<16xi32>
    %swap3A_2052 = arith.constant 6 : i32
    %swap3A_2053 = arith.constant 0 : i32
    %swap3A_2054 = arith.index_cast %swap3A_2052 : i32 to index
    %swap3A_2055 = arith.index_cast %swap3A_2053 : i32 to index
    %swap3A_2056 = arith.constant 16 : index
    %swap3A_2057 = tpu.vector_load %arg8[%swap3A_2054, %swap3A_2055, %swap3A_2056] {strides = array<i32>} : memref<8x4x64xi32, #tpu.memory_space<vmem>>, vector<1x1x16xi32>,
    %swap3A_2058 = vector.shape_cast %swap3A_2057 : vector<1x1x16xi32> to vector<16xi32>
    %swap3A_2059 = vector.shape_cast %add3A_2051 : vector<16xi32> to vector<1x1x16xi32>
    tpu.vector_store %arg8[%swap3A_2054, %swap3A_2055, %swap3A_2056], %swap3A_2059 {strides = array<i32>} : memref<8x4x64xi32, #tpu.memory_space<vmem>>, vector<1x1x16xi32>,
    %add3A_2060 = arith.constant 384 : i32
    %add3A_2061 = arith.addi %mul3A_2, %add3A_2060 : i32
    %add3A_2062 = arith.constant 32 : i32
    %add3A_2063 = arith.addi %add3A_2061, %add3A_2062 : i32
    %mul3A_2064 = arith.constant 4 : i32
    %mul3A_2065 = vector.broadcast %mul3A_2064 : i32 to vector<16xi32>
    %mul3A_2066 = arith.muli %iota3A, %mul3A_2065 : vector<16xi32>
    %mul3A_2067 = arith.constant 4 : i32
    %mul3A_2068 = arith.muli %mul3A_2067, %add3A_2063 : i32
    %add3A_2069 = arith.constant 0 : i32
    %add3A_2070 = arith.addi %mul3A_2068, %add3A_2069 : i32
    %add3A_2071 = vector.broadcast %add3A_2070 : i32 to vector<16xi32>
    %add3A_2072 = arith.addi %mul3A_2066, %add3A_2071 : vector<16xi32>
    %swap3A_2073 = arith.constant 6 : i32
    %swap3A_2074 = arith.constant 0 : i32
    %swap3A_2075 = arith.index_cast %swap3A_2073 : i32 to index
    %swap3A_2076 = arith.index_cast %swap3A_2074 : i32 to index
    %swap3A_2077 = arith.constant 32 : index
    %swap3A_2078 = tpu.vector_load %arg8[%swap3A_2075, %swap3A_2076, %swap3A_2077] {strides = array<i32>} : memref<8x4x64xi32, #tpu.memory_space<vmem>>, vector<1x1x16xi32>,
    %swap3A_2079 = vector.shape_cast %swap3A_2078 : vector<1x1x16xi32> to vector<16xi32>
    %swap3A_2080 = vector.shape_cast %add3A_2072 : vector<16xi32> to vector<1x1x16xi32>
    tpu.vector_store %arg8[%swap3A_2075, %swap3A_2076, %swap3A_2077], %swap3A_2080 {strides = array<i32>} : memref<8x4x64xi32, #tpu.memory_space<vmem>>, vector<1x1x16xi32>,
    %add3A_2081 = arith.constant 384 : i32
    %add3A_2082 = arith.addi %mul3A_2, %add3A_2081 : i32
    %add3A_2083 = arith.constant 48 : i32
    %add3A_2084 = arith.addi %add3A_2082, %add3A_2083 : i32
    %mul3A_2085 = arith.constant 4 : i32
    %mul3A_2086 = vector.broadcast %mul3A_2085 : i32 to vector<16xi32>
    %mul3A_2087 = arith.muli %iota3A, %mul3A_2086 : vector<16xi32>
    %mul3A_2088 = arith.constant 4 : i32
    %mul3A_2089 = arith.muli %mul3A_2088, %add3A_2084 : i32
    %add3A_2090 = arith.constant 0 : i32
    %add3A_2091 = arith.addi %mul3A_2089, %add3A_2090 : i32
    %add3A_2092 = vector.broadcast %add3A_2091 : i32 to vector<16xi32>
    %add3A_2093 = arith.addi %mul3A_2087, %add3A_2092 : vector<16xi32>
    %swap3A_2094 = arith.constant 6 : i32
    %swap3A_2095 = arith.constant 0 : i32
    %swap3A_2096 = arith.index_cast %swap3A_2094 : i32 to index
    %swap3A_2097 = arith.index_cast %swap3A_2095 : i32 to index
    %swap3A_2098 = arith.constant 48 : index
    %swap3A_2099 = tpu.vector_load %arg8[%swap3A_2096, %swap3A_2097, %swap3A_2098] {strides = array<i32>} : memref<8x4x64xi32, #tpu.memory_space<vmem>>, vector<1x1x16xi32>,
    %swap3A_2100 = vector.shape_cast %swap3A_2099 : vector<1x1x16xi32> to vector<16xi32>
    %swap3A_2101 = vector.shape_cast %add3A_2093 : vector<16xi32> to vector<1x1x16xi32>
    tpu.vector_store %arg8[%swap3A_2096, %swap3A_2097, %swap3A_2098], %swap3A_2101 {strides = array<i32>} : memref<8x4x64xi32, #tpu.memory_space<vmem>>, vector<1x1x16xi32>,
    %add3A_2102 = arith.constant 384 : i32
    %add3A_2103 = arith.addi %mul3A_2, %add3A_2102 : i32
    %add3A_2104 = arith.constant 0 : i32
    %add3A_2105 = arith.addi %add3A_2103, %add3A_2104 : i32
    %mul3A_2106 = arith.constant 4 : i32
    %mul3A_2107 = vector.broadcast %mul3A_2106 : i32 to vector<16xi32>
    %mul3A_2108 = arith.muli %iota3A, %mul3A_2107 : vector<16xi32>
    %mul3A_2109 = arith.constant 4 : i32
    %mul3A_2110 = arith.muli %mul3A_2109, %add3A_2105 : i32
    %add3A_2111 = arith.constant 1 : i32
    %add3A_2112 = arith.addi %mul3A_2110, %add3A_2111 : i32
    %add3A_2113 = vector.broadcast %add3A_2112 : i32 to vector<16xi32>
    %add3A_2114 = arith.addi %mul3A_2108, %add3A_2113 : vector<16xi32>
    %swap3A_2115 = arith.constant 6 : i32
    %swap3A_2116 = arith.constant 1 : i32
    %swap3A_2117 = arith.index_cast %swap3A_2115 : i32 to index
    %swap3A_2118 = arith.index_cast %swap3A_2116 : i32 to index
    %swap3A_2119 = arith.constant 0 : index
    %swap3A_2120 = tpu.vector_load %arg8[%swap3A_2117, %swap3A_2118, %swap3A_2119] {strides = array<i32>} : memref<8x4x64xi32, #tpu.memory_space<vmem>>, vector<1x1x16xi32>,
    %swap3A_2121 = vector.shape_cast %swap3A_2120 : vector<1x1x16xi32> to vector<16xi32>
    %swap3A_2122 = vector.shape_cast %add3A_2114 : vector<16xi32> to vector<1x1x16xi32>
    tpu.vector_store %arg8[%swap3A_2117, %swap3A_2118, %swap3A_2119], %swap3A_2122 {strides = array<i32>} : memref<8x4x64xi32, #tpu.memory_space<vmem>>, vector<1x1x16xi32>,
    %add3A_2123 = arith.constant 384 : i32
    %add3A_2124 = arith.addi %mul3A_2, %add3A_2123 : i32
    %add3A_2125 = arith.constant 16 : i32
    %add3A_2126 = arith.addi %add3A_2124, %add3A_2125 : i32
    %mul3A_2127 = arith.constant 4 : i32
    %mul3A_2128 = vector.broadcast %mul3A_2127 : i32 to vector<16xi32>
    %mul3A_2129 = arith.muli %iota3A, %mul3A_2128 : vector<16xi32>
    %mul3A_2130 = arith.constant 4 : i32
    %mul3A_2131 = arith.muli %mul3A_2130, %add3A_2126 : i32
    %add3A_2132 = arith.constant 1 : i32
    %add3A_2133 = arith.addi %mul3A_2131, %add3A_2132 : i32
    %add3A_2134 = vector.broadcast %add3A_2133 : i32 to vector<16xi32>
    %add3A_2135 = arith.addi %mul3A_2129, %add3A_2134 : vector<16xi32>
    %swap3A_2136 = arith.constant 6 : i32
    %swap3A_2137 = arith.constant 1 : i32
    %swap3A_2138 = arith.index_cast %swap3A_2136 : i32 to index
    %swap3A_2139 = arith.index_cast %swap3A_2137 : i32 to index
    %swap3A_2140 = arith.constant 16 : index
    %swap3A_2141 = tpu.vector_load %arg8[%swap3A_2138, %swap3A_2139, %swap3A_2140] {strides = array<i32>} : memref<8x4x64xi32, #tpu.memory_space<vmem>>, vector<1x1x16xi32>,
    %swap3A_2142 = vector.shape_cast %swap3A_2141 : vector<1x1x16xi32> to vector<16xi32>
    %swap3A_2143 = vector.shape_cast %add3A_2135 : vector<16xi32> to vector<1x1x16xi32>
    tpu.vector_store %arg8[%swap3A_2138, %swap3A_2139, %swap3A_2140], %swap3A_2143 {strides = array<i32>} : memref<8x4x64xi32, #tpu.memory_space<vmem>>, vector<1x1x16xi32>,
    %add3A_2144 = arith.constant 384 : i32
    %add3A_2145 = arith.addi %mul3A_2, %add3A_2144 : i32
    %add3A_2146 = arith.constant 32 : i32
    %add3A_2147 = arith.addi %add3A_2145, %add3A_2146 : i32
    %mul3A_2148 = arith.constant 4 : i32
    %mul3A_2149 = vector.broadcast %mul3A_2148 : i32 to vector<16xi32>
    %mul3A_2150 = arith.muli %iota3A, %mul3A_2149 : vector<16xi32>
    %mul3A_2151 = arith.constant 4 : i32
    %mul3A_2152 = arith.muli %mul3A_2151, %add3A_2147 : i32
    %add3A_2153 = arith.constant 1 : i32
    %add3A_2154 = arith.addi %mul3A_2152, %add3A_2153 : i32
    %add3A_2155 = vector.broadcast %add3A_2154 : i32 to vector<16xi32>
    %add3A_2156 = arith.addi %mul3A_2150, %add3A_2155 : vector<16xi32>
    %swap3A_2157 = arith.constant 6 : i32
    %swap3A_2158 = arith.constant 1 : i32
    %swap3A_2159 = arith.index_cast %swap3A_2157 : i32 to index
    %swap3A_2160 = arith.index_cast %swap3A_2158 : i32 to index
    %swap3A_2161 = arith.constant 32 : index
    %swap3A_2162 = tpu.vector_load %arg8[%swap3A_2159, %swap3A_2160, %swap3A_2161] {strides = array<i32>} : memref<8x4x64xi32, #tpu.memory_space<vmem>>, vector<1x1x16xi32>,
    %swap3A_2163 = vector.shape_cast %swap3A_2162 : vector<1x1x16xi32> to vector<16xi32>
    %swap3A_2164 = vector.shape_cast %add3A_2156 : vector<16xi32> to vector<1x1x16xi32>
    tpu.vector_store %arg8[%swap3A_2159, %swap3A_2160, %swap3A_2161], %swap3A_2164 {strides = array<i32>} : memref<8x4x64xi32, #tpu.memory_space<vmem>>, vector<1x1x16xi32>,
    %add3A_2165 = arith.constant 384 : i32
    %add3A_2166 = arith.addi %mul3A_2, %add3A_2165 : i32
    %add3A_2167 = arith.constant 48 : i32
    %add3A_2168 = arith.addi %add3A_2166, %add3A_2167 : i32
    %mul3A_2169 = arith.constant 4 : i32
    %mul3A_2170 = vector.broadcast %mul3A_2169 : i32 to vector<16xi32>
    %mul3A_2171 = arith.muli %iota3A, %mul3A_2170 : vector<16xi32>
    %mul3A_2172 = arith.constant 4 : i32
    %mul3A_2173 = arith.muli %mul3A_2172, %add3A_2168 : i32
    %add3A_2174 = arith.constant 1 : i32
    %add3A_2175 = arith.addi %mul3A_2173, %add3A_2174 : i32
    %add3A_2176 = vector.broadcast %add3A_2175 : i32 to vector<16xi32>
    %add3A_2177 = arith.addi %mul3A_2171, %add3A_2176 : vector<16xi32>
    %swap3A_2178 = arith.constant 6 : i32
    %swap3A_2179 = arith.constant 1 : i32
    %swap3A_2180 = arith.index_cast %swap3A_2178 : i32 to index
    %swap3A_2181 = arith.index_cast %swap3A_2179 : i32 to index
    %swap3A_2182 = arith.constant 48 : index
    %swap3A_2183 = tpu.vector_load %arg8[%swap3A_2180, %swap3A_2181, %swap3A_2182] {strides = array<i32>} : memref<8x4x64xi32, #tpu.memory_space<vmem>>, vector<1x1x16xi32>,
    %swap3A_2184 = vector.shape_cast %swap3A_2183 : vector<1x1x16xi32> to vector<16xi32>
    %swap3A_2185 = vector.shape_cast %add3A_2177 : vector<16xi32> to vector<1x1x16xi32>
    tpu.vector_store %arg8[%swap3A_2180, %swap3A_2181, %swap3A_2182], %swap3A_2185 {strides = array<i32>} : memref<8x4x64xi32, #tpu.memory_space<vmem>>, vector<1x1x16xi32>,
    %add3A_2186 = arith.constant 384 : i32
    %add3A_2187 = arith.addi %mul3A_2, %add3A_2186 : i32
    %add3A_2188 = arith.constant 0 : i32
    %add3A_2189 = arith.addi %add3A_2187, %add3A_2188 : i32
    %mul3A_2190 = arith.constant 4 : i32
    %mul3A_2191 = vector.broadcast %mul3A_2190 : i32 to vector<16xi32>
    %mul3A_2192 = arith.muli %iota3A, %mul3A_2191 : vector<16xi32>
    %mul3A_2193 = arith.constant 4 : i32
    %mul3A_2194 = arith.muli %mul3A_2193, %add3A_2189 : i32
    %add3A_2195 = arith.constant 2 : i32
    %add3A_2196 = arith.addi %mul3A_2194, %add3A_2195 : i32
    %add3A_2197 = vector.broadcast %add3A_2196 : i32 to vector<16xi32>
    %add3A_2198 = arith.addi %mul3A_2192, %add3A_2197 : vector<16xi32>
    %swap3A_2199 = arith.constant 6 : i32
    %swap3A_2200 = arith.constant 2 : i32
    %swap3A_2201 = arith.index_cast %swap3A_2199 : i32 to index
    %swap3A_2202 = arith.index_cast %swap3A_2200 : i32 to index
    %swap3A_2203 = arith.constant 0 : index
    %swap3A_2204 = tpu.vector_load %arg8[%swap3A_2201, %swap3A_2202, %swap3A_2203] {strides = array<i32>} : memref<8x4x64xi32, #tpu.memory_space<vmem>>, vector<1x1x16xi32>,
    %swap3A_2205 = vector.shape_cast %swap3A_2204 : vector<1x1x16xi32> to vector<16xi32>
    %swap3A_2206 = vector.shape_cast %add3A_2198 : vector<16xi32> to vector<1x1x16xi32>
    tpu.vector_store %arg8[%swap3A_2201, %swap3A_2202, %swap3A_2203], %swap3A_2206 {strides = array<i32>} : memref<8x4x64xi32, #tpu.memory_space<vmem>>, vector<1x1x16xi32>,
    %add3A_2207 = arith.constant 384 : i32
    %add3A_2208 = arith.addi %mul3A_2, %add3A_2207 : i32
    %add3A_2209 = arith.constant 16 : i32
    %add3A_2210 = arith.addi %add3A_2208, %add3A_2209 : i32
    %mul3A_2211 = arith.constant 4 : i32
    %mul3A_2212 = vector.broadcast %mul3A_2211 : i32 to vector<16xi32>
    %mul3A_2213 = arith.muli %iota3A, %mul3A_2212 : vector<16xi32>
    %mul3A_2214 = arith.constant 4 : i32
    %mul3A_2215 = arith.muli %mul3A_2214, %add3A_2210 : i32
    %add3A_2216 = arith.constant 2 : i32
    %add3A_2217 = arith.addi %mul3A_2215, %add3A_2216 : i32
    %add3A_2218 = vector.broadcast %add3A_2217 : i32 to vector<16xi32>
    %add3A_2219 = arith.addi %mul3A_2213, %add3A_2218 : vector<16xi32>
    %swap3A_2220 = arith.constant 6 : i32
    %swap3A_2221 = arith.constant 2 : i32
    %swap3A_2222 = arith.index_cast %swap3A_2220 : i32 to index
    %swap3A_2223 = arith.index_cast %swap3A_2221 : i32 to index
    %swap3A_2224 = arith.constant 16 : index
    %swap3A_2225 = tpu.vector_load %arg8[%swap3A_2222, %swap3A_2223, %swap3A_2224] {strides = array<i32>} : memref<8x4x64xi32, #tpu.memory_space<vmem>>, vector<1x1x16xi32>,
    %swap3A_2226 = vector.shape_cast %swap3A_2225 : vector<1x1x16xi32> to vector<16xi32>
    %swap3A_2227 = vector.shape_cast %add3A_2219 : vector<16xi32> to vector<1x1x16xi32>
    tpu.vector_store %arg8[%swap3A_2222, %swap3A_2223, %swap3A_2224], %swap3A_2227 {strides = array<i32>} : memref<8x4x64xi32, #tpu.memory_space<vmem>>, vector<1x1x16xi32>,
    %add3A_2228 = arith.constant 384 : i32
    %add3A_2229 = arith.addi %mul3A_2, %add3A_2228 : i32
    %add3A_2230 = arith.constant 32 : i32
    %add3A_2231 = arith.addi %add3A_2229, %add3A_2230 : i32
    %mul3A_2232 = arith.constant 4 : i32
    %mul3A_2233 = vector.broadcast %mul3A_2232 : i32 to vector<16xi32>
    %mul3A_2234 = arith.muli %iota3A, %mul3A_2233 : vector<16xi32>
    %mul3A_2235 = arith.constant 4 : i32
    %mul3A_2236 = arith.muli %mul3A_2235, %add3A_2231 : i32
    %add3A_2237 = arith.constant 2 : i32
    %add3A_2238 = arith.addi %mul3A_2236, %add3A_2237 : i32
    %add3A_2239 = vector.broadcast %add3A_2238 : i32 to vector<16xi32>
    %add3A_2240 = arith.addi %mul3A_2234, %add3A_2239 : vector<16xi32>
    %swap3A_2241 = arith.constant 6 : i32
    %swap3A_2242 = arith.constant 2 : i32
    %swap3A_2243 = arith.index_cast %swap3A_2241 : i32 to index
    %swap3A_2244 = arith.index_cast %swap3A_2242 : i32 to index
    %swap3A_2245 = arith.constant 32 : index
    %swap3A_2246 = tpu.vector_load %arg8[%swap3A_2243, %swap3A_2244, %swap3A_2245] {strides = array<i32>} : memref<8x4x64xi32, #tpu.memory_space<vmem>>, vector<1x1x16xi32>,
    %swap3A_2247 = vector.shape_cast %swap3A_2246 : vector<1x1x16xi32> to vector<16xi32>
    %swap3A_2248 = vector.shape_cast %add3A_2240 : vector<16xi32> to vector<1x1x16xi32>
    tpu.vector_store %arg8[%swap3A_2243, %swap3A_2244, %swap3A_2245], %swap3A_2248 {strides = array<i32>} : memref<8x4x64xi32, #tpu.memory_space<vmem>>, vector<1x1x16xi32>,
    %add3A_2249 = arith.constant 384 : i32
    %add3A_2250 = arith.addi %mul3A_2, %add3A_2249 : i32
    %add3A_2251 = arith.constant 48 : i32
    %add3A_2252 = arith.addi %add3A_2250, %add3A_2251 : i32
    %mul3A_2253 = arith.constant 4 : i32
    %mul3A_2254 = vector.broadcast %mul3A_2253 : i32 to vector<16xi32>
    %mul3A_2255 = arith.muli %iota3A, %mul3A_2254 : vector<16xi32>
    %mul3A_2256 = arith.constant 4 : i32
    %mul3A_2257 = arith.muli %mul3A_2256, %add3A_2252 : i32
    %add3A_2258 = arith.constant 2 : i32
    %add3A_2259 = arith.addi %mul3A_2257, %add3A_2258 : i32
    %add3A_2260 = vector.broadcast %add3A_2259 : i32 to vector<16xi32>
    %add3A_2261 = arith.addi %mul3A_2255, %add3A_2260 : vector<16xi32>
    %swap3A_2262 = arith.constant 6 : i32
    %swap3A_2263 = arith.constant 2 : i32
    %swap3A_2264 = arith.index_cast %swap3A_2262 : i32 to index
    %swap3A_2265 = arith.index_cast %swap3A_2263 : i32 to index
    %swap3A_2266 = arith.constant 48 : index
    %swap3A_2267 = tpu.vector_load %arg8[%swap3A_2264, %swap3A_2265, %swap3A_2266] {strides = array<i32>} : memref<8x4x64xi32, #tpu.memory_space<vmem>>, vector<1x1x16xi32>,
    %swap3A_2268 = vector.shape_cast %swap3A_2267 : vector<1x1x16xi32> to vector<16xi32>
    %swap3A_2269 = vector.shape_cast %add3A_2261 : vector<16xi32> to vector<1x1x16xi32>
    tpu.vector_store %arg8[%swap3A_2264, %swap3A_2265, %swap3A_2266], %swap3A_2269 {strides = array<i32>} : memref<8x4x64xi32, #tpu.memory_space<vmem>>, vector<1x1x16xi32>,
    %add3A_2270 = arith.constant 384 : i32
    %add3A_2271 = arith.addi %mul3A_2, %add3A_2270 : i32
    %add3A_2272 = arith.constant 0 : i32
    %add3A_2273 = arith.addi %add3A_2271, %add3A_2272 : i32
    %mul3A_2274 = arith.constant 4 : i32
    %mul3A_2275 = vector.broadcast %mul3A_2274 : i32 to vector<16xi32>
    %mul3A_2276 = arith.muli %iota3A, %mul3A_2275 : vector<16xi32>
    %mul3A_2277 = arith.constant 4 : i32
    %mul3A_2278 = arith.muli %mul3A_2277, %add3A_2273 : i32
    %add3A_2279 = arith.constant 3 : i32
    %add3A_2280 = arith.addi %mul3A_2278, %add3A_2279 : i32
    %add3A_2281 = vector.broadcast %add3A_2280 : i32 to vector<16xi32>
    %add3A_2282 = arith.addi %mul3A_2276, %add3A_2281 : vector<16xi32>
    %swap3A_2283 = arith.constant 6 : i32
    %swap3A_2284 = arith.constant 3 : i32
    %swap3A_2285 = arith.index_cast %swap3A_2283 : i32 to index
    %swap3A_2286 = arith.index_cast %swap3A_2284 : i32 to index
    %swap3A_2287 = arith.constant 0 : index
    %swap3A_2288 = tpu.vector_load %arg8[%swap3A_2285, %swap3A_2286, %swap3A_2287] {strides = array<i32>} : memref<8x4x64xi32, #tpu.memory_space<vmem>>, vector<1x1x16xi32>,
    %swap3A_2289 = vector.shape_cast %swap3A_2288 : vector<1x1x16xi32> to vector<16xi32>
    %swap3A_2290 = vector.shape_cast %add3A_2282 : vector<16xi32> to vector<1x1x16xi32>
    tpu.vector_store %arg8[%swap3A_2285, %swap3A_2286, %swap3A_2287], %swap3A_2290 {strides = array<i32>} : memref<8x4x64xi32, #tpu.memory_space<vmem>>, vector<1x1x16xi32>,
    %add3A_2291 = arith.constant 384 : i32
    %add3A_2292 = arith.addi %mul3A_2, %add3A_2291 : i32
    %add3A_2293 = arith.constant 16 : i32
    %add3A_2294 = arith.addi %add3A_2292, %add3A_2293 : i32
    %mul3A_2295 = arith.constant 4 : i32
    %mul3A_2296 = vector.broadcast %mul3A_2295 : i32 to vector<16xi32>
    %mul3A_2297 = arith.muli %iota3A, %mul3A_2296 : vector<16xi32>
    %mul3A_2298 = arith.constant 4 : i32
    %mul3A_2299 = arith.muli %mul3A_2298, %add3A_2294 : i32
    %add3A_2300 = arith.constant 3 : i32
    %add3A_2301 = arith.addi %mul3A_2299, %add3A_2300 : i32
    %add3A_2302 = vector.broadcast %add3A_2301 : i32 to vector<16xi32>
    %add3A_2303 = arith.addi %mul3A_2297, %add3A_2302 : vector<16xi32>
    %swap3A_2304 = arith.constant 6 : i32
    %swap3A_2305 = arith.constant 3 : i32
    %swap3A_2306 = arith.index_cast %swap3A_2304 : i32 to index
    %swap3A_2307 = arith.index_cast %swap3A_2305 : i32 to index
    %swap3A_2308 = arith.constant 16 : index
    %swap3A_2309 = tpu.vector_load %arg8[%swap3A_2306, %swap3A_2307, %swap3A_2308] {strides = array<i32>} : memref<8x4x64xi32, #tpu.memory_space<vmem>>, vector<1x1x16xi32>,
    %swap3A_2310 = vector.shape_cast %swap3A_2309 : vector<1x1x16xi32> to vector<16xi32>
    %swap3A_2311 = vector.shape_cast %add3A_2303 : vector<16xi32> to vector<1x1x16xi32>
    tpu.vector_store %arg8[%swap3A_2306, %swap3A_2307, %swap3A_2308], %swap3A_2311 {strides = array<i32>} : memref<8x4x64xi32, #tpu.memory_space<vmem>>, vector<1x1x16xi32>,
    %add3A_2312 = arith.constant 384 : i32
    %add3A_2313 = arith.addi %mul3A_2, %add3A_2312 : i32
    %add3A_2314 = arith.constant 32 : i32
    %add3A_2315 = arith.addi %add3A_2313, %add3A_2314 : i32
    %mul3A_2316 = arith.constant 4 : i32
    %mul3A_2317 = vector.broadcast %mul3A_2316 : i32 to vector<16xi32>
    %mul3A_2318 = arith.muli %iota3A, %mul3A_2317 : vector<16xi32>
    %mul3A_2319 = arith.constant 4 : i32
    %mul3A_2320 = arith.muli %mul3A_2319, %add3A_2315 : i32
    %add3A_2321 = arith.constant 3 : i32
    %add3A_2322 = arith.addi %mul3A_2320, %add3A_2321 : i32
    %add3A_2323 = vector.broadcast %add3A_2322 : i32 to vector<16xi32>
    %add3A_2324 = arith.addi %mul3A_2318, %add3A_2323 : vector<16xi32>
    %swap3A_2325 = arith.constant 6 : i32
    %swap3A_2326 = arith.constant 3 : i32
    %swap3A_2327 = arith.index_cast %swap3A_2325 : i32 to index
    %swap3A_2328 = arith.index_cast %swap3A_2326 : i32 to index
    %swap3A_2329 = arith.constant 32 : index
    %swap3A_2330 = tpu.vector_load %arg8[%swap3A_2327, %swap3A_2328, %swap3A_2329] {strides = array<i32>} : memref<8x4x64xi32, #tpu.memory_space<vmem>>, vector<1x1x16xi32>,
    %swap3A_2331 = vector.shape_cast %swap3A_2330 : vector<1x1x16xi32> to vector<16xi32>
    %swap3A_2332 = vector.shape_cast %add3A_2324 : vector<16xi32> to vector<1x1x16xi32>
    tpu.vector_store %arg8[%swap3A_2327, %swap3A_2328, %swap3A_2329], %swap3A_2332 {strides = array<i32>} : memref<8x4x64xi32, #tpu.memory_space<vmem>>, vector<1x1x16xi32>,
    %add3A_2333 = arith.constant 384 : i32
    %add3A_2334 = arith.addi %mul3A_2, %add3A_2333 : i32
    %add3A_2335 = arith.constant 48 : i32
    %add3A_2336 = arith.addi %add3A_2334, %add3A_2335 : i32
    %mul3A_2337 = arith.constant 4 : i32
    %mul3A_2338 = vector.broadcast %mul3A_2337 : i32 to vector<16xi32>
    %mul3A_2339 = arith.muli %iota3A, %mul3A_2338 : vector<16xi32>
    %mul3A_2340 = arith.constant 4 : i32
    %mul3A_2341 = arith.muli %mul3A_2340, %add3A_2336 : i32
    %add3A_2342 = arith.constant 3 : i32
    %add3A_2343 = arith.addi %mul3A_2341, %add3A_2342 : i32
    %add3A_2344 = vector.broadcast %add3A_2343 : i32 to vector<16xi32>
    %add3A_2345 = arith.addi %mul3A_2339, %add3A_2344 : vector<16xi32>
    %swap3A_2346 = arith.constant 6 : i32
    %swap3A_2347 = arith.constant 3 : i32
    %swap3A_2348 = arith.index_cast %swap3A_2346 : i32 to index
    %swap3A_2349 = arith.index_cast %swap3A_2347 : i32 to index
    %swap3A_2350 = arith.constant 48 : index
    %swap3A_2351 = tpu.vector_load %arg8[%swap3A_2348, %swap3A_2349, %swap3A_2350] {strides = array<i32>} : memref<8x4x64xi32, #tpu.memory_space<vmem>>, vector<1x1x16xi32>,
    %swap3A_2352 = vector.shape_cast %swap3A_2351 : vector<1x1x16xi32> to vector<16xi32>
    %swap3A_2353 = vector.shape_cast %add3A_2345 : vector<16xi32> to vector<1x1x16xi32>
    tpu.vector_store %arg8[%swap3A_2348, %swap3A_2349, %swap3A_2350], %swap3A_2353 {strides = array<i32>} : memref<8x4x64xi32, #tpu.memory_space<vmem>>, vector<1x1x16xi32>,
    %add3A_2354 = arith.constant 448 : i32
    %add3A_2355 = arith.addi %mul3A_2, %add3A_2354 : i32
    %add3A_2356 = arith.constant 0 : i32
    %add3A_2357 = arith.addi %add3A_2355, %add3A_2356 : i32
    %mul3A_2358 = arith.constant 4 : i32
    %mul3A_2359 = vector.broadcast %mul3A_2358 : i32 to vector<16xi32>
    %mul3A_2360 = arith.muli %iota3A, %mul3A_2359 : vector<16xi32>
    %mul3A_2361 = arith.constant 4 : i32
    %mul3A_2362 = arith.muli %mul3A_2361, %add3A_2357 : i32
    %add3A_2363 = arith.constant 0 : i32
    %add3A_2364 = arith.addi %mul3A_2362, %add3A_2363 : i32
    %add3A_2365 = vector.broadcast %add3A_2364 : i32 to vector<16xi32>
    %add3A_2366 = arith.addi %mul3A_2360, %add3A_2365 : vector<16xi32>
    %swap3A_2367 = arith.constant 7 : i32
    %swap3A_2368 = arith.constant 0 : i32
    %swap3A_2369 = arith.index_cast %swap3A_2367 : i32 to index
    %swap3A_2370 = arith.index_cast %swap3A_2368 : i32 to index
    %swap3A_2371 = arith.constant 0 : index
    %swap3A_2372 = tpu.vector_load %arg8[%swap3A_2369, %swap3A_2370, %swap3A_2371] {strides = array<i32>} : memref<8x4x64xi32, #tpu.memory_space<vmem>>, vector<1x1x16xi32>,
    %swap3A_2373 = vector.shape_cast %swap3A_2372 : vector<1x1x16xi32> to vector<16xi32>
    %swap3A_2374 = vector.shape_cast %add3A_2366 : vector<16xi32> to vector<1x1x16xi32>
    tpu.vector_store %arg8[%swap3A_2369, %swap3A_2370, %swap3A_2371], %swap3A_2374 {strides = array<i32>} : memref<8x4x64xi32, #tpu.memory_space<vmem>>, vector<1x1x16xi32>,
    %add3A_2375 = arith.constant 448 : i32
    %add3A_2376 = arith.addi %mul3A_2, %add3A_2375 : i32
    %add3A_2377 = arith.constant 16 : i32
    %add3A_2378 = arith.addi %add3A_2376, %add3A_2377 : i32
    %mul3A_2379 = arith.constant 4 : i32
    %mul3A_2380 = vector.broadcast %mul3A_2379 : i32 to vector<16xi32>
    %mul3A_2381 = arith.muli %iota3A, %mul3A_2380 : vector<16xi32>
    %mul3A_2382 = arith.constant 4 : i32
    %mul3A_2383 = arith.muli %mul3A_2382, %add3A_2378 : i32
    %add3A_2384 = arith.constant 0 : i32
    %add3A_2385 = arith.addi %mul3A_2383, %add3A_2384 : i32
    %add3A_2386 = vector.broadcast %add3A_2385 : i32 to vector<16xi32>
    %add3A_2387 = arith.addi %mul3A_2381, %add3A_2386 : vector<16xi32>
    %swap3A_2388 = arith.constant 7 : i32
    %swap3A_2389 = arith.constant 0 : i32
    %swap3A_2390 = arith.index_cast %swap3A_2388 : i32 to index
    %swap3A_2391 = arith.index_cast %swap3A_2389 : i32 to index
    %swap3A_2392 = arith.constant 16 : index
    %swap3A_2393 = tpu.vector_load %arg8[%swap3A_2390, %swap3A_2391, %swap3A_2392] {strides = array<i32>} : memref<8x4x64xi32, #tpu.memory_space<vmem>>, vector<1x1x16xi32>,
    %swap3A_2394 = vector.shape_cast %swap3A_2393 : vector<1x1x16xi32> to vector<16xi32>
    %swap3A_2395 = vector.shape_cast %add3A_2387 : vector<16xi32> to vector<1x1x16xi32>
    tpu.vector_store %arg8[%swap3A_2390, %swap3A_2391, %swap3A_2392], %swap3A_2395 {strides = array<i32>} : memref<8x4x64xi32, #tpu.memory_space<vmem>>, vector<1x1x16xi32>,
    %add3A_2396 = arith.constant 448 : i32
    %add3A_2397 = arith.addi %mul3A_2, %add3A_2396 : i32
    %add3A_2398 = arith.constant 32 : i32
    %add3A_2399 = arith.addi %add3A_2397, %add3A_2398 : i32
    %mul3A_2400 = arith.constant 4 : i32
    %mul3A_2401 = vector.broadcast %mul3A_2400 : i32 to vector<16xi32>
    %mul3A_2402 = arith.muli %iota3A, %mul3A_2401 : vector<16xi32>
    %mul3A_2403 = arith.constant 4 : i32
    %mul3A_2404 = arith.muli %mul3A_2403, %add3A_2399 : i32
    %add3A_2405 = arith.constant 0 : i32
    %add3A_2406 = arith.addi %mul3A_2404, %add3A_2405 : i32
    %add3A_2407 = vector.broadcast %add3A_2406 : i32 to vector<16xi32>
    %add3A_2408 = arith.addi %mul3A_2402, %add3A_2407 : vector<16xi32>
    %swap3A_2409 = arith.constant 7 : i32
    %swap3A_2410 = arith.constant 0 : i32
    %swap3A_2411 = arith.index_cast %swap3A_2409 : i32 to index
    %swap3A_2412 = arith.index_cast %swap3A_2410 : i32 to index
    %swap3A_2413 = arith.constant 32 : index
    %swap3A_2414 = tpu.vector_load %arg8[%swap3A_2411, %swap3A_2412, %swap3A_2413] {strides = array<i32>} : memref<8x4x64xi32, #tpu.memory_space<vmem>>, vector<1x1x16xi32>,
    %swap3A_2415 = vector.shape_cast %swap3A_2414 : vector<1x1x16xi32> to vector<16xi32>
    %swap3A_2416 = vector.shape_cast %add3A_2408 : vector<16xi32> to vector<1x1x16xi32>
    tpu.vector_store %arg8[%swap3A_2411, %swap3A_2412, %swap3A_2413], %swap3A_2416 {strides = array<i32>} : memref<8x4x64xi32, #tpu.memory_space<vmem>>, vector<1x1x16xi32>,
    %add3A_2417 = arith.constant 448 : i32
    %add3A_2418 = arith.addi %mul3A_2, %add3A_2417 : i32
    %add3A_2419 = arith.constant 48 : i32
    %add3A_2420 = arith.addi %add3A_2418, %add3A_2419 : i32
    %mul3A_2421 = arith.constant 4 : i32
    %mul3A_2422 = vector.broadcast %mul3A_2421 : i32 to vector<16xi32>
    %mul3A_2423 = arith.muli %iota3A, %mul3A_2422 : vector<16xi32>
    %mul3A_2424 = arith.constant 4 : i32
    %mul3A_2425 = arith.muli %mul3A_2424, %add3A_2420 : i32
    %add3A_2426 = arith.constant 0 : i32
    %add3A_2427 = arith.addi %mul3A_2425, %add3A_2426 : i32
    %add3A_2428 = vector.broadcast %add3A_2427 : i32 to vector<16xi32>
    %add3A_2429 = arith.addi %mul3A_2423, %add3A_2428 : vector<16xi32>
    %swap3A_2430 = arith.constant 7 : i32
    %swap3A_2431 = arith.constant 0 : i32
    %swap3A_2432 = arith.index_cast %swap3A_2430 : i32 to index
    %swap3A_2433 = arith.index_cast %swap3A_2431 : i32 to index
    %swap3A_2434 = arith.constant 48 : index
    %swap3A_2435 = tpu.vector_load %arg8[%swap3A_2432, %swap3A_2433, %swap3A_2434] {strides = array<i32>} : memref<8x4x64xi32, #tpu.memory_space<vmem>>, vector<1x1x16xi32>,
    %swap3A_2436 = vector.shape_cast %swap3A_2435 : vector<1x1x16xi32> to vector<16xi32>
    %swap3A_2437 = vector.shape_cast %add3A_2429 : vector<16xi32> to vector<1x1x16xi32>
    tpu.vector_store %arg8[%swap3A_2432, %swap3A_2433, %swap3A_2434], %swap3A_2437 {strides = array<i32>} : memref<8x4x64xi32, #tpu.memory_space<vmem>>, vector<1x1x16xi32>,
    %add3A_2438 = arith.constant 448 : i32
    %add3A_2439 = arith.addi %mul3A_2, %add3A_2438 : i32
    %add3A_2440 = arith.constant 0 : i32
    %add3A_2441 = arith.addi %add3A_2439, %add3A_2440 : i32
    %mul3A_2442 = arith.constant 4 : i32
    %mul3A_2443 = vector.broadcast %mul3A_2442 : i32 to vector<16xi32>
    %mul3A_2444 = arith.muli %iota3A, %mul3A_2443 : vector<16xi32>
    %mul3A_2445 = arith.constant 4 : i32
    %mul3A_2446 = arith.muli %mul3A_2445, %add3A_2441 : i32
    %add3A_2447 = arith.constant 1 : i32
    %add3A_2448 = arith.addi %mul3A_2446, %add3A_2447 : i32
    %add3A_2449 = vector.broadcast %add3A_2448 : i32 to vector<16xi32>
    %add3A_2450 = arith.addi %mul3A_2444, %add3A_2449 : vector<16xi32>
    %swap3A_2451 = arith.constant 7 : i32
    %swap3A_2452 = arith.constant 1 : i32
    %swap3A_2453 = arith.index_cast %swap3A_2451 : i32 to index
    %swap3A_2454 = arith.index_cast %swap3A_2452 : i32 to index
    %swap3A_2455 = arith.constant 0 : index
    %swap3A_2456 = tpu.vector_load %arg8[%swap3A_2453, %swap3A_2454, %swap3A_2455] {strides = array<i32>} : memref<8x4x64xi32, #tpu.memory_space<vmem>>, vector<1x1x16xi32>,
    %swap3A_2457 = vector.shape_cast %swap3A_2456 : vector<1x1x16xi32> to vector<16xi32>
    %swap3A_2458 = vector.shape_cast %add3A_2450 : vector<16xi32> to vector<1x1x16xi32>
    tpu.vector_store %arg8[%swap3A_2453, %swap3A_2454, %swap3A_2455], %swap3A_2458 {strides = array<i32>} : memref<8x4x64xi32, #tpu.memory_space<vmem>>, vector<1x1x16xi32>,
    %add3A_2459 = arith.constant 448 : i32
    %add3A_2460 = arith.addi %mul3A_2, %add3A_2459 : i32
    %add3A_2461 = arith.constant 16 : i32
    %add3A_2462 = arith.addi %add3A_2460, %add3A_2461 : i32
    %mul3A_2463 = arith.constant 4 : i32
    %mul3A_2464 = vector.broadcast %mul3A_2463 : i32 to vector<16xi32>
    %mul3A_2465 = arith.muli %iota3A, %mul3A_2464 : vector<16xi32>
    %mul3A_2466 = arith.constant 4 : i32
    %mul3A_2467 = arith.muli %mul3A_2466, %add3A_2462 : i32
    %add3A_2468 = arith.constant 1 : i32
    %add3A_2469 = arith.addi %mul3A_2467, %add3A_2468 : i32
    %add3A_2470 = vector.broadcast %add3A_2469 : i32 to vector<16xi32>
    %add3A_2471 = arith.addi %mul3A_2465, %add3A_2470 : vector<16xi32>
    %swap3A_2472 = arith.constant 7 : i32
    %swap3A_2473 = arith.constant 1 : i32
    %swap3A_2474 = arith.index_cast %swap3A_2472 : i32 to index
    %swap3A_2475 = arith.index_cast %swap3A_2473 : i32 to index
    %swap3A_2476 = arith.constant 16 : index
    %swap3A_2477 = tpu.vector_load %arg8[%swap3A_2474, %swap3A_2475, %swap3A_2476] {strides = array<i32>} : memref<8x4x64xi32, #tpu.memory_space<vmem>>, vector<1x1x16xi32>,
    %swap3A_2478 = vector.shape_cast %swap3A_2477 : vector<1x1x16xi32> to vector<16xi32>
    %swap3A_2479 = vector.shape_cast %add3A_2471 : vector<16xi32> to vector<1x1x16xi32>
    tpu.vector_store %arg8[%swap3A_2474, %swap3A_2475, %swap3A_2476], %swap3A_2479 {strides = array<i32>} : memref<8x4x64xi32, #tpu.memory_space<vmem>>, vector<1x1x16xi32>,
    %add3A_2480 = arith.constant 448 : i32
    %add3A_2481 = arith.addi %mul3A_2, %add3A_2480 : i32
    %add3A_2482 = arith.constant 32 : i32
    %add3A_2483 = arith.addi %add3A_2481, %add3A_2482 : i32
    %mul3A_2484 = arith.constant 4 : i32
    %mul3A_2485 = vector.broadcast %mul3A_2484 : i32 to vector<16xi32>
    %mul3A_2486 = arith.muli %iota3A, %mul3A_2485 : vector<16xi32>
    %mul3A_2487 = arith.constant 4 : i32
    %mul3A_2488 = arith.muli %mul3A_2487, %add3A_2483 : i32
    %add3A_2489 = arith.constant 1 : i32
    %add3A_2490 = arith.addi %mul3A_2488, %add3A_2489 : i32
    %add3A_2491 = vector.broadcast %add3A_2490 : i32 to vector<16xi32>
    %add3A_2492 = arith.addi %mul3A_2486, %add3A_2491 : vector<16xi32>
    %swap3A_2493 = arith.constant 7 : i32
    %swap3A_2494 = arith.constant 1 : i32
    %swap3A_2495 = arith.index_cast %swap3A_2493 : i32 to index
    %swap3A_2496 = arith.index_cast %swap3A_2494 : i32 to index
    %swap3A_2497 = arith.constant 32 : index
    %swap3A_2498 = tpu.vector_load %arg8[%swap3A_2495, %swap3A_2496, %swap3A_2497] {strides = array<i32>} : memref<8x4x64xi32, #tpu.memory_space<vmem>>, vector<1x1x16xi32>,
    %swap3A_2499 = vector.shape_cast %swap3A_2498 : vector<1x1x16xi32> to vector<16xi32>
    %swap3A_2500 = vector.shape_cast %add3A_2492 : vector<16xi32> to vector<1x1x16xi32>
    tpu.vector_store %arg8[%swap3A_2495, %swap3A_2496, %swap3A_2497], %swap3A_2500 {strides = array<i32>} : memref<8x4x64xi32, #tpu.memory_space<vmem>>, vector<1x1x16xi32>,
    %add3A_2501 = arith.constant 448 : i32
    %add3A_2502 = arith.addi %mul3A_2, %add3A_2501 : i32
    %add3A_2503 = arith.constant 48 : i32
    %add3A_2504 = arith.addi %add3A_2502, %add3A_2503 : i32
    %mul3A_2505 = arith.constant 4 : i32
    %mul3A_2506 = vector.broadcast %mul3A_2505 : i32 to vector<16xi32>
    %mul3A_2507 = arith.muli %iota3A, %mul3A_2506 : vector<16xi32>
    %mul3A_2508 = arith.constant 4 : i32
    %mul3A_2509 = arith.muli %mul3A_2508, %add3A_2504 : i32
    %add3A_2510 = arith.constant 1 : i32
    %add3A_2511 = arith.addi %mul3A_2509, %add3A_2510 : i32
    %add3A_2512 = vector.broadcast %add3A_2511 : i32 to vector<16xi32>
    %add3A_2513 = arith.addi %mul3A_2507, %add3A_2512 : vector<16xi32>
    %swap3A_2514 = arith.constant 7 : i32
    %swap3A_2515 = arith.constant 1 : i32
    %swap3A_2516 = arith.index_cast %swap3A_2514 : i32 to index
    %swap3A_2517 = arith.index_cast %swap3A_2515 : i32 to index
    %swap3A_2518 = arith.constant 48 : index
    %swap3A_2519 = tpu.vector_load %arg8[%swap3A_2516, %swap3A_2517, %swap3A_2518] {strides = array<i32>} : memref<8x4x64xi32, #tpu.memory_space<vmem>>, vector<1x1x16xi32>,
    %swap3A_2520 = vector.shape_cast %swap3A_2519 : vector<1x1x16xi32> to vector<16xi32>
    %swap3A_2521 = vector.shape_cast %add3A_2513 : vector<16xi32> to vector<1x1x16xi32>
    tpu.vector_store %arg8[%swap3A_2516, %swap3A_2517, %swap3A_2518], %swap3A_2521 {strides = array<i32>} : memref<8x4x64xi32, #tpu.memory_space<vmem>>, vector<1x1x16xi32>,
    %add3A_2522 = arith.constant 448 : i32
    %add3A_2523 = arith.addi %mul3A_2, %add3A_2522 : i32
    %add3A_2524 = arith.constant 0 : i32
    %add3A_2525 = arith.addi %add3A_2523, %add3A_2524 : i32
    %mul3A_2526 = arith.constant 4 : i32
    %mul3A_2527 = vector.broadcast %mul3A_2526 : i32 to vector<16xi32>
    %mul3A_2528 = arith.muli %iota3A, %mul3A_2527 : vector<16xi32>
    %mul3A_2529 = arith.constant 4 : i32
    %mul3A_2530 = arith.muli %mul3A_2529, %add3A_2525 : i32
    %add3A_2531 = arith.constant 2 : i32
    %add3A_2532 = arith.addi %mul3A_2530, %add3A_2531 : i32
    %add3A_2533 = vector.broadcast %add3A_2532 : i32 to vector<16xi32>
    %add3A_2534 = arith.addi %mul3A_2528, %add3A_2533 : vector<16xi32>
    %swap3A_2535 = arith.constant 7 : i32
    %swap3A_2536 = arith.constant 2 : i32
    %swap3A_2537 = arith.index_cast %swap3A_2535 : i32 to index
    %swap3A_2538 = arith.index_cast %swap3A_2536 : i32 to index
    %swap3A_2539 = arith.constant 0 : index
    %swap3A_2540 = tpu.vector_load %arg8[%swap3A_2537, %swap3A_2538, %swap3A_2539] {strides = array<i32>} : memref<8x4x64xi32, #tpu.memory_space<vmem>>, vector<1x1x16xi32>,
    %swap3A_2541 = vector.shape_cast %swap3A_2540 : vector<1x1x16xi32> to vector<16xi32>
    %swap3A_2542 = vector.shape_cast %add3A_2534 : vector<16xi32> to vector<1x1x16xi32>
    tpu.vector_store %arg8[%swap3A_2537, %swap3A_2538, %swap3A_2539], %swap3A_2542 {strides = array<i32>} : memref<8x4x64xi32, #tpu.memory_space<vmem>>, vector<1x1x16xi32>,
    %add3A_2543 = arith.constant 448 : i32
    %add3A_2544 = arith.addi %mul3A_2, %add3A_2543 : i32
    %add3A_2545 = arith.constant 16 : i32
    %add3A_2546 = arith.addi %add3A_2544, %add3A_2545 : i32
    %mul3A_2547 = arith.constant 4 : i32
    %mul3A_2548 = vector.broadcast %mul3A_2547 : i32 to vector<16xi32>
    %mul3A_2549 = arith.muli %iota3A, %mul3A_2548 : vector<16xi32>
    %mul3A_2550 = arith.constant 4 : i32
    %mul3A_2551 = arith.muli %mul3A_2550, %add3A_2546 : i32
    %add3A_2552 = arith.constant 2 : i32
    %add3A_2553 = arith.addi %mul3A_2551, %add3A_2552 : i32
    %add3A_2554 = vector.broadcast %add3A_2553 : i32 to vector<16xi32>
    %add3A_2555 = arith.addi %mul3A_2549, %add3A_2554 : vector<16xi32>
    %swap3A_2556 = arith.constant 7 : i32
    %swap3A_2557 = arith.constant 2 : i32
    %swap3A_2558 = arith.index_cast %swap3A_2556 : i32 to index
    %swap3A_2559 = arith.index_cast %swap3A_2557 : i32 to index
    %swap3A_2560 = arith.constant 16 : index
    %swap3A_2561 = tpu.vector_load %arg8[%swap3A_2558, %swap3A_2559, %swap3A_2560] {strides = array<i32>} : memref<8x4x64xi32, #tpu.memory_space<vmem>>, vector<1x1x16xi32>,
    %swap3A_2562 = vector.shape_cast %swap3A_2561 : vector<1x1x16xi32> to vector<16xi32>
    %swap3A_2563 = vector.shape_cast %add3A_2555 : vector<16xi32> to vector<1x1x16xi32>
    tpu.vector_store %arg8[%swap3A_2558, %swap3A_2559, %swap3A_2560], %swap3A_2563 {strides = array<i32>} : memref<8x4x64xi32, #tpu.memory_space<vmem>>, vector<1x1x16xi32>,
    %add3A_2564 = arith.constant 448 : i32
    %add3A_2565 = arith.addi %mul3A_2, %add3A_2564 : i32
    %add3A_2566 = arith.constant 32 : i32
    %add3A_2567 = arith.addi %add3A_2565, %add3A_2566 : i32
    %mul3A_2568 = arith.constant 4 : i32
    %mul3A_2569 = vector.broadcast %mul3A_2568 : i32 to vector<16xi32>
    %mul3A_2570 = arith.muli %iota3A, %mul3A_2569 : vector<16xi32>
    %mul3A_2571 = arith.constant 4 : i32
    %mul3A_2572 = arith.muli %mul3A_2571, %add3A_2567 : i32
    %add3A_2573 = arith.constant 2 : i32
    %add3A_2574 = arith.addi %mul3A_2572, %add3A_2573 : i32
    %add3A_2575 = vector.broadcast %add3A_2574 : i32 to vector<16xi32>
    %add3A_2576 = arith.addi %mul3A_2570, %add3A_2575 : vector<16xi32>
    %swap3A_2577 = arith.constant 7 : i32
    %swap3A_2578 = arith.constant 2 : i32
    %swap3A_2579 = arith.index_cast %swap3A_2577 : i32 to index
    %swap3A_2580 = arith.index_cast %swap3A_2578 : i32 to index
    %swap3A_2581 = arith.constant 32 : index
    %swap3A_2582 = tpu.vector_load %arg8[%swap3A_2579, %swap3A_2580, %swap3A_2581] {strides = array<i32>} : memref<8x4x64xi32, #tpu.memory_space<vmem>>, vector<1x1x16xi32>,
    %swap3A_2583 = vector.shape_cast %swap3A_2582 : vector<1x1x16xi32> to vector<16xi32>
    %swap3A_2584 = vector.shape_cast %add3A_2576 : vector<16xi32> to vector<1x1x16xi32>
    tpu.vector_store %arg8[%swap3A_2579, %swap3A_2580, %swap3A_2581], %swap3A_2584 {strides = array<i32>} : memref<8x4x64xi32, #tpu.memory_space<vmem>>, vector<1x1x16xi32>,
    %add3A_2585 = arith.constant 448 : i32
    %add3A_2586 = arith.addi %mul3A_2, %add3A_2585 : i32
    %add3A_2587 = arith.constant 48 : i32
    %add3A_2588 = arith.addi %add3A_2586, %add3A_2587 : i32
    %mul3A_2589 = arith.constant 4 : i32
    %mul3A_2590 = vector.broadcast %mul3A_2589 : i32 to vector<16xi32>
    %mul3A_2591 = arith.muli %iota3A, %mul3A_2590 : vector<16xi32>
    %mul3A_2592 = arith.constant 4 : i32
    %mul3A_2593 = arith.muli %mul3A_2592, %add3A_2588 : i32
    %add3A_2594 = arith.constant 2 : i32
    %add3A_2595 = arith.addi %mul3A_2593, %add3A_2594 : i32
    %add3A_2596 = vector.broadcast %add3A_2595 : i32 to vector<16xi32>
    %add3A_2597 = arith.addi %mul3A_2591, %add3A_2596 : vector<16xi32>
    %swap3A_2598 = arith.constant 7 : i32
    %swap3A_2599 = arith.constant 2 : i32
    %swap3A_2600 = arith.index_cast %swap3A_2598 : i32 to index
    %swap3A_2601 = arith.index_cast %swap3A_2599 : i32 to index
    %swap3A_2602 = arith.constant 48 : index
    %swap3A_2603 = tpu.vector_load %arg8[%swap3A_2600, %swap3A_2601, %swap3A_2602] {strides = array<i32>} : memref<8x4x64xi32, #tpu.memory_space<vmem>>, vector<1x1x16xi32>,
    %swap3A_2604 = vector.shape_cast %swap3A_2603 : vector<1x1x16xi32> to vector<16xi32>
    %swap3A_2605 = vector.shape_cast %add3A_2597 : vector<16xi32> to vector<1x1x16xi32>
    tpu.vector_store %arg8[%swap3A_2600, %swap3A_2601, %swap3A_2602], %swap3A_2605 {strides = array<i32>} : memref<8x4x64xi32, #tpu.memory_space<vmem>>, vector<1x1x16xi32>,
    %add3A_2606 = arith.constant 448 : i32
    %add3A_2607 = arith.addi %mul3A_2, %add3A_2606 : i32
    %add3A_2608 = arith.constant 0 : i32
    %add3A_2609 = arith.addi %add3A_2607, %add3A_2608 : i32
    %mul3A_2610 = arith.constant 4 : i32
    %mul3A_2611 = vector.broadcast %mul3A_2610 : i32 to vector<16xi32>
    %mul3A_2612 = arith.muli %iota3A, %mul3A_2611 : vector<16xi32>
    %mul3A_2613 = arith.constant 4 : i32
    %mul3A_2614 = arith.muli %mul3A_2613, %add3A_2609 : i32
    %add3A_2615 = arith.constant 3 : i32
    %add3A_2616 = arith.addi %mul3A_2614, %add3A_2615 : i32
    %add3A_2617 = vector.broadcast %add3A_2616 : i32 to vector<16xi32>
    %add3A_2618 = arith.addi %mul3A_2612, %add3A_2617 : vector<16xi32>
    %swap3A_2619 = arith.constant 7 : i32
    %swap3A_2620 = arith.constant 3 : i32
    %swap3A_2621 = arith.index_cast %swap3A_2619 : i32 to index
    %swap3A_2622 = arith.index_cast %swap3A_2620 : i32 to index
    %swap3A_2623 = arith.constant 0 : index
    %swap3A_2624 = tpu.vector_load %arg8[%swap3A_2621, %swap3A_2622, %swap3A_2623] {strides = array<i32>} : memref<8x4x64xi32, #tpu.memory_space<vmem>>, vector<1x1x16xi32>,
    %swap3A_2625 = vector.shape_cast %swap3A_2624 : vector<1x1x16xi32> to vector<16xi32>
    %swap3A_2626 = vector.shape_cast %add3A_2618 : vector<16xi32> to vector<1x1x16xi32>
    tpu.vector_store %arg8[%swap3A_2621, %swap3A_2622, %swap3A_2623], %swap3A_2626 {strides = array<i32>} : memref<8x4x64xi32, #tpu.memory_space<vmem>>, vector<1x1x16xi32>,
    %add3A_2627 = arith.constant 448 : i32
    %add3A_2628 = arith.addi %mul3A_2, %add3A_2627 : i32
    %add3A_2629 = arith.constant 16 : i32
    %add3A_2630 = arith.addi %add3A_2628, %add3A_2629 : i32
    %mul3A_2631 = arith.constant 4 : i32
    %mul3A_2632 = vector.broadcast %mul3A_2631 : i32 to vector<16xi32>
    %mul3A_2633 = arith.muli %iota3A, %mul3A_2632 : vector<16xi32>
    %mul3A_2634 = arith.constant 4 : i32
    %mul3A_2635 = arith.muli %mul3A_2634, %add3A_2630 : i32
    %add3A_2636 = arith.constant 3 : i32
    %add3A_2637 = arith.addi %mul3A_2635, %add3A_2636 : i32
    %add3A_2638 = vector.broadcast %add3A_2637 : i32 to vector<16xi32>
    %add3A_2639 = arith.addi %mul3A_2633, %add3A_2638 : vector<16xi32>
    %swap3A_2640 = arith.constant 7 : i32
    %swap3A_2641 = arith.constant 3 : i32
    %swap3A_2642 = arith.index_cast %swap3A_2640 : i32 to index
    %swap3A_2643 = arith.index_cast %swap3A_2641 : i32 to index
    %swap3A_2644 = arith.constant 16 : index
    %swap3A_2645 = tpu.vector_load %arg8[%swap3A_2642, %swap3A_2643, %swap3A_2644] {strides = array<i32>} : memref<8x4x64xi32, #tpu.memory_space<vmem>>, vector<1x1x16xi32>,
    %swap3A_2646 = vector.shape_cast %swap3A_2645 : vector<1x1x16xi32> to vector<16xi32>
    %swap3A_2647 = vector.shape_cast %add3A_2639 : vector<16xi32> to vector<1x1x16xi32>
    tpu.vector_store %arg8[%swap3A_2642, %swap3A_2643, %swap3A_2644], %swap3A_2647 {strides = array<i32>} : memref<8x4x64xi32, #tpu.memory_space<vmem>>, vector<1x1x16xi32>,
    %add3A_2648 = arith.constant 448 : i32
    %add3A_2649 = arith.addi %mul3A_2, %add3A_2648 : i32
    %add3A_2650 = arith.constant 32 : i32
    %add3A_2651 = arith.addi %add3A_2649, %add3A_2650 : i32
    %mul3A_2652 = arith.constant 4 : i32
    %mul3A_2653 = vector.broadcast %mul3A_2652 : i32 to vector<16xi32>
    %mul3A_2654 = arith.muli %iota3A, %mul3A_2653 : vector<16xi32>
    %mul3A_2655 = arith.constant 4 : i32
    %mul3A_2656 = arith.muli %mul3A_2655, %add3A_2651 : i32
    %add3A_2657 = arith.constant 3 : i32
    %add3A_2658 = arith.addi %mul3A_2656, %add3A_2657 : i32
    %add3A_2659 = vector.broadcast %add3A_2658 : i32 to vector<16xi32>
    %add3A_2660 = arith.addi %mul3A_2654, %add3A_2659 : vector<16xi32>
    %swap3A_2661 = arith.constant 7 : i32
    %swap3A_2662 = arith.constant 3 : i32
    %swap3A_2663 = arith.index_cast %swap3A_2661 : i32 to index
    %swap3A_2664 = arith.index_cast %swap3A_2662 : i32 to index
    %swap3A_2665 = arith.constant 32 : index
    %swap3A_2666 = tpu.vector_load %arg8[%swap3A_2663, %swap3A_2664, %swap3A_2665] {strides = array<i32>} : memref<8x4x64xi32, #tpu.memory_space<vmem>>, vector<1x1x16xi32>,
    %swap3A_2667 = vector.shape_cast %swap3A_2666 : vector<1x1x16xi32> to vector<16xi32>
    %swap3A_2668 = vector.shape_cast %add3A_2660 : vector<16xi32> to vector<1x1x16xi32>
    tpu.vector_store %arg8[%swap3A_2663, %swap3A_2664, %swap3A_2665], %swap3A_2668 {strides = array<i32>} : memref<8x4x64xi32, #tpu.memory_space<vmem>>, vector<1x1x16xi32>,
    %add3A_2669 = arith.constant 448 : i32
    %add3A_2670 = arith.addi %mul3A_2, %add3A_2669 : i32
    %add3A_2671 = arith.constant 48 : i32
    %add3A_2672 = arith.addi %add3A_2670, %add3A_2671 : i32
    %mul3A_2673 = arith.constant 4 : i32
    %mul3A_2674 = vector.broadcast %mul3A_2673 : i32 to vector<16xi32>
    %mul3A_2675 = arith.muli %iota3A, %mul3A_2674 : vector<16xi32>
    %mul3A_2676 = arith.constant 4 : i32
    %mul3A_2677 = arith.muli %mul3A_2676, %add3A_2672 : i32
    %add3A_2678 = arith.constant 3 : i32
    %add3A_2679 = arith.addi %mul3A_2677, %add3A_2678 : i32
    %add3A_2680 = vector.broadcast %add3A_2679 : i32 to vector<16xi32>
    %add3A_2681 = arith.addi %mul3A_2675, %add3A_2680 : vector<16xi32>
    %swap3A_2682 = arith.constant 7 : i32
    %swap3A_2683 = arith.constant 3 : i32
    %swap3A_2684 = arith.index_cast %swap3A_2682 : i32 to index
    %swap3A_2685 = arith.index_cast %swap3A_2683 : i32 to index
    %swap3A_2686 = arith.constant 48 : index
    %swap3A_2687 = tpu.vector_load %arg8[%swap3A_2684, %swap3A_2685, %swap3A_2686] {strides = array<i32>} : memref<8x4x64xi32, #tpu.memory_space<vmem>>, vector<1x1x16xi32>,
    %swap3A_2688 = vector.shape_cast %swap3A_2687 : vector<1x1x16xi32> to vector<16xi32>
    %swap3A_2689 = vector.shape_cast %add3A_2681 : vector<16xi32> to vector<1x1x16xi32>
    tpu.vector_store %arg8[%swap3A_2684, %swap3A_2685, %swap3A_2686], %swap3A_2689 {strides = array<i32>} : memref<8x4x64xi32, #tpu.memory_space<vmem>>, vector<1x1x16xi32>,
    %dma_start3A = arith.constant 0 : i32
    %dma_start3A_2690 = tpu.memref_slice %arg7[%dma_start3A] : memref<512xi32, #tpu.memory_space<vmem>> -> memref<64xi32, #tpu.memory_space<vmem>>
    %dma_start3A_2691 = arith.constant 0 : i32
    %dma_start3A_2692 = arith.constant 0 : i32
    %dma_start3A_2693 = tpu.memref_slice %arg2[%dma_start3A_2691, %dma_start3A_2692] : memref<65536x576xf32, #tpu.memory_space<hbm>> -> memref<65536x512xf32, #tpu.memory_space<hbm>>
    tpu.enqueue_indirect_dma source(%dma_start3A_2693 : memref<65536x512xf32, #tpu.memory_space<hbm>>) target(%arg9 : memref<64x512xf32, #tpu.memory_space<vmem>>) offsets(%dma_start3A_2690 : memref<64xi32, #tpu.memory_space<vmem>>) semaphore(%arg15 : memref<!tpu.dma_semaphore, #tpu.memory_space<semaphore_mem>>)
    %dma_start3A_2694 = arith.constant 0 : i32
    %dma_start3A_2695 = tpu.memref_slice %arg7[%dma_start3A_2694] : memref<512xi32, #tpu.memory_space<vmem>> -> memref<64xi32, #tpu.memory_space<vmem>>
    %dma_start3A_2696 = arith.constant 0 : i32
    %dma_start3A_2697 = arith.constant 0 : i32
    %dma_start3A_2698 = tpu.memref_slice %arg3[%dma_start3A_2696, %dma_start3A_2697] : memref<65536x128xf32, #tpu.memory_space<hbm>> -> memref<65536x128xf32, #tpu.memory_space<hbm>>
    tpu.enqueue_indirect_dma source(%dma_start3A_2698 : memref<65536x128xf32, #tpu.memory_space<hbm>>) target(%arg12 : memref<64x128xf32, #tpu.memory_space<vmem>>) offsets(%dma_start3A_2695 : memref<64xi32, #tpu.memory_space<vmem>>) semaphore(%arg15 : memref<!tpu.dma_semaphore, #tpu.memory_space<semaphore_mem>>)
    %dma_start3A_2699 = arith.constant 64 : i32
    %dma_start3A_2700 = tpu.memref_slice %arg7[%dma_start3A_2699] : memref<512xi32, #tpu.memory_space<vmem>> -> memref<64xi32, #tpu.memory_space<vmem>>
    %dma_start3A_2701 = arith.constant 0 : i32
    %dma_start3A_2702 = arith.constant 0 : i32
    %dma_start3A_2703 = tpu.memref_slice %arg2[%dma_start3A_2701, %dma_start3A_2702] : memref<65536x576xf32, #tpu.memory_space<hbm>> -> memref<65536x512xf32, #tpu.memory_space<hbm>>
    tpu.enqueue_indirect_dma source(%dma_start3A_2703 : memref<65536x512xf32, #tpu.memory_space<hbm>>) target(%arg10 : memref<64x512xf32, #tpu.memory_space<vmem>>) offsets(%dma_start3A_2700 : memref<64xi32, #tpu.memory_space<vmem>>) semaphore(%arg15 : memref<!tpu.dma_semaphore, #tpu.memory_space<semaphore_mem>>)
    %dma_start3A_2704 = arith.constant 64 : i32
    %dma_start3A_2705 = tpu.memref_slice %arg7[%dma_start3A_2704] : memref<512xi32, #tpu.memory_space<vmem>> -> memref<64xi32, #tpu.memory_space<vmem>>
    %dma_start3A_2706 = arith.constant 0 : i32
    %dma_start3A_2707 = arith.constant 0 : i32
    %dma_start3A_2708 = tpu.memref_slice %arg3[%dma_start3A_2706, %dma_start3A_2707] : memref<65536x128xf32, #tpu.memory_space<hbm>> -> memref<65536x128xf32, #tpu.memory_space<hbm>>
    tpu.enqueue_indirect_dma source(%dma_start3A_2708 : memref<65536x128xf32, #tpu.memory_space<hbm>>) target(%arg13 : memref<64x128xf32, #tpu.memory_space<vmem>>) offsets(%dma_start3A_2705 : memref<64xi32, #tpu.memory_space<vmem>>) semaphore(%arg15 : memref<!tpu.dma_semaphore, #tpu.memory_space<semaphore_mem>>)
    %dma_wait3A = arith.constant 0 : i32
    %dma_wait3A_2709 = tpu.memref_slice %arg7[%dma_wait3A] : memref<512xi32, #tpu.memory_space<vmem>> -> memref<64xi32, #tpu.memory_space<vmem>>
    %dma_wait3A_2710 = arith.constant 0 : i32
    %dma_wait3A_2711 = arith.constant 0 : i32
    %dma_wait3A_2712 = tpu.memref_slice %arg2[%dma_wait3A_2710, %dma_wait3A_2711] : memref<65536x576xf32, #tpu.memory_space<hbm>> -> memref<65536x512xf32, #tpu.memory_space<hbm>>
    tpu.wait_indirect_dma semaphore(%arg15 : memref<!tpu.dma_semaphore, #tpu.memory_space<semaphore_mem>>) src(%dma_wait3A_2712 : memref<65536x512xf32, #tpu.memory_space<hbm>>) dst(%arg9 : memref<64x512xf32, #tpu.memory_space<vmem>>)
    %dma_wait3A_2713 = arith.constant 0 : i32
    %dma_wait3A_2714 = tpu.memref_slice %arg7[%dma_wait3A_2713] : memref<512xi32, #tpu.memory_space<vmem>> -> memref<64xi32, #tpu.memory_space<vmem>>
    %dma_wait3A_2715 = arith.constant 0 : i32
    %dma_wait3A_2716 = arith.constant 0 : i32
    %dma_wait3A_2717 = tpu.memref_slice %arg3[%dma_wait3A_2715, %dma_wait3A_2716] : memref<65536x128xf32, #tpu.memory_space<hbm>> -> memref<65536x128xf32, #tpu.memory_space<hbm>>
    tpu.wait_indirect_dma semaphore(%arg15 : memref<!tpu.dma_semaphore, #tpu.memory_space<semaphore_mem>>) src(%dma_wait3A_2717 : memref<65536x128xf32, #tpu.memory_space<hbm>>) dst(%arg12 : memref<64x128xf32, #tpu.memory_space<vmem>>)
    %dma_start3A_2718 = arith.constant 0 : i32
    %dma_start3A_2719 = arith.constant 0 : i32
    %dma_start3A_2720 = arith.constant 0 : i32
    %dma_start3A_2721 = arith.constant 0 : i32
    %dma_start3A_2722 = tpu.memref_slice %arg9[%dma_start3A_2720, %dma_start3A_2721] : memref<64x512xf32, #tpu.memory_space<vmem>> -> memref<64x128xf32, #tpu.memory_space<vmem>>
    %dma_start3A_2723 = arith.constant 0 : i32
    %dma_start3A_2724 = tpu.memref_slice %arg8[%dma_start3A_2718, %dma_start3A_2719, %dma_start3A_2723] : memref<8x4x64xi32, #tpu.memory_space<vmem>> -> memref<1x1x64xi32, #tpu.memory_space<vmem>>
    %dma_start3A_2725 = tpu.memref_squeeze %dma_start3A_2724 : memref<1x1x64xi32, #tpu.memory_space<vmem>> -> memref<64xi32, #tpu.memory_space<vmem>>
    %dma_start3A_2726 = arith.constant 0 : i32
    %dma_start3A_2727 = arith.constant 0 : i32
    %dma_start3A_2728 = tpu.memref_slice %arg5[%dma_start3A_2726, %dma_start3A_2727] : memref<65536x128xf32, #tpu.memory_space<hbm>> -> memref<65536x128xf32, #tpu.memory_space<hbm>>
    tpu.enqueue_indirect_dma source(%dma_start3A_2722 : memref<64x128xf32, #tpu.memory_space<vmem>>) target(%dma_start3A_2728 : memref<65536x128xf32, #tpu.memory_space<hbm>>) offsets(%dma_start3A_2725 : memref<64xi32, #tpu.memory_space<vmem>>) semaphore(%arg16 : memref<!tpu.dma_semaphore, #tpu.memory_space<semaphore_mem>>)
    %dma_start3A_2729 = arith.constant 0 : i32
    %dma_start3A_2730 = arith.constant 1 : i32
    %dma_start3A_2731 = arith.constant 0 : i32
    %dma_start3A_2732 = arith.constant 128 : i32
    %dma_start3A_2733 = tpu.memref_slice %arg9[%dma_start3A_2731, %dma_start3A_2732] : memref<64x512xf32, #tpu.memory_space<vmem>> -> memref<64x128xf32, #tpu.memory_space<vmem>>
    %dma_start3A_2734 = arith.constant 0 : i32
    %dma_start3A_2735 = tpu.memref_slice %arg8[%dma_start3A_2729, %dma_start3A_2730, %dma_start3A_2734] : memref<8x4x64xi32, #tpu.memory_space<vmem>> -> memref<1x1x64xi32, #tpu.memory_space<vmem>>
    %dma_start3A_2736 = tpu.memref_squeeze %dma_start3A_2735 : memref<1x1x64xi32, #tpu.memory_space<vmem>> -> memref<64xi32, #tpu.memory_space<vmem>>
    %dma_start3A_2737 = arith.constant 0 : i32
    %dma_start3A_2738 = arith.constant 0 : i32
    %dma_start3A_2739 = tpu.memref_slice %arg5[%dma_start3A_2737, %dma_start3A_2738] : memref<65536x128xf32, #tpu.memory_space<hbm>> -> memref<65536x128xf32, #tpu.memory_space<hbm>>
    tpu.enqueue_indirect_dma source(%dma_start3A_2733 : memref<64x128xf32, #tpu.memory_space<vmem>>) target(%dma_start3A_2739 : memref<65536x128xf32, #tpu.memory_space<hbm>>) offsets(%dma_start3A_2736 : memref<64xi32, #tpu.memory_space<vmem>>) semaphore(%arg16 : memref<!tpu.dma_semaphore, #tpu.memory_space<semaphore_mem>>)
    %dma_start3A_2740 = arith.constant 0 : i32
    %dma_start3A_2741 = arith.constant 2 : i32
    %dma_start3A_2742 = arith.constant 0 : i32
    %dma_start3A_2743 = arith.constant 256 : i32
    %dma_start3A_2744 = tpu.memref_slice %arg9[%dma_start3A_2742, %dma_start3A_2743] : memref<64x512xf32, #tpu.memory_space<vmem>> -> memref<64x128xf32, #tpu.memory_space<vmem>>
    %dma_start3A_2745 = arith.constant 0 : i32
    %dma_start3A_2746 = tpu.memref_slice %arg8[%dma_start3A_2740, %dma_start3A_2741, %dma_start3A_2745] : memref<8x4x64xi32, #tpu.memory_space<vmem>> -> memref<1x1x64xi32, #tpu.memory_space<vmem>>
    %dma_start3A_2747 = tpu.memref_squeeze %dma_start3A_2746 : memref<1x1x64xi32, #tpu.memory_space<vmem>> -> memref<64xi32, #tpu.memory_space<vmem>>
    %dma_start3A_2748 = arith.constant 0 : i32
    %dma_start3A_2749 = arith.constant 0 : i32
    %dma_start3A_2750 = tpu.memref_slice %arg5[%dma_start3A_2748, %dma_start3A_2749] : memref<65536x128xf32, #tpu.memory_space<hbm>> -> memref<65536x128xf32, #tpu.memory_space<hbm>>
    tpu.enqueue_indirect_dma source(%dma_start3A_2744 : memref<64x128xf32, #tpu.memory_space<vmem>>) target(%dma_start3A_2750 : memref<65536x128xf32, #tpu.memory_space<hbm>>) offsets(%dma_start3A_2747 : memref<64xi32, #tpu.memory_space<vmem>>) semaphore(%arg16 : memref<!tpu.dma_semaphore, #tpu.memory_space<semaphore_mem>>)
    %dma_start3A_2751 = arith.constant 0 : i32
    %dma_start3A_2752 = arith.constant 3 : i32
    %dma_start3A_2753 = arith.constant 0 : i32
    %dma_start3A_2754 = arith.constant 384 : i32
    %dma_start3A_2755 = tpu.memref_slice %arg9[%dma_start3A_2753, %dma_start3A_2754] : memref<64x512xf32, #tpu.memory_space<vmem>> -> memref<64x128xf32, #tpu.memory_space<vmem>>
    %dma_start3A_2756 = arith.constant 0 : i32
    %dma_start3A_2757 = tpu.memref_slice %arg8[%dma_start3A_2751, %dma_start3A_2752, %dma_start3A_2756] : memref<8x4x64xi32, #tpu.memory_space<vmem>> -> memref<1x1x64xi32, #tpu.memory_space<vmem>>
    %dma_start3A_2758 = tpu.memref_squeeze %dma_start3A_2757 : memref<1x1x64xi32, #tpu.memory_space<vmem>> -> memref<64xi32, #tpu.memory_space<vmem>>
    %dma_start3A_2759 = arith.constant 0 : i32
    %dma_start3A_2760 = arith.constant 0 : i32
    %dma_start3A_2761 = tpu.memref_slice %arg5[%dma_start3A_2759, %dma_start3A_2760] : memref<65536x128xf32, #tpu.memory_space<hbm>> -> memref<65536x128xf32, #tpu.memory_space<hbm>>
    tpu.enqueue_indirect_dma source(%dma_start3A_2755 : memref<64x128xf32, #tpu.memory_space<vmem>>) target(%dma_start3A_2761 : memref<65536x128xf32, #tpu.memory_space<hbm>>) offsets(%dma_start3A_2758 : memref<64xi32, #tpu.memory_space<vmem>>) semaphore(%arg16 : memref<!tpu.dma_semaphore, #tpu.memory_space<semaphore_mem>>)
    %add3A_2762 = arith.constant 0 : i32
    %add3A_2763 = arith.addi %mul3A_2, %add3A_2762 : i32
    %dma_start3A_2764 = arith.constant 0 : i32
    %dma_start3A_2765 = tpu.memref_slice %arg6[%add3A_2763, %dma_start3A_2764] : memref<16384x128xf32, #tpu.memory_space<hbm>> -> memref<64x128xf32, #tpu.memory_space<hbm>>
    %dma_start3A_2766 = arith.constant 0 : i32
    %dma_start3A_2767 = tpu.memref_slice %arg6[%add3A_2763, %dma_start3A_2766] : memref<16384x128xf32, #tpu.memory_space<hbm>> -> memref<64x128xf32, #tpu.memory_space<hbm>>
    tpu.enqueue_dma source(%arg12 : memref<64x128xf32, #tpu.memory_space<vmem>>) target(%dma_start3A_2767 : memref<64x128xf32, #tpu.memory_space<hbm>>) target_semaphore(%arg16 : memref<!tpu.dma_semaphore, #tpu.memory_space<semaphore_mem>>)
    %dma_start3A_2768 = arith.constant 128 : i32
    %dma_start3A_2769 = tpu.memref_slice %arg7[%dma_start3A_2768] : memref<512xi32, #tpu.memory_space<vmem>> -> memref<64xi32, #tpu.memory_space<vmem>>
    %dma_start3A_2770 = arith.constant 0 : i32
    %dma_start3A_2771 = arith.constant 0 : i32
    %dma_start3A_2772 = tpu.memref_slice %arg2[%dma_start3A_2770, %dma_start3A_2771] : memref<65536x576xf32, #tpu.memory_space<hbm>> -> memref<65536x512xf32, #tpu.memory_space<hbm>>
    tpu.enqueue_indirect_dma source(%dma_start3A_2772 : memref<65536x512xf32, #tpu.memory_space<hbm>>) target(%arg11 : memref<64x512xf32, #tpu.memory_space<vmem>>) offsets(%dma_start3A_2769 : memref<64xi32, #tpu.memory_space<vmem>>) semaphore(%arg15 : memref<!tpu.dma_semaphore, #tpu.memory_space<semaphore_mem>>)
    %dma_start3A_2773 = arith.constant 128 : i32
    %dma_start3A_2774 = tpu.memref_slice %arg7[%dma_start3A_2773] : memref<512xi32, #tpu.memory_space<vmem>> -> memref<64xi32, #tpu.memory_space<vmem>>
    %dma_start3A_2775 = arith.constant 0 : i32
    %dma_start3A_2776 = arith.constant 0 : i32
    %dma_start3A_2777 = tpu.memref_slice %arg3[%dma_start3A_2775, %dma_start3A_2776] : memref<65536x128xf32, #tpu.memory_space<hbm>> -> memref<65536x128xf32, #tpu.memory_space<hbm>>
    tpu.enqueue_indirect_dma source(%dma_start3A_2777 : memref<65536x128xf32, #tpu.memory_space<hbm>>) target(%arg14 : memref<64x128xf32, #tpu.memory_space<vmem>>) offsets(%dma_start3A_2774 : memref<64xi32, #tpu.memory_space<vmem>>) semaphore(%arg15 : memref<!tpu.dma_semaphore, #tpu.memory_space<semaphore_mem>>)
    %dma_wait3A_2778 = arith.constant 64 : i32
    %dma_wait3A_2779 = tpu.memref_slice %arg7[%dma_wait3A_2778] : memref<512xi32, #tpu.memory_space<vmem>> -> memref<64xi32, #tpu.memory_space<vmem>>
    %dma_wait3A_2780 = arith.constant 0 : i32
    %dma_wait3A_2781 = arith.constant 0 : i32
    %dma_wait3A_2782 = tpu.memref_slice %arg2[%dma_wait3A_2780, %dma_wait3A_2781] : memref<65536x576xf32, #tpu.memory_space<hbm>> -> memref<65536x512xf32, #tpu.memory_space<hbm>>
    tpu.wait_indirect_dma semaphore(%arg15 : memref<!tpu.dma_semaphore, #tpu.memory_space<semaphore_mem>>) src(%dma_wait3A_2782 : memref<65536x512xf32, #tpu.memory_space<hbm>>) dst(%arg10 : memref<64x512xf32, #tpu.memory_space<vmem>>)
    %dma_wait3A_2783 = arith.constant 64 : i32
    %dma_wait3A_2784 = tpu.memref_slice %arg7[%dma_wait3A_2783] : memref<512xi32, #tpu.memory_space<vmem>> -> memref<64xi32, #tpu.memory_space<vmem>>
    %dma_wait3A_2785 = arith.constant 0 : i32
    %dma_wait3A_2786 = arith.constant 0 : i32
    %dma_wait3A_2787 = tpu.memref_slice %arg3[%dma_wait3A_2785, %dma_wait3A_2786] : memref<65536x128xf32, #tpu.memory_space<hbm>> -> memref<65536x128xf32, #tpu.memory_space<hbm>>
    tpu.wait_indirect_dma semaphore(%arg15 : memref<!tpu.dma_semaphore, #tpu.memory_space<semaphore_mem>>) src(%dma_wait3A_2787 : memref<65536x128xf32, #tpu.memory_space<hbm>>) dst(%arg13 : memref<64x128xf32, #tpu.memory_space<vmem>>)
    %dma_start3A_2788 = arith.constant 1 : i32
    %dma_start3A_2789 = arith.constant 0 : i32
    %dma_start3A_2790 = arith.constant 0 : i32
    %dma_start3A_2791 = arith.constant 0 : i32
    %dma_start3A_2792 = tpu.memref_slice %arg10[%dma_start3A_2790, %dma_start3A_2791] : memref<64x512xf32, #tpu.memory_space<vmem>> -> memref<64x128xf32, #tpu.memory_space<vmem>>
    %dma_start3A_2793 = arith.constant 0 : i32
    %dma_start3A_2794 = tpu.memref_slice %arg8[%dma_start3A_2788, %dma_start3A_2789, %dma_start3A_2793] : memref<8x4x64xi32, #tpu.memory_space<vmem>> -> memref<1x1x64xi32, #tpu.memory_space<vmem>>
    %dma_start3A_2795 = tpu.memref_squeeze %dma_start3A_2794 : memref<1x1x64xi32, #tpu.memory_space<vmem>> -> memref<64xi32, #tpu.memory_space<vmem>>
    %dma_start3A_2796 = arith.constant 0 : i32
    %dma_start3A_2797 = arith.constant 0 : i32
    %dma_start3A_2798 = tpu.memref_slice %arg5[%dma_start3A_2796, %dma_start3A_2797] : memref<65536x128xf32, #tpu.memory_space<hbm>> -> memref<65536x128xf32, #tpu.memory_space<hbm>>
    tpu.enqueue_indirect_dma source(%dma_start3A_2792 : memref<64x128xf32, #tpu.memory_space<vmem>>) target(%dma_start3A_2798 : memref<65536x128xf32, #tpu.memory_space<hbm>>) offsets(%dma_start3A_2795 : memref<64xi32, #tpu.memory_space<vmem>>) semaphore(%arg16 : memref<!tpu.dma_semaphore, #tpu.memory_space<semaphore_mem>>)
    %dma_start3A_2799 = arith.constant 1 : i32
    %dma_start3A_2800 = arith.constant 1 : i32
    %dma_start3A_2801 = arith.constant 0 : i32
    %dma_start3A_2802 = arith.constant 128 : i32
    %dma_start3A_2803 = tpu.memref_slice %arg10[%dma_start3A_2801, %dma_start3A_2802] : memref<64x512xf32, #tpu.memory_space<vmem>> -> memref<64x128xf32, #tpu.memory_space<vmem>>
    %dma_start3A_2804 = arith.constant 0 : i32
    %dma_start3A_2805 = tpu.memref_slice %arg8[%dma_start3A_2799, %dma_start3A_2800, %dma_start3A_2804] : memref<8x4x64xi32, #tpu.memory_space<vmem>> -> memref<1x1x64xi32, #tpu.memory_space<vmem>>
    %dma_start3A_2806 = tpu.memref_squeeze %dma_start3A_2805 : memref<1x1x64xi32, #tpu.memory_space<vmem>> -> memref<64xi32, #tpu.memory_space<vmem>>
    %dma_start3A_2807 = arith.constant 0 : i32
    %dma_start3A_2808 = arith.constant 0 : i32
    %dma_start3A_2809 = tpu.memref_slice %arg5[%dma_start3A_2807, %dma_start3A_2808] : memref<65536x128xf32, #tpu.memory_space<hbm>> -> memref<65536x128xf32, #tpu.memory_space<hbm>>
    tpu.enqueue_indirect_dma source(%dma_start3A_2803 : memref<64x128xf32, #tpu.memory_space<vmem>>) target(%dma_start3A_2809 : memref<65536x128xf32, #tpu.memory_space<hbm>>) offsets(%dma_start3A_2806 : memref<64xi32, #tpu.memory_space<vmem>>) semaphore(%arg16 : memref<!tpu.dma_semaphore, #tpu.memory_space<semaphore_mem>>)
    %dma_start3A_2810 = arith.constant 1 : i32
    %dma_start3A_2811 = arith.constant 2 : i32
    %dma_start3A_2812 = arith.constant 0 : i32
    %dma_start3A_2813 = arith.constant 256 : i32
    %dma_start3A_2814 = tpu.memref_slice %arg10[%dma_start3A_2812, %dma_start3A_2813] : memref<64x512xf32, #tpu.memory_space<vmem>> -> memref<64x128xf32, #tpu.memory_space<vmem>>
    %dma_start3A_2815 = arith.constant 0 : i32
    %dma_start3A_2816 = tpu.memref_slice %arg8[%dma_start3A_2810, %dma_start3A_2811, %dma_start3A_2815] : memref<8x4x64xi32, #tpu.memory_space<vmem>> -> memref<1x1x64xi32, #tpu.memory_space<vmem>>
    %dma_start3A_2817 = tpu.memref_squeeze %dma_start3A_2816 : memref<1x1x64xi32, #tpu.memory_space<vmem>> -> memref<64xi32, #tpu.memory_space<vmem>>
    %dma_start3A_2818 = arith.constant 0 : i32
    %dma_start3A_2819 = arith.constant 0 : i32
    %dma_start3A_2820 = tpu.memref_slice %arg5[%dma_start3A_2818, %dma_start3A_2819] : memref<65536x128xf32, #tpu.memory_space<hbm>> -> memref<65536x128xf32, #tpu.memory_space<hbm>>
    tpu.enqueue_indirect_dma source(%dma_start3A_2814 : memref<64x128xf32, #tpu.memory_space<vmem>>) target(%dma_start3A_2820 : memref<65536x128xf32, #tpu.memory_space<hbm>>) offsets(%dma_start3A_2817 : memref<64xi32, #tpu.memory_space<vmem>>) semaphore(%arg16 : memref<!tpu.dma_semaphore, #tpu.memory_space<semaphore_mem>>)
    %dma_start3A_2821 = arith.constant 1 : i32
    %dma_start3A_2822 = arith.constant 3 : i32
    %dma_start3A_2823 = arith.constant 0 : i32
    %dma_start3A_2824 = arith.constant 384 : i32
    %dma_start3A_2825 = tpu.memref_slice %arg10[%dma_start3A_2823, %dma_start3A_2824] : memref<64x512xf32, #tpu.memory_space<vmem>> -> memref<64x128xf32, #tpu.memory_space<vmem>>
    %dma_start3A_2826 = arith.constant 0 : i32
    %dma_start3A_2827 = tpu.memref_slice %arg8[%dma_start3A_2821, %dma_start3A_2822, %dma_start3A_2826] : memref<8x4x64xi32, #tpu.memory_space<vmem>> -> memref<1x1x64xi32, #tpu.memory_space<vmem>>
    %dma_start3A_2828 = tpu.memref_squeeze %dma_start3A_2827 : memref<1x1x64xi32, #tpu.memory_space<vmem>> -> memref<64xi32, #tpu.memory_space<vmem>>
    %dma_start3A_2829 = arith.constant 0 : i32
    %dma_start3A_2830 = arith.constant 0 : i32
    %dma_start3A_2831 = tpu.memref_slice %arg5[%dma_start3A_2829, %dma_start3A_2830] : memref<65536x128xf32, #tpu.memory_space<hbm>> -> memref<65536x128xf32, #tpu.memory_space<hbm>>
    tpu.enqueue_indirect_dma source(%dma_start3A_2825 : memref<64x128xf32, #tpu.memory_space<vmem>>) target(%dma_start3A_2831 : memref<65536x128xf32, #tpu.memory_space<hbm>>) offsets(%dma_start3A_2828 : memref<64xi32, #tpu.memory_space<vmem>>) semaphore(%arg16 : memref<!tpu.dma_semaphore, #tpu.memory_space<semaphore_mem>>)
    %add3A_2832 = arith.constant 64 : i32
    %add3A_2833 = arith.addi %mul3A_2, %add3A_2832 : i32
    %dma_start3A_2834 = arith.constant 0 : i32
    %dma_start3A_2835 = tpu.memref_slice %arg6[%add3A_2833, %dma_start3A_2834] : memref<16384x128xf32, #tpu.memory_space<hbm>> -> memref<64x128xf32, #tpu.memory_space<hbm>>
    %dma_start3A_2836 = arith.constant 0 : i32
    %dma_start3A_2837 = tpu.memref_slice %arg6[%add3A_2833, %dma_start3A_2836] : memref<16384x128xf32, #tpu.memory_space<hbm>> -> memref<64x128xf32, #tpu.memory_space<hbm>>
    tpu.enqueue_dma source(%arg13 : memref<64x128xf32, #tpu.memory_space<vmem>>) target(%dma_start3A_2837 : memref<64x128xf32, #tpu.memory_space<hbm>>) target_semaphore(%arg16 : memref<!tpu.dma_semaphore, #tpu.memory_space<semaphore_mem>>)
    %dma_wait3A_2838 = arith.constant 0 : i32
    %dma_wait3A_2839 = arith.constant 0 : i32
    %dma_wait3A_2840 = arith.constant 0 : i32
    %dma_wait3A_2841 = arith.constant 0 : i32
    %dma_wait3A_2842 = tpu.memref_slice %arg9[%dma_wait3A_2840, %dma_wait3A_2841] : memref<64x512xf32, #tpu.memory_space<vmem>> -> memref<64x128xf32, #tpu.memory_space<vmem>>
    %dma_wait3A_2843 = arith.constant 0 : i32
    %dma_wait3A_2844 = tpu.memref_slice %arg8[%dma_wait3A_2838, %dma_wait3A_2839, %dma_wait3A_2843] : memref<8x4x64xi32, #tpu.memory_space<vmem>> -> memref<1x1x64xi32, #tpu.memory_space<vmem>>
    %dma_wait3A_2845 = tpu.memref_squeeze %dma_wait3A_2844 : memref<1x1x64xi32, #tpu.memory_space<vmem>> -> memref<64xi32, #tpu.memory_space<vmem>>
    %dma_wait3A_2846 = arith.constant 0 : i32
    %dma_wait3A_2847 = arith.constant 0 : i32
    %dma_wait3A_2848 = tpu.memref_slice %arg5[%dma_wait3A_2846, %dma_wait3A_2847] : memref<65536x128xf32, #tpu.memory_space<hbm>> -> memref<65536x128xf32, #tpu.memory_space<hbm>>
    tpu.wait_indirect_dma semaphore(%arg16 : memref<!tpu.dma_semaphore, #tpu.memory_space<semaphore_mem>>) src(%dma_wait3A_2842 : memref<64x128xf32, #tpu.memory_space<vmem>>) dst(%dma_wait3A_2848 : memref<65536x128xf32, #tpu.memory_space<hbm>>)
    %dma_wait3A_2849 = arith.constant 0 : i32
    %dma_wait3A_2850 = arith.constant 1 : i32
    %dma_wait3A_2851 = arith.constant 0 : i32
    %dma_wait3A_2852 = arith.constant 128 : i32
    %dma_wait3A_2853 = tpu.memref_slice %arg9[%dma_wait3A_2851, %dma_wait3A_2852] : memref<64x512xf32, #tpu.memory_space<vmem>> -> memref<64x128xf32, #tpu.memory_space<vmem>>
    %dma_wait3A_2854 = arith.constant 0 : i32
    %dma_wait3A_2855 = tpu.memref_slice %arg8[%dma_wait3A_2849, %dma_wait3A_2850, %dma_wait3A_2854] : memref<8x4x64xi32, #tpu.memory_space<vmem>> -> memref<1x1x64xi32, #tpu.memory_space<vmem>>
    %dma_wait3A_2856 = tpu.memref_squeeze %dma_wait3A_2855 : memref<1x1x64xi32, #tpu.memory_space<vmem>> -> memref<64xi32, #tpu.memory_space<vmem>>
    %dma_wait3A_2857 = arith.constant 0 : i32
    %dma_wait3A_2858 = arith.constant 0 : i32
    %dma_wait3A_2859 = tpu.memref_slice %arg5[%dma_wait3A_2857, %dma_wait3A_2858] : memref<65536x128xf32, #tpu.memory_space<hbm>> -> memref<65536x128xf32, #tpu.memory_space<hbm>>
    tpu.wait_indirect_dma semaphore(%arg16 : memref<!tpu.dma_semaphore, #tpu.memory_space<semaphore_mem>>) src(%dma_wait3A_2853 : memref<64x128xf32, #tpu.memory_space<vmem>>) dst(%dma_wait3A_2859 : memref<65536x128xf32, #tpu.memory_space<hbm>>)
    %dma_wait3A_2860 = arith.constant 0 : i32
    %dma_wait3A_2861 = arith.constant 2 : i32
    %dma_wait3A_2862 = arith.constant 0 : i32
    %dma_wait3A_2863 = arith.constant 256 : i32
    %dma_wait3A_2864 = tpu.memref_slice %arg9[%dma_wait3A_2862, %dma_wait3A_2863] : memref<64x512xf32, #tpu.memory_space<vmem>> -> memref<64x128xf32, #tpu.memory_space<vmem>>
    %dma_wait3A_2865 = arith.constant 0 : i32
    %dma_wait3A_2866 = tpu.memref_slice %arg8[%dma_wait3A_2860, %dma_wait3A_2861, %dma_wait3A_2865] : memref<8x4x64xi32, #tpu.memory_space<vmem>> -> memref<1x1x64xi32, #tpu.memory_space<vmem>>
    %dma_wait3A_2867 = tpu.memref_squeeze %dma_wait3A_2866 : memref<1x1x64xi32, #tpu.memory_space<vmem>> -> memref<64xi32, #tpu.memory_space<vmem>>
    %dma_wait3A_2868 = arith.constant 0 : i32
    %dma_wait3A_2869 = arith.constant 0 : i32
    %dma_wait3A_2870 = tpu.memref_slice %arg5[%dma_wait3A_2868, %dma_wait3A_2869] : memref<65536x128xf32, #tpu.memory_space<hbm>> -> memref<65536x128xf32, #tpu.memory_space<hbm>>
    tpu.wait_indirect_dma semaphore(%arg16 : memref<!tpu.dma_semaphore, #tpu.memory_space<semaphore_mem>>) src(%dma_wait3A_2864 : memref<64x128xf32, #tpu.memory_space<vmem>>) dst(%dma_wait3A_2870 : memref<65536x128xf32, #tpu.memory_space<hbm>>)
    %dma_wait3A_2871 = arith.constant 0 : i32
    %dma_wait3A_2872 = arith.constant 3 : i32
    %dma_wait3A_2873 = arith.constant 0 : i32
    %dma_wait3A_2874 = arith.constant 384 : i32
    %dma_wait3A_2875 = tpu.memref_slice %arg9[%dma_wait3A_2873, %dma_wait3A_2874] : memref<64x512xf32, #tpu.memory_space<vmem>> -> memref<64x128xf32, #tpu.memory_space<vmem>>
    %dma_wait3A_2876 = arith.constant 0 : i32
    %dma_wait3A_2877 = tpu.memref_slice %arg8[%dma_wait3A_2871, %dma_wait3A_2872, %dma_wait3A_2876] : memref<8x4x64xi32, #tpu.memory_space<vmem>> -> memref<1x1x64xi32, #tpu.memory_space<vmem>>
    %dma_wait3A_2878 = tpu.memref_squeeze %dma_wait3A_2877 : memref<1x1x64xi32, #tpu.memory_space<vmem>> -> memref<64xi32, #tpu.memory_space<vmem>>
    %dma_wait3A_2879 = arith.constant 0 : i32
    %dma_wait3A_2880 = arith.constant 0 : i32
    %dma_wait3A_2881 = tpu.memref_slice %arg5[%dma_wait3A_2879, %dma_wait3A_2880] : memref<65536x128xf32, #tpu.memory_space<hbm>> -> memref<65536x128xf32, #tpu.memory_space<hbm>>
    tpu.wait_indirect_dma semaphore(%arg16 : memref<!tpu.dma_semaphore, #tpu.memory_space<semaphore_mem>>) src(%dma_wait3A_2875 : memref<64x128xf32, #tpu.memory_space<vmem>>) dst(%dma_wait3A_2881 : memref<65536x128xf32, #tpu.memory_space<hbm>>)
    %dma_wait3A_2882 = arith.constant 0 : i32
    %dma_wait3A_2883 = tpu.memref_slice %arg6[%add3A_2763, %dma_wait3A_2882] : memref<16384x128xf32, #tpu.memory_space<hbm>> -> memref<64x128xf32, #tpu.memory_space<hbm>>
    %dma_wait3A_2884 = arith.constant 0 : i32
    %dma_wait3A_2885 = tpu.memref_slice %arg6[%add3A_2763, %dma_wait3A_2884] : memref<16384x128xf32, #tpu.memory_space<hbm>> -> memref<64x128xf32, #tpu.memory_space<hbm>>
    tpu.wait_dma2 semaphore(%arg16 : memref<!tpu.dma_semaphore, #tpu.memory_space<semaphore_mem>>) src(%arg12 : memref<64x128xf32, #tpu.memory_space<vmem>>) dst(%dma_wait3A_2885 : memref<64x128xf32, #tpu.memory_space<hbm>>)
    %dma_start3A_2886 = arith.constant 192 : i32
    %dma_start3A_2887 = tpu.memref_slice %arg7[%dma_start3A_2886] : memref<512xi32, #tpu.memory_space<vmem>> -> memref<64xi32, #tpu.memory_space<vmem>>
    %dma_start3A_2888 = arith.constant 0 : i32
    %dma_start3A_2889 = arith.constant 0 : i32
    %dma_start3A_2890 = tpu.memref_slice %arg2[%dma_start3A_2888, %dma_start3A_2889] : memref<65536x576xf32, #tpu.memory_space<hbm>> -> memref<65536x512xf32, #tpu.memory_space<hbm>>
    tpu.enqueue_indirect_dma source(%dma_start3A_2890 : memref<65536x512xf32, #tpu.memory_space<hbm>>) target(%arg9 : memref<64x512xf32, #tpu.memory_space<vmem>>) offsets(%dma_start3A_2887 : memref<64xi32, #tpu.memory_space<vmem>>) semaphore(%arg15 : memref<!tpu.dma_semaphore, #tpu.memory_space<semaphore_mem>>)
    %dma_start3A_2891 = arith.constant 192 : i32
    %dma_start3A_2892 = tpu.memref_slice %arg7[%dma_start3A_2891] : memref<512xi32, #tpu.memory_space<vmem>> -> memref<64xi32, #tpu.memory_space<vmem>>
    %dma_start3A_2893 = arith.constant 0 : i32
    %dma_start3A_2894 = arith.constant 0 : i32
    %dma_start3A_2895 = tpu.memref_slice %arg3[%dma_start3A_2893, %dma_start3A_2894] : memref<65536x128xf32, #tpu.memory_space<hbm>> -> memref<65536x128xf32, #tpu.memory_space<hbm>>
    tpu.enqueue_indirect_dma source(%dma_start3A_2895 : memref<65536x128xf32, #tpu.memory_space<hbm>>) target(%arg12 : memref<64x128xf32, #tpu.memory_space<vmem>>) offsets(%dma_start3A_2892 : memref<64xi32, #tpu.memory_space<vmem>>) semaphore(%arg15 : memref<!tpu.dma_semaphore, #tpu.memory_space<semaphore_mem>>)
    %dma_wait3A_2896 = arith.constant 128 : i32
    %dma_wait3A_2897 = tpu.memref_slice %arg7[%dma_wait3A_2896] : memref<512xi32, #tpu.memory_space<vmem>> -> memref<64xi32, #tpu.memory_space<vmem>>
    %dma_wait3A_2898 = arith.constant 0 : i32
    %dma_wait3A_2899 = arith.constant 0 : i32
    %dma_wait3A_2900 = tpu.memref_slice %arg2[%dma_wait3A_2898, %dma_wait3A_2899] : memref<65536x576xf32, #tpu.memory_space<hbm>> -> memref<65536x512xf32, #tpu.memory_space<hbm>>
    tpu.wait_indirect_dma semaphore(%arg15 : memref<!tpu.dma_semaphore, #tpu.memory_space<semaphore_mem>>) src(%dma_wait3A_2900 : memref<65536x512xf32, #tpu.memory_space<hbm>>) dst(%arg11 : memref<64x512xf32, #tpu.memory_space<vmem>>)
    %dma_wait3A_2901 = arith.constant 128 : i32
    %dma_wait3A_2902 = tpu.memref_slice %arg7[%dma_wait3A_2901] : memref<512xi32, #tpu.memory_space<vmem>> -> memref<64xi32, #tpu.memory_space<vmem>>
    %dma_wait3A_2903 = arith.constant 0 : i32
    %dma_wait3A_2904 = arith.constant 0 : i32
    %dma_wait3A_2905 = tpu.memref_slice %arg3[%dma_wait3A_2903, %dma_wait3A_2904] : memref<65536x128xf32, #tpu.memory_space<hbm>> -> memref<65536x128xf32, #tpu.memory_space<hbm>>
    tpu.wait_indirect_dma semaphore(%arg15 : memref<!tpu.dma_semaphore, #tpu.memory_space<semaphore_mem>>) src(%dma_wait3A_2905 : memref<65536x128xf32, #tpu.memory_space<hbm>>) dst(%arg14 : memref<64x128xf32, #tpu.memory_space<vmem>>)
    %dma_start3A_2906 = arith.constant 2 : i32
    %dma_start3A_2907 = arith.constant 0 : i32
    %dma_start3A_2908 = arith.constant 0 : i32
    %dma_start3A_2909 = arith.constant 0 : i32
    %dma_start3A_2910 = tpu.memref_slice %arg11[%dma_start3A_2908, %dma_start3A_2909] : memref<64x512xf32, #tpu.memory_space<vmem>> -> memref<64x128xf32, #tpu.memory_space<vmem>>
    %dma_start3A_2911 = arith.constant 0 : i32
    %dma_start3A_2912 = tpu.memref_slice %arg8[%dma_start3A_2906, %dma_start3A_2907, %dma_start3A_2911] : memref<8x4x64xi32, #tpu.memory_space<vmem>> -> memref<1x1x64xi32, #tpu.memory_space<vmem>>
    %dma_start3A_2913 = tpu.memref_squeeze %dma_start3A_2912 : memref<1x1x64xi32, #tpu.memory_space<vmem>> -> memref<64xi32, #tpu.memory_space<vmem>>
    %dma_start3A_2914 = arith.constant 0 : i32
    %dma_start3A_2915 = arith.constant 0 : i32
    %dma_start3A_2916 = tpu.memref_slice %arg5[%dma_start3A_2914, %dma_start3A_2915] : memref<65536x128xf32, #tpu.memory_space<hbm>> -> memref<65536x128xf32, #tpu.memory_space<hbm>>
    tpu.enqueue_indirect_dma source(%dma_start3A_2910 : memref<64x128xf32, #tpu.memory_space<vmem>>) target(%dma_start3A_2916 : memref<65536x128xf32, #tpu.memory_space<hbm>>) offsets(%dma_start3A_2913 : memref<64xi32, #tpu.memory_space<vmem>>) semaphore(%arg16 : memref<!tpu.dma_semaphore, #tpu.memory_space<semaphore_mem>>)
    %dma_start3A_2917 = arith.constant 2 : i32
    %dma_start3A_2918 = arith.constant 1 : i32
    %dma_start3A_2919 = arith.constant 0 : i32
    %dma_start3A_2920 = arith.constant 128 : i32
    %dma_start3A_2921 = tpu.memref_slice %arg11[%dma_start3A_2919, %dma_start3A_2920] : memref<64x512xf32, #tpu.memory_space<vmem>> -> memref<64x128xf32, #tpu.memory_space<vmem>>
    %dma_start3A_2922 = arith.constant 0 : i32
    %dma_start3A_2923 = tpu.memref_slice %arg8[%dma_start3A_2917, %dma_start3A_2918, %dma_start3A_2922] : memref<8x4x64xi32, #tpu.memory_space<vmem>> -> memref<1x1x64xi32, #tpu.memory_space<vmem>>
    %dma_start3A_2924 = tpu.memref_squeeze %dma_start3A_2923 : memref<1x1x64xi32, #tpu.memory_space<vmem>> -> memref<64xi32, #tpu.memory_space<vmem>>
    %dma_start3A_2925 = arith.constant 0 : i32
    %dma_start3A_2926 = arith.constant 0 : i32
    %dma_start3A_2927 = tpu.memref_slice %arg5[%dma_start3A_2925, %dma_start3A_2926] : memref<65536x128xf32, #tpu.memory_space<hbm>> -> memref<65536x128xf32, #tpu.memory_space<hbm>>
    tpu.enqueue_indirect_dma source(%dma_start3A_2921 : memref<64x128xf32, #tpu.memory_space<vmem>>) target(%dma_start3A_2927 : memref<65536x128xf32, #tpu.memory_space<hbm>>) offsets(%dma_start3A_2924 : memref<64xi32, #tpu.memory_space<vmem>>) semaphore(%arg16 : memref<!tpu.dma_semaphore, #tpu.memory_space<semaphore_mem>>)
    %dma_start3A_2928 = arith.constant 2 : i32
    %dma_start3A_2929 = arith.constant 2 : i32
    %dma_start3A_2930 = arith.constant 0 : i32
    %dma_start3A_2931 = arith.constant 256 : i32
    %dma_start3A_2932 = tpu.memref_slice %arg11[%dma_start3A_2930, %dma_start3A_2931] : memref<64x512xf32, #tpu.memory_space<vmem>> -> memref<64x128xf32, #tpu.memory_space<vmem>>
    %dma_start3A_2933 = arith.constant 0 : i32
    %dma_start3A_2934 = tpu.memref_slice %arg8[%dma_start3A_2928, %dma_start3A_2929, %dma_start3A_2933] : memref<8x4x64xi32, #tpu.memory_space<vmem>> -> memref<1x1x64xi32, #tpu.memory_space<vmem>>
    %dma_start3A_2935 = tpu.memref_squeeze %dma_start3A_2934 : memref<1x1x64xi32, #tpu.memory_space<vmem>> -> memref<64xi32, #tpu.memory_space<vmem>>
    %dma_start3A_2936 = arith.constant 0 : i32
    %dma_start3A_2937 = arith.constant 0 : i32
    %dma_start3A_2938 = tpu.memref_slice %arg5[%dma_start3A_2936, %dma_start3A_2937] : memref<65536x128xf32, #tpu.memory_space<hbm>> -> memref<65536x128xf32, #tpu.memory_space<hbm>>
    tpu.enqueue_indirect_dma source(%dma_start3A_2932 : memref<64x128xf32, #tpu.memory_space<vmem>>) target(%dma_start3A_2938 : memref<65536x128xf32, #tpu.memory_space<hbm>>) offsets(%dma_start3A_2935 : memref<64xi32, #tpu.memory_space<vmem>>) semaphore(%arg16 : memref<!tpu.dma_semaphore, #tpu.memory_space<semaphore_mem>>)
    %dma_start3A_2939 = arith.constant 2 : i32
    %dma_start3A_2940 = arith.constant 3 : i32
    %dma_start3A_2941 = arith.constant 0 : i32
    %dma_start3A_2942 = arith.constant 384 : i32
    %dma_start3A_2943 = tpu.memref_slice %arg11[%dma_start3A_2941, %dma_start3A_2942] : memref<64x512xf32, #tpu.memory_space<vmem>> -> memref<64x128xf32, #tpu.memory_space<vmem>>
    %dma_start3A_2944 = arith.constant 0 : i32
    %dma_start3A_2945 = tpu.memref_slice %arg8[%dma_start3A_2939, %dma_start3A_2940, %dma_start3A_2944] : memref<8x4x64xi32, #tpu.memory_space<vmem>> -> memref<1x1x64xi32, #tpu.memory_space<vmem>>
    %dma_start3A_2946 = tpu.memref_squeeze %dma_start3A_2945 : memref<1x1x64xi32, #tpu.memory_space<vmem>> -> memref<64xi32, #tpu.memory_space<vmem>>
    %dma_start3A_2947 = arith.constant 0 : i32
    %dma_start3A_2948 = arith.constant 0 : i32
    %dma_start3A_2949 = tpu.memref_slice %arg5[%dma_start3A_2947, %dma_start3A_2948] : memref<65536x128xf32, #tpu.memory_space<hbm>> -> memref<65536x128xf32, #tpu.memory_space<hbm>>
    tpu.enqueue_indirect_dma source(%dma_start3A_2943 : memref<64x128xf32, #tpu.memory_space<vmem>>) target(%dma_start3A_2949 : memref<65536x128xf32, #tpu.memory_space<hbm>>) offsets(%dma_start3A_2946 : memref<64xi32, #tpu.memory_space<vmem>>) semaphore(%arg16 : memref<!tpu.dma_semaphore, #tpu.memory_space<semaphore_mem>>)
    %add3A_2950 = arith.constant 128 : i32
    %add3A_2951 = arith.addi %mul3A_2, %add3A_2950 : i32
    %dma_start3A_2952 = arith.constant 0 : i32
    %dma_start3A_2953 = tpu.memref_slice %arg6[%add3A_2951, %dma_start3A_2952] : memref<16384x128xf32, #tpu.memory_space<hbm>> -> memref<64x128xf32, #tpu.memory_space<hbm>>
    %dma_start3A_2954 = arith.constant 0 : i32
    %dma_start3A_2955 = tpu.memref_slice %arg6[%add3A_2951, %dma_start3A_2954] : memref<16384x128xf32, #tpu.memory_space<hbm>> -> memref<64x128xf32, #tpu.memory_space<hbm>>
    tpu.enqueue_dma source(%arg14 : memref<64x128xf32, #tpu.memory_space<vmem>>) target(%dma_start3A_2955 : memref<64x128xf32, #tpu.memory_space<hbm>>) target_semaphore(%arg16 : memref<!tpu.dma_semaphore, #tpu.memory_space<semaphore_mem>>)
    %dma_wait3A_2956 = arith.constant 1 : i32
    %dma_wait3A_2957 = arith.constant 0 : i32
    %dma_wait3A_2958 = arith.constant 0 : i32
    %dma_wait3A_2959 = arith.constant 0 : i32
    %dma_wait3A_2960 = tpu.memref_slice %arg10[%dma_wait3A_2958, %dma_wait3A_2959] : memref<64x512xf32, #tpu.memory_space<vmem>> -> memref<64x128xf32, #tpu.memory_space<vmem>>
    %dma_wait3A_2961 = arith.constant 0 : i32
    %dma_wait3A_2962 = tpu.memref_slice %arg8[%dma_wait3A_2956, %dma_wait3A_2957, %dma_wait3A_2961] : memref<8x4x64xi32, #tpu.memory_space<vmem>> -> memref<1x1x64xi32, #tpu.memory_space<vmem>>
    %dma_wait3A_2963 = tpu.memref_squeeze %dma_wait3A_2962 : memref<1x1x64xi32, #tpu.memory_space<vmem>> -> memref<64xi32, #tpu.memory_space<vmem>>
    %dma_wait3A_2964 = arith.constant 0 : i32
    %dma_wait3A_2965 = arith.constant 0 : i32
    %dma_wait3A_2966 = tpu.memref_slice %arg5[%dma_wait3A_2964, %dma_wait3A_2965] : memref<65536x128xf32, #tpu.memory_space<hbm>> -> memref<65536x128xf32, #tpu.memory_space<hbm>>
    tpu.wait_indirect_dma semaphore(%arg16 : memref<!tpu.dma_semaphore, #tpu.memory_space<semaphore_mem>>) src(%dma_wait3A_2960 : memref<64x128xf32, #tpu.memory_space<vmem>>) dst(%dma_wait3A_2966 : memref<65536x128xf32, #tpu.memory_space<hbm>>)
    %dma_wait3A_2967 = arith.constant 1 : i32
    %dma_wait3A_2968 = arith.constant 1 : i32
    %dma_wait3A_2969 = arith.constant 0 : i32
    %dma_wait3A_2970 = arith.constant 128 : i32
    %dma_wait3A_2971 = tpu.memref_slice %arg10[%dma_wait3A_2969, %dma_wait3A_2970] : memref<64x512xf32, #tpu.memory_space<vmem>> -> memref<64x128xf32, #tpu.memory_space<vmem>>
    %dma_wait3A_2972 = arith.constant 0 : i32
    %dma_wait3A_2973 = tpu.memref_slice %arg8[%dma_wait3A_2967, %dma_wait3A_2968, %dma_wait3A_2972] : memref<8x4x64xi32, #tpu.memory_space<vmem>> -> memref<1x1x64xi32, #tpu.memory_space<vmem>>
    %dma_wait3A_2974 = tpu.memref_squeeze %dma_wait3A_2973 : memref<1x1x64xi32, #tpu.memory_space<vmem>> -> memref<64xi32, #tpu.memory_space<vmem>>
    %dma_wait3A_2975 = arith.constant 0 : i32
    %dma_wait3A_2976 = arith.constant 0 : i32
    %dma_wait3A_2977 = tpu.memref_slice %arg5[%dma_wait3A_2975, %dma_wait3A_2976] : memref<65536x128xf32, #tpu.memory_space<hbm>> -> memref<65536x128xf32, #tpu.memory_space<hbm>>
    tpu.wait_indirect_dma semaphore(%arg16 : memref<!tpu.dma_semaphore, #tpu.memory_space<semaphore_mem>>) src(%dma_wait3A_2971 : memref<64x128xf32, #tpu.memory_space<vmem>>) dst(%dma_wait3A_2977 : memref<65536x128xf32, #tpu.memory_space<hbm>>)
    %dma_wait3A_2978 = arith.constant 1 : i32
    %dma_wait3A_2979 = arith.constant 2 : i32
    %dma_wait3A_2980 = arith.constant 0 : i32
    %dma_wait3A_2981 = arith.constant 256 : i32
    %dma_wait3A_2982 = tpu.memref_slice %arg10[%dma_wait3A_2980, %dma_wait3A_2981] : memref<64x512xf32, #tpu.memory_space<vmem>> -> memref<64x128xf32, #tpu.memory_space<vmem>>
    %dma_wait3A_2983 = arith.constant 0 : i32
    %dma_wait3A_2984 = tpu.memref_slice %arg8[%dma_wait3A_2978, %dma_wait3A_2979, %dma_wait3A_2983] : memref<8x4x64xi32, #tpu.memory_space<vmem>> -> memref<1x1x64xi32, #tpu.memory_space<vmem>>
    %dma_wait3A_2985 = tpu.memref_squeeze %dma_wait3A_2984 : memref<1x1x64xi32, #tpu.memory_space<vmem>> -> memref<64xi32, #tpu.memory_space<vmem>>
    %dma_wait3A_2986 = arith.constant 0 : i32
    %dma_wait3A_2987 = arith.constant 0 : i32
    %dma_wait3A_2988 = tpu.memref_slice %arg5[%dma_wait3A_2986, %dma_wait3A_2987] : memref<65536x128xf32, #tpu.memory_space<hbm>> -> memref<65536x128xf32, #tpu.memory_space<hbm>>
    tpu.wait_indirect_dma semaphore(%arg16 : memref<!tpu.dma_semaphore, #tpu.memory_space<semaphore_mem>>) src(%dma_wait3A_2982 : memref<64x128xf32, #tpu.memory_space<vmem>>) dst(%dma_wait3A_2988 : memref<65536x128xf32, #tpu.memory_space<hbm>>)
    %dma_wait3A_2989 = arith.constant 1 : i32
    %dma_wait3A_2990 = arith.constant 3 : i32
    %dma_wait3A_2991 = arith.constant 0 : i32
    %dma_wait3A_2992 = arith.constant 384 : i32
    %dma_wait3A_2993 = tpu.memref_slice %arg10[%dma_wait3A_2991, %dma_wait3A_2992] : memref<64x512xf32, #tpu.memory_space<vmem>> -> memref<64x128xf32, #tpu.memory_space<vmem>>
    %dma_wait3A_2994 = arith.constant 0 : i32
    %dma_wait3A_2995 = tpu.memref_slice %arg8[%dma_wait3A_2989, %dma_wait3A_2990, %dma_wait3A_2994] : memref<8x4x64xi32, #tpu.memory_space<vmem>> -> memref<1x1x64xi32, #tpu.memory_space<vmem>>
    %dma_wait3A_2996 = tpu.memref_squeeze %dma_wait3A_2995 : memref<1x1x64xi32, #tpu.memory_space<vmem>> -> memref<64xi32, #tpu.memory_space<vmem>>
    %dma_wait3A_2997 = arith.constant 0 : i32
    %dma_wait3A_2998 = arith.constant 0 : i32
    %dma_wait3A_2999 = tpu.memref_slice %arg5[%dma_wait3A_2997, %dma_wait3A_2998] : memref<65536x128xf32, #tpu.memory_space<hbm>> -> memref<65536x128xf32, #tpu.memory_space<hbm>>
    tpu.wait_indirect_dma semaphore(%arg16 : memref<!tpu.dma_semaphore, #tpu.memory_space<semaphore_mem>>) src(%dma_wait3A_2993 : memref<64x128xf32, #tpu.memory_space<vmem>>) dst(%dma_wait3A_2999 : memref<65536x128xf32, #tpu.memory_space<hbm>>)
    %dma_wait3A_3000 = arith.constant 0 : i32
    %dma_wait3A_3001 = tpu.memref_slice %arg6[%add3A_2833, %dma_wait3A_3000] : memref<16384x128xf32, #tpu.memory_space<hbm>> -> memref<64x128xf32, #tpu.memory_space<hbm>>
    %dma_wait3A_3002 = arith.constant 0 : i32
    %dma_wait3A_3003 = tpu.memref_slice %arg6[%add3A_2833, %dma_wait3A_3002] : memref<16384x128xf32, #tpu.memory_space<hbm>> -> memref<64x128xf32, #tpu.memory_space<hbm>>
    tpu.wait_dma2 semaphore(%arg16 : memref<!tpu.dma_semaphore, #tpu.memory_space<semaphore_mem>>) src(%arg13 : memref<64x128xf32, #tpu.memory_space<vmem>>) dst(%dma_wait3A_3003 : memref<64x128xf32, #tpu.memory_space<hbm>>)
    %dma_start3A_3004 = arith.constant 256 : i32
    %dma_start3A_3005 = tpu.memref_slice %arg7[%dma_start3A_3004] : memref<512xi32, #tpu.memory_space<vmem>> -> memref<64xi32, #tpu.memory_space<vmem>>
    %dma_start3A_3006 = arith.constant 0 : i32
    %dma_start3A_3007 = arith.constant 0 : i32
    %dma_start3A_3008 = tpu.memref_slice %arg2[%dma_start3A_3006, %dma_start3A_3007] : memref<65536x576xf32, #tpu.memory_space<hbm>> -> memref<65536x512xf32, #tpu.memory_space<hbm>>
    tpu.enqueue_indirect_dma source(%dma_start3A_3008 : memref<65536x512xf32, #tpu.memory_space<hbm>>) target(%arg10 : memref<64x512xf32, #tpu.memory_space<vmem>>) offsets(%dma_start3A_3005 : memref<64xi32, #tpu.memory_space<vmem>>) semaphore(%arg15 : memref<!tpu.dma_semaphore, #tpu.memory_space<semaphore_mem>>)
    %dma_start3A_3009 = arith.constant 256 : i32
    %dma_start3A_3010 = tpu.memref_slice %arg7[%dma_start3A_3009] : memref<512xi32, #tpu.memory_space<vmem>> -> memref<64xi32, #tpu.memory_space<vmem>>
    %dma_start3A_3011 = arith.constant 0 : i32
    %dma_start3A_3012 = arith.constant 0 : i32
    %dma_start3A_3013 = tpu.memref_slice %arg3[%dma_start3A_3011, %dma_start3A_3012] : memref<65536x128xf32, #tpu.memory_space<hbm>> -> memref<65536x128xf32, #tpu.memory_space<hbm>>
    tpu.enqueue_indirect_dma source(%dma_start3A_3013 : memref<65536x128xf32, #tpu.memory_space<hbm>>) target(%arg13 : memref<64x128xf32, #tpu.memory_space<vmem>>) offsets(%dma_start3A_3010 : memref<64xi32, #tpu.memory_space<vmem>>) semaphore(%arg15 : memref<!tpu.dma_semaphore, #tpu.memory_space<semaphore_mem>>)
    %dma_wait3A_3014 = arith.constant 192 : i32
    %dma_wait3A_3015 = tpu.memref_slice %arg7[%dma_wait3A_3014] : memref<512xi32, #tpu.memory_space<vmem>> -> memref<64xi32, #tpu.memory_space<vmem>>
    %dma_wait3A_3016 = arith.constant 0 : i32
    %dma_wait3A_3017 = arith.constant 0 : i32
    %dma_wait3A_3018 = tpu.memref_slice %arg2[%dma_wait3A_3016, %dma_wait3A_3017] : memref<65536x576xf32, #tpu.memory_space<hbm>> -> memref<65536x512xf32, #tpu.memory_space<hbm>>
    tpu.wait_indirect_dma semaphore(%arg15 : memref<!tpu.dma_semaphore, #tpu.memory_space<semaphore_mem>>) src(%dma_wait3A_3018 : memref<65536x512xf32, #tpu.memory_space<hbm>>) dst(%arg9 : memref<64x512xf32, #tpu.memory_space<vmem>>)
    %dma_wait3A_3019 = arith.constant 192 : i32
    %dma_wait3A_3020 = tpu.memref_slice %arg7[%dma_wait3A_3019] : memref<512xi32, #tpu.memory_space<vmem>> -> memref<64xi32, #tpu.memory_space<vmem>>
    %dma_wait3A_3021 = arith.constant 0 : i32
    %dma_wait3A_3022 = arith.constant 0 : i32
    %dma_wait3A_3023 = tpu.memref_slice %arg3[%dma_wait3A_3021, %dma_wait3A_3022] : memref<65536x128xf32, #tpu.memory_space<hbm>> -> memref<65536x128xf32, #tpu.memory_space<hbm>>
    tpu.wait_indirect_dma semaphore(%arg15 : memref<!tpu.dma_semaphore, #tpu.memory_space<semaphore_mem>>) src(%dma_wait3A_3023 : memref<65536x128xf32, #tpu.memory_space<hbm>>) dst(%arg12 : memref<64x128xf32, #tpu.memory_space<vmem>>)
    %dma_start3A_3024 = arith.constant 3 : i32
    %dma_start3A_3025 = arith.constant 0 : i32
    %dma_start3A_3026 = arith.constant 0 : i32
    %dma_start3A_3027 = arith.constant 0 : i32
    %dma_start3A_3028 = tpu.memref_slice %arg9[%dma_start3A_3026, %dma_start3A_3027] : memref<64x512xf32, #tpu.memory_space<vmem>> -> memref<64x128xf32, #tpu.memory_space<vmem>>
    %dma_start3A_3029 = arith.constant 0 : i32
    %dma_start3A_3030 = tpu.memref_slice %arg8[%dma_start3A_3024, %dma_start3A_3025, %dma_start3A_3029] : memref<8x4x64xi32, #tpu.memory_space<vmem>> -> memref<1x1x64xi32, #tpu.memory_space<vmem>>
    %dma_start3A_3031 = tpu.memref_squeeze %dma_start3A_3030 : memref<1x1x64xi32, #tpu.memory_space<vmem>> -> memref<64xi32, #tpu.memory_space<vmem>>
    %dma_start3A_3032 = arith.constant 0 : i32
    %dma_start3A_3033 = arith.constant 0 : i32
    %dma_start3A_3034 = tpu.memref_slice %arg5[%dma_start3A_3032, %dma_start3A_3033] : memref<65536x128xf32, #tpu.memory_space<hbm>> -> memref<65536x128xf32, #tpu.memory_space<hbm>>
    tpu.enqueue_indirect_dma source(%dma_start3A_3028 : memref<64x128xf32, #tpu.memory_space<vmem>>) target(%dma_start3A_3034 : memref<65536x128xf32, #tpu.memory_space<hbm>>) offsets(%dma_start3A_3031 : memref<64xi32, #tpu.memory_space<vmem>>) semaphore(%arg16 : memref<!tpu.dma_semaphore, #tpu.memory_space<semaphore_mem>>)
    %dma_start3A_3035 = arith.constant 3 : i32
    %dma_start3A_3036 = arith.constant 1 : i32
    %dma_start3A_3037 = arith.constant 0 : i32
    %dma_start3A_3038 = arith.constant 128 : i32
    %dma_start3A_3039 = tpu.memref_slice %arg9[%dma_start3A_3037, %dma_start3A_3038] : memref<64x512xf32, #tpu.memory_space<vmem>> -> memref<64x128xf32, #tpu.memory_space<vmem>>
    %dma_start3A_3040 = arith.constant 0 : i32
    %dma_start3A_3041 = tpu.memref_slice %arg8[%dma_start3A_3035, %dma_start3A_3036, %dma_start3A_3040] : memref<8x4x64xi32, #tpu.memory_space<vmem>> -> memref<1x1x64xi32, #tpu.memory_space<vmem>>
    %dma_start3A_3042 = tpu.memref_squeeze %dma_start3A_3041 : memref<1x1x64xi32, #tpu.memory_space<vmem>> -> memref<64xi32, #tpu.memory_space<vmem>>
    %dma_start3A_3043 = arith.constant 0 : i32
    %dma_start3A_3044 = arith.constant 0 : i32
    %dma_start3A_3045 = tpu.memref_slice %arg5[%dma_start3A_3043, %dma_start3A_3044] : memref<65536x128xf32, #tpu.memory_space<hbm>> -> memref<65536x128xf32, #tpu.memory_space<hbm>>
    tpu.enqueue_indirect_dma source(%dma_start3A_3039 : memref<64x128xf32, #tpu.memory_space<vmem>>) target(%dma_start3A_3045 : memref<65536x128xf32, #tpu.memory_space<hbm>>) offsets(%dma_start3A_3042 : memref<64xi32, #tpu.memory_space<vmem>>) semaphore(%arg16 : memref<!tpu.dma_semaphore, #tpu.memory_space<semaphore_mem>>)
    %dma_start3A_3046 = arith.constant 3 : i32
    %dma_start3A_3047 = arith.constant 2 : i32
    %dma_start3A_3048 = arith.constant 0 : i32
    %dma_start3A_3049 = arith.constant 256 : i32
    %dma_start3A_3050 = tpu.memref_slice %arg9[%dma_start3A_3048, %dma_start3A_3049] : memref<64x512xf32, #tpu.memory_space<vmem>> -> memref<64x128xf32, #tpu.memory_space<vmem>>
    %dma_start3A_3051 = arith.constant 0 : i32
    %dma_start3A_3052 = tpu.memref_slice %arg8[%dma_start3A_3046, %dma_start3A_3047, %dma_start3A_3051] : memref<8x4x64xi32, #tpu.memory_space<vmem>> -> memref<1x1x64xi32, #tpu.memory_space<vmem>>
    %dma_start3A_3053 = tpu.memref_squeeze %dma_start3A_3052 : memref<1x1x64xi32, #tpu.memory_space<vmem>> -> memref<64xi32, #tpu.memory_space<vmem>>
    %dma_start3A_3054 = arith.constant 0 : i32
    %dma_start3A_3055 = arith.constant 0 : i32
    %dma_start3A_3056 = tpu.memref_slice %arg5[%dma_start3A_3054, %dma_start3A_3055] : memref<65536x128xf32, #tpu.memory_space<hbm>> -> memref<65536x128xf32, #tpu.memory_space<hbm>>
    tpu.enqueue_indirect_dma source(%dma_start3A_3050 : memref<64x128xf32, #tpu.memory_space<vmem>>) target(%dma_start3A_3056 : memref<65536x128xf32, #tpu.memory_space<hbm>>) offsets(%dma_start3A_3053 : memref<64xi32, #tpu.memory_space<vmem>>) semaphore(%arg16 : memref<!tpu.dma_semaphore, #tpu.memory_space<semaphore_mem>>)
    %dma_start3A_3057 = arith.constant 3 : i32
    %dma_start3A_3058 = arith.constant 3 : i32
    %dma_start3A_3059 = arith.constant 0 : i32
    %dma_start3A_3060 = arith.constant 384 : i32
    %dma_start3A_3061 = tpu.memref_slice %arg9[%dma_start3A_3059, %dma_start3A_3060] : memref<64x512xf32, #tpu.memory_space<vmem>> -> memref<64x128xf32, #tpu.memory_space<vmem>>
    %dma_start3A_3062 = arith.constant 0 : i32
    %dma_start3A_3063 = tpu.memref_slice %arg8[%dma_start3A_3057, %dma_start3A_3058, %dma_start3A_3062] : memref<8x4x64xi32, #tpu.memory_space<vmem>> -> memref<1x1x64xi32, #tpu.memory_space<vmem>>
    %dma_start3A_3064 = tpu.memref_squeeze %dma_start3A_3063 : memref<1x1x64xi32, #tpu.memory_space<vmem>> -> memref<64xi32, #tpu.memory_space<vmem>>
    %dma_start3A_3065 = arith.constant 0 : i32
    %dma_start3A_3066 = arith.constant 0 : i32
    %dma_start3A_3067 = tpu.memref_slice %arg5[%dma_start3A_3065, %dma_start3A_3066] : memref<65536x128xf32, #tpu.memory_space<hbm>> -> memref<65536x128xf32, #tpu.memory_space<hbm>>
    tpu.enqueue_indirect_dma source(%dma_start3A_3061 : memref<64x128xf32, #tpu.memory_space<vmem>>) target(%dma_start3A_3067 : memref<65536x128xf32, #tpu.memory_space<hbm>>) offsets(%dma_start3A_3064 : memref<64xi32, #tpu.memory_space<vmem>>) semaphore(%arg16 : memref<!tpu.dma_semaphore, #tpu.memory_space<semaphore_mem>>)
    %add3A_3068 = arith.constant 192 : i32
    %add3A_3069 = arith.addi %mul3A_2, %add3A_3068 : i32
    %dma_start3A_3070 = arith.constant 0 : i32
    %dma_start3A_3071 = tpu.memref_slice %arg6[%add3A_3069, %dma_start3A_3070] : memref<16384x128xf32, #tpu.memory_space<hbm>> -> memref<64x128xf32, #tpu.memory_space<hbm>>
    %dma_start3A_3072 = arith.constant 0 : i32
    %dma_start3A_3073 = tpu.memref_slice %arg6[%add3A_3069, %dma_start3A_3072] : memref<16384x128xf32, #tpu.memory_space<hbm>> -> memref<64x128xf32, #tpu.memory_space<hbm>>
    tpu.enqueue_dma source(%arg12 : memref<64x128xf32, #tpu.memory_space<vmem>>) target(%dma_start3A_3073 : memref<64x128xf32, #tpu.memory_space<hbm>>) target_semaphore(%arg16 : memref<!tpu.dma_semaphore, #tpu.memory_space<semaphore_mem>>)
    %dma_wait3A_3074 = arith.constant 2 : i32
    %dma_wait3A_3075 = arith.constant 0 : i32
    %dma_wait3A_3076 = arith.constant 0 : i32
    %dma_wait3A_3077 = arith.constant 0 : i32
    %dma_wait3A_3078 = tpu.memref_slice %arg11[%dma_wait3A_3076, %dma_wait3A_3077] : memref<64x512xf32, #tpu.memory_space<vmem>> -> memref<64x128xf32, #tpu.memory_space<vmem>>
    %dma_wait3A_3079 = arith.constant 0 : i32
    %dma_wait3A_3080 = tpu.memref_slice %arg8[%dma_wait3A_3074, %dma_wait3A_3075, %dma_wait3A_3079] : memref<8x4x64xi32, #tpu.memory_space<vmem>> -> memref<1x1x64xi32, #tpu.memory_space<vmem>>
    %dma_wait3A_3081 = tpu.memref_squeeze %dma_wait3A_3080 : memref<1x1x64xi32, #tpu.memory_space<vmem>> -> memref<64xi32, #tpu.memory_space<vmem>>
    %dma_wait3A_3082 = arith.constant 0 : i32
    %dma_wait3A_3083 = arith.constant 0 : i32
    %dma_wait3A_3084 = tpu.memref_slice %arg5[%dma_wait3A_3082, %dma_wait3A_3083] : memref<65536x128xf32, #tpu.memory_space<hbm>> -> memref<65536x128xf32, #tpu.memory_space<hbm>>
    tpu.wait_indirect_dma semaphore(%arg16 : memref<!tpu.dma_semaphore, #tpu.memory_space<semaphore_mem>>) src(%dma_wait3A_3078 : memref<64x128xf32, #tpu.memory_space<vmem>>) dst(%dma_wait3A_3084 : memref<65536x128xf32, #tpu.memory_space<hbm>>)
    %dma_wait3A_3085 = arith.constant 2 : i32
    %dma_wait3A_3086 = arith.constant 1 : i32
    %dma_wait3A_3087 = arith.constant 0 : i32
    %dma_wait3A_3088 = arith.constant 128 : i32
    %dma_wait3A_3089 = tpu.memref_slice %arg11[%dma_wait3A_3087, %dma_wait3A_3088] : memref<64x512xf32, #tpu.memory_space<vmem>> -> memref<64x128xf32, #tpu.memory_space<vmem>>
    %dma_wait3A_3090 = arith.constant 0 : i32
    %dma_wait3A_3091 = tpu.memref_slice %arg8[%dma_wait3A_3085, %dma_wait3A_3086, %dma_wait3A_3090] : memref<8x4x64xi32, #tpu.memory_space<vmem>> -> memref<1x1x64xi32, #tpu.memory_space<vmem>>
    %dma_wait3A_3092 = tpu.memref_squeeze %dma_wait3A_3091 : memref<1x1x64xi32, #tpu.memory_space<vmem>> -> memref<64xi32, #tpu.memory_space<vmem>>
    %dma_wait3A_3093 = arith.constant 0 : i32
    %dma_wait3A_3094 = arith.constant 0 : i32
    %dma_wait3A_3095 = tpu.memref_slice %arg5[%dma_wait3A_3093, %dma_wait3A_3094] : memref<65536x128xf32, #tpu.memory_space<hbm>> -> memref<65536x128xf32, #tpu.memory_space<hbm>>
    tpu.wait_indirect_dma semaphore(%arg16 : memref<!tpu.dma_semaphore, #tpu.memory_space<semaphore_mem>>) src(%dma_wait3A_3089 : memref<64x128xf32, #tpu.memory_space<vmem>>) dst(%dma_wait3A_3095 : memref<65536x128xf32, #tpu.memory_space<hbm>>)
    %dma_wait3A_3096 = arith.constant 2 : i32
    %dma_wait3A_3097 = arith.constant 2 : i32
    %dma_wait3A_3098 = arith.constant 0 : i32
    %dma_wait3A_3099 = arith.constant 256 : i32
    %dma_wait3A_3100 = tpu.memref_slice %arg11[%dma_wait3A_3098, %dma_wait3A_3099] : memref<64x512xf32, #tpu.memory_space<vmem>> -> memref<64x128xf32, #tpu.memory_space<vmem>>
    %dma_wait3A_3101 = arith.constant 0 : i32
    %dma_wait3A_3102 = tpu.memref_slice %arg8[%dma_wait3A_3096, %dma_wait3A_3097, %dma_wait3A_3101] : memref<8x4x64xi32, #tpu.memory_space<vmem>> -> memref<1x1x64xi32, #tpu.memory_space<vmem>>
    %dma_wait3A_3103 = tpu.memref_squeeze %dma_wait3A_3102 : memref<1x1x64xi32, #tpu.memory_space<vmem>> -> memref<64xi32, #tpu.memory_space<vmem>>
    %dma_wait3A_3104 = arith.constant 0 : i32
    %dma_wait3A_3105 = arith.constant 0 : i32
    %dma_wait3A_3106 = tpu.memref_slice %arg5[%dma_wait3A_3104, %dma_wait3A_3105] : memref<65536x128xf32, #tpu.memory_space<hbm>> -> memref<65536x128xf32, #tpu.memory_space<hbm>>
    tpu.wait_indirect_dma semaphore(%arg16 : memref<!tpu.dma_semaphore, #tpu.memory_space<semaphore_mem>>) src(%dma_wait3A_3100 : memref<64x128xf32, #tpu.memory_space<vmem>>) dst(%dma_wait3A_3106 : memref<65536x128xf32, #tpu.memory_space<hbm>>)
    %dma_wait3A_3107 = arith.constant 2 : i32
    %dma_wait3A_3108 = arith.constant 3 : i32
    %dma_wait3A_3109 = arith.constant 0 : i32
    %dma_wait3A_3110 = arith.constant 384 : i32
    %dma_wait3A_3111 = tpu.memref_slice %arg11[%dma_wait3A_3109, %dma_wait3A_3110] : memref<64x512xf32, #tpu.memory_space<vmem>> -> memref<64x128xf32, #tpu.memory_space<vmem>>
    %dma_wait3A_3112 = arith.constant 0 : i32
    %dma_wait3A_3113 = tpu.memref_slice %arg8[%dma_wait3A_3107, %dma_wait3A_3108, %dma_wait3A_3112] : memref<8x4x64xi32, #tpu.memory_space<vmem>> -> memref<1x1x64xi32, #tpu.memory_space<vmem>>
    %dma_wait3A_3114 = tpu.memref_squeeze %dma_wait3A_3113 : memref<1x1x64xi32, #tpu.memory_space<vmem>> -> memref<64xi32, #tpu.memory_space<vmem>>
    %dma_wait3A_3115 = arith.constant 0 : i32
    %dma_wait3A_3116 = arith.constant 0 : i32
    %dma_wait3A_3117 = tpu.memref_slice %arg5[%dma_wait3A_3115, %dma_wait3A_3116] : memref<65536x128xf32, #tpu.memory_space<hbm>> -> memref<65536x128xf32, #tpu.memory_space<hbm>>
    tpu.wait_indirect_dma semaphore(%arg16 : memref<!tpu.dma_semaphore, #tpu.memory_space<semaphore_mem>>) src(%dma_wait3A_3111 : memref<64x128xf32, #tpu.memory_space<vmem>>) dst(%dma_wait3A_3117 : memref<65536x128xf32, #tpu.memory_space<hbm>>)
    %dma_wait3A_3118 = arith.constant 0 : i32
    %dma_wait3A_3119 = tpu.memref_slice %arg6[%add3A_2951, %dma_wait3A_3118] : memref<16384x128xf32, #tpu.memory_space<hbm>> -> memref<64x128xf32, #tpu.memory_space<hbm>>
    %dma_wait3A_3120 = arith.constant 0 : i32
    %dma_wait3A_3121 = tpu.memref_slice %arg6[%add3A_2951, %dma_wait3A_3120] : memref<16384x128xf32, #tpu.memory_space<hbm>> -> memref<64x128xf32, #tpu.memory_space<hbm>>
    tpu.wait_dma2 semaphore(%arg16 : memref<!tpu.dma_semaphore, #tpu.memory_space<semaphore_mem>>) src(%arg14 : memref<64x128xf32, #tpu.memory_space<vmem>>) dst(%dma_wait3A_3121 : memref<64x128xf32, #tpu.memory_space<hbm>>)
    %dma_start3A_3122 = arith.constant 320 : i32
    %dma_start3A_3123 = tpu.memref_slice %arg7[%dma_start3A_3122] : memref<512xi32, #tpu.memory_space<vmem>> -> memref<64xi32, #tpu.memory_space<vmem>>
    %dma_start3A_3124 = arith.constant 0 : i32
    %dma_start3A_3125 = arith.constant 0 : i32
    %dma_start3A_3126 = tpu.memref_slice %arg2[%dma_start3A_3124, %dma_start3A_3125] : memref<65536x576xf32, #tpu.memory_space<hbm>> -> memref<65536x512xf32, #tpu.memory_space<hbm>>
    tpu.enqueue_indirect_dma source(%dma_start3A_3126 : memref<65536x512xf32, #tpu.memory_space<hbm>>) target(%arg11 : memref<64x512xf32, #tpu.memory_space<vmem>>) offsets(%dma_start3A_3123 : memref<64xi32, #tpu.memory_space<vmem>>) semaphore(%arg15 : memref<!tpu.dma_semaphore, #tpu.memory_space<semaphore_mem>>)
    %dma_start3A_3127 = arith.constant 320 : i32
    %dma_start3A_3128 = tpu.memref_slice %arg7[%dma_start3A_3127] : memref<512xi32, #tpu.memory_space<vmem>> -> memref<64xi32, #tpu.memory_space<vmem>>
    %dma_start3A_3129 = arith.constant 0 : i32
    %dma_start3A_3130 = arith.constant 0 : i32
    %dma_start3A_3131 = tpu.memref_slice %arg3[%dma_start3A_3129, %dma_start3A_3130] : memref<65536x128xf32, #tpu.memory_space<hbm>> -> memref<65536x128xf32, #tpu.memory_space<hbm>>
    tpu.enqueue_indirect_dma source(%dma_start3A_3131 : memref<65536x128xf32, #tpu.memory_space<hbm>>) target(%arg14 : memref<64x128xf32, #tpu.memory_space<vmem>>) offsets(%dma_start3A_3128 : memref<64xi32, #tpu.memory_space<vmem>>) semaphore(%arg15 : memref<!tpu.dma_semaphore, #tpu.memory_space<semaphore_mem>>)
    %dma_wait3A_3132 = arith.constant 256 : i32
    %dma_wait3A_3133 = tpu.memref_slice %arg7[%dma_wait3A_3132] : memref<512xi32, #tpu.memory_space<vmem>> -> memref<64xi32, #tpu.memory_space<vmem>>
    %dma_wait3A_3134 = arith.constant 0 : i32
    %dma_wait3A_3135 = arith.constant 0 : i32
    %dma_wait3A_3136 = tpu.memref_slice %arg2[%dma_wait3A_3134, %dma_wait3A_3135] : memref<65536x576xf32, #tpu.memory_space<hbm>> -> memref<65536x512xf32, #tpu.memory_space<hbm>>
    tpu.wait_indirect_dma semaphore(%arg15 : memref<!tpu.dma_semaphore, #tpu.memory_space<semaphore_mem>>) src(%dma_wait3A_3136 : memref<65536x512xf32, #tpu.memory_space<hbm>>) dst(%arg10 : memref<64x512xf32, #tpu.memory_space<vmem>>)
    %dma_wait3A_3137 = arith.constant 256 : i32
    %dma_wait3A_3138 = tpu.memref_slice %arg7[%dma_wait3A_3137] : memref<512xi32, #tpu.memory_space<vmem>> -> memref<64xi32, #tpu.memory_space<vmem>>
    %dma_wait3A_3139 = arith.constant 0 : i32
    %dma_wait3A_3140 = arith.constant 0 : i32
    %dma_wait3A_3141 = tpu.memref_slice %arg3[%dma_wait3A_3139, %dma_wait3A_3140] : memref<65536x128xf32, #tpu.memory_space<hbm>> -> memref<65536x128xf32, #tpu.memory_space<hbm>>
    tpu.wait_indirect_dma semaphore(%arg15 : memref<!tpu.dma_semaphore, #tpu.memory_space<semaphore_mem>>) src(%dma_wait3A_3141 : memref<65536x128xf32, #tpu.memory_space<hbm>>) dst(%arg13 : memref<64x128xf32, #tpu.memory_space<vmem>>)
    %dma_start3A_3142 = arith.constant 4 : i32
    %dma_start3A_3143 = arith.constant 0 : i32
    %dma_start3A_3144 = arith.constant 0 : i32
    %dma_start3A_3145 = arith.constant 0 : i32
    %dma_start3A_3146 = tpu.memref_slice %arg10[%dma_start3A_3144, %dma_start3A_3145] : memref<64x512xf32, #tpu.memory_space<vmem>> -> memref<64x128xf32, #tpu.memory_space<vmem>>
    %dma_start3A_3147 = arith.constant 0 : i32
    %dma_start3A_3148 = tpu.memref_slice %arg8[%dma_start3A_3142, %dma_start3A_3143, %dma_start3A_3147] : memref<8x4x64xi32, #tpu.memory_space<vmem>> -> memref<1x1x64xi32, #tpu.memory_space<vmem>>
    %dma_start3A_3149 = tpu.memref_squeeze %dma_start3A_3148 : memref<1x1x64xi32, #tpu.memory_space<vmem>> -> memref<64xi32, #tpu.memory_space<vmem>>
    %dma_start3A_3150 = arith.constant 0 : i32
    %dma_start3A_3151 = arith.constant 0 : i32
    %dma_start3A_3152 = tpu.memref_slice %arg5[%dma_start3A_3150, %dma_start3A_3151] : memref<65536x128xf32, #tpu.memory_space<hbm>> -> memref<65536x128xf32, #tpu.memory_space<hbm>>
    tpu.enqueue_indirect_dma source(%dma_start3A_3146 : memref<64x128xf32, #tpu.memory_space<vmem>>) target(%dma_start3A_3152 : memref<65536x128xf32, #tpu.memory_space<hbm>>) offsets(%dma_start3A_3149 : memref<64xi32, #tpu.memory_space<vmem>>) semaphore(%arg16 : memref<!tpu.dma_semaphore, #tpu.memory_space<semaphore_mem>>)
    %dma_start3A_3153 = arith.constant 4 : i32
    %dma_start3A_3154 = arith.constant 1 : i32
    %dma_start3A_3155 = arith.constant 0 : i32
    %dma_start3A_3156 = arith.constant 128 : i32
    %dma_start3A_3157 = tpu.memref_slice %arg10[%dma_start3A_3155, %dma_start3A_3156] : memref<64x512xf32, #tpu.memory_space<vmem>> -> memref<64x128xf32, #tpu.memory_space<vmem>>
    %dma_start3A_3158 = arith.constant 0 : i32
    %dma_start3A_3159 = tpu.memref_slice %arg8[%dma_start3A_3153, %dma_start3A_3154, %dma_start3A_3158] : memref<8x4x64xi32, #tpu.memory_space<vmem>> -> memref<1x1x64xi32, #tpu.memory_space<vmem>>
    %dma_start3A_3160 = tpu.memref_squeeze %dma_start3A_3159 : memref<1x1x64xi32, #tpu.memory_space<vmem>> -> memref<64xi32, #tpu.memory_space<vmem>>
    %dma_start3A_3161 = arith.constant 0 : i32
    %dma_start3A_3162 = arith.constant 0 : i32
    %dma_start3A_3163 = tpu.memref_slice %arg5[%dma_start3A_3161, %dma_start3A_3162] : memref<65536x128xf32, #tpu.memory_space<hbm>> -> memref<65536x128xf32, #tpu.memory_space<hbm>>
    tpu.enqueue_indirect_dma source(%dma_start3A_3157 : memref<64x128xf32, #tpu.memory_space<vmem>>) target(%dma_start3A_3163 : memref<65536x128xf32, #tpu.memory_space<hbm>>) offsets(%dma_start3A_3160 : memref<64xi32, #tpu.memory_space<vmem>>) semaphore(%arg16 : memref<!tpu.dma_semaphore, #tpu.memory_space<semaphore_mem>>)
    %dma_start3A_3164 = arith.constant 4 : i32
    %dma_start3A_3165 = arith.constant 2 : i32
    %dma_start3A_3166 = arith.constant 0 : i32
    %dma_start3A_3167 = arith.constant 256 : i32
    %dma_start3A_3168 = tpu.memref_slice %arg10[%dma_start3A_3166, %dma_start3A_3167] : memref<64x512xf32, #tpu.memory_space<vmem>> -> memref<64x128xf32, #tpu.memory_space<vmem>>
    %dma_start3A_3169 = arith.constant 0 : i32
    %dma_start3A_3170 = tpu.memref_slice %arg8[%dma_start3A_3164, %dma_start3A_3165, %dma_start3A_3169] : memref<8x4x64xi32, #tpu.memory_space<vmem>> -> memref<1x1x64xi32, #tpu.memory_space<vmem>>
    %dma_start3A_3171 = tpu.memref_squeeze %dma_start3A_3170 : memref<1x1x64xi32, #tpu.memory_space<vmem>> -> memref<64xi32, #tpu.memory_space<vmem>>
    %dma_start3A_3172 = arith.constant 0 : i32
    %dma_start3A_3173 = arith.constant 0 : i32
    %dma_start3A_3174 = tpu.memref_slice %arg5[%dma_start3A_3172, %dma_start3A_3173] : memref<65536x128xf32, #tpu.memory_space<hbm>> -> memref<65536x128xf32, #tpu.memory_space<hbm>>
    tpu.enqueue_indirect_dma source(%dma_start3A_3168 : memref<64x128xf32, #tpu.memory_space<vmem>>) target(%dma_start3A_3174 : memref<65536x128xf32, #tpu.memory_space<hbm>>) offsets(%dma_start3A_3171 : memref<64xi32, #tpu.memory_space<vmem>>) semaphore(%arg16 : memref<!tpu.dma_semaphore, #tpu.memory_space<semaphore_mem>>)
    %dma_start3A_3175 = arith.constant 4 : i32
    %dma_start3A_3176 = arith.constant 3 : i32
    %dma_start3A_3177 = arith.constant 0 : i32
    %dma_start3A_3178 = arith.constant 384 : i32
    %dma_start3A_3179 = tpu.memref_slice %arg10[%dma_start3A_3177, %dma_start3A_3178] : memref<64x512xf32, #tpu.memory_space<vmem>> -> memref<64x128xf32, #tpu.memory_space<vmem>>
    %dma_start3A_3180 = arith.constant 0 : i32
    %dma_start3A_3181 = tpu.memref_slice %arg8[%dma_start3A_3175, %dma_start3A_3176, %dma_start3A_3180] : memref<8x4x64xi32, #tpu.memory_space<vmem>> -> memref<1x1x64xi32, #tpu.memory_space<vmem>>
    %dma_start3A_3182 = tpu.memref_squeeze %dma_start3A_3181 : memref<1x1x64xi32, #tpu.memory_space<vmem>> -> memref<64xi32, #tpu.memory_space<vmem>>
    %dma_start3A_3183 = arith.constant 0 : i32
    %dma_start3A_3184 = arith.constant 0 : i32
    %dma_start3A_3185 = tpu.memref_slice %arg5[%dma_start3A_3183, %dma_start3A_3184] : memref<65536x128xf32, #tpu.memory_space<hbm>> -> memref<65536x128xf32, #tpu.memory_space<hbm>>
    tpu.enqueue_indirect_dma source(%dma_start3A_3179 : memref<64x128xf32, #tpu.memory_space<vmem>>) target(%dma_start3A_3185 : memref<65536x128xf32, #tpu.memory_space<hbm>>) offsets(%dma_start3A_3182 : memref<64xi32, #tpu.memory_space<vmem>>) semaphore(%arg16 : memref<!tpu.dma_semaphore, #tpu.memory_space<semaphore_mem>>)
    %add3A_3186 = arith.constant 256 : i32
    %add3A_3187 = arith.addi %mul3A_2, %add3A_3186 : i32
    %dma_start3A_3188 = arith.constant 0 : i32
    %dma_start3A_3189 = tpu.memref_slice %arg6[%add3A_3187, %dma_start3A_3188] : memref<16384x128xf32, #tpu.memory_space<hbm>> -> memref<64x128xf32, #tpu.memory_space<hbm>>
    %dma_start3A_3190 = arith.constant 0 : i32
    %dma_start3A_3191 = tpu.memref_slice %arg6[%add3A_3187, %dma_start3A_3190] : memref<16384x128xf32, #tpu.memory_space<hbm>> -> memref<64x128xf32, #tpu.memory_space<hbm>>
    tpu.enqueue_dma source(%arg13 : memref<64x128xf32, #tpu.memory_space<vmem>>) target(%dma_start3A_3191 : memref<64x128xf32, #tpu.memory_space<hbm>>) target_semaphore(%arg16 : memref<!tpu.dma_semaphore, #tpu.memory_space<semaphore_mem>>)
    %dma_wait3A_3192 = arith.constant 3 : i32
    %dma_wait3A_3193 = arith.constant 0 : i32
    %dma_wait3A_3194 = arith.constant 0 : i32
    %dma_wait3A_3195 = arith.constant 0 : i32
    %dma_wait3A_3196 = tpu.memref_slice %arg9[%dma_wait3A_3194, %dma_wait3A_3195] : memref<64x512xf32, #tpu.memory_space<vmem>> -> memref<64x128xf32, #tpu.memory_space<vmem>>
    %dma_wait3A_3197 = arith.constant 0 : i32
    %dma_wait3A_3198 = tpu.memref_slice %arg8[%dma_wait3A_3192, %dma_wait3A_3193, %dma_wait3A_3197] : memref<8x4x64xi32, #tpu.memory_space<vmem>> -> memref<1x1x64xi32, #tpu.memory_space<vmem>>
    %dma_wait3A_3199 = tpu.memref_squeeze %dma_wait3A_3198 : memref<1x1x64xi32, #tpu.memory_space<vmem>> -> memref<64xi32, #tpu.memory_space<vmem>>
    %dma_wait3A_3200 = arith.constant 0 : i32
    %dma_wait3A_3201 = arith.constant 0 : i32
    %dma_wait3A_3202 = tpu.memref_slice %arg5[%dma_wait3A_3200, %dma_wait3A_3201] : memref<65536x128xf32, #tpu.memory_space<hbm>> -> memref<65536x128xf32, #tpu.memory_space<hbm>>
    tpu.wait_indirect_dma semaphore(%arg16 : memref<!tpu.dma_semaphore, #tpu.memory_space<semaphore_mem>>) src(%dma_wait3A_3196 : memref<64x128xf32, #tpu.memory_space<vmem>>) dst(%dma_wait3A_3202 : memref<65536x128xf32, #tpu.memory_space<hbm>>)
    %dma_wait3A_3203 = arith.constant 3 : i32
    %dma_wait3A_3204 = arith.constant 1 : i32
    %dma_wait3A_3205 = arith.constant 0 : i32
    %dma_wait3A_3206 = arith.constant 128 : i32
    %dma_wait3A_3207 = tpu.memref_slice %arg9[%dma_wait3A_3205, %dma_wait3A_3206] : memref<64x512xf32, #tpu.memory_space<vmem>> -> memref<64x128xf32, #tpu.memory_space<vmem>>
    %dma_wait3A_3208 = arith.constant 0 : i32
    %dma_wait3A_3209 = tpu.memref_slice %arg8[%dma_wait3A_3203, %dma_wait3A_3204, %dma_wait3A_3208] : memref<8x4x64xi32, #tpu.memory_space<vmem>> -> memref<1x1x64xi32, #tpu.memory_space<vmem>>
    %dma_wait3A_3210 = tpu.memref_squeeze %dma_wait3A_3209 : memref<1x1x64xi32, #tpu.memory_space<vmem>> -> memref<64xi32, #tpu.memory_space<vmem>>
    %dma_wait3A_3211 = arith.constant 0 : i32
    %dma_wait3A_3212 = arith.constant 0 : i32
    %dma_wait3A_3213 = tpu.memref_slice %arg5[%dma_wait3A_3211, %dma_wait3A_3212] : memref<65536x128xf32, #tpu.memory_space<hbm>> -> memref<65536x128xf32, #tpu.memory_space<hbm>>
    tpu.wait_indirect_dma semaphore(%arg16 : memref<!tpu.dma_semaphore, #tpu.memory_space<semaphore_mem>>) src(%dma_wait3A_3207 : memref<64x128xf32, #tpu.memory_space<vmem>>) dst(%dma_wait3A_3213 : memref<65536x128xf32, #tpu.memory_space<hbm>>)
    %dma_wait3A_3214 = arith.constant 3 : i32
    %dma_wait3A_3215 = arith.constant 2 : i32
    %dma_wait3A_3216 = arith.constant 0 : i32
    %dma_wait3A_3217 = arith.constant 256 : i32
    %dma_wait3A_3218 = tpu.memref_slice %arg9[%dma_wait3A_3216, %dma_wait3A_3217] : memref<64x512xf32, #tpu.memory_space<vmem>> -> memref<64x128xf32, #tpu.memory_space<vmem>>
    %dma_wait3A_3219 = arith.constant 0 : i32
    %dma_wait3A_3220 = tpu.memref_slice %arg8[%dma_wait3A_3214, %dma_wait3A_3215, %dma_wait3A_3219] : memref<8x4x64xi32, #tpu.memory_space<vmem>> -> memref<1x1x64xi32, #tpu.memory_space<vmem>>
    %dma_wait3A_3221 = tpu.memref_squeeze %dma_wait3A_3220 : memref<1x1x64xi32, #tpu.memory_space<vmem>> -> memref<64xi32, #tpu.memory_space<vmem>>
    %dma_wait3A_3222 = arith.constant 0 : i32
    %dma_wait3A_3223 = arith.constant 0 : i32
    %dma_wait3A_3224 = tpu.memref_slice %arg5[%dma_wait3A_3222, %dma_wait3A_3223] : memref<65536x128xf32, #tpu.memory_space<hbm>> -> memref<65536x128xf32, #tpu.memory_space<hbm>>
    tpu.wait_indirect_dma semaphore(%arg16 : memref<!tpu.dma_semaphore, #tpu.memory_space<semaphore_mem>>) src(%dma_wait3A_3218 : memref<64x128xf32, #tpu.memory_space<vmem>>) dst(%dma_wait3A_3224 : memref<65536x128xf32, #tpu.memory_space<hbm>>)
    %dma_wait3A_3225 = arith.constant 3 : i32
    %dma_wait3A_3226 = arith.constant 3 : i32
    %dma_wait3A_3227 = arith.constant 0 : i32
    %dma_wait3A_3228 = arith.constant 384 : i32
    %dma_wait3A_3229 = tpu.memref_slice %arg9[%dma_wait3A_3227, %dma_wait3A_3228] : memref<64x512xf32, #tpu.memory_space<vmem>> -> memref<64x128xf32, #tpu.memory_space<vmem>>
    %dma_wait3A_3230 = arith.constant 0 : i32
    %dma_wait3A_3231 = tpu.memref_slice %arg8[%dma_wait3A_3225, %dma_wait3A_3226, %dma_wait3A_3230] : memref<8x4x64xi32, #tpu.memory_space<vmem>> -> memref<1x1x64xi32, #tpu.memory_space<vmem>>
    %dma_wait3A_3232 = tpu.memref_squeeze %dma_wait3A_3231 : memref<1x1x64xi32, #tpu.memory_space<vmem>> -> memref<64xi32, #tpu.memory_space<vmem>>
    %dma_wait3A_3233 = arith.constant 0 : i32
    %dma_wait3A_3234 = arith.constant 0 : i32
    %dma_wait3A_3235 = tpu.memref_slice %arg5[%dma_wait3A_3233, %dma_wait3A_3234] : memref<65536x128xf32, #tpu.memory_space<hbm>> -> memref<65536x128xf32, #tpu.memory_space<hbm>>
    tpu.wait_indirect_dma semaphore(%arg16 : memref<!tpu.dma_semaphore, #tpu.memory_space<semaphore_mem>>) src(%dma_wait3A_3229 : memref<64x128xf32, #tpu.memory_space<vmem>>) dst(%dma_wait3A_3235 : memref<65536x128xf32, #tpu.memory_space<hbm>>)
    %dma_wait3A_3236 = arith.constant 0 : i32
    %dma_wait3A_3237 = tpu.memref_slice %arg6[%add3A_3069, %dma_wait3A_3236] : memref<16384x128xf32, #tpu.memory_space<hbm>> -> memref<64x128xf32, #tpu.memory_space<hbm>>
    %dma_wait3A_3238 = arith.constant 0 : i32
    %dma_wait3A_3239 = tpu.memref_slice %arg6[%add3A_3069, %dma_wait3A_3238] : memref<16384x128xf32, #tpu.memory_space<hbm>> -> memref<64x128xf32, #tpu.memory_space<hbm>>
    tpu.wait_dma2 semaphore(%arg16 : memref<!tpu.dma_semaphore, #tpu.memory_space<semaphore_mem>>) src(%arg12 : memref<64x128xf32, #tpu.memory_space<vmem>>) dst(%dma_wait3A_3239 : memref<64x128xf32, #tpu.memory_space<hbm>>)
    %dma_start3A_3240 = arith.constant 384 : i32
    %dma_start3A_3241 = tpu.memref_slice %arg7[%dma_start3A_3240] : memref<512xi32, #tpu.memory_space<vmem>> -> memref<64xi32, #tpu.memory_space<vmem>>
    %dma_start3A_3242 = arith.constant 0 : i32
    %dma_start3A_3243 = arith.constant 0 : i32
    %dma_start3A_3244 = tpu.memref_slice %arg2[%dma_start3A_3242, %dma_start3A_3243] : memref<65536x576xf32, #tpu.memory_space<hbm>> -> memref<65536x512xf32, #tpu.memory_space<hbm>>
    tpu.enqueue_indirect_dma source(%dma_start3A_3244 : memref<65536x512xf32, #tpu.memory_space<hbm>>) target(%arg9 : memref<64x512xf32, #tpu.memory_space<vmem>>) offsets(%dma_start3A_3241 : memref<64xi32, #tpu.memory_space<vmem>>) semaphore(%arg15 : memref<!tpu.dma_semaphore, #tpu.memory_space<semaphore_mem>>)
    %dma_start3A_3245 = arith.constant 384 : i32
    %dma_start3A_3246 = tpu.memref_slice %arg7[%dma_start3A_3245] : memref<512xi32, #tpu.memory_space<vmem>> -> memref<64xi32, #tpu.memory_space<vmem>>
    %dma_start3A_3247 = arith.constant 0 : i32
    %dma_start3A_3248 = arith.constant 0 : i32
    %dma_start3A_3249 = tpu.memref_slice %arg3[%dma_start3A_3247, %dma_start3A_3248] : memref<65536x128xf32, #tpu.memory_space<hbm>> -> memref<65536x128xf32, #tpu.memory_space<hbm>>
    tpu.enqueue_indirect_dma source(%dma_start3A_3249 : memref<65536x128xf32, #tpu.memory_space<hbm>>) target(%arg12 : memref<64x128xf32, #tpu.memory_space<vmem>>) offsets(%dma_start3A_3246 : memref<64xi32, #tpu.memory_space<vmem>>) semaphore(%arg15 : memref<!tpu.dma_semaphore, #tpu.memory_space<semaphore_mem>>)
    %dma_wait3A_3250 = arith.constant 320 : i32
    %dma_wait3A_3251 = tpu.memref_slice %arg7[%dma_wait3A_3250] : memref<512xi32, #tpu.memory_space<vmem>> -> memref<64xi32, #tpu.memory_space<vmem>>
    %dma_wait3A_3252 = arith.constant 0 : i32
    %dma_wait3A_3253 = arith.constant 0 : i32
    %dma_wait3A_3254 = tpu.memref_slice %arg2[%dma_wait3A_3252, %dma_wait3A_3253] : memref<65536x576xf32, #tpu.memory_space<hbm>> -> memref<65536x512xf32, #tpu.memory_space<hbm>>
    tpu.wait_indirect_dma semaphore(%arg15 : memref<!tpu.dma_semaphore, #tpu.memory_space<semaphore_mem>>) src(%dma_wait3A_3254 : memref<65536x512xf32, #tpu.memory_space<hbm>>) dst(%arg11 : memref<64x512xf32, #tpu.memory_space<vmem>>)
    %dma_wait3A_3255 = arith.constant 320 : i32
    %dma_wait3A_3256 = tpu.memref_slice %arg7[%dma_wait3A_3255] : memref<512xi32, #tpu.memory_space<vmem>> -> memref<64xi32, #tpu.memory_space<vmem>>
    %dma_wait3A_3257 = arith.constant 0 : i32
    %dma_wait3A_3258 = arith.constant 0 : i32
    %dma_wait3A_3259 = tpu.memref_slice %arg3[%dma_wait3A_3257, %dma_wait3A_3258] : memref<65536x128xf32, #tpu.memory_space<hbm>> -> memref<65536x128xf32, #tpu.memory_space<hbm>>
    tpu.wait_indirect_dma semaphore(%arg15 : memref<!tpu.dma_semaphore, #tpu.memory_space<semaphore_mem>>) src(%dma_wait3A_3259 : memref<65536x128xf32, #tpu.memory_space<hbm>>) dst(%arg14 : memref<64x128xf32, #tpu.memory_space<vmem>>)
    %dma_start3A_3260 = arith.constant 5 : i32
    %dma_start3A_3261 = arith.constant 0 : i32
    %dma_start3A_3262 = arith.constant 0 : i32
    %dma_start3A_3263 = arith.constant 0 : i32
    %dma_start3A_3264 = tpu.memref_slice %arg11[%dma_start3A_3262, %dma_start3A_3263] : memref<64x512xf32, #tpu.memory_space<vmem>> -> memref<64x128xf32, #tpu.memory_space<vmem>>
    %dma_start3A_3265 = arith.constant 0 : i32
    %dma_start3A_3266 = tpu.memref_slice %arg8[%dma_start3A_3260, %dma_start3A_3261, %dma_start3A_3265] : memref<8x4x64xi32, #tpu.memory_space<vmem>> -> memref<1x1x64xi32, #tpu.memory_space<vmem>>
    %dma_start3A_3267 = tpu.memref_squeeze %dma_start3A_3266 : memref<1x1x64xi32, #tpu.memory_space<vmem>> -> memref<64xi32, #tpu.memory_space<vmem>>
    %dma_start3A_3268 = arith.constant 0 : i32
    %dma_start3A_3269 = arith.constant 0 : i32
    %dma_start3A_3270 = tpu.memref_slice %arg5[%dma_start3A_3268, %dma_start3A_3269] : memref<65536x128xf32, #tpu.memory_space<hbm>> -> memref<65536x128xf32, #tpu.memory_space<hbm>>
    tpu.enqueue_indirect_dma source(%dma_start3A_3264 : memref<64x128xf32, #tpu.memory_space<vmem>>) target(%dma_start3A_3270 : memref<65536x128xf32, #tpu.memory_space<hbm>>) offsets(%dma_start3A_3267 : memref<64xi32, #tpu.memory_space<vmem>>) semaphore(%arg16 : memref<!tpu.dma_semaphore, #tpu.memory_space<semaphore_mem>>)
    %dma_start3A_3271 = arith.constant 5 : i32
    %dma_start3A_3272 = arith.constant 1 : i32
    %dma_start3A_3273 = arith.constant 0 : i32
    %dma_start3A_3274 = arith.constant 128 : i32
    %dma_start3A_3275 = tpu.memref_slice %arg11[%dma_start3A_3273, %dma_start3A_3274] : memref<64x512xf32, #tpu.memory_space<vmem>> -> memref<64x128xf32, #tpu.memory_space<vmem>>
    %dma_start3A_3276 = arith.constant 0 : i32
    %dma_start3A_3277 = tpu.memref_slice %arg8[%dma_start3A_3271, %dma_start3A_3272, %dma_start3A_3276] : memref<8x4x64xi32, #tpu.memory_space<vmem>> -> memref<1x1x64xi32, #tpu.memory_space<vmem>>
    %dma_start3A_3278 = tpu.memref_squeeze %dma_start3A_3277 : memref<1x1x64xi32, #tpu.memory_space<vmem>> -> memref<64xi32, #tpu.memory_space<vmem>>
    %dma_start3A_3279 = arith.constant 0 : i32
    %dma_start3A_3280 = arith.constant 0 : i32
    %dma_start3A_3281 = tpu.memref_slice %arg5[%dma_start3A_3279, %dma_start3A_3280] : memref<65536x128xf32, #tpu.memory_space<hbm>> -> memref<65536x128xf32, #tpu.memory_space<hbm>>
    tpu.enqueue_indirect_dma source(%dma_start3A_3275 : memref<64x128xf32, #tpu.memory_space<vmem>>) target(%dma_start3A_3281 : memref<65536x128xf32, #tpu.memory_space<hbm>>) offsets(%dma_start3A_3278 : memref<64xi32, #tpu.memory_space<vmem>>) semaphore(%arg16 : memref<!tpu.dma_semaphore, #tpu.memory_space<semaphore_mem>>)
    %dma_start3A_3282 = arith.constant 5 : i32
    %dma_start3A_3283 = arith.constant 2 : i32
    %dma_start3A_3284 = arith.constant 0 : i32
    %dma_start3A_3285 = arith.constant 256 : i32
    %dma_start3A_3286 = tpu.memref_slice %arg11[%dma_start3A_3284, %dma_start3A_3285] : memref<64x512xf32, #tpu.memory_space<vmem>> -> memref<64x128xf32, #tpu.memory_space<vmem>>
    %dma_start3A_3287 = arith.constant 0 : i32
    %dma_start3A_3288 = tpu.memref_slice %arg8[%dma_start3A_3282, %dma_start3A_3283, %dma_start3A_3287] : memref<8x4x64xi32, #tpu.memory_space<vmem>> -> memref<1x1x64xi32, #tpu.memory_space<vmem>>
    %dma_start3A_3289 = tpu.memref_squeeze %dma_start3A_3288 : memref<1x1x64xi32, #tpu.memory_space<vmem>> -> memref<64xi32, #tpu.memory_space<vmem>>
    %dma_start3A_3290 = arith.constant 0 : i32
    %dma_start3A_3291 = arith.constant 0 : i32
    %dma_start3A_3292 = tpu.memref_slice %arg5[%dma_start3A_3290, %dma_start3A_3291] : memref<65536x128xf32, #tpu.memory_space<hbm>> -> memref<65536x128xf32, #tpu.memory_space<hbm>>
    tpu.enqueue_indirect_dma source(%dma_start3A_3286 : memref<64x128xf32, #tpu.memory_space<vmem>>) target(%dma_start3A_3292 : memref<65536x128xf32, #tpu.memory_space<hbm>>) offsets(%dma_start3A_3289 : memref<64xi32, #tpu.memory_space<vmem>>) semaphore(%arg16 : memref<!tpu.dma_semaphore, #tpu.memory_space<semaphore_mem>>)
    %dma_start3A_3293 = arith.constant 5 : i32
    %dma_start3A_3294 = arith.constant 3 : i32
    %dma_start3A_3295 = arith.constant 0 : i32
    %dma_start3A_3296 = arith.constant 384 : i32
    %dma_start3A_3297 = tpu.memref_slice %arg11[%dma_start3A_3295, %dma_start3A_3296] : memref<64x512xf32, #tpu.memory_space<vmem>> -> memref<64x128xf32, #tpu.memory_space<vmem>>
    %dma_start3A_3298 = arith.constant 0 : i32
    %dma_start3A_3299 = tpu.memref_slice %arg8[%dma_start3A_3293, %dma_start3A_3294, %dma_start3A_3298] : memref<8x4x64xi32, #tpu.memory_space<vmem>> -> memref<1x1x64xi32, #tpu.memory_space<vmem>>
    %dma_start3A_3300 = tpu.memref_squeeze %dma_start3A_3299 : memref<1x1x64xi32, #tpu.memory_space<vmem>> -> memref<64xi32, #tpu.memory_space<vmem>>
    %dma_start3A_3301 = arith.constant 0 : i32
    %dma_start3A_3302 = arith.constant 0 : i32
    %dma_start3A_3303 = tpu.memref_slice %arg5[%dma_start3A_3301, %dma_start3A_3302] : memref<65536x128xf32, #tpu.memory_space<hbm>> -> memref<65536x128xf32, #tpu.memory_space<hbm>>
    tpu.enqueue_indirect_dma source(%dma_start3A_3297 : memref<64x128xf32, #tpu.memory_space<vmem>>) target(%dma_start3A_3303 : memref<65536x128xf32, #tpu.memory_space<hbm>>) offsets(%dma_start3A_3300 : memref<64xi32, #tpu.memory_space<vmem>>) semaphore(%arg16 : memref<!tpu.dma_semaphore, #tpu.memory_space<semaphore_mem>>)
    %add3A_3304 = arith.constant 320 : i32
    %add3A_3305 = arith.addi %mul3A_2, %add3A_3304 : i32
    %dma_start3A_3306 = arith.constant 0 : i32
    %dma_start3A_3307 = tpu.memref_slice %arg6[%add3A_3305, %dma_start3A_3306] : memref<16384x128xf32, #tpu.memory_space<hbm>> -> memref<64x128xf32, #tpu.memory_space<hbm>>
    %dma_start3A_3308 = arith.constant 0 : i32
    %dma_start3A_3309 = tpu.memref_slice %arg6[%add3A_3305, %dma_start3A_3308] : memref<16384x128xf32, #tpu.memory_space<hbm>> -> memref<64x128xf32, #tpu.memory_space<hbm>>
    tpu.enqueue_dma source(%arg14 : memref<64x128xf32, #tpu.memory_space<vmem>>) target(%dma_start3A_3309 : memref<64x128xf32, #tpu.memory_space<hbm>>) target_semaphore(%arg16 : memref<!tpu.dma_semaphore, #tpu.memory_space<semaphore_mem>>)
    %dma_wait3A_3310 = arith.constant 4 : i32
    %dma_wait3A_3311 = arith.constant 0 : i32
    %dma_wait3A_3312 = arith.constant 0 : i32
    %dma_wait3A_3313 = arith.constant 0 : i32
    %dma_wait3A_3314 = tpu.memref_slice %arg10[%dma_wait3A_3312, %dma_wait3A_3313] : memref<64x512xf32, #tpu.memory_space<vmem>> -> memref<64x128xf32, #tpu.memory_space<vmem>>
    %dma_wait3A_3315 = arith.constant 0 : i32
    %dma_wait3A_3316 = tpu.memref_slice %arg8[%dma_wait3A_3310, %dma_wait3A_3311, %dma_wait3A_3315] : memref<8x4x64xi32, #tpu.memory_space<vmem>> -> memref<1x1x64xi32, #tpu.memory_space<vmem>>
    %dma_wait3A_3317 = tpu.memref_squeeze %dma_wait3A_3316 : memref<1x1x64xi32, #tpu.memory_space<vmem>> -> memref<64xi32, #tpu.memory_space<vmem>>
    %dma_wait3A_3318 = arith.constant 0 : i32
    %dma_wait3A_3319 = arith.constant 0 : i32
    %dma_wait3A_3320 = tpu.memref_slice %arg5[%dma_wait3A_3318, %dma_wait3A_3319] : memref<65536x128xf32, #tpu.memory_space<hbm>> -> memref<65536x128xf32, #tpu.memory_space<hbm>>
    tpu.wait_indirect_dma semaphore(%arg16 : memref<!tpu.dma_semaphore, #tpu.memory_space<semaphore_mem>>) src(%dma_wait3A_3314 : memref<64x128xf32, #tpu.memory_space<vmem>>) dst(%dma_wait3A_3320 : memref<65536x128xf32, #tpu.memory_space<hbm>>)
    %dma_wait3A_3321 = arith.constant 4 : i32
    %dma_wait3A_3322 = arith.constant 1 : i32
    %dma_wait3A_3323 = arith.constant 0 : i32
    %dma_wait3A_3324 = arith.constant 128 : i32
    %dma_wait3A_3325 = tpu.memref_slice %arg10[%dma_wait3A_3323, %dma_wait3A_3324] : memref<64x512xf32, #tpu.memory_space<vmem>> -> memref<64x128xf32, #tpu.memory_space<vmem>>
    %dma_wait3A_3326 = arith.constant 0 : i32
    %dma_wait3A_3327 = tpu.memref_slice %arg8[%dma_wait3A_3321, %dma_wait3A_3322, %dma_wait3A_3326] : memref<8x4x64xi32, #tpu.memory_space<vmem>> -> memref<1x1x64xi32, #tpu.memory_space<vmem>>
    %dma_wait3A_3328 = tpu.memref_squeeze %dma_wait3A_3327 : memref<1x1x64xi32, #tpu.memory_space<vmem>> -> memref<64xi32, #tpu.memory_space<vmem>>
    %dma_wait3A_3329 = arith.constant 0 : i32
    %dma_wait3A_3330 = arith.constant 0 : i32
    %dma_wait3A_3331 = tpu.memref_slice %arg5[%dma_wait3A_3329, %dma_wait3A_3330] : memref<65536x128xf32, #tpu.memory_space<hbm>> -> memref<65536x128xf32, #tpu.memory_space<hbm>>
    tpu.wait_indirect_dma semaphore(%arg16 : memref<!tpu.dma_semaphore, #tpu.memory_space<semaphore_mem>>) src(%dma_wait3A_3325 : memref<64x128xf32, #tpu.memory_space<vmem>>) dst(%dma_wait3A_3331 : memref<65536x128xf32, #tpu.memory_space<hbm>>)
    %dma_wait3A_3332 = arith.constant 4 : i32
    %dma_wait3A_3333 = arith.constant 2 : i32
    %dma_wait3A_3334 = arith.constant 0 : i32
    %dma_wait3A_3335 = arith.constant 256 : i32
    %dma_wait3A_3336 = tpu.memref_slice %arg10[%dma_wait3A_3334, %dma_wait3A_3335] : memref<64x512xf32, #tpu.memory_space<vmem>> -> memref<64x128xf32, #tpu.memory_space<vmem>>
    %dma_wait3A_3337 = arith.constant 0 : i32
    %dma_wait3A_3338 = tpu.memref_slice %arg8[%dma_wait3A_3332, %dma_wait3A_3333, %dma_wait3A_3337] : memref<8x4x64xi32, #tpu.memory_space<vmem>> -> memref<1x1x64xi32, #tpu.memory_space<vmem>>
    %dma_wait3A_3339 = tpu.memref_squeeze %dma_wait3A_3338 : memref<1x1x64xi32, #tpu.memory_space<vmem>> -> memref<64xi32, #tpu.memory_space<vmem>>
    %dma_wait3A_3340 = arith.constant 0 : i32
    %dma_wait3A_3341 = arith.constant 0 : i32
    %dma_wait3A_3342 = tpu.memref_slice %arg5[%dma_wait3A_3340, %dma_wait3A_3341] : memref<65536x128xf32, #tpu.memory_space<hbm>> -> memref<65536x128xf32, #tpu.memory_space<hbm>>
    tpu.wait_indirect_dma semaphore(%arg16 : memref<!tpu.dma_semaphore, #tpu.memory_space<semaphore_mem>>) src(%dma_wait3A_3336 : memref<64x128xf32, #tpu.memory_space<vmem>>) dst(%dma_wait3A_3342 : memref<65536x128xf32, #tpu.memory_space<hbm>>)
    %dma_wait3A_3343 = arith.constant 4 : i32
    %dma_wait3A_3344 = arith.constant 3 : i32
    %dma_wait3A_3345 = arith.constant 0 : i32
    %dma_wait3A_3346 = arith.constant 384 : i32
    %dma_wait3A_3347 = tpu.memref_slice %arg10[%dma_wait3A_3345, %dma_wait3A_3346] : memref<64x512xf32, #tpu.memory_space<vmem>> -> memref<64x128xf32, #tpu.memory_space<vmem>>
    %dma_wait3A_3348 = arith.constant 0 : i32
    %dma_wait3A_3349 = tpu.memref_slice %arg8[%dma_wait3A_3343, %dma_wait3A_3344, %dma_wait3A_3348] : memref<8x4x64xi32, #tpu.memory_space<vmem>> -> memref<1x1x64xi32, #tpu.memory_space<vmem>>
    %dma_wait3A_3350 = tpu.memref_squeeze %dma_wait3A_3349 : memref<1x1x64xi32, #tpu.memory_space<vmem>> -> memref<64xi32, #tpu.memory_space<vmem>>
    %dma_wait3A_3351 = arith.constant 0 : i32
    %dma_wait3A_3352 = arith.constant 0 : i32
    %dma_wait3A_3353 = tpu.memref_slice %arg5[%dma_wait3A_3351, %dma_wait3A_3352] : memref<65536x128xf32, #tpu.memory_space<hbm>> -> memref<65536x128xf32, #tpu.memory_space<hbm>>
    tpu.wait_indirect_dma semaphore(%arg16 : memref<!tpu.dma_semaphore, #tpu.memory_space<semaphore_mem>>) src(%dma_wait3A_3347 : memref<64x128xf32, #tpu.memory_space<vmem>>) dst(%dma_wait3A_3353 : memref<65536x128xf32, #tpu.memory_space<hbm>>)
    %dma_wait3A_3354 = arith.constant 0 : i32
    %dma_wait3A_3355 = tpu.memref_slice %arg6[%add3A_3187, %dma_wait3A_3354] : memref<16384x128xf32, #tpu.memory_space<hbm>> -> memref<64x128xf32, #tpu.memory_space<hbm>>
    %dma_wait3A_3356 = arith.constant 0 : i32
    %dma_wait3A_3357 = tpu.memref_slice %arg6[%add3A_3187, %dma_wait3A_3356] : memref<16384x128xf32, #tpu.memory_space<hbm>> -> memref<64x128xf32, #tpu.memory_space<hbm>>
    tpu.wait_dma2 semaphore(%arg16 : memref<!tpu.dma_semaphore, #tpu.memory_space<semaphore_mem>>) src(%arg13 : memref<64x128xf32, #tpu.memory_space<vmem>>) dst(%dma_wait3A_3357 : memref<64x128xf32, #tpu.memory_space<hbm>>)
    %dma_start3A_3358 = arith.constant 448 : i32
    %dma_start3A_3359 = tpu.memref_slice %arg7[%dma_start3A_3358] : memref<512xi32, #tpu.memory_space<vmem>> -> memref<64xi32, #tpu.memory_space<vmem>>
    %dma_start3A_3360 = arith.constant 0 : i32
    %dma_start3A_3361 = arith.constant 0 : i32
    %dma_start3A_3362 = tpu.memref_slice %arg2[%dma_start3A_3360, %dma_start3A_3361] : memref<65536x576xf32, #tpu.memory_space<hbm>> -> memref<65536x512xf32, #tpu.memory_space<hbm>>
    tpu.enqueue_indirect_dma source(%dma_start3A_3362 : memref<65536x512xf32, #tpu.memory_space<hbm>>) target(%arg10 : memref<64x512xf32, #tpu.memory_space<vmem>>) offsets(%dma_start3A_3359 : memref<64xi32, #tpu.memory_space<vmem>>) semaphore(%arg15 : memref<!tpu.dma_semaphore, #tpu.memory_space<semaphore_mem>>)
    %dma_start3A_3363 = arith.constant 448 : i32
    %dma_start3A_3364 = tpu.memref_slice %arg7[%dma_start3A_3363] : memref<512xi32, #tpu.memory_space<vmem>> -> memref<64xi32, #tpu.memory_space<vmem>>
    %dma_start3A_3365 = arith.constant 0 : i32
    %dma_start3A_3366 = arith.constant 0 : i32
    %dma_start3A_3367 = tpu.memref_slice %arg3[%dma_start3A_3365, %dma_start3A_3366] : memref<65536x128xf32, #tpu.memory_space<hbm>> -> memref<65536x128xf32, #tpu.memory_space<hbm>>
    tpu.enqueue_indirect_dma source(%dma_start3A_3367 : memref<65536x128xf32, #tpu.memory_space<hbm>>) target(%arg13 : memref<64x128xf32, #tpu.memory_space<vmem>>) offsets(%dma_start3A_3364 : memref<64xi32, #tpu.memory_space<vmem>>) semaphore(%arg15 : memref<!tpu.dma_semaphore, #tpu.memory_space<semaphore_mem>>)
    %dma_wait3A_3368 = arith.constant 384 : i32
    %dma_wait3A_3369 = tpu.memref_slice %arg7[%dma_wait3A_3368] : memref<512xi32, #tpu.memory_space<vmem>> -> memref<64xi32, #tpu.memory_space<vmem>>
    %dma_wait3A_3370 = arith.constant 0 : i32
    %dma_wait3A_3371 = arith.constant 0 : i32
    %dma_wait3A_3372 = tpu.memref_slice %arg2[%dma_wait3A_3370, %dma_wait3A_3371] : memref<65536x576xf32, #tpu.memory_space<hbm>> -> memref<65536x512xf32, #tpu.memory_space<hbm>>
    tpu.wait_indirect_dma semaphore(%arg15 : memref<!tpu.dma_semaphore, #tpu.memory_space<semaphore_mem>>) src(%dma_wait3A_3372 : memref<65536x512xf32, #tpu.memory_space<hbm>>) dst(%arg9 : memref<64x512xf32, #tpu.memory_space<vmem>>)
    %dma_wait3A_3373 = arith.constant 384 : i32
    %dma_wait3A_3374 = tpu.memref_slice %arg7[%dma_wait3A_3373] : memref<512xi32, #tpu.memory_space<vmem>> -> memref<64xi32, #tpu.memory_space<vmem>>
    %dma_wait3A_3375 = arith.constant 0 : i32
    %dma_wait3A_3376 = arith.constant 0 : i32
    %dma_wait3A_3377 = tpu.memref_slice %arg3[%dma_wait3A_3375, %dma_wait3A_3376] : memref<65536x128xf32, #tpu.memory_space<hbm>> -> memref<65536x128xf32, #tpu.memory_space<hbm>>
    tpu.wait_indirect_dma semaphore(%arg15 : memref<!tpu.dma_semaphore, #tpu.memory_space<semaphore_mem>>) src(%dma_wait3A_3377 : memref<65536x128xf32, #tpu.memory_space<hbm>>) dst(%arg12 : memref<64x128xf32, #tpu.memory_space<vmem>>)
    %dma_start3A_3378 = arith.constant 6 : i32
    %dma_start3A_3379 = arith.constant 0 : i32
    %dma_start3A_3380 = arith.constant 0 : i32
    %dma_start3A_3381 = arith.constant 0 : i32
    %dma_start3A_3382 = tpu.memref_slice %arg9[%dma_start3A_3380, %dma_start3A_3381] : memref<64x512xf32, #tpu.memory_space<vmem>> -> memref<64x128xf32, #tpu.memory_space<vmem>>
    %dma_start3A_3383 = arith.constant 0 : i32
    %dma_start3A_3384 = tpu.memref_slice %arg8[%dma_start3A_3378, %dma_start3A_3379, %dma_start3A_3383] : memref<8x4x64xi32, #tpu.memory_space<vmem>> -> memref<1x1x64xi32, #tpu.memory_space<vmem>>
    %dma_start3A_3385 = tpu.memref_squeeze %dma_start3A_3384 : memref<1x1x64xi32, #tpu.memory_space<vmem>> -> memref<64xi32, #tpu.memory_space<vmem>>
    %dma_start3A_3386 = arith.constant 0 : i32
    %dma_start3A_3387 = arith.constant 0 : i32
    %dma_start3A_3388 = tpu.memref_slice %arg5[%dma_start3A_3386, %dma_start3A_3387] : memref<65536x128xf32, #tpu.memory_space<hbm>> -> memref<65536x128xf32, #tpu.memory_space<hbm>>
    tpu.enqueue_indirect_dma source(%dma_start3A_3382 : memref<64x128xf32, #tpu.memory_space<vmem>>) target(%dma_start3A_3388 : memref<65536x128xf32, #tpu.memory_space<hbm>>) offsets(%dma_start3A_3385 : memref<64xi32, #tpu.memory_space<vmem>>) semaphore(%arg16 : memref<!tpu.dma_semaphore, #tpu.memory_space<semaphore_mem>>)
    %dma_start3A_3389 = arith.constant 6 : i32
    %dma_start3A_3390 = arith.constant 1 : i32
    %dma_start3A_3391 = arith.constant 0 : i32
    %dma_start3A_3392 = arith.constant 128 : i32
    %dma_start3A_3393 = tpu.memref_slice %arg9[%dma_start3A_3391, %dma_start3A_3392] : memref<64x512xf32, #tpu.memory_space<vmem>> -> memref<64x128xf32, #tpu.memory_space<vmem>>
    %dma_start3A_3394 = arith.constant 0 : i32
    %dma_start3A_3395 = tpu.memref_slice %arg8[%dma_start3A_3389, %dma_start3A_3390, %dma_start3A_3394] : memref<8x4x64xi32, #tpu.memory_space<vmem>> -> memref<1x1x64xi32, #tpu.memory_space<vmem>>
    %dma_start3A_3396 = tpu.memref_squeeze %dma_start3A_3395 : memref<1x1x64xi32, #tpu.memory_space<vmem>> -> memref<64xi32, #tpu.memory_space<vmem>>
    %dma_start3A_3397 = arith.constant 0 : i32
    %dma_start3A_3398 = arith.constant 0 : i32
    %dma_start3A_3399 = tpu.memref_slice %arg5[%dma_start3A_3397, %dma_start3A_3398] : memref<65536x128xf32, #tpu.memory_space<hbm>> -> memref<65536x128xf32, #tpu.memory_space<hbm>>
    tpu.enqueue_indirect_dma source(%dma_start3A_3393 : memref<64x128xf32, #tpu.memory_space<vmem>>) target(%dma_start3A_3399 : memref<65536x128xf32, #tpu.memory_space<hbm>>) offsets(%dma_start3A_3396 : memref<64xi32, #tpu.memory_space<vmem>>) semaphore(%arg16 : memref<!tpu.dma_semaphore, #tpu.memory_space<semaphore_mem>>)
    %dma_start3A_3400 = arith.constant 6 : i32
    %dma_start3A_3401 = arith.constant 2 : i32
    %dma_start3A_3402 = arith.constant 0 : i32
    %dma_start3A_3403 = arith.constant 256 : i32
    %dma_start3A_3404 = tpu.memref_slice %arg9[%dma_start3A_3402, %dma_start3A_3403] : memref<64x512xf32, #tpu.memory_space<vmem>> -> memref<64x128xf32, #tpu.memory_space<vmem>>
    %dma_start3A_3405 = arith.constant 0 : i32
    %dma_start3A_3406 = tpu.memref_slice %arg8[%dma_start3A_3400, %dma_start3A_3401, %dma_start3A_3405] : memref<8x4x64xi32, #tpu.memory_space<vmem>> -> memref<1x1x64xi32, #tpu.memory_space<vmem>>
    %dma_start3A_3407 = tpu.memref_squeeze %dma_start3A_3406 : memref<1x1x64xi32, #tpu.memory_space<vmem>> -> memref<64xi32, #tpu.memory_space<vmem>>
    %dma_start3A_3408 = arith.constant 0 : i32
    %dma_start3A_3409 = arith.constant 0 : i32
    %dma_start3A_3410 = tpu.memref_slice %arg5[%dma_start3A_3408, %dma_start3A_3409] : memref<65536x128xf32, #tpu.memory_space<hbm>> -> memref<65536x128xf32, #tpu.memory_space<hbm>>
    tpu.enqueue_indirect_dma source(%dma_start3A_3404 : memref<64x128xf32, #tpu.memory_space<vmem>>) target(%dma_start3A_3410 : memref<65536x128xf32, #tpu.memory_space<hbm>>) offsets(%dma_start3A_3407 : memref<64xi32, #tpu.memory_space<vmem>>) semaphore(%arg16 : memref<!tpu.dma_semaphore, #tpu.memory_space<semaphore_mem>>)
    %dma_start3A_3411 = arith.constant 6 : i32
    %dma_start3A_3412 = arith.constant 3 : i32
    %dma_start3A_3413 = arith.constant 0 : i32
    %dma_start3A_3414 = arith.constant 384 : i32
    %dma_start3A_3415 = tpu.memref_slice %arg9[%dma_start3A_3413, %dma_start3A_3414] : memref<64x512xf32, #tpu.memory_space<vmem>> -> memref<64x128xf32, #tpu.memory_space<vmem>>
    %dma_start3A_3416 = arith.constant 0 : i32
    %dma_start3A_3417 = tpu.memref_slice %arg8[%dma_start3A_3411, %dma_start3A_3412, %dma_start3A_3416] : memref<8x4x64xi32, #tpu.memory_space<vmem>> -> memref<1x1x64xi32, #tpu.memory_space<vmem>>
    %dma_start3A_3418 = tpu.memref_squeeze %dma_start3A_3417 : memref<1x1x64xi32, #tpu.memory_space<vmem>> -> memref<64xi32, #tpu.memory_space<vmem>>
    %dma_start3A_3419 = arith.constant 0 : i32
    %dma_start3A_3420 = arith.constant 0 : i32
    %dma_start3A_3421 = tpu.memref_slice %arg5[%dma_start3A_3419, %dma_start3A_3420] : memref<65536x128xf32, #tpu.memory_space<hbm>> -> memref<65536x128xf32, #tpu.memory_space<hbm>>
    tpu.enqueue_indirect_dma source(%dma_start3A_3415 : memref<64x128xf32, #tpu.memory_space<vmem>>) target(%dma_start3A_3421 : memref<65536x128xf32, #tpu.memory_space<hbm>>) offsets(%dma_start3A_3418 : memref<64xi32, #tpu.memory_space<vmem>>) semaphore(%arg16 : memref<!tpu.dma_semaphore, #tpu.memory_space<semaphore_mem>>)
    %add3A_3422 = arith.constant 384 : i32
    %add3A_3423 = arith.addi %mul3A_2, %add3A_3422 : i32
    %dma_start3A_3424 = arith.constant 0 : i32
    %dma_start3A_3425 = tpu.memref_slice %arg6[%add3A_3423, %dma_start3A_3424] : memref<16384x128xf32, #tpu.memory_space<hbm>> -> memref<64x128xf32, #tpu.memory_space<hbm>>
    %dma_start3A_3426 = arith.constant 0 : i32
    %dma_start3A_3427 = tpu.memref_slice %arg6[%add3A_3423, %dma_start3A_3426] : memref<16384x128xf32, #tpu.memory_space<hbm>> -> memref<64x128xf32, #tpu.memory_space<hbm>>
    tpu.enqueue_dma source(%arg12 : memref<64x128xf32, #tpu.memory_space<vmem>>) target(%dma_start3A_3427 : memref<64x128xf32, #tpu.memory_space<hbm>>) target_semaphore(%arg16 : memref<!tpu.dma_semaphore, #tpu.memory_space<semaphore_mem>>)
    %dma_wait3A_3428 = arith.constant 448 : i32
    %dma_wait3A_3429 = tpu.memref_slice %arg7[%dma_wait3A_3428] : memref<512xi32, #tpu.memory_space<vmem>> -> memref<64xi32, #tpu.memory_space<vmem>>
    %dma_wait3A_3430 = arith.constant 0 : i32
    %dma_wait3A_3431 = arith.constant 0 : i32
    %dma_wait3A_3432 = tpu.memref_slice %arg2[%dma_wait3A_3430, %dma_wait3A_3431] : memref<65536x576xf32, #tpu.memory_space<hbm>> -> memref<65536x512xf32, #tpu.memory_space<hbm>>
    tpu.wait_indirect_dma semaphore(%arg15 : memref<!tpu.dma_semaphore, #tpu.memory_space<semaphore_mem>>) src(%dma_wait3A_3432 : memref<65536x512xf32, #tpu.memory_space<hbm>>) dst(%arg10 : memref<64x512xf32, #tpu.memory_space<vmem>>)
    %dma_wait3A_3433 = arith.constant 448 : i32
    %dma_wait3A_3434 = tpu.memref_slice %arg7[%dma_wait3A_3433] : memref<512xi32, #tpu.memory_space<vmem>> -> memref<64xi32, #tpu.memory_space<vmem>>
    %dma_wait3A_3435 = arith.constant 0 : i32
    %dma_wait3A_3436 = arith.constant 0 : i32
    %dma_wait3A_3437 = tpu.memref_slice %arg3[%dma_wait3A_3435, %dma_wait3A_3436] : memref<65536x128xf32, #tpu.memory_space<hbm>> -> memref<65536x128xf32, #tpu.memory_space<hbm>>
    tpu.wait_indirect_dma semaphore(%arg15 : memref<!tpu.dma_semaphore, #tpu.memory_space<semaphore_mem>>) src(%dma_wait3A_3437 : memref<65536x128xf32, #tpu.memory_space<hbm>>) dst(%arg13 : memref<64x128xf32, #tpu.memory_space<vmem>>)
    %dma_start3A_3438 = arith.constant 7 : i32
    %dma_start3A_3439 = arith.constant 0 : i32
    %dma_start3A_3440 = arith.constant 0 : i32
    %dma_start3A_3441 = arith.constant 0 : i32
    %dma_start3A_3442 = tpu.memref_slice %arg10[%dma_start3A_3440, %dma_start3A_3441] : memref<64x512xf32, #tpu.memory_space<vmem>> -> memref<64x128xf32, #tpu.memory_space<vmem>>
    %dma_start3A_3443 = arith.constant 0 : i32
    %dma_start3A_3444 = tpu.memref_slice %arg8[%dma_start3A_3438, %dma_start3A_3439, %dma_start3A_3443] : memref<8x4x64xi32, #tpu.memory_space<vmem>> -> memref<1x1x64xi32, #tpu.memory_space<vmem>>
    %dma_start3A_3445 = tpu.memref_squeeze %dma_start3A_3444 : memref<1x1x64xi32, #tpu.memory_space<vmem>> -> memref<64xi32, #tpu.memory_space<vmem>>
    %dma_start3A_3446 = arith.constant 0 : i32
    %dma_start3A_3447 = arith.constant 0 : i32
    %dma_start3A_3448 = tpu.memref_slice %arg5[%dma_start3A_3446, %dma_start3A_3447] : memref<65536x128xf32, #tpu.memory_space<hbm>> -> memref<65536x128xf32, #tpu.memory_space<hbm>>
    tpu.enqueue_indirect_dma source(%dma_start3A_3442 : memref<64x128xf32, #tpu.memory_space<vmem>>) target(%dma_start3A_3448 : memref<65536x128xf32, #tpu.memory_space<hbm>>) offsets(%dma_start3A_3445 : memref<64xi32, #tpu.memory_space<vmem>>) semaphore(%arg16 : memref<!tpu.dma_semaphore, #tpu.memory_space<semaphore_mem>>)
    %dma_start3A_3449 = arith.constant 7 : i32
    %dma_start3A_3450 = arith.constant 1 : i32
    %dma_start3A_3451 = arith.constant 0 : i32
    %dma_start3A_3452 = arith.constant 128 : i32
    %dma_start3A_3453 = tpu.memref_slice %arg10[%dma_start3A_3451, %dma_start3A_3452] : memref<64x512xf32, #tpu.memory_space<vmem>> -> memref<64x128xf32, #tpu.memory_space<vmem>>
    %dma_start3A_3454 = arith.constant 0 : i32
    %dma_start3A_3455 = tpu.memref_slice %arg8[%dma_start3A_3449, %dma_start3A_3450, %dma_start3A_3454] : memref<8x4x64xi32, #tpu.memory_space<vmem>> -> memref<1x1x64xi32, #tpu.memory_space<vmem>>
    %dma_start3A_3456 = tpu.memref_squeeze %dma_start3A_3455 : memref<1x1x64xi32, #tpu.memory_space<vmem>> -> memref<64xi32, #tpu.memory_space<vmem>>
    %dma_start3A_3457 = arith.constant 0 : i32
    %dma_start3A_3458 = arith.constant 0 : i32
    %dma_start3A_3459 = tpu.memref_slice %arg5[%dma_start3A_3457, %dma_start3A_3458] : memref<65536x128xf32, #tpu.memory_space<hbm>> -> memref<65536x128xf32, #tpu.memory_space<hbm>>
    tpu.enqueue_indirect_dma source(%dma_start3A_3453 : memref<64x128xf32, #tpu.memory_space<vmem>>) target(%dma_start3A_3459 : memref<65536x128xf32, #tpu.memory_space<hbm>>) offsets(%dma_start3A_3456 : memref<64xi32, #tpu.memory_space<vmem>>) semaphore(%arg16 : memref<!tpu.dma_semaphore, #tpu.memory_space<semaphore_mem>>)
    %dma_start3A_3460 = arith.constant 7 : i32
    %dma_start3A_3461 = arith.constant 2 : i32
    %dma_start3A_3462 = arith.constant 0 : i32
    %dma_start3A_3463 = arith.constant 256 : i32
    %dma_start3A_3464 = tpu.memref_slice %arg10[%dma_start3A_3462, %dma_start3A_3463] : memref<64x512xf32, #tpu.memory_space<vmem>> -> memref<64x128xf32, #tpu.memory_space<vmem>>
    %dma_start3A_3465 = arith.constant 0 : i32
    %dma_start3A_3466 = tpu.memref_slice %arg8[%dma_start3A_3460, %dma_start3A_3461, %dma_start3A_3465] : memref<8x4x64xi32, #tpu.memory_space<vmem>> -> memref<1x1x64xi32, #tpu.memory_space<vmem>>
    %dma_start3A_3467 = tpu.memref_squeeze %dma_start3A_3466 : memref<1x1x64xi32, #tpu.memory_space<vmem>> -> memref<64xi32, #tpu.memory_space<vmem>>
    %dma_start3A_3468 = arith.constant 0 : i32
    %dma_start3A_3469 = arith.constant 0 : i32
    %dma_start3A_3470 = tpu.memref_slice %arg5[%dma_start3A_3468, %dma_start3A_3469] : memref<65536x128xf32, #tpu.memory_space<hbm>> -> memref<65536x128xf32, #tpu.memory_space<hbm>>
    tpu.enqueue_indirect_dma source(%dma_start3A_3464 : memref<64x128xf32, #tpu.memory_space<vmem>>) target(%dma_start3A_3470 : memref<65536x128xf32, #tpu.memory_space<hbm>>) offsets(%dma_start3A_3467 : memref<64xi32, #tpu.memory_space<vmem>>) semaphore(%arg16 : memref<!tpu.dma_semaphore, #tpu.memory_space<semaphore_mem>>)
    %dma_start3A_3471 = arith.constant 7 : i32
    %dma_start3A_3472 = arith.constant 3 : i32
    %dma_start3A_3473 = arith.constant 0 : i32
    %dma_start3A_3474 = arith.constant 384 : i32
    %dma_start3A_3475 = tpu.memref_slice %arg10[%dma_start3A_3473, %dma_start3A_3474] : memref<64x512xf32, #tpu.memory_space<vmem>> -> memref<64x128xf32, #tpu.memory_space<vmem>>
    %dma_start3A_3476 = arith.constant 0 : i32
    %dma_start3A_3477 = tpu.memref_slice %arg8[%dma_start3A_3471, %dma_start3A_3472, %dma_start3A_3476] : memref<8x4x64xi32, #tpu.memory_space<vmem>> -> memref<1x1x64xi32, #tpu.memory_space<vmem>>
    %dma_start3A_3478 = tpu.memref_squeeze %dma_start3A_3477 : memref<1x1x64xi32, #tpu.memory_space<vmem>> -> memref<64xi32, #tpu.memory_space<vmem>>
    %dma_start3A_3479 = arith.constant 0 : i32
    %dma_start3A_3480 = arith.constant 0 : i32
    %dma_start3A_3481 = tpu.memref_slice %arg5[%dma_start3A_3479, %dma_start3A_3480] : memref<65536x128xf32, #tpu.memory_space<hbm>> -> memref<65536x128xf32, #tpu.memory_space<hbm>>
    tpu.enqueue_indirect_dma source(%dma_start3A_3475 : memref<64x128xf32, #tpu.memory_space<vmem>>) target(%dma_start3A_3481 : memref<65536x128xf32, #tpu.memory_space<hbm>>) offsets(%dma_start3A_3478 : memref<64xi32, #tpu.memory_space<vmem>>) semaphore(%arg16 : memref<!tpu.dma_semaphore, #tpu.memory_space<semaphore_mem>>)
    %add3A_3482 = arith.constant 448 : i32
    %add3A_3483 = arith.addi %mul3A_2, %add3A_3482 : i32
    %dma_start3A_3484 = arith.constant 0 : i32
    %dma_start3A_3485 = tpu.memref_slice %arg6[%add3A_3483, %dma_start3A_3484] : memref<16384x128xf32, #tpu.memory_space<hbm>> -> memref<64x128xf32, #tpu.memory_space<hbm>>
    %dma_start3A_3486 = arith.constant 0 : i32
    %dma_start3A_3487 = tpu.memref_slice %arg6[%add3A_3483, %dma_start3A_3486] : memref<16384x128xf32, #tpu.memory_space<hbm>> -> memref<64x128xf32, #tpu.memory_space<hbm>>
    tpu.enqueue_dma source(%arg13 : memref<64x128xf32, #tpu.memory_space<vmem>>) target(%dma_start3A_3487 : memref<64x128xf32, #tpu.memory_space<hbm>>) target_semaphore(%arg16 : memref<!tpu.dma_semaphore, #tpu.memory_space<semaphore_mem>>)
    %dma_wait3A_3488 = arith.constant 5 : i32
    %dma_wait3A_3489 = arith.constant 0 : i32
    %dma_wait3A_3490 = arith.constant 0 : i32
    %dma_wait3A_3491 = arith.constant 0 : i32
    %dma_wait3A_3492 = tpu.memref_slice %arg11[%dma_wait3A_3490, %dma_wait3A_3491] : memref<64x512xf32, #tpu.memory_space<vmem>> -> memref<64x128xf32, #tpu.memory_space<vmem>>
    %dma_wait3A_3493 = arith.constant 0 : i32
    %dma_wait3A_3494 = tpu.memref_slice %arg8[%dma_wait3A_3488, %dma_wait3A_3489, %dma_wait3A_3493] : memref<8x4x64xi32, #tpu.memory_space<vmem>> -> memref<1x1x64xi32, #tpu.memory_space<vmem>>
    %dma_wait3A_3495 = tpu.memref_squeeze %dma_wait3A_3494 : memref<1x1x64xi32, #tpu.memory_space<vmem>> -> memref<64xi32, #tpu.memory_space<vmem>>
    %dma_wait3A_3496 = arith.constant 0 : i32
    %dma_wait3A_3497 = arith.constant 0 : i32
    %dma_wait3A_3498 = tpu.memref_slice %arg5[%dma_wait3A_3496, %dma_wait3A_3497] : memref<65536x128xf32, #tpu.memory_space<hbm>> -> memref<65536x128xf32, #tpu.memory_space<hbm>>
    tpu.wait_indirect_dma semaphore(%arg16 : memref<!tpu.dma_semaphore, #tpu.memory_space<semaphore_mem>>) src(%dma_wait3A_3492 : memref<64x128xf32, #tpu.memory_space<vmem>>) dst(%dma_wait3A_3498 : memref<65536x128xf32, #tpu.memory_space<hbm>>)
    %dma_wait3A_3499 = arith.constant 5 : i32
    %dma_wait3A_3500 = arith.constant 1 : i32
    %dma_wait3A_3501 = arith.constant 0 : i32
    %dma_wait3A_3502 = arith.constant 128 : i32
    %dma_wait3A_3503 = tpu.memref_slice %arg11[%dma_wait3A_3501, %dma_wait3A_3502] : memref<64x512xf32, #tpu.memory_space<vmem>> -> memref<64x128xf32, #tpu.memory_space<vmem>>
    %dma_wait3A_3504 = arith.constant 0 : i32
    %dma_wait3A_3505 = tpu.memref_slice %arg8[%dma_wait3A_3499, %dma_wait3A_3500, %dma_wait3A_3504] : memref<8x4x64xi32, #tpu.memory_space<vmem>> -> memref<1x1x64xi32, #tpu.memory_space<vmem>>
    %dma_wait3A_3506 = tpu.memref_squeeze %dma_wait3A_3505 : memref<1x1x64xi32, #tpu.memory_space<vmem>> -> memref<64xi32, #tpu.memory_space<vmem>>
    %dma_wait3A_3507 = arith.constant 0 : i32
    %dma_wait3A_3508 = arith.constant 0 : i32
    %dma_wait3A_3509 = tpu.memref_slice %arg5[%dma_wait3A_3507, %dma_wait3A_3508] : memref<65536x128xf32, #tpu.memory_space<hbm>> -> memref<65536x128xf32, #tpu.memory_space<hbm>>
    tpu.wait_indirect_dma semaphore(%arg16 : memref<!tpu.dma_semaphore, #tpu.memory_space<semaphore_mem>>) src(%dma_wait3A_3503 : memref<64x128xf32, #tpu.memory_space<vmem>>) dst(%dma_wait3A_3509 : memref<65536x128xf32, #tpu.memory_space<hbm>>)
    %dma_wait3A_3510 = arith.constant 5 : i32
    %dma_wait3A_3511 = arith.constant 2 : i32
    %dma_wait3A_3512 = arith.constant 0 : i32
    %dma_wait3A_3513 = arith.constant 256 : i32
    %dma_wait3A_3514 = tpu.memref_slice %arg11[%dma_wait3A_3512, %dma_wait3A_3513] : memref<64x512xf32, #tpu.memory_space<vmem>> -> memref<64x128xf32, #tpu.memory_space<vmem>>
    %dma_wait3A_3515 = arith.constant 0 : i32
    %dma_wait3A_3516 = tpu.memref_slice %arg8[%dma_wait3A_3510, %dma_wait3A_3511, %dma_wait3A_3515] : memref<8x4x64xi32, #tpu.memory_space<vmem>> -> memref<1x1x64xi32, #tpu.memory_space<vmem>>
    %dma_wait3A_3517 = tpu.memref_squeeze %dma_wait3A_3516 : memref<1x1x64xi32, #tpu.memory_space<vmem>> -> memref<64xi32, #tpu.memory_space<vmem>>
    %dma_wait3A_3518 = arith.constant 0 : i32
    %dma_wait3A_3519 = arith.constant 0 : i32
    %dma_wait3A_3520 = tpu.memref_slice %arg5[%dma_wait3A_3518, %dma_wait3A_3519] : memref<65536x128xf32, #tpu.memory_space<hbm>> -> memref<65536x128xf32, #tpu.memory_space<hbm>>
    tpu.wait_indirect_dma semaphore(%arg16 : memref<!tpu.dma_semaphore, #tpu.memory_space<semaphore_mem>>) src(%dma_wait3A_3514 : memref<64x128xf32, #tpu.memory_space<vmem>>) dst(%dma_wait3A_3520 : memref<65536x128xf32, #tpu.memory_space<hbm>>)
    %dma_wait3A_3521 = arith.constant 5 : i32
    %dma_wait3A_3522 = arith.constant 3 : i32
    %dma_wait3A_3523 = arith.constant 0 : i32
    %dma_wait3A_3524 = arith.constant 384 : i32
    %dma_wait3A_3525 = tpu.memref_slice %arg11[%dma_wait3A_3523, %dma_wait3A_3524] : memref<64x512xf32, #tpu.memory_space<vmem>> -> memref<64x128xf32, #tpu.memory_space<vmem>>
    %dma_wait3A_3526 = arith.constant 0 : i32
    %dma_wait3A_3527 = tpu.memref_slice %arg8[%dma_wait3A_3521, %dma_wait3A_3522, %dma_wait3A_3526] : memref<8x4x64xi32, #tpu.memory_space<vmem>> -> memref<1x1x64xi32, #tpu.memory_space<vmem>>
    %dma_wait3A_3528 = tpu.memref_squeeze %dma_wait3A_3527 : memref<1x1x64xi32, #tpu.memory_space<vmem>> -> memref<64xi32, #tpu.memory_space<vmem>>
    %dma_wait3A_3529 = arith.constant 0 : i32
    %dma_wait3A_3530 = arith.constant 0 : i32
    %dma_wait3A_3531 = tpu.memref_slice %arg5[%dma_wait3A_3529, %dma_wait3A_3530] : memref<65536x128xf32, #tpu.memory_space<hbm>> -> memref<65536x128xf32, #tpu.memory_space<hbm>>
    tpu.wait_indirect_dma semaphore(%arg16 : memref<!tpu.dma_semaphore, #tpu.memory_space<semaphore_mem>>) src(%dma_wait3A_3525 : memref<64x128xf32, #tpu.memory_space<vmem>>) dst(%dma_wait3A_3531 : memref<65536x128xf32, #tpu.memory_space<hbm>>)
    %dma_wait3A_3532 = arith.constant 0 : i32
    %dma_wait3A_3533 = tpu.memref_slice %arg6[%add3A_3305, %dma_wait3A_3532] : memref<16384x128xf32, #tpu.memory_space<hbm>> -> memref<64x128xf32, #tpu.memory_space<hbm>>
    %dma_wait3A_3534 = arith.constant 0 : i32
    %dma_wait3A_3535 = tpu.memref_slice %arg6[%add3A_3305, %dma_wait3A_3534] : memref<16384x128xf32, #tpu.memory_space<hbm>> -> memref<64x128xf32, #tpu.memory_space<hbm>>
    tpu.wait_dma2 semaphore(%arg16 : memref<!tpu.dma_semaphore, #tpu.memory_space<semaphore_mem>>) src(%arg14 : memref<64x128xf32, #tpu.memory_space<vmem>>) dst(%dma_wait3A_3535 : memref<64x128xf32, #tpu.memory_space<hbm>>)
    %dma_wait3A_3536 = arith.constant 6 : i32
    %dma_wait3A_3537 = arith.constant 0 : i32
    %dma_wait3A_3538 = arith.constant 0 : i32
    %dma_wait3A_3539 = arith.constant 0 : i32
    %dma_wait3A_3540 = tpu.memref_slice %arg9[%dma_wait3A_3538, %dma_wait3A_3539] : memref<64x512xf32, #tpu.memory_space<vmem>> -> memref<64x128xf32, #tpu.memory_space<vmem>>
    %dma_wait3A_3541 = arith.constant 0 : i32
    %dma_wait3A_3542 = tpu.memref_slice %arg8[%dma_wait3A_3536, %dma_wait3A_3537, %dma_wait3A_3541] : memref<8x4x64xi32, #tpu.memory_space<vmem>> -> memref<1x1x64xi32, #tpu.memory_space<vmem>>
    %dma_wait3A_3543 = tpu.memref_squeeze %dma_wait3A_3542 : memref<1x1x64xi32, #tpu.memory_space<vmem>> -> memref<64xi32, #tpu.memory_space<vmem>>
    %dma_wait3A_3544 = arith.constant 0 : i32
    %dma_wait3A_3545 = arith.constant 0 : i32
    %dma_wait3A_3546 = tpu.memref_slice %arg5[%dma_wait3A_3544, %dma_wait3A_3545] : memref<65536x128xf32, #tpu.memory_space<hbm>> -> memref<65536x128xf32, #tpu.memory_space<hbm>>
    tpu.wait_indirect_dma semaphore(%arg16 : memref<!tpu.dma_semaphore, #tpu.memory_space<semaphore_mem>>) src(%dma_wait3A_3540 : memref<64x128xf32, #tpu.memory_space<vmem>>) dst(%dma_wait3A_3546 : memref<65536x128xf32, #tpu.memory_space<hbm>>)
    %dma_wait3A_3547 = arith.constant 6 : i32
    %dma_wait3A_3548 = arith.constant 1 : i32
    %dma_wait3A_3549 = arith.constant 0 : i32
    %dma_wait3A_3550 = arith.constant 128 : i32
    %dma_wait3A_3551 = tpu.memref_slice %arg9[%dma_wait3A_3549, %dma_wait3A_3550] : memref<64x512xf32, #tpu.memory_space<vmem>> -> memref<64x128xf32, #tpu.memory_space<vmem>>
    %dma_wait3A_3552 = arith.constant 0 : i32
    %dma_wait3A_3553 = tpu.memref_slice %arg8[%dma_wait3A_3547, %dma_wait3A_3548, %dma_wait3A_3552] : memref<8x4x64xi32, #tpu.memory_space<vmem>> -> memref<1x1x64xi32, #tpu.memory_space<vmem>>
    %dma_wait3A_3554 = tpu.memref_squeeze %dma_wait3A_3553 : memref<1x1x64xi32, #tpu.memory_space<vmem>> -> memref<64xi32, #tpu.memory_space<vmem>>
    %dma_wait3A_3555 = arith.constant 0 : i32
    %dma_wait3A_3556 = arith.constant 0 : i32
    %dma_wait3A_3557 = tpu.memref_slice %arg5[%dma_wait3A_3555, %dma_wait3A_3556] : memref<65536x128xf32, #tpu.memory_space<hbm>> -> memref<65536x128xf32, #tpu.memory_space<hbm>>
    tpu.wait_indirect_dma semaphore(%arg16 : memref<!tpu.dma_semaphore, #tpu.memory_space<semaphore_mem>>) src(%dma_wait3A_3551 : memref<64x128xf32, #tpu.memory_space<vmem>>) dst(%dma_wait3A_3557 : memref<65536x128xf32, #tpu.memory_space<hbm>>)
    %dma_wait3A_3558 = arith.constant 6 : i32
    %dma_wait3A_3559 = arith.constant 2 : i32
    %dma_wait3A_3560 = arith.constant 0 : i32
    %dma_wait3A_3561 = arith.constant 256 : i32
    %dma_wait3A_3562 = tpu.memref_slice %arg9[%dma_wait3A_3560, %dma_wait3A_3561] : memref<64x512xf32, #tpu.memory_space<vmem>> -> memref<64x128xf32, #tpu.memory_space<vmem>>
    %dma_wait3A_3563 = arith.constant 0 : i32
    %dma_wait3A_3564 = tpu.memref_slice %arg8[%dma_wait3A_3558, %dma_wait3A_3559, %dma_wait3A_3563] : memref<8x4x64xi32, #tpu.memory_space<vmem>> -> memref<1x1x64xi32, #tpu.memory_space<vmem>>
    %dma_wait3A_3565 = tpu.memref_squeeze %dma_wait3A_3564 : memref<1x1x64xi32, #tpu.memory_space<vmem>> -> memref<64xi32, #tpu.memory_space<vmem>>
    %dma_wait3A_3566 = arith.constant 0 : i32
    %dma_wait3A_3567 = arith.constant 0 : i32
    %dma_wait3A_3568 = tpu.memref_slice %arg5[%dma_wait3A_3566, %dma_wait3A_3567] : memref<65536x128xf32, #tpu.memory_space<hbm>> -> memref<65536x128xf32, #tpu.memory_space<hbm>>
    tpu.wait_indirect_dma semaphore(%arg16 : memref<!tpu.dma_semaphore, #tpu.memory_space<semaphore_mem>>) src(%dma_wait3A_3562 : memref<64x128xf32, #tpu.memory_space<vmem>>) dst(%dma_wait3A_3568 : memref<65536x128xf32, #tpu.memory_space<hbm>>)
    %dma_wait3A_3569 = arith.constant 6 : i32
    %dma_wait3A_3570 = arith.constant 3 : i32
    %dma_wait3A_3571 = arith.constant 0 : i32
    %dma_wait3A_3572 = arith.constant 384 : i32
    %dma_wait3A_3573 = tpu.memref_slice %arg9[%dma_wait3A_3571, %dma_wait3A_3572] : memref<64x512xf32, #tpu.memory_space<vmem>> -> memref<64x128xf32, #tpu.memory_space<vmem>>
    %dma_wait3A_3574 = arith.constant 0 : i32
    %dma_wait3A_3575 = tpu.memref_slice %arg8[%dma_wait3A_3569, %dma_wait3A_3570, %dma_wait3A_3574] : memref<8x4x64xi32, #tpu.memory_space<vmem>> -> memref<1x1x64xi32, #tpu.memory_space<vmem>>
    %dma_wait3A_3576 = tpu.memref_squeeze %dma_wait3A_3575 : memref<1x1x64xi32, #tpu.memory_space<vmem>> -> memref<64xi32, #tpu.memory_space<vmem>>
    %dma_wait3A_3577 = arith.constant 0 : i32
    %dma_wait3A_3578 = arith.constant 0 : i32
    %dma_wait3A_3579 = tpu.memref_slice %arg5[%dma_wait3A_3577, %dma_wait3A_3578] : memref<65536x128xf32, #tpu.memory_space<hbm>> -> memref<65536x128xf32, #tpu.memory_space<hbm>>
    tpu.wait_indirect_dma semaphore(%arg16 : memref<!tpu.dma_semaphore, #tpu.memory_space<semaphore_mem>>) src(%dma_wait3A_3573 : memref<64x128xf32, #tpu.memory_space<vmem>>) dst(%dma_wait3A_3579 : memref<65536x128xf32, #tpu.memory_space<hbm>>)
    %dma_wait3A_3580 = arith.constant 0 : i32
    %dma_wait3A_3581 = tpu.memref_slice %arg6[%add3A_3423, %dma_wait3A_3580] : memref<16384x128xf32, #tpu.memory_space<hbm>> -> memref<64x128xf32, #tpu.memory_space<hbm>>
    %dma_wait3A_3582 = arith.constant 0 : i32
    %dma_wait3A_3583 = tpu.memref_slice %arg6[%add3A_3423, %dma_wait3A_3582] : memref<16384x128xf32, #tpu.memory_space<hbm>> -> memref<64x128xf32, #tpu.memory_space<hbm>>
    tpu.wait_dma2 semaphore(%arg16 : memref<!tpu.dma_semaphore, #tpu.memory_space<semaphore_mem>>) src(%arg12 : memref<64x128xf32, #tpu.memory_space<vmem>>) dst(%dma_wait3A_3583 : memref<64x128xf32, #tpu.memory_space<hbm>>)
    %dma_wait3A_3584 = arith.constant 7 : i32
    %dma_wait3A_3585 = arith.constant 0 : i32
    %dma_wait3A_3586 = arith.constant 0 : i32
    %dma_wait3A_3587 = arith.constant 0 : i32
    %dma_wait3A_3588 = tpu.memref_slice %arg10[%dma_wait3A_3586, %dma_wait3A_3587] : memref<64x512xf32, #tpu.memory_space<vmem>> -> memref<64x128xf32, #tpu.memory_space<vmem>>
    %dma_wait3A_3589 = arith.constant 0 : i32
    %dma_wait3A_3590 = tpu.memref_slice %arg8[%dma_wait3A_3584, %dma_wait3A_3585, %dma_wait3A_3589] : memref<8x4x64xi32, #tpu.memory_space<vmem>> -> memref<1x1x64xi32, #tpu.memory_space<vmem>>
    %dma_wait3A_3591 = tpu.memref_squeeze %dma_wait3A_3590 : memref<1x1x64xi32, #tpu.memory_space<vmem>> -> memref<64xi32, #tpu.memory_space<vmem>>
    %dma_wait3A_3592 = arith.constant 0 : i32
    %dma_wait3A_3593 = arith.constant 0 : i32
    %dma_wait3A_3594 = tpu.memref_slice %arg5[%dma_wait3A_3592, %dma_wait3A_3593] : memref<65536x128xf32, #tpu.memory_space<hbm>> -> memref<65536x128xf32, #tpu.memory_space<hbm>>
    tpu.wait_indirect_dma semaphore(%arg16 : memref<!tpu.dma_semaphore, #tpu.memory_space<semaphore_mem>>) src(%dma_wait3A_3588 : memref<64x128xf32, #tpu.memory_space<vmem>>) dst(%dma_wait3A_3594 : memref<65536x128xf32, #tpu.memory_space<hbm>>)
    %dma_wait3A_3595 = arith.constant 7 : i32
    %dma_wait3A_3596 = arith.constant 1 : i32
    %dma_wait3A_3597 = arith.constant 0 : i32
    %dma_wait3A_3598 = arith.constant 128 : i32
    %dma_wait3A_3599 = tpu.memref_slice %arg10[%dma_wait3A_3597, %dma_wait3A_3598] : memref<64x512xf32, #tpu.memory_space<vmem>> -> memref<64x128xf32, #tpu.memory_space<vmem>>
    %dma_wait3A_3600 = arith.constant 0 : i32
    %dma_wait3A_3601 = tpu.memref_slice %arg8[%dma_wait3A_3595, %dma_wait3A_3596, %dma_wait3A_3600] : memref<8x4x64xi32, #tpu.memory_space<vmem>> -> memref<1x1x64xi32, #tpu.memory_space<vmem>>
    %dma_wait3A_3602 = tpu.memref_squeeze %dma_wait3A_3601 : memref<1x1x64xi32, #tpu.memory_space<vmem>> -> memref<64xi32, #tpu.memory_space<vmem>>
    %dma_wait3A_3603 = arith.constant 0 : i32
    %dma_wait3A_3604 = arith.constant 0 : i32
    %dma_wait3A_3605 = tpu.memref_slice %arg5[%dma_wait3A_3603, %dma_wait3A_3604] : memref<65536x128xf32, #tpu.memory_space<hbm>> -> memref<65536x128xf32, #tpu.memory_space<hbm>>
    tpu.wait_indirect_dma semaphore(%arg16 : memref<!tpu.dma_semaphore, #tpu.memory_space<semaphore_mem>>) src(%dma_wait3A_3599 : memref<64x128xf32, #tpu.memory_space<vmem>>) dst(%dma_wait3A_3605 : memref<65536x128xf32, #tpu.memory_space<hbm>>)
    %dma_wait3A_3606 = arith.constant 7 : i32
    %dma_wait3A_3607 = arith.constant 2 : i32
    %dma_wait3A_3608 = arith.constant 0 : i32
    %dma_wait3A_3609 = arith.constant 256 : i32
    %dma_wait3A_3610 = tpu.memref_slice %arg10[%dma_wait3A_3608, %dma_wait3A_3609] : memref<64x512xf32, #tpu.memory_space<vmem>> -> memref<64x128xf32, #tpu.memory_space<vmem>>
    %dma_wait3A_3611 = arith.constant 0 : i32
    %dma_wait3A_3612 = tpu.memref_slice %arg8[%dma_wait3A_3606, %dma_wait3A_3607, %dma_wait3A_3611] : memref<8x4x64xi32, #tpu.memory_space<vmem>> -> memref<1x1x64xi32, #tpu.memory_space<vmem>>
    %dma_wait3A_3613 = tpu.memref_squeeze %dma_wait3A_3612 : memref<1x1x64xi32, #tpu.memory_space<vmem>> -> memref<64xi32, #tpu.memory_space<vmem>>
    %dma_wait3A_3614 = arith.constant 0 : i32
    %dma_wait3A_3615 = arith.constant 0 : i32
    %dma_wait3A_3616 = tpu.memref_slice %arg5[%dma_wait3A_3614, %dma_wait3A_3615] : memref<65536x128xf32, #tpu.memory_space<hbm>> -> memref<65536x128xf32, #tpu.memory_space<hbm>>
    tpu.wait_indirect_dma semaphore(%arg16 : memref<!tpu.dma_semaphore, #tpu.memory_space<semaphore_mem>>) src(%dma_wait3A_3610 : memref<64x128xf32, #tpu.memory_space<vmem>>) dst(%dma_wait3A_3616 : memref<65536x128xf32, #tpu.memory_space<hbm>>)
    %dma_wait3A_3617 = arith.constant 7 : i32
    %dma_wait3A_3618 = arith.constant 3 : i32
    %dma_wait3A_3619 = arith.constant 0 : i32
    %dma_wait3A_3620 = arith.constant 384 : i32
    %dma_wait3A_3621 = tpu.memref_slice %arg10[%dma_wait3A_3619, %dma_wait3A_3620] : memref<64x512xf32, #tpu.memory_space<vmem>> -> memref<64x128xf32, #tpu.memory_space<vmem>>
    %dma_wait3A_3622 = arith.constant 0 : i32
    %dma_wait3A_3623 = tpu.memref_slice %arg8[%dma_wait3A_3617, %dma_wait3A_3618, %dma_wait3A_3622] : memref<8x4x64xi32, #tpu.memory_space<vmem>> -> memref<1x1x64xi32, #tpu.memory_space<vmem>>
    %dma_wait3A_3624 = tpu.memref_squeeze %dma_wait3A_3623 : memref<1x1x64xi32, #tpu.memory_space<vmem>> -> memref<64xi32, #tpu.memory_space<vmem>>
    %dma_wait3A_3625 = arith.constant 0 : i32
    %dma_wait3A_3626 = arith.constant 0 : i32
    %dma_wait3A_3627 = tpu.memref_slice %arg5[%dma_wait3A_3625, %dma_wait3A_3626] : memref<65536x128xf32, #tpu.memory_space<hbm>> -> memref<65536x128xf32, #tpu.memory_space<hbm>>
    tpu.wait_indirect_dma semaphore(%arg16 : memref<!tpu.dma_semaphore, #tpu.memory_space<semaphore_mem>>) src(%dma_wait3A_3621 : memref<64x128xf32, #tpu.memory_space<vmem>>) dst(%dma_wait3A_3627 : memref<65536x128xf32, #tpu.memory_space<hbm>>)
    %dma_wait3A_3628 = arith.constant 0 : i32
    %dma_wait3A_3629 = tpu.memref_slice %arg6[%add3A_3483, %dma_wait3A_3628] : memref<16384x128xf32, #tpu.memory_space<hbm>> -> memref<64x128xf32, #tpu.memory_space<hbm>>
    %dma_wait3A_3630 = arith.constant 0 : i32
    %dma_wait3A_3631 = tpu.memref_slice %arg6[%add3A_3483, %dma_wait3A_3630] : memref<16384x128xf32, #tpu.memory_space<hbm>> -> memref<64x128xf32, #tpu.memory_space<hbm>>
    tpu.wait_dma2 semaphore(%arg16 : memref<!tpu.dma_semaphore, #tpu.memory_space<semaphore_mem>>) src(%arg13 : memref<64x128xf32, #tpu.memory_space<vmem>>) dst(%dma_wait3A_3631 : memref<64x128xf32, #tpu.memory_space<hbm>>)
    return
  }
}

</mosaic_0001>

<sc_bundles>
// kernel: _mla_gather.3.cloned.1.call-start
scs
__scs_entry_jumppad:
0x0: {  	(pc) =	sbr.rel $0x88, $3  }
0x1: {  	(tag) =	ssettag $0x0;
	lr =	simm.s32 $0x1  }
0x2: {  	[smem:$0x3F9E] =	sst lr;
	_ =	strace $0xD0000000  }
0x3: {  	_ = 	snop  }
0x4: {  	_ = 	snop  }
0x5: {  	_ = 	snop  }
0x6: {  	_ = 	snop  }
0x7: {  	_ = 	snop  }
__scs_overlays_trampoline_lowered:
0x8: {  	[smem:$0x3FAD] =	sst s0  }
0x9: {  	[smem:$0x3FAE] =	sst s1  }
0xa: {  	[smem:$0x3FAF] =	sst s2  }
0xb: {  	[smem:$0x3FB0] =	sst s3  }
0xc: {  	[smem:$0x3FB1] =	sst s4  }
0xd: {  	[smem:$0x3FB2] =	sst s5  }
0xe: {  	[smem:$0x3FB3] =	sst s6  }
0xf: {  	[smem:$0x3FB4] =	sst s7  }
0x10: {  	[smem:$0x3FB5] =	sst s8  }
0x11: {  	[smem:$0x3FB6] =	sst s9;
	s0 =	simm.s32 @!p0 $0x0  }
0x12: {  	s1 =	sld [smem:$0x3F9C];
	s0 =	simm.s32 @p0 $0x1  }
0x13: {  	[smem:$0x3FB7] =	sst s0;
	s0 =	simm.s32 @!p1 $0x0  }
0x14: {  	s2 =	sld [smem:$0x3F9B];
	s0 =	simm.s32 @p1 $0x1  }
0x15: {  	[smem:$0x3FB8] =	sst s0;
	s0 =	simm.s32 @!p2 $0x0  }
0x16: {  	s3 =	sld [smem:$0x3FDB];
	s0 =	simm.s32 @p2 $0x1  }
0x17: {  	s4 =	simm.s32 $0x1BF5;
	[smem:$0x3FBA] =	sst s0  }
0x18: {  	s0 =	sld [smem:$0x3F9D];
	_ =	swait.ge [sflag:s4], $0x0  }
0x19: {  	s7 =	sld [smem:$0x3F9E]  }
0x1a: {  	s8 =	sadd.s32 $0xFFFFE003, lr  }
0x1b: {  	s9 =	sadd.s32 $0xFFFFFEF7, lr;
	s5 =	simm.s32 $0xFFFFFFFF;
	p2 =	slt.u32 s8, $0xFFFFF086  }
0x1c: {  	p1 =	slt.u32 s9, $0xF7A;
	s5 =	simm.s32 @!p2 $0x0  }
0x1d: {  	s5 =	simm.s32 @p1 $0x1;
	p0 =	seq.s32 s7, s2  }
0x1e: {  	s7 =	smul.u32 @!p0 $0xF7A, s2;
	p2 =	seq.s32 @!p0 s5, $0x0  }
0x1f: {  	s9 =	smul.u32 $0xF7A, s1;
	s8 =	simm.s32 @!p0 $0x1BF5;
	p2 =	por !p2, p0  }
0x20: {  	[sflag:s8] =	ssyncset.s32 @!p0 $0xFFFFF086;
	s6 =	sadd.s32 @!p0 s3, s7;
	s7 =	simm.s32 @!p0 $0x108  }
0x21: {  	s3 =	sadd.s32 s3, s9;
	s6 =	sadd.s32 @!p0 $0x88, s6;
	s7 =	simm.s32 @p2 $0x1082  }
0x22: {  	[simem:s7], [sflag:s8] =	dma.local @!p0 [hbm:s6], $0xF7A  }
0x23: {  	s9 =	sor.u32 $0xD0000000, s2;
	s6 =	simm.s32 $0x108;
	_ =	swait.ge @!p0 [sflag:s8], $0x0  }
0x24: {  	s3 =	sadd.s32 $0x88, s3;
	s6 =	simm.s32 @!p1 $0x1082;
	[sflag:s4] =	ssyncset.s32 $0xFFFFF086  }
0x25: {  	[simem:s6], [sflag:s4] =	dma.local [hbm:s3], $0xF7A  }
0x26: {  	[smem:$0x3F9E] =	sst s1;
	(tag) =	ssettag s2;
	_ =	strace s9  }
0x27: {  	s1 =	sld [smem:$0x3FAE]  }
0x28: {  	s2 =	sld [smem:$0x3FAF]  }
0x29: {  	s4 =	sld [smem:$0x3FB1]  }
0x2a: {  	p0 =	seq.s32 s5, $0x0;
	s5 =	sld [smem:$0x3FB2]  }
0x2b: {  	s6 =	sld [smem:$0x3FB3]  }
0x2c: {  	s7 =	sld [smem:$0x3FB4]  }
0x2d: {  	s3 =	simm.s32 $0x108;
	s8 =	sld [smem:$0x3FB5]  }
0x2e: {  	s3 =	simm.s32 @!p0 $0x1082;
	s9 =	sld [smem:$0x3FB6]  }
0x2f: {  	lr =	sadd.s32 s0, s3;
	s0 =	sld [smem:$0x3FAD]  }
0x30: {  	s3 =	sld [smem:$0x3FB0]  }
0x31: {  	[smem:$0x3FB9] =	sst s10  }
0x32: {  	s10 =	sld [smem:$0x3FB7];
	_ =	sdelay $0x3  }
0x33: {  	p0 =	seq.s32 s10, $0x1;
	s10 =	sld [smem:$0x3FB9];
	_ =	sdelay $0x3  }
0x34: {  	[smem:$0x3FB9] =	sst s10  }
0x35: {  	s10 =	sld [smem:$0x3FB8];
	_ =	sdelay $0x3  }
0x36: {  	p1 =	seq.s32 s10, $0x1;
	s10 =	sld [smem:$0x3FB9];
	_ =	sdelay $0x3  }
0x37: {  	[smem:$0x3FB9] =	sst s10  }
0x38: {  	s10 =	sld [smem:$0x3FBA]  }
0x39: {  	_ = 	snop;
	(pc) =	sbr.ind lr, $3  }
0x3a: {  	_ = 	snop  }
0x3b: {  	_ = 	snop  }
0x3c: {  	p2 =	seq.s32 s10, $0x1;
	s10 =	sld [smem:$0x3FB9]  }
0x3d: {  	_ =	shalt  }
0x3e: {  	_ =	shalt  }
0x3f: {  	_ =	shalt  }
0x40: {  	_ =	shalt  }
0x41: {  	_ =	shalt  }
0x42: {  	_ =	shalt  }
0x43: {  	_ =	shalt  }
0x44: {  	_ =	shalt  }
0x45: {  	_ =	shalt  }
0x46: {  	_ =	shalt  }
0x47: {  	_ =	shalt  }
0x48: {  	_ =	shalt  }
0x49: {  	_ =	shalt  }
0x4a: {  	_ =	shalt  }
0x4b: {  	_ =	shalt  }
0x4c: {  	_ =	shalt  }
0x4d: {  	_ =	shalt  }
0x4e: {  	_ =	shalt  }
0x4f: {  	_ =	shalt  }
0x50: {  	_ =	shalt  }
0x51: {  	_ =	shalt  }
0x52: {  	_ =	shalt  }
0x53: {  	_ =	shalt  }
0x54: {  	_ =	shalt  }
0x55: {  	_ =	shalt  }
0x56: {  	_ =	shalt  }
0x57: {  	_ =	shalt  }
0x58: {  	_ =	shalt  }
0x59: {  	_ =	shalt  }
0x5a: {  	_ =	shalt  }
0x5b: {  	_ =	shalt  }
0x5c: {  	_ =	shalt  }
0x5d: {  	_ =	shalt  }
0x5e: {  	_ =	shalt  }
0x5f: {  	_ =	shalt  }
0x60: {  	_ =	shalt  }
0x61: {  	_ =	shalt  }
0x62: {  	_ =	shalt  }
0x63: {  	_ =	shalt  }
0x64: {  	_ =	shalt  }
0x65: {  	_ =	shalt  }
0x66: {  	_ =	shalt  }
0x67: {  	_ =	shalt  }
0x68: {  	_ =	shalt  }
0x69: {  	_ =	shalt  }
0x6a: {  	_ =	shalt  }
0x6b: {  	_ =	shalt  }
0x6c: {  	_ =	shalt  }
0x6d: {  	_ =	shalt  }
0x6e: {  	_ =	shalt  }
0x6f: {  	_ =	shalt  }
0x70: {  	_ =	shalt  }
0x71: {  	_ =	shalt  }
0x72: {  	_ =	shalt  }
0x73: {  	_ =	shalt  }
0x74: {  	_ =	shalt  }
0x75: {  	_ =	shalt  }
0x76: {  	_ =	shalt  }
0x77: {  	_ =	shalt  }
0x78: {  	_ =	shalt  }
0x79: {  	_ =	shalt  }
0x7a: {  	_ =	shalt  }
0x7b: {  	_ =	shalt  }
0x7c: {  	_ =	shalt  }
0x7d: {  	_ =	shalt  }
0x7e: {  	_ =	shalt  }
0x7f: {  	_ =	shalt  }
0x80: {  	_ =	shalt  }
0x81: {  	_ =	shalt  }
0x82: {  	_ =	shalt  }
0x83: {  	_ =	shalt  }
0x84: {  	_ =	shalt  }
0x85: {  	_ =	shalt  }
0x86: {  	_ =	shalt  }
0x87: {  	_ =	shalt  }
.Lfunc_end0:
.L_simem_size_0:
called_computation_lowered:
.L_overlay_start_0:
0x88: {  	s2 =	sld [smem:$0x3FD9]  }
0x89: {  	s3 =	sld [smem:$0x3FFE];
	_ =	sdelay $0x1  }
0x8a: {  	s1 =	srdreg.scid  }
0x8b: {  	s0 =	sand.u32 $0x1, s1  }
0x8c: {  	s14 =	sshll.u32 s0, $0xA;
	s2 =	sadd.s32 s3, s2  }
0x8d: {  	s2 =	sadd.s32 s2, s14  }
0x8e: {  	[smem:$0x3FC5] =	sst s2  }
0x8f: {  	_ = 	snop  }
0x90: {  	s2 =	sld [smem:$0x3FD0];
	_ =	sdelay $0x1  }
0x91: {  	s15 =	sld [smem:$0x3FC8]  }
0x92: {  	s5 =	simm.s32 $0xA;
	s6 =	simm.s32 $0x10;
	s4 =	sld [smem:$0x3FC7]  }
0x93: {  	[smem:s6], [sflag:s5] =	dma.local [hbm:s2], $0x1  }
0x94: {  	_ =	swait.eq [sflag:s5], $0x1  }
0x95: {  	[sflag:s5] =	ssyncset.done $0x0  }
0x96: {  	s16 =	sld [smem:$0x10];
	[sflag:s5] =	ssyncadd.s32 $0xFFFFFFFF  }
0x97: {  	s17 =	sld [smem:$0x11];
	(tm) =	ssettm $0x1  }
0x98: {  	s18 =	sld [smem:$0x3FFB];
	_ =	sdelay $0x3  }
0x99: {  	_ =	strace s18  }
0x9a: {  	s6 =	sld [smem:$0x3FFC];
	_ =	sdelay $0x3  }
0x9b: {  	_ =	strace s6  }
0x9c: {  	s6 =	sld [smem:$0x3FFD];
	_ =	sdelay $0x3  }
0x9d: {  	_ =	strace s6  }
0x9e: {  	_ =	strace $0x8FFFFFFF  }
0x9f: {  	s19 =	sld [smem:$0x3FDB];
	_ =	sdelay $0x1  }
0xa0: {  	s7 =	simm.s32 $_scs_section_size  }
0xa1: {  	s8 =	simm.s32 $_size__tile_overlayer_lowered;
	s9 =	simm.s32 $_tile_overlayer_lowered  }
0xa2: {  	s22 =	simm.s32 $0x1BFF;
	s21 =	sshll.u32 s9, $0x1;
	s6 =	sadd.s32 s7, s19  }
0xa3: {  	s10 =	simm.s32 $0x0;
	s20 =	sshll.u32 s8, $0x1;
	s8 =	sadd.s32 s21, s6  }
0xa4: {  	[timem:s10], [sflag:s22] =	dma.local [hbm:s8], s20  }
0xa5: {  	_ =	swait.ge [sflag:s22], s20  }
0xa6: {  	s7 =	ssub.s32 $0x0, s20;
	[sflag:s22] =	ssyncset.done $0x0  }
0xa7: {  	[sflag:s22] =	ssyncadd.s32 s7;
	_ =	sdelay $0x1  }
0xa8: {  	s23 =	simm.s32 $0x1B8B  }
0xa9: {  	_ =	swait.ge [sflag:s23], $0x1  }
0xaa: {  	[sflag:s23] =	ssyncset.done $0x0  }
0xab: {  	s25 =	simm.s32 $0x1B8E;
	s24 =	sld [smem:$0x3FFE];
	[sflag:s23] =	ssyncadd.s32 $0xFFFFFFFF  }
0xac: {  	s26 =	simm.s32 $execute0_lowered;
	[smem:$0x3FD2] =	sst s25  }
0xad: {  	s8 =	sshll.u32 s26, $0x1;
	_ =	strace $0x80000046;
	[dreg:$0x1] =	wrdreg $0xFFFFFFFF  }
0xae: {  	s28 =	simm.s32 $_size_execute0_lowered;
	s6 =	sadd.s32 s6, s8;
	[dreg:$0x0] =	wrdreg $0x0  }
0xaf: {  	s8 =	sshll.u32 s28, $0x1;
	[dreg:$0x2] =	wrdreg s6  }
0xb0: {  	[dreg:$0x3] =	wrdreg s8  }
0xb1: {  	[dreg:$0x4] =	wrdreg $0xC0  }
0xb2: {  	_ =	task [dreg:s10], $0x5FFFF  }
0xb3: {  	[dreg:$0x1] =	wrdreg $0xFFFFFFFF  }
0xb4: {  	[dreg:$0x0] =	wrdreg $0x60  }
0xb5: {  	[dreg:$0x2] =	wrdreg s24  }
0xb6: {  	[dreg:$0x3] =	wrdreg s15  }
0xb7: {  	[dreg:$0x4] =	wrdreg s4  }
0xb8: {  	[dreg:$0x5] =	wrdreg s16  }
0xb9: {  	[dreg:$0x6] =	wrdreg s17  }
0xba: {  	[dreg:$0x7] =	wrdreg $0x9  }
0xbb: {  	_ =	task.clear_ibuf [dreg:s10], $0x8FFFF;
	_ =	strace $0x90000046  }
0xbc: {  	s29 =	simm.s32 $0x9;
	_ =	strace $0x80000048  }
0xbd: {  	_ =	swait.ge [sflag:s29], $0x1  }
0xbe: {  	[sflag:s29] =	ssyncadd.s32 $0xFFFFFFFF  }
0xbf: {  	_ =	strace $0x90000048  }
0xc0: {  	_ =	sfence  }
0xc1: {  	s30 =	sld [smem:$0x0];
	_ =	sdelay $0x2  }
0xc2: {  	s31 =	sshll.u32 s1, $0xD;
	s1 =	sshrl.u32 s1, $0x2  }
0xc3: {  	s3 =	sand.u32 $0x4000, s31;
	s1 =	sadd.s32 s1, s30  }
0xc4: {  	s0 =	sor.u32 s3, s0;
	s1 =	sshll.u32 s1, $0x11  }
0xc5: {  	s0 =	sor.u32 s1, s0  }
0xc6: {  	s0 =	sadd.s32 $0x8F2B, s0  }
0xc7: {  	[sflag:s0] =	ssyncadd.remote.s32 $0x1  }
0xc8: {  	_ =	sfence.sel $0xFFFF  }
0xc9: {  	[dreg:$0x0] =	wrdreg $0xFFFFFFFF;
	(pc) =	sbr.abs _section_cstart, $3  }
0xca: {  	[dreg:$0x1] =	wrdreg $0xFFFFFFFF  }
0xcb: {  	_ =	task.clear_ibuf [dreg:s10], $0x2FFFF;
	_ =	strace $0x9FFFFFFF  }
0xcc: {  	(tm) =	ssettm $0x7FFFFFFF  }
0xcd: {  	_ =	shalt  }
tec
execute0_lowered:
.L_overlay_start_1:
0x0: {  	(tag) =	ssettag $0x1  }
0x1: {  	s0 =	rddreg [dreg:$0x2]  }
0x2: {  	s3 =	rddreg [dreg:$0x3];
	s2 =	srdreg.scid  }
0x3: {  	s6 =	rddreg [dreg:$0x4];
	s4 =	stileid.u32;
	s2 =	sand.u32 $0x1, s2  }
0x4: {  	s5 =	sshll.u32 s4, $0x1;
	s4 =	simm.s32 $0x0;
	s7 =	ssub.s32 $0x2, s2  }
0x5: {  	s2 =	sor.u32 s2, s5;
	[smem:$0x7FF] =	sst s4;
	s14 =	sshrl.u32 s7, $0x1  }
0x6: {  	s8 =	sshll.u32 s2, $0x6;
	_ =	strace $0x80000047;
	s1 =	ssub.s32 s7, s14  }
0x7: {  	s5 =	sshll.u32 s2, $0xB;
	s0 =	sadd.s32 s0, s8;
	[smem:$0x7B3] =	sst s1  }
0x8: {  	s16 =	sor.u32 $0x40, s5;
	[dreg:$0x6] =	wrdreg s0  }
0x9: {  	s15 =	sshll.u32 s2, $0x9;
	s17 =	sor.u32 $0x80, s5;
	[smem:$0x7AF] =	sst s16  }
0xa: {  	s2 =	sshll.u32 s2, $0xD;
	s18 =	sor.u32 $0xC0, s5;
	[smem:$0x7B0] =	sst s17  }
0xb: {  	s19 =	sor.u32 $0x1, s5;
	s20 =	sor.u32 $0x40, s15;
	[smem:$0x7B1] =	sst s18  }
0xc: {  	s9 =	sor.u32 $0x80, s15;
	s2 =	sadd.s32 s6, s2;
	[smem:$0x7B2] =	sst s19  }
0xd: {  	s11 =	sor.u32 $0xC0, s15;
	s21 =	sshllo.u32 s20, $0x2;
	[dreg:$0x7] =	wrdreg s2  }
0xe: {  	s12 =	sor.u32 $0x100, s15;
	s22 =	sshllo.u32 s9, $0x2;
	[smem:$0x7B7] =	sst s21  }
0xf: {  	s14 =	sor.u32 $0x180, s15;
	s17 =	sshllo.u32 s11, $0x2;
	[smem:$0x7C1] =	sst s22  }
0x10: {  	s10 =	sshll.u32 s20, $0x2;
	s19 =	sshll.u32 s12, $0x2;
	[smem:$0x7CE] =	sst s17  }
0x11: {  	s8 =	sshll.u32 s9, $0x2;
	s18 =	simm.s32 $0x80;
	[smem:$0x7B4] =	sst s19  }
0x12: {  	s0 =	sshll.u32 s20, $0x4;
	s20 =	simm.s32 $0xC0;
	[dreg:$0xf] =	wrdreg s18  }
0x13: {  	s23 =	sshll.u32 s9, $0x4;
	s0 =	sadd.s32 s6, s0;
	[dreg:$0x10] =	wrdreg s20  }
0x14: {  	s25 =	sshll.u32 s11, $0x4;
	s24 =	sadd.s32 s6, s23;
	[dreg:$0x8] =	wrdreg s0  }
0x15: {  	s28 =	sshll.u32 s12, $0x4;
	s26 =	sadd.s32 s6, s25;
	[dreg:$0x9] =	wrdreg s24  }
0x16: {  	s1 =	sshll.u32 s14, $0x4;
	s29 =	sadd.s32 s6, s28;
	[dreg:$0xa] =	wrdreg s26  }
0x17: {  	s9 =	sadd.s32 s6, s1;
	s1 =	sor.u32 $0x240, s5;
	[dreg:$0xb] =	wrdreg s29  }
0x18: {  	[smem:$0x7B8] =	sst s1;
	s1 =	sor.u32 $0x280, s5  }
0x19: {  	[smem:$0x7B9] =	sst s1;
	s1 =	sor.u32 $0x2C0, s5  }
0x1a: {  	[smem:$0x7BA] =	sst s1;
	s1 =	sor.u32 $0x241, s5  }
0x1b: {  	[smem:$0x7BB] =	sst s1;
	s1 =	sor.u32 $0x281, s5  }
0x1c: {  	[smem:$0x7BC] =	sst s1;
	s1 =	sor.u32 $0x2C1, s5  }
0x1d: {  	[smem:$0x7BD] =	sst s1;
	s1 =	sor.u32 $0x242, s5  }
0x1e: {  	[smem:$0x7BE] =	sst s1;
	s1 =	sor.u32 $0x282, s5  }
0x1f: {  	[smem:$0x7BF] =	sst s1;
	s1 =	sor.u32 $0x2C2, s5  }
0x20: {  	[smem:$0x7C0] =	sst s1;
	s1 =	sor.u32 $0x243, s5  }
0x21: {  	[smem:$0x7C2] =	sst s1;
	s1 =	sor.u32 $0x283, s5  }
0x22: {  	[smem:$0x7C3] =	sst s1;
	s1 =	sor.u32 $0x2C3, s5  }
0x23: {  	[smem:$0x7C4] =	sst s1;
	s1 =	sor.u32 $0x340, s5  }
0x24: {  	[smem:$0x7C5] =	sst s1;
	s1 =	sor.u32 $0x380, s5  }
0x25: {  	[smem:$0x7C6] =	sst s1;
	s1 =	sor.u32 $0x3C0, s5  }
0x26: {  	[smem:$0x7C7] =	sst s1;
	s1 =	sor.u32 $0x341, s5  }
0x27: {  	[smem:$0x7C8] =	sst s1;
	s1 =	sor.u32 $0x381, s5  }
0x28: {  	[smem:$0x7C9] =	sst s1;
	s1 =	sor.u32 $0x3C1, s5  }
0x29: {  	[smem:$0x7CA] =	sst s1;
	s1 =	sor.u32 $0x342, s5  }
0x2a: {  	[smem:$0x7CB] =	sst s1;
	s1 =	sor.u32 $0x382, s5  }
0x2b: {  	[smem:$0x7CC] =	sst s1;
	s1 =	sor.u32 $0x3C2, s5  }
0x2c: {  	[smem:$0x7CD] =	sst s1;
	s1 =	sor.u32 $0x343, s5  }
0x2d: {  	[smem:$0x7CF] =	sst s1;
	s1 =	sor.u32 $0x383, s5  }
0x2e: {  	[smem:$0x7D0] =	sst s1;
	s1 =	sor.u32 $0x3C3, s5  }
0x2f: {  	[smem:$0x7D1] =	sst s1;
	s1 =	sor.u32 $0x440, s5  }
0x30: {  	[smem:$0x7D2] =	sst s1;
	s1 =	sor.u32 $0x480, s5  }
0x31: {  	[smem:$0x7D3] =	sst s1;
	s1 =	sor.u32 $0x4C0, s5  }
0x32: {  	[smem:$0x7D4] =	sst s1;
	s1 =	sor.u32 $0x441, s5  }
0x33: {  	[smem:$0x7D5] =	sst s1;
	s1 =	sor.u32 $0x481, s5  }
0x34: {  	[smem:$0x7D6] =	sst s1;
	s1 =	sor.u32 $0x4C1, s5  }
0x35: {  	[smem:$0x7D7] =	sst s1;
	s1 =	sor.u32 $0x442, s5  }
0x36: {  	[smem:$0x7D9] =	sst s1;
	s1 =	sor.u32 $0x482, s5  }
0x37: {  	[smem:$0x7DA] =	sst s1;
	s1 =	sor.u32 $0x4C2, s5  }
0x38: {  	[smem:$0x7DB] =	sst s1;
	s1 =	sor.u32 $0x443, s5  }
0x39: {  	[smem:$0x7DC] =	sst s1;
	s1 =	sor.u32 $0x483, s5  }
0x3a: {  	[smem:$0x7DD] =	sst s1;
	s1 =	sor.u32 $0x4C3, s5  }
0x3b: {  	[smem:$0x7DE] =	sst s1;
	s1 =	sor.u32 $0x540, s5  }
0x3c: {  	[smem:$0x7DF] =	sst s1;
	s1 =	sor.u32 $0x580, s5  }
0x3d: {  	[smem:$0x7E0] =	sst s1;
	s1 =	sor.u32 $0x5C0, s5  }
0x3e: {  	[smem:$0x7E1] =	sst s1;
	s1 =	sor.u32 $0x541, s5  }
0x3f: {  	[smem:$0x7E3] =	sst s1;
	s1 =	sor.u32 $0x581, s5  }
0x40: {  	[smem:$0x7E4] =	sst s1;
	s1 =	sor.u32 $0x5C1, s5  }
0x41: {  	[smem:$0x7E5] =	sst s1;
	s1 =	sor.u32 $0x542, s5  }
0x42: {  	[smem:$0x7E6] =	sst s1;
	s1 =	sor.u32 $0x582, s5  }
0x43: {  	[smem:$0x7E7] =	sst s1;
	s1 =	sor.u32 $0x5C2, s5  }
0x44: {  	[smem:$0x7E8] =	sst s1;
	s1 =	sor.u32 $0x543, s5  }
0x45: {  	[smem:$0x7E9] =	sst s1;
	s1 =	sor.u32 $0x583, s5  }
0x46: {  	[smem:$0x7EA] =	sst s1;
	s1 =	sor.u32 $0x5C3, s5  }
0x47: {  	[smem:$0x7EB] =	sst s1;
	s1 =	sor.u32 $0x640, s5  }
0x48: {  	[smem:$0x7EC] =	sst s1;
	s1 =	sor.u32 $0x680, s5  }
0x49: {  	[smem:$0x7ED] =	sst s1;
	s1 =	sor.u32 $0x6C0, s5  }
0x4a: {  	[smem:$0x7EE] =	sst s1;
	s1 =	sor.u32 $0x641, s5  }
0x4b: {  	[smem:$0x7EF] =	sst s1;
	s1 =	sor.u32 $0x681, s5  }
0x4c: {  	[smem:$0x7F0] =	sst s1;
	s1 =	sor.u32 $0x6C1, s5  }
0x4d: {  	[smem:$0x7F1] =	sst s1;
	s1 =	sor.u32 $0x642, s5  }
0x4e: {  	[smem:$0x7F2] =	sst s1;
	s1 =	sor.u32 $0x682, s5  }
0x4f: {  	[smem:$0x7F3] =	sst s1;
	s1 =	sor.u32 $0x6C2, s5  }
0x50: {  	[smem:$0x7F4] =	sst s1;
	s1 =	sor.u32 $0x643, s5  }
0x51: {  	[smem:$0x7F5] =	sst s1;
	s1 =	sor.u32 $0x683, s5  }
0x52: {  	[smem:$0x7F6] =	sst s1;
	s1 =	sor.u32 $0x6C3, s5  }
0x53: {  	[smem:$0x7F7] =	sst s1;
	s1 =	sor.u32 $0x740, s5  }
0x54: {  	[smem:$0x7F8] =	sst s1;
	s1 =	sor.u32 $0x780, s5  }
0x55: {  	s13 =	sor.u32 $0x140, s15;
	[smem:$0x7F9] =	sst s1;
	s1 =	sor.u32 $0x7C0, s5  }
0x56: {  	s30 =	sshll.u32 s13, $0x4;
	[smem:$0x7FA] =	sst s1  }
0x57: {  	v0 =	vlaneseq.u32;
	s31 =	sadd.s32 s6, s30;
	s1 =	sld [smem:$0x7AF]  }
0x58: {  	v2 =	vmul.u32 $0x4, v0;
	s7 =	sor.u32 $0x1C0, s15;
	[dreg:$0xc] =	wrdreg s31  }
0x59: {  	s15 =	sshll.u32 s7, $0x4;
	[dreg:$0xd] =	wrdreg s9  }
0x5a: {  	s16 =	sadd.s32 s6, s15;
	v1 =	vor.u32 s1, v2;
	s1 =	sld [smem:$0x7B0]  }
0x5b: {  	s21 =	sshllo.u32 s12, $0x2;
	[dreg:$0xe] =	wrdreg s16  }
0x5c: {  	s23 =	sshll.u32 s13, $0x2;
	[dreg:$0x19] =	wrdreg s21  }
0x5d: {  	[smem:$0x7B5] =	sst s23;
	[tilespmem:$0x1FBA0] =	vst v1;
	v1 =	vor.u32 s1, v2;
	s1 =	sor.u32 $0x741, s5  }
0x5e: {  	[smem:$0x7FB] =	sst s1;
	s1 =	sor.u32 $0x781, s5  }
0x5f: {  	[smem:$0x7FC] =	sst s1;
	s1 =	sor.u32 $0x7C1, s5  }
0x60: {  	[dreg:$0x1f] =	wrdreg s1  }
0x61: {  	s22 =	simm.s32 $0x100;
	s1 =	sld [smem:$0x7B1]  }
0x62: {  	s25 =	sshllo.u32 s13, $0x2;
	[dreg:$0x11] =	wrdreg s22  }
0x63: {  	[dreg:$0x18] =	wrdreg s25  }
0x64: {  	s28 =	simm.s32 $0x1C0;
	[tilespmem:$0x1FBB0] =	vst v1;
	v1 =	vor.u32 s1, v2;
	s1 =	sld [smem:$0x7B2]  }
0x65: {  	s30 =	sshll.u32 s7, $0x2;
	[dreg:$0x14] =	wrdreg s28  }
0x66: {  	s24 =	simm.s32 $0x140;
	[smem:$0x7B6] =	sst s30  }
0x67: {  	s26 =	simm.s32 $0x180;
	s0 =	sor.u32 $0x41, s5;
	[dreg:$0x12] =	wrdreg s24;
	[tilespmem:$0x1FBC0] =	vst v1;
	v1 =	vor.u32 s1, v2  }
0x68: {  	s20 =	sor.u32 $0x81, s5;
	s29 =	sshllo.u32 s14, $0x2;
	[dreg:$0x13] =	wrdreg s26;
	[tilespmem:$0x1FBD0] =	vst v1;
	v1 =	vor.u32 s0, v2  }
0x69: {  	s6 =	sor.u32 $0xC1, s5;
	s31 =	sshllo.u32 s7, $0x2;
	[dreg:$0x17] =	wrdreg s29;
	[tilespmem:$0x1FBE0] =	vst v1;
	v1 =	vor.u32 s20, v2  }
0x6a: {  	s2 =	sshll.u32 s11, $0x2;
	[dreg:$0x16] =	wrdreg s31;
	s1 =	sor.u32 $0x742, s5;
	[tilespmem:$0x1FBF0] =	vst v1;
	v1 =	vor.u32 s6, v2  }
0x6b: {  	s9 =	sor.u32 $0x2, s5;
	[smem:$0x7FD] =	sst s1;
	s1 =	sor.u32 $0x782, s5;
	[tilespmem:$0x1FC00] =	vst v1;
	v1 =	vor.u32 s5, v2  }
0x6c: {  	s11 =	sor.u32 $0x42, s5;
	[dreg:$0x1d] =	wrdreg s1;
	s1 =	sor.u32 $0x7C2, s5;
	[tilespmem:$0x1FC10] =	vst v1;
	v1 =	vor.u32 s9, v2  }
0x6d: {  	s7 =	sor.u32 $0x82, s5;
	s20 =	sor.u32 $0x743, s5;
	[dreg:$0x1e] =	wrdreg s1;
	[tilespmem:$0x1FC20] =	vst v1;
	v1 =	vor.u32 s11, v2  }
0x6e: {  	s12 =	sor.u32 $0xC2, s5;
	[dreg:$0x1a] =	wrdreg s20;
	s1 =	sor.u32 $0x783, s5;
	[tilespmem:$0x1FC30] =	vst v1;
	v1 =	vor.u32 s7, v2  }
0x6f: {  	s13 =	sor.u32 $0x3, s5;
	s6 =	sor.u32 $0x7C3, s5;
	[dreg:$0x1b] =	wrdreg s1;
	[tilespmem:$0x1FC40] =	vst v1;
	v1 =	vor.u32 s12, v2  }
0x70: {  	s22 =	sshll.u32 s14, $0x2;
	s14 =	sor.u32 $0x43, s5;
	[dreg:$0x1c] =	wrdreg s6;
	[tilespmem:$0x1FC50] =	vst v1;
	v1 =	vor.u32 s13, v2  }
0x71: {  	s15 =	sor.u32 $0x83, s5;
	s1 =	sld [smem:$0x7B4];
	[tilespmem:$0x1FC60] =	vst v1;
	v1 =	vor.u32 s14, v2  }
0x72: {  	s16 =	sor.u32 $0xC3, s5;
	s9 =	rddreg [dreg:$0x0];
	[tilespmem:$0x1FC70] =	vst v1;
	v1 =	vor.u32 s15, v2  }
0x73: {  	s15 =	sld [smem:$0x7B5];
	[tilespmem:$0x1FC80] =	vst v1;
	v1 =	vor.u32 s16, v2  }
0x74: {  	s18 =	sor.u32 $0x140, s5;
	s11 =	sld [smem:$0x7B3];
	[tilespmem:$0x1FC90] =	vst v1;
	v1 =	vor.u32 s10, v2  }
0x75: {  	s19 =	sor.u32 $0x180, s5;
	s13 =	sld [smem:$0x7BC];
	[tilespmem:$0x1FCA0] =	vst v1;
	v1 =	vor.u32 s18, v2;
	s18 =	sor.u32 $0x2, s1  }
0x76: {  	[tilespmem:$0x1FCB0] =	vst v1;
	v1 =	vor.u32 s19, v2;
	[smem:$0x7D8] =	sst s18;
	s19 =	sor.u32 $0x1, s15  }
0x77: {  	[smem:$0x7E2] =	sst s19  }
0x78: {  	s17 =	sor.u32 $0x1C0, s5;
	s18 =	sor.u32 $0x2, s22;
	s19 =	sld [smem:$0x7BD]  }
0x79: {  	s0 =	sor.u32 $0x1, s10;
	[tilespmem:$0x1FCC0] =	vst v1;
	v1 =	vor.u32 s17, v2;
	v42 =	vor.u32 s18, v2;
	s18 =	sld [smem:$0x7FA]  }
0x7a: {  	s23 =	sor.u32 $0x141, s5;
	[tilespmem:$0x1FCD0] =	vst v1;
	v1 =	vor.u32 s0, v2;
	s0 =	sld [smem:$0x7B6]  }
0x7b: {  	v18 =	vor.u32 s15, v2;
	[tilespmem:$0x1FCE0] =	vst v1;
	v1 =	vor.u32 s23, v2;
	s23 =	sor.u32 $0x2, s15;
	s15 =	rddreg [dreg:$0x18]  }
0x7c: {  	s21 =	sor.u32 $0x181, s5;
	v26 =	vor.u32 s23, v2;
	s23 =	sld [smem:$0x7EA]  }
0x7d: {  	s24 =	sor.u32 $0x1C1, s5;
	s7 =	smax.u32 s11, $0x1;
	[tilespmem:$0x1FCF0] =	vst v1;
	v1 =	vor.u32 s21, v2;
	v30 =	vor.u32 s15, v2;
	s15 =	sld [smem:$0x7F9]  }
0x7e: {  	v34 =	vor.u32 s22, v2;
	s11 =	sor.u32 $0x2, s10;
	s21 =	sor.u32 $0x1, s22;
	s22 =	sld [smem:$0x7FC];
	[tilespmem:$0x1FD00] =	vst v1;
	v1 =	vor.u32 s24, v2  }
0x7f: {  	s26 =	sor.u32 $0x142, s5;
	s24 =	sld [smem:$0x7BE];
	[tilespmem:$0x1FD10] =	vst v1;
	v1 =	vor.u32 s11, v2  }
0x80: {  	s28 =	sor.u32 $0x182, s5;
	v38 =	vor.u32 s21, v2;
	s21 =	sld [smem:$0x7FB];
	[tilespmem:$0x1FD20] =	vst v1;
	v1 =	vor.u32 s26, v2  }
0x81: {  	[tilespmem:$0x1FD30] =	vst v1;
	v1 =	vor.u32 s28, v2;
	s28 =	sld [smem:$0x7B7]  }
0x82: {  	s25 =	sor.u32 $0x1C2, s5;
	s11 =	sld [smem:$0x7BA]  }
0x83: {  	s26 =	sld [smem:$0x7C0];
	[tilespmem:$0x1FD40] =	vst v1;
	v1 =	vor.u32 s25, v2  }
0x84: {  	s30 =	sor.u32 $0x143, s5;
	v32 =	vor.u32 s23, v2;
	s23 =	rddreg [dreg:$0x1f];
	[tilespmem:$0x1FD50] =	vst v1;
	v1 =	vor.u32 s28, v2  }
0x85: {  	s31 =	sor.u32 $0x183, s5;
	s25 =	sld [smem:$0x7BF];
	[tilespmem:$0x1FD60] =	vst v1;
	v1 =	vor.u32 s30, v2  }
0x86: {  	s29 =	sor.u32 $0x1C3, s5;
	s30 =	sld [smem:$0x7B8];
	[tilespmem:$0x1FD70] =	vst v1;
	v1 =	vor.u32 s31, v2  }
0x87: {  	s31 =	sld [smem:$0x7B9];
	[tilespmem:$0x1FD80] =	vst v1;
	v1 =	vor.u32 s29, v2  }
0x88: {  	s28 =	sld [smem:$0x7C1];
	[tilespmem:$0x1FD90] =	vst v1;
	v1 =	vor.u32 s8, v2  }
0x89: {  	s29 =	sld [smem:$0x7C2];
	[tilespmem:$0x1FDA0] =	vst v1;
	v1 =	vor.u32 s30, v2  }
0x8a: {  	s12 =	sor.u32 $0x1, s8;
	s10 =	sor.u32 $0x2, s8;
	s8 =	sld [smem:$0x7C5];
	[tilespmem:$0x1FDB0] =	vst v1;
	v1 =	vor.u32 s31, v2  }
0x8b: {  	s30 =	sld [smem:$0x7C3];
	[tilespmem:$0x1FDC0] =	vst v1;
	v1 =	vor.u32 s11, v2  }
0x8c: {  	[tilespmem:$0x1FDD0] =	vst v1;
	v1 =	vor.u32 s12, v2;
	s12 =	sld [smem:$0x7BB]  }
0x8d: {  	s31 =	sld [smem:$0x7C4]  }
0x8e: {  	s11 =	sld [smem:$0x7C7]  }
0x8f: {  	[tilespmem:$0x1FDE0] =	vst v1;
	v1 =	vor.u32 s12, v2;
	s12 =	sld [smem:$0x7C8]  }
0x90: {  	[tilespmem:$0x1FDF0] =	vst v1;
	v1 =	vor.u32 s13, v2;
	s13 =	sld [smem:$0x7C9]  }
0x91: {  	[tilespmem:$0x1FE00] =	vst v1;
	v1 =	vor.u32 s19, v2;
	s19 =	sld [smem:$0x7CA]  }
0x92: {  	[tilespmem:$0x1FE10] =	vst v1;
	v1 =	vor.u32 s10, v2;
	s10 =	sld [smem:$0x7C6]  }
0x93: {  	[tilespmem:$0x1FE20] =	vst v1;
	v1 =	vor.u32 s24, v2;
	s24 =	sld [smem:$0x7CB]  }
0x94: {  	[tilespmem:$0x1FE30] =	vst v1;
	v1 =	vor.u32 s25, v2;
	s25 =	sld [smem:$0x7CC]  }
0x95: {  	[tilespmem:$0x1FE40] =	vst v1;
	v1 =	vor.u32 s26, v2;
	s26 =	sld [smem:$0x7CD]  }
0x96: {  	[tilespmem:$0x1FE50] =	vst v1;
	v1 =	vor.u32 s28, v2;
	s28 =	sld [smem:$0x7CE]  }
0x97: {  	[tilespmem:$0x1FE60] =	vst v1;
	v1 =	vor.u32 s29, v2;
	s29 =	sld [smem:$0x7CF]  }
0x98: {  	[tilespmem:$0x1FE70] =	vst v1;
	v1 =	vor.u32 s30, v2;
	s30 =	sld [smem:$0x7D0]  }
0x99: {  	s5 =	sadd.s32 $0x600, s9;
	s6 =	sadd.s32 $0x700, s9;
	[tilespmem:$0x1FE80] =	vst v1;
	v1 =	vor.u32 s31, v2;
	s31 =	sld [smem:$0x7D1]  }
0x9a: {  	s9 =	sor.u32 $0x1, s2;
	s14 =	sor.u32 $0x2, s2;
	[tilespmem:$0x1FE90] =	vst v1;
	v1 =	vor.u32 s2, v2;
	s2 =	sld [smem:$0x7D2]  }
0x9b: {  	[tilespmem:$0x1FEA0] =	vst v1;
	v1 =	vor.u32 s8, v2;
	s8 =	sld [smem:$0x7D3]  }
0x9c: {  	[tilespmem:$0x1FEB0] =	vst v1;
	v1 =	vor.u32 s10, v2;
	s10 =	sld [smem:$0x7D5]  }
0x9d: {  	[tilespmem:$0x1FEC0] =	vst v1;
	v1 =	vor.u32 s11, v2;
	s11 =	sld [smem:$0x7D6]  }
0x9e: {  	[tilespmem:$0x1FED0] =	vst v1;
	v1 =	vor.u32 s9, v2;
	s9 =	sld [smem:$0x7D4]  }
0x9f: {  	[tilespmem:$0x1FEE0] =	vst v1;
	v1 =	vor.u32 s12, v2;
	s12 =	sld [smem:$0x7D7]  }
0xa0: {  	[tilespmem:$0x1FEF0] =	vst v1;
	v1 =	vor.u32 s13, v2;
	s13 =	sld [smem:$0x7D8]  }
0xa1: {  	v8 =	vor.u32 s11, v2;
	s11 =	sld [smem:$0x7E5];
	[tilespmem:$0x1FF00] =	vst v1;
	v1 =	vor.u32 s19, v2  }
0xa2: {  	[tilespmem:$0x1FF10] =	vst v1;
	v1 =	vor.u32 s14, v2;
	s14 =	sld [smem:$0x7D9]  }
0xa3: {  	v9 =	vor.u32 s12, v2;
	s12 =	sld [smem:$0x7E6]  }
0xa4: {  	[tilespmem:$0x1FF20] =	vst v1;
	v1 =	vor.u32 s24, v2;
	s24 =	sld [smem:$0x7DB]  }
0xa5: {  	v10 =	vor.u32 s13, v2;
	s13 =	sld [smem:$0x7E7]  }
0xa6: {  	v25 =	vor.u32 s11, v2;
	s11 =	sld [smem:$0x7F5]  }
0xa7: {  	[tilespmem:$0x1FF30] =	vst v1;
	v1 =	vor.u32 s25, v2;
	s25 =	rddreg [dreg:$0x19]  }
0xa8: {  	[tilespmem:$0x1FF40] =	vst v1;
	v1 =	vor.u32 s26, v2;
	s26 =	sld [smem:$0x7DC]  }
0xa9: {  	v11 =	vor.u32 s14, v2;
	s14 =	sld [smem:$0x7E8]  }
0xaa: {  	v14 =	vor.u32 s25, v2;
	s25 =	sld [smem:$0x7EC]  }
0xab: {  	v27 =	vor.u32 s12, v2;
	s12 =	sld [smem:$0x7F6]  }
0xac: {  	[tilespmem:$0x1FF50] =	vst v1;
	v1 =	vor.u32 s28, v2;
	s28 =	sld [smem:$0x7DD]  }
0xad: {  	v13 =	vor.u32 s24, v2;
	s24 =	sld [smem:$0x7EB]  }
0xae: {  	v28 =	vor.u32 s13, v2;
	s13 =	sld [smem:$0x7F7]  }
0xaf: {  	[tilespmem:$0x1FF60] =	vst v1;
	v1 =	vor.u32 s29, v2;
	s29 =	sld [smem:$0x7DE]  }
0xb0: {  	[tilespmem:$0x1FF70] =	vst v1;
	v1 =	vor.u32 s30, v2;
	s30 =	sld [smem:$0x7DF]  }
0xb1: {  	v15 =	vor.u32 s26, v2;
	s26 =	sld [smem:$0x7ED]  }
0xb2: {  	v29 =	vor.u32 s14, v2;
	s14 =	sld [smem:$0x7F8]  }
0xb3: {  	v35 =	vor.u32 s25, v2;
	s25 =	rddreg [dreg:$0x1d]  }
0xb4: {  	[tilespmem:$0x1FF80] =	vst v1;
	v1 =	vor.u32 s31, v2;
	s31 =	sld [smem:$0x7E0]  }
0xb5: {  	v16 =	vor.u32 s28, v2;
	s28 =	sld [smem:$0x7EE]  }
0xb6: {  	v33 =	vor.u32 s24, v2;
	s24 =	sld [smem:$0x7FD]  }
0xb7: {  	[tilespmem:$0x1FF90] =	vst v1;
	v1 =	vor.u32 s1, v2;
	v17 =	vor.u32 s29, v2;
	s29 =	sld [smem:$0x7EF]  }
0xb8: {  	[tilespmem:$0x1FFA0] =	vst v1;
	v1 =	vor.u32 s2, v2;
	s2 =	sld [smem:$0x7E1]  }
0xb9: {  	v19 =	vor.u32 s30, v2;
	s30 =	sld [smem:$0x7F0]  }
0xba: {  	v36 =	vor.u32 s26, v2;
	s26 =	rddreg [dreg:$0x1e]  }
0xbb: {  	[tilespmem:$0x1FFB0] =	vst v1;
	v1 =	vor.u32 s8, v2;
	s8 =	sld [smem:$0x7E2]  }
0xbc: {  	v20 =	vor.u32 s31, v2;
	s31 =	sld [smem:$0x7F1]  }
0xbd: {  	vm1 =	vmmov $0xffff;
	v37 =	vor.u32 s28, v2;
	s28 =	rddreg [dreg:$0x16]  }
0xbe: {  	vm0 =	vmmov $0xff;
	v53 =	vor.u32 s18, v2;
	s17 =	sor.u32 $0x1, s0;
	[tilespmem:$0x1FFC0] =	vst v1;
	v1 =	vor.u32 s9, v2;
	s9 =	sld [smem:$0x7E3]  }
0xbf: {  	s20 =	sor.u32 $0x1, s1;
	s16 =	sor.u32 $0x2, s0;
	v50 =	vor.u32 s0, v2;
	v54 =	vor.u32 s17, v2;
	v39 =	vor.u32 s29, v2;
	s29 =	rddreg [dreg:$0x1a]  }
0xc0: {  	v58 =	vor.u32 s16, v2;
	v52 =	vor.u32 s15, v2;
	[tilespmem:$0x1FFD0] =	vst v1;
	v1 =	vor.u32 s20, v2;
	s20 =	sld [smem:$0x7DA]  }
0xc1: {  	v56 =	vor.u32 s22, v2;
	v55 =	vor.u32 s21, v2;
	v21 =	vor.u32 s2, v2;
	s2 =	sld [smem:$0x7F2]  }
0xc2: {  	v57 =	vor.u32 s23, v2;
	v47 =	vor.u32 s11, v2;
	v40 =	vor.u32 s30, v2;
	s30 =	rddreg [dreg:$0x1b]  }
0xc3: {  	v48 =	vor.u32 s12, v2;
	v49 =	vor.u32 s13, v2;
	[tilespmem:$0x1FFE0] =	vst v1;
	v1 =	vor.u32 s10, v2;
	s10 =	sld [smem:$0x7E4]  }
0xc4: {  	v60 =	vor.u32 s25, v2;
	v51 =	vor.u32 s14, v2;
	v22 =	vor.u32 s8, v2;
	s8 =	sld [smem:$0x7F3]  }
0xc5: {  	v59 =	vor.u32 s24, v2;
	v61 =	vor.u32 s26, v2;
	v23 =	vor.u32 s9, v2;
	s9 =	sld [smem:$0x7F4]  }
0xc6: {  	v62 =	vor.u32 s28, v2;
	v63 =	vor.u32 s29, v2;
	v12 =	vor.u32 s20, v2;
	s20 =	sld [smem:$0x7E9]  }
0xc7: {  	v41 =	vor.u32 s31, v2;
	s31 =	rddreg [dreg:$0x1c];
	[tilespmem:$0x1FFF0] =	vst v1;
	v1 =	vor.u32 s30, v2;
	v43 =	vor.u32 s2, v2  }
0xc8: {  	v24 =	vor.u32 s10, v2;
	v44 =	vor.u32 s8, v2;
	s10 =	rddreg [dreg:$0x17];
	v45 =	vor.u32 s9, v2  }
0xc9: {  	s19 =	simm.s32 $0x1;
	v46 =	vor.u32 s10, v2;
	v31 =	vor.u32 s20, v2;
	s20 =	simm.s32 $0x2;
	v2 =	vor.u32 s31, v2  }
.LBB2_1:
0xca: {  	[dreg:$0x15] =	wrdreg s7  }
0xcb: {  	s21 =	rddreg [dreg:$0x6];
	s26 =	simm.s32 $0x3  }
0xcc: {  	[tilespmem:s4], [sflag:$0x3] =	stream.linear.gather [hbm4b:s21+s4], $0x200, $0x38;
	[tilespmem:$0x1F200] =	vst v63  }
0xcd: {  	_ =	swait.ge [sflag:s26], $0x200  }
0xce: {  	v3 =	vld [tilespmem:$0x1FC10];
	_ =	sdelay $0x2  }
0xcf: {  	[sflag:s26] =	ssyncset.done $0x0  }
0xd0: {  	[sflag:s26] =	ssyncadd.s32 $0xFFFFFE00  }
0xd1: {  	[tilespmem:$0x200] =	vst v3;
	v3 =	vld [tilespmem:$0x1FBA0];
	_ =	sdelay $0x4  }
0xd2: {  	[tilespmem:$0x210] =	vst v3;
	v3 =	vld [tilespmem:$0x1FBB0];
	_ =	sdelay $0x4  }
0xd3: {  	[tilespmem:$0x220] =	vst v3;
	v3 =	vld [tilespmem:$0x1FBC0];
	_ =	sdelay $0x4  }
0xd4: {  	[tilespmem:$0x230] =	vst v3;
	v3 =	vld [tilespmem:$0x1FBD0];
	_ =	sdelay $0x4  }
0xd5: {  	[tilespmem:$0x280] =	vst v3;
	v3 =	vld [tilespmem:$0x1FBE0];
	_ =	sdelay $0x4  }
0xd6: {  	[tilespmem:$0x290] =	vst v3;
	v3 =	vld [tilespmem:$0x1FBF0];
	_ =	sdelay $0x4  }
0xd7: {  	[tilespmem:$0x2A0] =	vst v3;
	v3 =	vld [tilespmem:$0x1FC00];
	_ =	sdelay $0x4  }
0xd8: {  	[tilespmem:$0x2B0] =	vst v3;
	v3 =	vld [tilespmem:$0x1FC20];
	_ =	sdelay $0x4  }
0xd9: {  	[tilespmem:$0x300] =	vst v3;
	v3 =	vld [tilespmem:$0x1FC30];
	_ =	sdelay $0x4  }
0xda: {  	[tilespmem:$0x310] =	vst v3;
	v3 =	vld [tilespmem:$0x1FC40];
	_ =	sdelay $0x4  }
0xdb: {  	[tilespmem:$0x320] =	vst v3;
	v3 =	vld [tilespmem:$0x1FC50];
	_ =	sdelay $0x4  }
0xdc: {  	[tilespmem:$0x330] =	vst v3;
	v3 =	vld [tilespmem:$0x1FC60];
	_ =	sdelay $0x4  }
0xdd: {  	[tilespmem:$0x380] =	vst v3;
	v3 =	vld [tilespmem:$0x1FC70];
	_ =	sdelay $0x4  }
0xde: {  	[tilespmem:$0x390] =	vst v3;
	v3 =	vld [tilespmem:$0x1FC80];
	_ =	sdelay $0x4  }
0xdf: {  	[tilespmem:$0x3A0] =	vst v3;
	v3 =	vld [tilespmem:$0x1FC90];
	_ =	sdelay $0x4  }
0xe0: {  	[tilespmem:$0x3B0] =	vst v3;
	v3 =	vld [tilespmem:$0x1FCA0];
	_ =	sdelay $0x4  }
0xe1: {  	[tilespmem:$0x400] =	vst v3;
	v3 =	vld [tilespmem:$0x1FCB0];
	_ =	sdelay $0x4  }
0xe2: {  	[tilespmem:$0x410] =	vst v3;
	v3 =	vld [tilespmem:$0x1FCC0];
	_ =	sdelay $0x4  }
0xe3: {  	[tilespmem:$0x420] =	vst v3;
	v3 =	vld [tilespmem:$0x1FCD0];
	_ =	sdelay $0x4  }
0xe4: {  	[tilespmem:$0x430] =	vst v3;
	v3 =	vld [tilespmem:$0x1FCE0];
	_ =	sdelay $0x4  }
0xe5: {  	[tilespmem:$0x480] =	vst v3;
	v3 =	vld [tilespmem:$0x1FCF0];
	_ =	sdelay $0x4  }
0xe6: {  	[tilespmem:$0x490] =	vst v3;
	v3 =	vld [tilespmem:$0x1FD00];
	_ =	sdelay $0x4  }
0xe7: {  	[tilespmem:$0x4A0] =	vst v3;
	v3 =	vld [tilespmem:$0x1FD10];
	_ =	sdelay $0x4  }
0xe8: {  	[tilespmem:$0x4B0] =	vst v3;
	v3 =	vld [tilespmem:$0x1FD20];
	_ =	sdelay $0x4  }
0xe9: {  	[tilespmem:$0x500] =	vst v3;
	v3 =	vld [tilespmem:$0x1FD30];
	_ =	sdelay $0x4  }
0xea: {  	[tilespmem:$0x510] =	vst v3;
	v3 =	vld [tilespmem:$0x1FD40];
	_ =	sdelay $0x4  }
0xeb: {  	[tilespmem:$0x520] =	vst v3;
	v3 =	vld [tilespmem:$0x1FD50];
	_ =	sdelay $0x4  }
0xec: {  	[tilespmem:$0x530] =	vst v3;
	v3 =	vld [tilespmem:$0x1FD60];
	_ =	sdelay $0x4  }
0xed: {  	[tilespmem:$0x580] =	vst v3;
	v3 =	vld [tilespmem:$0x1FD70];
	_ =	sdelay $0x4  }
0xee: {  	[tilespmem:$0x590] =	vst v3;
	v3 =	vld [tilespmem:$0x1FD80];
	_ =	sdelay $0x4  }
0xef: {  	[tilespmem:$0x5A0] =	vst v3;
	v3 =	vld [tilespmem:$0x1FD90];
	_ =	sdelay $0x4  }
0xf0: {  	[tilespmem:$0x5B0] =	vst v3;
	v3 =	vld [tilespmem:$0x1FDA0];
	_ =	sdelay $0x4  }
0xf1: {  	[tilespmem:$0x600] =	vst v3;
	v3 =	vld [tilespmem:$0x1FDB0];
	_ =	sdelay $0x4  }
0xf2: {  	[tilespmem:$0x610] =	vst v3;
	v3 =	vld [tilespmem:$0x1FDC0];
	_ =	sdelay $0x4  }
0xf3: {  	[tilespmem:$0x620] =	vst v3;
	v3 =	vld [tilespmem:$0x1FDD0];
	_ =	sdelay $0x4  }
0xf4: {  	[tilespmem:$0x630] =	vst v3;
	v3 =	vld [tilespmem:$0x1FDE0];
	_ =	sdelay $0x4  }
0xf5: {  	[tilespmem:$0x680] =	vst v3;
	v3 =	vld [tilespmem:$0x1FDF0];
	_ =	sdelay $0x4  }
0xf6: {  	[tilespmem:$0x690] =	vst v3;
	v3 =	vld [tilespmem:$0x1FE00];
	_ =	sdelay $0x4  }
0xf7: {  	[tilespmem:$0x6A0] =	vst v3;
	v3 =	vld [tilespmem:$0x1FE10];
	_ =	sdelay $0x4  }
0xf8: {  	[tilespmem:$0x6B0] =	vst v3;
	v3 =	vld [tilespmem:$0x1FE20];
	_ =	sdelay $0x4  }
0xf9: {  	[tilespmem:$0x700] =	vst v3;
	v3 =	vld [tilespmem:$0x1FE30];
	_ =	sdelay $0x4  }
0xfa: {  	[tilespmem:$0x710] =	vst v3;
	v3 =	vld [tilespmem:$0x1FE40];
	_ =	sdelay $0x4  }
0xfb: {  	[tilespmem:$0x720] =	vst v3;
	v3 =	vld [tilespmem:$0x1FE50];
	_ =	sdelay $0x4  }
0xfc: {  	[tilespmem:$0x730] =	vst v3;
	v3 =	vld [tilespmem:$0x1FE60];
	_ =	sdelay $0x4  }
0xfd: {  	[tilespmem:$0x780] =	vst v3;
	v3 =	vld [tilespmem:$0x1FE70];
	_ =	sdelay $0x4  }
0xfe: {  	[tilespmem:$0x790] =	vst v3;
	v3 =	vld [tilespmem:$0x1FE80];
	_ =	sdelay $0x4  }
0xff: {  	[tilespmem:$0x7A0] =	vst v3;
	v3 =	vld [tilespmem:$0x1FE90];
	_ =	sdelay $0x4  }
0x100: {  	[tilespmem:$0x7B0] =	vst v3;
	v3 =	vld [tilespmem:$0x1FEA0];
	_ =	sdelay $0x4  }
0x101: {  	[tilespmem:$0x800] =	vst v3;
	v3 =	vld [tilespmem:$0x1FEB0];
	_ =	sdelay $0x4  }
0x102: {  	[tilespmem:$0x810] =	vst v3;
	v3 =	vld [tilespmem:$0x1FEC0];
	_ =	sdelay $0x4  }
0x103: {  	[tilespmem:$0x820] =	vst v3;
	v3 =	vld [tilespmem:$0x1FED0];
	_ =	sdelay $0x4  }
0x104: {  	[tilespmem:$0x830] =	vst v3;
	v3 =	vld [tilespmem:$0x1FEE0];
	_ =	sdelay $0x4  }
0x105: {  	[tilespmem:$0x880] =	vst v3;
	v3 =	vld [tilespmem:$0x1FEF0];
	_ =	sdelay $0x4  }
0x106: {  	[tilespmem:$0x890] =	vst v3;
	v3 =	vld [tilespmem:$0x1FF00];
	_ =	sdelay $0x4  }
0x107: {  	[tilespmem:$0x8A0] =	vst v3;
	v3 =	vld [tilespmem:$0x1FF10];
	_ =	sdelay $0x4  }
0x108: {  	[tilespmem:$0x8B0] =	vst v3;
	v3 =	vld [tilespmem:$0x1FF20];
	_ =	sdelay $0x4  }
0x109: {  	[tilespmem:$0x900] =	vst v3;
	v3 =	vld [tilespmem:$0x1FF30];
	_ =	sdelay $0x4  }
0x10a: {  	[tilespmem:$0x910] =	vst v3;
	v3 =	vld [tilespmem:$0x1FF40];
	_ =	sdelay $0x4  }
0x10b: {  	[tilespmem:$0x920] =	vst v3;
	v3 =	vld [tilespmem:$0x1FF50];
	_ =	sdelay $0x1  }
0x10c: {  	[tilespmem:$0xAA0] =	vst v8  }
0x10d: {  	[tilespmem:$0xAB0] =	vst v9  }
0x10e: {  	[tilespmem:$0xB00] =	vst v10  }
0x10f: {  	[tilespmem:$0x930] =	vst v3;
	v3 =	vld [tilespmem:$0x1FF60]  }
0x110: {  	[tilespmem:$0xB10] =	vst v11  }
0x111: {  	[tilespmem:$0xB20] =	vst v12  }
0x112: {  	[tilespmem:$0xB30] =	vst v13  }
0x113: {  	[tilespmem:$0xB80] =	vst v14  }
0x114: {  	[tilespmem:$0x980] =	vst v3;
	v3 =	vld [tilespmem:$0x1FF70]  }
0x115: {  	[tilespmem:$0xB90] =	vst v15  }
0x116: {  	[tilespmem:$0xBA0] =	vst v16  }
0x117: {  	[tilespmem:$0xBB0] =	vst v17  }
0x118: {  	[tilespmem:$0xC00] =	vst v18  }
0x119: {  	[tilespmem:$0x990] =	vst v3;
	v3 =	vld [tilespmem:$0x1FF80]  }
0x11a: {  	[tilespmem:$0xC10] =	vst v19  }
0x11b: {  	[tilespmem:$0xC20] =	vst v20  }
0x11c: {  	[tilespmem:$0xC30] =	vst v21  }
0x11d: {  	[tilespmem:$0xC80] =	vst v22  }
0x11e: {  	[tilespmem:$0x9A0] =	vst v3;
	v3 =	vld [tilespmem:$0x1FF90]  }
0x11f: {  	[tilespmem:$0xC90] =	vst v23  }
0x120: {  	[tilespmem:$0xCA0] =	vst v24  }
0x121: {  	[tilespmem:$0xCB0] =	vst v25  }
0x122: {  	[tilespmem:$0xD00] =	vst v26  }
0x123: {  	[tilespmem:$0x9B0] =	vst v3;
	v3 =	vld [tilespmem:$0x1FFA0]  }
0x124: {  	[tilespmem:$0xD10] =	vst v27  }
0x125: {  	[tilespmem:$0xD20] =	vst v28  }
0x126: {  	[tilespmem:$0xD30] =	vst v29  }
0x127: {  	[tilespmem:$0xD80] =	vst v30  }
0x128: {  	[tilespmem:$0xA00] =	vst v3;
	v3 =	vld [tilespmem:$0x1FFB0]  }
0x129: {  	[tilespmem:$0xD90] =	vst v31  }
0x12a: {  	[tilespmem:$0xDA0] =	vst v32  }
0x12b: {  	[tilespmem:$0xDB0] =	vst v33  }
0x12c: {  	[tilespmem:$0xE00] =	vst v34  }
0x12d: {  	[tilespmem:$0xA10] =	vst v3;
	v3 =	vld [tilespmem:$0x1FFC0]  }
0x12e: {  	[tilespmem:$0xE10] =	vst v35  }
0x12f: {  	[tilespmem:$0xE20] =	vst v36  }
0x130: {  	[tilespmem:$0xE30] =	vst v37  }
0x131: {  	[tilespmem:$0xE80] =	vst v38  }
0x132: {  	[tilespmem:$0xA20] =	vst v3;
	v3 =	vld [tilespmem:$0x1FFD0]  }
0x133: {  	[tilespmem:$0xE90] =	vst v39  }
0x134: {  	[tilespmem:$0xEA0] =	vst v40  }
0x135: {  	[tilespmem:$0xEB0] =	vst v41  }
0x136: {  	[tilespmem:$0xF00] =	vst v42  }
0x137: {  	[tilespmem:$0xA30] =	vst v3;
	v3 =	vld [tilespmem:$0x1FFE0]  }
0x138: {  	[tilespmem:$0xF10] =	vst v43  }
0x139: {  	[tilespmem:$0xF20] =	vst v44  }
0x13a: {  	[tilespmem:$0xF30] =	vst v45  }
0x13b: {  	[tilespmem:$0xF80] =	vst v46  }
0x13c: {  	[tilespmem:$0xA80] =	vst v3;
	v3 =	vld [tilespmem:$0x1FFF0]  }
0x13d: {  	[tilespmem:$0xF90] =	vst v47  }
0x13e: {  	[tilespmem:$0xFA0] =	vst v48  }
0x13f: {  	[tilespmem:$0xFB0] =	vst v49  }
0x140: {  	[tilespmem:$0x1000] =	vst v50  }
0x141: {  	[tilespmem:$0xA90] =	vst v3;
	v3 =	vld [tilespmem:$0x0]  }
0x142: {  	[tilespmem:$0x1010] =	vst v51  }
0x143: {  	[tilespmem:$0x1020] =	vst v52  }
0x144: {  	[tilespmem:$0x1030] =	vst v53  }
0x145: {  	[tilespmem:$0x1080] =	vst v54  }
0x146: {  	[tilespmem:$0x1090] =	vst v55;
	v4 =	vshrl.u32 v3, $0x3  }
0x147: {  	[tilespmem:$0x10A0] =	vst v56;
	v4 =	vmul.u32 $0x28, v4  }
0x148: {  	[tilespmem:$0x10B0] =	vst v57;
	v3 =	vand.u32 $0x7, v3  }
0x149: {  	[tilespmem:$0x1100] =	vst v58;
	v6 =	vor.u32 v3, v4;
	v3 =	vand.u32 $0x7, v0;
	v4 =	vshrl.u32 v0, $0x3  }
0x14a: {  	[tilespmem:$0x1110] =	vst v59;
	v5 =	vperm.xlane v6, v3;
	v4 =	vmul.u32 $0x8, v4  }
0x14b: {  	[tilespmem:$0x1120] =	vst v60  }
0x14c: {  	[tilespmem:$0x1130] =	vst v61;
	v7 =	vadd.s32 v4, v5  }
0x14d: {  	[tilespmem:$0x1180] =	vst v62;
	v5 =	vor.u32 $0x8, v0  }
0x14e: {  	[tilespmem:$0x1190] =	vst v63;
	v6 =	vperm.xlane v6, v5  }
0x14f: {  	[tilespmem:$0x11A0] =	vst v1  }
0x150: {  	s0 =	simm.s32 $0x1200;
	[tilespmem:$0x11B0] =	vst v2;
	v6 =	vadd.s32 v4, v6  }
0x151: {  	[tilespmem:s0], [sflag:$0x1] =	stream.indirect_vreg.gather [hbm4b:s5+s4], $0x80, v7, vm1, $0xb8;
	[tilespmem:$0x1F200] =	vst v63  }
0x152: {  	s28 =	simm.s32 $0x1A00  }
0x153: {  	[tilespmem:s28], [sflag:$0x1] =	stream.indirect_vreg.gather [hbm4b:s6+s4], $0x80, v7, vm1, $0xb8;
	[tilespmem:$0x1F200] =	vst v63  }
0x154: {  	s29 =	simm.s32 $0x2200  }
0x155: {  	[tilespmem:s29], [sflag:$0x1] =	stream.indirect_vreg.gather [hbm4b:s5+s4], $0x80, v6, vm1, $0xb8;
	[tilespmem:$0x1F200] =	vst v63  }
0x156: {  	s30 =	simm.s32 $0x2A00  }
0x157: {  	[tilespmem:s30], [sflag:$0x1] =	stream.indirect_vreg.gather [hbm4b:s6+s4], $0x80, v6, vm1, $0xb8;
	[tilespmem:$0x1F200] =	vst v63  }
0x158: {  	v6 =	vld [tilespmem:$0x10];
	_ =	sdelay $0x4  }
0x159: {  	v7 =	vshrl.u32 v6, $0x3  }
0x15a: {  	v7 =	vmul.u32 $0x28, v7  }
0x15b: {  	v6 =	vand.u32 $0x7, v6  }
0x15c: {  	v6 =	vor.u32 v6, v7  }
0x15d: {  	v7 =	vperm.xlane v6, v3;
	_ =	sdelay $0x1  }
0x15e: {  	v7 =	vadd.s32 v4, v7;
	_ =	sdelay $0x1  }
0x15f: {  	v6 =	vperm.xlane v6, v5;
	_ =	sdelay $0x1  }
0x160: {  	s31 =	simm.s32 $0x3200;
	v6 =	vadd.s32 v4, v6  }
0x161: {  	[tilespmem:s31], [sflag:$0x1] =	stream.indirect_vreg.gather [hbm4b:s5+s4], $0x80, v7, vm1, $0xb8;
	[tilespmem:$0x1F200] =	vst v63  }
0x162: {  	s1 =	simm.s32 $0x3A00  }
0x163: {  	[tilespmem:s1], [sflag:$0x1] =	stream.indirect_vreg.gather [hbm4b:s6+s4], $0x80, v7, vm1, $0xb8;
	[tilespmem:$0x1F200] =	vst v63  }
0x164: {  	s2 =	simm.s32 $0x4200  }
0x165: {  	[tilespmem:s2], [sflag:$0x1] =	stream.indirect_vreg.gather [hbm4b:s5+s4], $0x80, v6, vm1, $0xb8;
	[tilespmem:$0x1F200] =	vst v63  }
0x166: {  	s7 =	simm.s32 $0x4A00  }
0x167: {  	[tilespmem:s7], [sflag:$0x1] =	stream.indirect_vreg.gather [hbm4b:s6+s4], $0x80, v6, vm1, $0xb8;
	[tilespmem:$0x1F200] =	vst v63  }
0x168: {  	v6 =	vld [tilespmem:$0x20];
	_ =	sdelay $0x4  }
0x169: {  	v7 =	vshrl.u32 v6, $0x3  }
0x16a: {  	v7 =	vmul.u32 $0x28, v7  }
0x16b: {  	v6 =	vand.u32 $0x7, v6  }
0x16c: {  	v6 =	vor.u32 v6, v7  }
0x16d: {  	v7 =	vperm.xlane v6, v3;
	_ =	sdelay $0x1  }
0x16e: {  	v7 =	vadd.s32 v4, v7;
	_ =	sdelay $0x1  }
0x16f: {  	v6 =	vperm.xlane v6, v5;
	_ =	sdelay $0x1  }
0x170: {  	s8 =	simm.s32 $0x5200;
	v6 =	vadd.s32 v4, v6  }
0x171: {  	[tilespmem:s8], [sflag:$0x1] =	stream.indirect_vreg.gather [hbm4b:s5+s4], $0x80, v7, vm1, $0xb8;
	[tilespmem:$0x1F200] =	vst v63  }
0x172: {  	s12 =	simm.s32 $0x5A00  }
0x173: {  	[tilespmem:s12], [sflag:$0x1] =	stream.indirect_vreg.gather [hbm4b:s6+s4], $0x80, v7, vm1, $0xb8;
	[tilespmem:$0x1F200] =	vst v63  }
0x174: {  	s13 =	simm.s32 $0x6200  }
0x175: {  	[tilespmem:s13], [sflag:$0x1] =	stream.indirect_vreg.gather [hbm4b:s5+s4], $0x80, v6, vm1, $0xb8;
	[tilespmem:$0x1F200] =	vst v63  }
0x176: {  	s14 =	simm.s32 $0x6A00  }
0x177: {  	[tilespmem:s14], [sflag:$0x1] =	stream.indirect_vreg.gather [hbm4b:s6+s4], $0x80, v6, vm1, $0xb8;
	[tilespmem:$0x1F200] =	vst v63  }
0x178: {  	v6 =	vld [tilespmem:$0x30];
	_ =	sdelay $0x4  }
0x179: {  	v7 =	vshrl.u32 v6, $0x3  }
0x17a: {  	v7 =	vmul.u32 $0x28, v7  }
0x17b: {  	v6 =	vand.u32 $0x7, v6  }
0x17c: {  	v6 =	vor.u32 v6, v7  }
0x17d: {  	v7 =	vperm.xlane v6, v3;
	_ =	sdelay $0x1  }
0x17e: {  	v7 =	vadd.s32 v4, v7;
	_ =	sdelay $0x1  }
0x17f: {  	v6 =	vperm.xlane v6, v5;
	_ =	sdelay $0x1  }
0x180: {  	s15 =	simm.s32 $0x7200;
	v6 =	vadd.s32 v4, v6  }
0x181: {  	[tilespmem:s15], [sflag:$0x1] =	stream.indirect_vreg.gather [hbm4b:s5+s4], $0x80, v7, vm1, $0xb8;
	[tilespmem:$0x1F200] =	vst v63  }
0x182: {  	s24 =	simm.s32 $0x7A00  }
0x183: {  	[tilespmem:s24], [sflag:$0x1] =	stream.indirect_vreg.gather [hbm4b:s6+s4], $0x80, v7, vm1, $0xb8;
	[tilespmem:$0x1F200] =	vst v63  }
0x184: {  	s25 =	simm.s32 $0x8200  }
0x185: {  	[tilespmem:s25], [sflag:$0x1] =	stream.indirect_vreg.gather [hbm4b:s5+s4], $0x80, v6, vm1, $0xb8;
	[tilespmem:$0x1F200] =	vst v63  }
0x186: {  	s26 =	simm.s32 $0x8A00  }
0x187: {  	[tilespmem:s26], [sflag:$0x1] =	stream.indirect_vreg.gather [hbm4b:s6+s4], $0x80, v6, vm1, $0xb8;
	[tilespmem:$0x1F200] =	vst v63  }
0x188: {  	s28 =	simm.s32 $0x40;
	s1 =	simm.s32 $0x19200;
	s25 =	rddreg [dreg:$0x1]  }
0x189: {  	[tilespmem:s1], [sflag:$0x1] =	stream.indirect.gather [hbm4b:s25+s28], $0x80, s4, s28, $0xb8;
	[tilespmem:$0x1F200] =	vst v63  }
0x18a: {  	v6 =	vld [tilespmem:$0x40];
	_ =	sdelay $0x4  }
0x18b: {  	v7 =	vshrl.u32 v6, $0x3  }
0x18c: {  	v7 =	vmul.u32 $0x28, v7  }
0x18d: {  	v6 =	vand.u32 $0x7, v6  }
0x18e: {  	v6 =	vor.u32 v6, v7  }
0x18f: {  	v7 =	vperm.xlane v6, v3;
	_ =	sdelay $0x1  }
0x190: {  	v7 =	vadd.s32 v4, v7;
	_ =	sdelay $0x1  }
0x191: {  	v6 =	vperm.xlane v6, v5;
	_ =	sdelay $0x1  }
0x192: {  	s29 =	simm.s32 $0x9200;
	v6 =	vadd.s32 v4, v6  }
0x193: {  	[tilespmem:s29], [sflag:$0x1] =	stream.indirect_vreg.gather [hbm4b:s5+s4], $0x80, v7, vm1, $0xb8;
	[tilespmem:$0x1F200] =	vst v63  }
0x194: {  	s30 =	simm.s32 $0x9A00  }
0x195: {  	[tilespmem:s30], [sflag:$0x1] =	stream.indirect_vreg.gather [hbm4b:s6+s4], $0x80, v7, vm1, $0xb8;
	[tilespmem:$0x1F200] =	vst v63  }
0x196: {  	s31 =	simm.s32 $0xA200  }
0x197: {  	[tilespmem:s31], [sflag:$0x1] =	stream.indirect_vreg.gather [hbm4b:s5+s4], $0x80, v6, vm1, $0xb8;
	[tilespmem:$0x1F200] =	vst v63  }
0x198: {  	s26 =	simm.s32 $0xAA00  }
0x199: {  	[tilespmem:s26], [sflag:$0x1] =	stream.indirect_vreg.gather [hbm4b:s6+s4], $0x80, v6, vm1, $0xb8;
	[tilespmem:$0x1F200] =	vst v63  }
0x19a: {  	v6 =	vld [tilespmem:$0x50];
	_ =	sdelay $0x4  }
0x19b: {  	v7 =	vshrl.u32 v6, $0x3  }
0x19c: {  	v7 =	vmul.u32 $0x28, v7  }
0x19d: {  	v6 =	vand.u32 $0x7, v6  }
0x19e: {  	v6 =	vor.u32 v6, v7  }
0x19f: {  	v7 =	vperm.xlane v6, v3;
	_ =	sdelay $0x1  }
0x1a0: {  	v7 =	vadd.s32 v4, v7;
	_ =	sdelay $0x1  }
0x1a1: {  	v6 =	vperm.xlane v6, v5;
	_ =	sdelay $0x1  }
0x1a2: {  	s28 =	simm.s32 $0xB200;
	v6 =	vadd.s32 v4, v6  }
0x1a3: {  	[tilespmem:s28], [sflag:$0x1] =	stream.indirect_vreg.gather [hbm4b:s5+s4], $0x80, v7, vm1, $0xb8;
	[tilespmem:$0x1F200] =	vst v63  }
0x1a4: {  	s29 =	simm.s32 $0xBA00  }
0x1a5: {  	[tilespmem:s29], [sflag:$0x1] =	stream.indirect_vreg.gather [hbm4b:s6+s4], $0x80, v7, vm1, $0xb8;
	[tilespmem:$0x1F200] =	vst v63  }
0x1a6: {  	s30 =	simm.s32 $0xC200  }
0x1a7: {  	[tilespmem:s30], [sflag:$0x1] =	stream.indirect_vreg.gather [hbm4b:s5+s4], $0x80, v6, vm1, $0xb8;
	[tilespmem:$0x1F200] =	vst v63  }
0x1a8: {  	s31 =	simm.s32 $0xCA00  }
0x1a9: {  	[tilespmem:s31], [sflag:$0x1] =	stream.indirect_vreg.gather [hbm4b:s6+s4], $0x80, v6, vm1, $0xb8;
	[tilespmem:$0x1F200] =	vst v63  }
0x1aa: {  	v6 =	vld [tilespmem:$0x60];
	_ =	sdelay $0x4  }
0x1ab: {  	v7 =	vshrl.u32 v6, $0x3  }
0x1ac: {  	v7 =	vmul.u32 $0x28, v7  }
0x1ad: {  	v6 =	vand.u32 $0x7, v6  }
0x1ae: {  	v6 =	vor.u32 v6, v7  }
0x1af: {  	v7 =	vperm.xlane v6, v3;
	_ =	sdelay $0x1  }
0x1b0: {  	v7 =	vadd.s32 v4, v7;
	_ =	sdelay $0x1  }
0x1b1: {  	v6 =	vperm.xlane v6, v5;
	_ =	sdelay $0x1  }
0x1b2: {  	s28 =	simm.s32 $0xD200;
	v6 =	vadd.s32 v4, v6  }
0x1b3: {  	[tilespmem:s28], [sflag:$0x1] =	stream.indirect_vreg.gather [hbm4b:s5+s4], $0x80, v7, vm1, $0xb8;
	[tilespmem:$0x1F200] =	vst v63  }
0x1b4: {  	s29 =	simm.s32 $0xDA00  }
0x1b5: {  	[tilespmem:s29], [sflag:$0x1] =	stream.indirect_vreg.gather [hbm4b:s6+s4], $0x80, v7, vm1, $0xb8;
	[tilespmem:$0x1F200] =	vst v63  }
0x1b6: {  	s30 =	simm.s32 $0xE200  }
0x1b7: {  	[tilespmem:s30], [sflag:$0x1] =	stream.indirect_vreg.gather [hbm4b:s5+s4], $0x80, v6, vm1, $0xb8;
	[tilespmem:$0x1F200] =	vst v63  }
0x1b8: {  	s31 =	simm.s32 $0xEA00  }
0x1b9: {  	[tilespmem:s31], [sflag:$0x1] =	stream.indirect_vreg.gather [hbm4b:s6+s4], $0x80, v6, vm1, $0xb8;
	[tilespmem:$0x1F200] =	vst v63  }
0x1ba: {  	v6 =	vld [tilespmem:$0x70];
	_ =	sdelay $0x4  }
0x1bb: {  	v7 =	vshrl.u32 v6, $0x3  }
0x1bc: {  	v7 =	vmul.u32 $0x28, v7  }
0x1bd: {  	v6 =	vand.u32 $0x7, v6  }
0x1be: {  	v6 =	vor.u32 v6, v7  }
0x1bf: {  	v7 =	vperm.xlane v6, v3;
	_ =	sdelay $0x1  }
0x1c0: {  	v7 =	vadd.s32 v4, v7;
	_ =	sdelay $0x1  }
0x1c1: {  	v6 =	vperm.xlane v6, v5;
	_ =	sdelay $0x1  }
0x1c2: {  	s30 =	simm.s32 $0xF200;
	v6 =	vadd.s32 v4, v6  }
0x1c3: {  	[tilespmem:s30], [sflag:$0x1] =	stream.indirect_vreg.gather [hbm4b:s5+s4], $0x80, v7, vm1, $0xb8;
	[tilespmem:$0x1F200] =	vst v63  }
0x1c4: {  	s31 =	simm.s32 $0xFA00  }
0x1c5: {  	[tilespmem:s31], [sflag:$0x1] =	stream.indirect_vreg.gather [hbm4b:s6+s4], $0x80, v7, vm1, $0xb8;
	[tilespmem:$0x1F200] =	vst v63  }
0x1c6: {  	s31 =	simm.s32 $0x10200  }
0x1c7: {  	[tilespmem:s31], [sflag:$0x1] =	stream.indirect_vreg.gather [hbm4b:s5+s4], $0x80, v6, vm1, $0xb8;
	[tilespmem:$0x1F200] =	vst v63  }
0x1c8: {  	s1 =	simm.s32 $0x10A00  }
0x1c9: {  	[tilespmem:s1], [sflag:$0x1] =	stream.indirect_vreg.gather [hbm4b:s6+s4], $0x80, v6, vm1, $0xb8;
	[tilespmem:$0x1F200] =	vst v63  }
0x1ca: {  	s0 =	simm.s32 $0x40;
	s1 =	simm.s32 $0x1B200  }
0x1cb: {  	[tilespmem:s1], [sflag:$0x1] =	stream.indirect.gather [hbm4b:s25+s0], $0x80, s0, s0, $0xb8;
	[tilespmem:$0x1F200] =	vst v63  }
0x1cc: {  	_ =	swait.ge [sflag:s19], $0x8000  }
0x1cd: {  	[sflag:s19] =	ssyncset.done $0x0  }
0x1ce: {  	[sflag:s19] =	ssyncadd.s32 $0xFFFF8000  }
0x1cf: {  	_ =	swait.ge [sflag:s19], $0x2000  }
0x1d0: {  	[sflag:s19] =	ssyncset.done $0x0  }
0x1d1: {  	[sflag:s19] =	ssyncadd.s32 $0xFFFFE000  }
0x1d2: {  	v6 =	vld [tilespmem:$0x200];
	_ =	sdelay $0x4  }
0x1d3: {  	v7 =	vperm.xlane v6, v3;
	_ =	sdelay $0x1  }
0x1d4: {  	v6 =	vperm.xlane v6, v5;
	v7 =	vadd.s32 v4, v7;
	_ =	sdelay $0x1  }
0x1d5: {  	v6 =	vadd.s32 v4, v6;
	_ =	sdelay $0x1  }
0x1d6: {  	s16 =	simm.s32 $0x1200  }
0x1d7: {  	[hbm4b:s3+s4] =	stream.indirect_vreg.scatter [tilespmem:s16], [sflag:$0x2], $0x80, v7, vm0, $0xb8;
	[tilespmem:$0x1F200] =	vst v63  }
0x1d8: {  	s17 =	simm.s32 $0x2200  }
0x1d9: {  	[hbm4b:s3+s4] =	stream.indirect_vreg.scatter [tilespmem:s17], [sflag:$0x2], $0x80, v6, vm0, $0xb8;
	[tilespmem:$0x1F200] =	vst v63  }
0x1da: {  	v6 =	vld [tilespmem:$0x210];
	_ =	sdelay $0x4  }
0x1db: {  	v7 =	vperm.xlane v6, v3;
	_ =	sdelay $0x1  }
0x1dc: {  	v6 =	vperm.xlane v6, v5;
	v7 =	vadd.s32 v4, v7;
	_ =	sdelay $0x1  }
0x1dd: {  	v6 =	vadd.s32 v4, v6;
	_ =	sdelay $0x1  }
0x1de: {  	s18 =	simm.s32 $0x3200  }
0x1df: {  	[hbm4b:s3+s4] =	stream.indirect_vreg.scatter [tilespmem:s18], [sflag:$0x2], $0x80, v7, vm0, $0xb8;
	[tilespmem:$0x1F200] =	vst v63  }
0x1e0: {  	s21 =	simm.s32 $0x4200  }
0x1e1: {  	[hbm4b:s3+s4] =	stream.indirect_vreg.scatter [tilespmem:s21], [sflag:$0x2], $0x80, v6, vm0, $0xb8;
	[tilespmem:$0x1F200] =	vst v63  }
0x1e2: {  	v6 =	vld [tilespmem:$0x220];
	_ =	sdelay $0x4  }
0x1e3: {  	v7 =	vperm.xlane v6, v3;
	_ =	sdelay $0x1  }
0x1e4: {  	v6 =	vperm.xlane v6, v5;
	v7 =	vadd.s32 v4, v7;
	_ =	sdelay $0x1  }
0x1e5: {  	v6 =	vadd.s32 v4, v6;
	_ =	sdelay $0x1  }
0x1e6: {  	s22 =	simm.s32 $0x5200  }
0x1e7: {  	[hbm4b:s3+s4] =	stream.indirect_vreg.scatter [tilespmem:s22], [sflag:$0x2], $0x80, v7, vm0, $0xb8;
	[tilespmem:$0x1F200] =	vst v63  }
0x1e8: {  	s8 =	simm.s32 $0x6200  }
0x1e9: {  	[hbm4b:s3+s4] =	stream.indirect_vreg.scatter [tilespmem:s8], [sflag:$0x2], $0x80, v6, vm0, $0xb8;
	[tilespmem:$0x1F200] =	vst v63  }
0x1ea: {  	v6 =	vld [tilespmem:$0x230];
	_ =	sdelay $0x4  }
0x1eb: {  	v7 =	vperm.xlane v6, v3;
	_ =	sdelay $0x1  }
0x1ec: {  	v6 =	vperm.xlane v6, v5;
	v7 =	vadd.s32 v4, v7;
	_ =	sdelay $0x1  }
0x1ed: {  	v6 =	vadd.s32 v4, v6;
	_ =	sdelay $0x1  }
0x1ee: {  	s7 =	simm.s32 $0x7200  }
0x1ef: {  	[hbm4b:s3+s4] =	stream.indirect_vreg.scatter [tilespmem:s7], [sflag:$0x2], $0x80, v7, vm0, $0xb8;
	[tilespmem:$0x1F200] =	vst v63  }
0x1f0: {  	s2 =	simm.s32 $0x8200  }
0x1f1: {  	[hbm4b:s3+s4] =	stream.indirect_vreg.scatter [tilespmem:s2], [sflag:$0x2], $0x80, v6, vm0, $0xb8;
	[tilespmem:$0x1F200] =	vst v63  }
0x1f2: {  	v6 =	vld [tilespmem:$0x280];
	_ =	sdelay $0x4  }
0x1f3: {  	v7 =	vperm.xlane v6, v3;
	_ =	sdelay $0x1  }
0x1f4: {  	v6 =	vperm.xlane v6, v5;
	v7 =	vadd.s32 v4, v7;
	_ =	sdelay $0x1  }
0x1f5: {  	v6 =	vadd.s32 v4, v6;
	_ =	sdelay $0x1  }
0x1f6: {  	s17 =	simm.s32 $0x1600  }
0x1f7: {  	[hbm4b:s3+s4] =	stream.indirect_vreg.scatter [tilespmem:s17], [sflag:$0x2], $0x80, v7, vm0, $0xb8;
	[tilespmem:$0x1F200] =	vst v63  }
0x1f8: {  	s18 =	simm.s32 $0x2600  }
0x1f9: {  	[hbm4b:s3+s4] =	stream.indirect_vreg.scatter [tilespmem:s18], [sflag:$0x2], $0x80, v6, vm0, $0xb8;
	[tilespmem:$0x1F200] =	vst v63  }
0x1fa: {  	v6 =	vld [tilespmem:$0x290];
	_ =	sdelay $0x4  }
0x1fb: {  	v7 =	vperm.xlane v6, v3;
	_ =	sdelay $0x1  }
0x1fc: {  	v6 =	vperm.xlane v6, v5;
	v7 =	vadd.s32 v4, v7;
	_ =	sdelay $0x1  }
0x1fd: {  	v6 =	vadd.s32 v4, v6;
	_ =	sdelay $0x1  }
0x1fe: {  	s21 =	simm.s32 $0x3600  }
0x1ff: {  	[hbm4b:s3+s4] =	stream.indirect_vreg.scatter [tilespmem:s21], [sflag:$0x2], $0x80, v7, vm0, $0xb8;
	[tilespmem:$0x1F200] =	vst v63  }
0x200: {  	s22 =	simm.s32 $0x4600  }
0x201: {  	[hbm4b:s3+s4] =	stream.indirect_vreg.scatter [tilespmem:s22], [sflag:$0x2], $0x80, v6, vm0, $0xb8;
	[tilespmem:$0x1F200] =	vst v63  }
0x202: {  	v6 =	vld [tilespmem:$0x2A0];
	_ =	sdelay $0x4  }
0x203: {  	v7 =	vperm.xlane v6, v3;
	_ =	sdelay $0x1  }
0x204: {  	v6 =	vperm.xlane v6, v5;
	v7 =	vadd.s32 v4, v7;
	_ =	sdelay $0x1  }
0x205: {  	v6 =	vadd.s32 v4, v6;
	_ =	sdelay $0x1  }
0x206: {  	s0 =	simm.s32 $0x5600  }
0x207: {  	[hbm4b:s3+s4] =	stream.indirect_vreg.scatter [tilespmem:s0], [sflag:$0x2], $0x80, v7, vm0, $0xb8;
	[tilespmem:$0x1F200] =	vst v63  }
0x208: {  	s1 =	simm.s32 $0x6600  }
0x209: {  	[hbm4b:s3+s4] =	stream.indirect_vreg.scatter [tilespmem:s1], [sflag:$0x2], $0x80, v6, vm0, $0xb8;
	[tilespmem:$0x1F200] =	vst v63  }
0x20a: {  	v6 =	vld [tilespmem:$0x2B0];
	_ =	sdelay $0x4  }
0x20b: {  	v7 =	vperm.xlane v6, v3;
	_ =	sdelay $0x1  }
0x20c: {  	v6 =	vperm.xlane v6, v5;
	v7 =	vadd.s32 v4, v7;
	_ =	sdelay $0x1  }
0x20d: {  	v6 =	vadd.s32 v4, v6;
	_ =	sdelay $0x1  }
0x20e: {  	s7 =	simm.s32 $0x7600  }
0x20f: {  	[hbm4b:s3+s4] =	stream.indirect_vreg.scatter [tilespmem:s7], [sflag:$0x2], $0x80, v7, vm0, $0xb8;
	[tilespmem:$0x1F200] =	vst v63  }
0x210: {  	s8 =	simm.s32 $0x8600  }
0x211: {  	[hbm4b:s3+s4] =	stream.indirect_vreg.scatter [tilespmem:s8], [sflag:$0x2], $0x80, v6, vm0, $0xb8;
	[tilespmem:$0x1F200] =	vst v63  }
0x212: {  	v6 =	vld [tilespmem:$0x300];
	_ =	sdelay $0x4  }
0x213: {  	v7 =	vperm.xlane v6, v3;
	_ =	sdelay $0x1  }
0x214: {  	v6 =	vperm.xlane v6, v5;
	v7 =	vadd.s32 v4, v7;
	_ =	sdelay $0x1  }
0x215: {  	v6 =	vadd.s32 v4, v6;
	_ =	sdelay $0x1  }
0x216: {  	s23 =	simm.s32 $0x1A00  }
0x217: {  	[hbm4b:s3+s4] =	stream.indirect_vreg.scatter [tilespmem:s23], [sflag:$0x2], $0x80, v7, vm0, $0xb8;
	[tilespmem:$0x1F200] =	vst v63  }
0x218: {  	s9 =	simm.s32 $0x2A00  }
0x219: {  	[hbm4b:s3+s4] =	stream.indirect_vreg.scatter [tilespmem:s9], [sflag:$0x2], $0x80, v6, vm0, $0xb8;
	[tilespmem:$0x1F200] =	vst v63  }
0x21a: {  	v6 =	vld [tilespmem:$0x310];
	_ =	sdelay $0x4  }
0x21b: {  	v7 =	vperm.xlane v6, v3;
	_ =	sdelay $0x1  }
0x21c: {  	v6 =	vperm.xlane v6, v5;
	v7 =	vadd.s32 v4, v7;
	_ =	sdelay $0x1  }
0x21d: {  	v6 =	vadd.s32 v4, v6;
	_ =	sdelay $0x1  }
0x21e: {  	s10 =	simm.s32 $0x3A00  }
0x21f: {  	[hbm4b:s3+s4] =	stream.indirect_vreg.scatter [tilespmem:s10], [sflag:$0x2], $0x80, v7, vm0, $0xb8;
	[tilespmem:$0x1F200] =	vst v63  }
0x220: {  	s11 =	simm.s32 $0x4A00  }
0x221: {  	[hbm4b:s3+s4] =	stream.indirect_vreg.scatter [tilespmem:s11], [sflag:$0x2], $0x80, v6, vm0, $0xb8;
	[tilespmem:$0x1F200] =	vst v63  }
0x222: {  	v6 =	vld [tilespmem:$0x320];
	_ =	sdelay $0x4  }
0x223: {  	v7 =	vperm.xlane v6, v3;
	_ =	sdelay $0x1  }
0x224: {  	v6 =	vperm.xlane v6, v5;
	v7 =	vadd.s32 v4, v7;
	_ =	sdelay $0x1  }
0x225: {  	v6 =	vadd.s32 v4, v6;
	_ =	sdelay $0x1  }
0x226: {  	s12 =	simm.s32 $0x5A00  }
0x227: {  	[hbm4b:s3+s4] =	stream.indirect_vreg.scatter [tilespmem:s12], [sflag:$0x2], $0x80, v7, vm0, $0xb8;
	[tilespmem:$0x1F200] =	vst v63  }
0x228: {  	s13 =	simm.s32 $0x6A00  }
0x229: {  	[hbm4b:s3+s4] =	stream.indirect_vreg.scatter [tilespmem:s13], [sflag:$0x2], $0x80, v6, vm0, $0xb8;
	[tilespmem:$0x1F200] =	vst v63  }
0x22a: {  	v6 =	vld [tilespmem:$0x330];
	_ =	sdelay $0x4  }
0x22b: {  	v7 =	vperm.xlane v6, v3;
	_ =	sdelay $0x1  }
0x22c: {  	v6 =	vperm.xlane v6, v5;
	v7 =	vadd.s32 v4, v7;
	_ =	sdelay $0x1  }
0x22d: {  	v6 =	vadd.s32 v4, v6;
	_ =	sdelay $0x1  }
0x22e: {  	s14 =	simm.s32 $0x7A00  }
0x22f: {  	[hbm4b:s3+s4] =	stream.indirect_vreg.scatter [tilespmem:s14], [sflag:$0x2], $0x80, v7, vm0, $0xb8;
	[tilespmem:$0x1F200] =	vst v63  }
0x230: {  	s15 =	simm.s32 $0x8A00  }
0x231: {  	[hbm4b:s3+s4] =	stream.indirect_vreg.scatter [tilespmem:s15], [sflag:$0x2], $0x80, v6, vm0, $0xb8;
	[tilespmem:$0x1F200] =	vst v63  }
0x232: {  	v6 =	vld [tilespmem:$0x380];
	_ =	sdelay $0x4  }
0x233: {  	v7 =	vperm.xlane v6, v3;
	_ =	sdelay $0x1  }
0x234: {  	v6 =	vperm.xlane v6, v5;
	v7 =	vadd.s32 v4, v7;
	_ =	sdelay $0x1  }
0x235: {  	v6 =	vadd.s32 v4, v6;
	_ =	sdelay $0x1  }
0x236: {  	s12 =	simm.s32 $0x1E00  }
0x237: {  	[hbm4b:s3+s4] =	stream.indirect_vreg.scatter [tilespmem:s12], [sflag:$0x2], $0x80, v7, vm0, $0xb8;
	[tilespmem:$0x1F200] =	vst v63  }
0x238: {  	s13 =	simm.s32 $0x2E00  }
0x239: {  	[hbm4b:s3+s4] =	stream.indirect_vreg.scatter [tilespmem:s13], [sflag:$0x2], $0x80, v6, vm0, $0xb8;
	[tilespmem:$0x1F200] =	vst v63  }
0x23a: {  	v6 =	vld [tilespmem:$0x390];
	_ =	sdelay $0x4  }
0x23b: {  	v7 =	vperm.xlane v6, v3;
	_ =	sdelay $0x1  }
0x23c: {  	v6 =	vperm.xlane v6, v5;
	v7 =	vadd.s32 v4, v7;
	_ =	sdelay $0x1  }
0x23d: {  	v6 =	vadd.s32 v4, v6;
	_ =	sdelay $0x1  }
0x23e: {  	s14 =	simm.s32 $0x3E00  }
0x23f: {  	[hbm4b:s3+s4] =	stream.indirect_vreg.scatter [tilespmem:s14], [sflag:$0x2], $0x80, v7, vm0, $0xb8;
	[tilespmem:$0x1F200] =	vst v63  }
0x240: {  	s15 =	simm.s32 $0x4E00  }
0x241: {  	[hbm4b:s3+s4] =	stream.indirect_vreg.scatter [tilespmem:s15], [sflag:$0x2], $0x80, v6, vm0, $0xb8;
	[tilespmem:$0x1F200] =	vst v63  }
0x242: {  	v6 =	vld [tilespmem:$0x3A0];
	_ =	sdelay $0x4  }
0x243: {  	v7 =	vperm.xlane v6, v3;
	_ =	sdelay $0x1  }
0x244: {  	v6 =	vperm.xlane v6, v5;
	v7 =	vadd.s32 v4, v7;
	_ =	sdelay $0x1  }
0x245: {  	v6 =	vadd.s32 v4, v6;
	_ =	sdelay $0x1  }
0x246: {  	s18 =	simm.s32 $0x5E00  }
0x247: {  	[hbm4b:s3+s4] =	stream.indirect_vreg.scatter [tilespmem:s18], [sflag:$0x2], $0x80, v7, vm0, $0xb8;
	[tilespmem:$0x1F200] =	vst v63  }
0x248: {  	s21 =	simm.s32 $0x6E00  }
0x249: {  	[hbm4b:s3+s4] =	stream.indirect_vreg.scatter [tilespmem:s21], [sflag:$0x2], $0x80, v6, vm0, $0xb8;
	[tilespmem:$0x1F200] =	vst v63  }
0x24a: {  	v6 =	vld [tilespmem:$0x3B0];
	_ =	sdelay $0x4  }
0x24b: {  	v7 =	vperm.xlane v6, v3;
	_ =	sdelay $0x1  }
0x24c: {  	v6 =	vperm.xlane v6, v5;
	v7 =	vadd.s32 v4, v7;
	_ =	sdelay $0x1  }
0x24d: {  	v6 =	vadd.s32 v4, v6;
	_ =	sdelay $0x1  }
0x24e: {  	s22 =	simm.s32 $0x7E00  }
0x24f: {  	[hbm4b:s3+s4] =	stream.indirect_vreg.scatter [tilespmem:s22], [sflag:$0x2], $0x80, v7, vm0, $0xb8;
	[tilespmem:$0x1F200] =	vst v63  }
0x250: {  	s1 =	simm.s32 $0x8E00  }
0x251: {  	[hbm4b:s3+s4] =	stream.indirect_vreg.scatter [tilespmem:s1], [sflag:$0x2], $0x80, v6, vm0, $0xb8;
	[tilespmem:$0x1F200] =	vst v63  }
0x252: {  	s24 =	simm.s32 $0x19200;
	s23 =	rddreg [dreg:$0x7]  }
0x253: {  	[hbm4b:s23+s4] =	stream.linear.scatter [tilespmem:s24], [sflag:$0x2], $0x2000, $0x38;
	[tilespmem:$0x1F200] =	vst v63  }
0x254: {  	v6 =	vld [tilespmem:$0x80];
	_ =	sdelay $0x4  }
0x255: {  	v7 =	vshrl.u32 v6, $0x3  }
0x256: {  	v7 =	vmul.u32 $0x28, v7  }
0x257: {  	v6 =	vand.u32 $0x7, v6  }
0x258: {  	v6 =	vor.u32 v6, v7  }
0x259: {  	v7 =	vperm.xlane v6, v3;
	_ =	sdelay $0x1  }
0x25a: {  	v7 =	vadd.s32 v4, v7;
	_ =	sdelay $0x1  }
0x25b: {  	v6 =	vperm.xlane v6, v5;
	_ =	sdelay $0x1  }
0x25c: {  	s2 =	simm.s32 $0x11200;
	v6 =	vadd.s32 v4, v6  }
0x25d: {  	[tilespmem:s2], [sflag:$0x1] =	stream.indirect_vreg.gather [hbm4b:s5+s4], $0x80, v7, vm1, $0xb8;
	[tilespmem:$0x1F200] =	vst v63  }
0x25e: {  	s7 =	simm.s32 $0x11A00  }
0x25f: {  	[tilespmem:s7], [sflag:$0x1] =	stream.indirect_vreg.gather [hbm4b:s6+s4], $0x80, v7, vm1, $0xb8;
	[tilespmem:$0x1F200] =	vst v63  }
0x260: {  	s8 =	simm.s32 $0x12200  }
0x261: {  	[tilespmem:s8], [sflag:$0x1] =	stream.indirect_vreg.gather [hbm4b:s5+s4], $0x80, v6, vm1, $0xb8;
	[tilespmem:$0x1F200] =	vst v63  }
0x262: {  	s9 =	simm.s32 $0x12A00  }
0x263: {  	[tilespmem:s9], [sflag:$0x1] =	stream.indirect_vreg.gather [hbm4b:s6+s4], $0x80, v6, vm1, $0xb8;
	[tilespmem:$0x1F200] =	vst v63  }
0x264: {  	v6 =	vld [tilespmem:$0x90];
	_ =	sdelay $0x4  }
0x265: {  	v7 =	vshrl.u32 v6, $0x3  }
0x266: {  	v7 =	vmul.u32 $0x28, v7  }
0x267: {  	v6 =	vand.u32 $0x7, v6  }
0x268: {  	v6 =	vor.u32 v6, v7  }
0x269: {  	v7 =	vperm.xlane v6, v3;
	_ =	sdelay $0x1  }
0x26a: {  	v7 =	vadd.s32 v4, v7;
	_ =	sdelay $0x1  }
0x26b: {  	v6 =	vperm.xlane v6, v5;
	_ =	sdelay $0x1  }
0x26c: {  	s10 =	simm.s32 $0x13200;
	v6 =	vadd.s32 v4, v6  }
0x26d: {  	[tilespmem:s10], [sflag:$0x1] =	stream.indirect_vreg.gather [hbm4b:s5+s4], $0x80, v7, vm1, $0xb8;
	[tilespmem:$0x1F200] =	vst v63  }
0x26e: {  	s11 =	simm.s32 $0x13A00  }
0x26f: {  	[tilespmem:s11], [sflag:$0x1] =	stream.indirect_vreg.gather [hbm4b:s6+s4], $0x80, v7, vm1, $0xb8;
	[tilespmem:$0x1F200] =	vst v63  }
0x270: {  	s12 =	simm.s32 $0x14200  }
0x271: {  	[tilespmem:s12], [sflag:$0x1] =	stream.indirect_vreg.gather [hbm4b:s5+s4], $0x80, v6, vm1, $0xb8;
	[tilespmem:$0x1F200] =	vst v63  }
0x272: {  	s13 =	simm.s32 $0x14A00  }
0x273: {  	[tilespmem:s13], [sflag:$0x1] =	stream.indirect_vreg.gather [hbm4b:s6+s4], $0x80, v6, vm1, $0xb8;
	[tilespmem:$0x1F200] =	vst v63  }
0x274: {  	v6 =	vld [tilespmem:$0xA0];
	_ =	sdelay $0x4  }
0x275: {  	v7 =	vshrl.u32 v6, $0x3  }
0x276: {  	v7 =	vmul.u32 $0x28, v7  }
0x277: {  	v6 =	vand.u32 $0x7, v6  }
0x278: {  	v6 =	vor.u32 v6, v7  }
0x279: {  	v7 =	vperm.xlane v6, v3;
	_ =	sdelay $0x1  }
0x27a: {  	v7 =	vadd.s32 v4, v7;
	_ =	sdelay $0x1  }
0x27b: {  	v6 =	vperm.xlane v6, v5;
	_ =	sdelay $0x1  }
0x27c: {  	s14 =	simm.s32 $0x15200;
	v6 =	vadd.s32 v4, v6  }
0x27d: {  	[tilespmem:s14], [sflag:$0x1] =	stream.indirect_vreg.gather [hbm4b:s5+s4], $0x80, v7, vm1, $0xb8;
	[tilespmem:$0x1F200] =	vst v63  }
0x27e: {  	s15 =	simm.s32 $0x15A00  }
0x27f: {  	[tilespmem:s15], [sflag:$0x1] =	stream.indirect_vreg.gather [hbm4b:s6+s4], $0x80, v7, vm1, $0xb8;
	[tilespmem:$0x1F200] =	vst v63  }
0x280: {  	s21 =	simm.s32 $0x16200  }
0x281: {  	[tilespmem:s21], [sflag:$0x1] =	stream.indirect_vreg.gather [hbm4b:s5+s4], $0x80, v6, vm1, $0xb8;
	[tilespmem:$0x1F200] =	vst v63  }
0x282: {  	s22 =	simm.s32 $0x16A00  }
0x283: {  	[tilespmem:s22], [sflag:$0x1] =	stream.indirect_vreg.gather [hbm4b:s6+s4], $0x80, v6, vm1, $0xb8;
	[tilespmem:$0x1F200] =	vst v63  }
0x284: {  	v6 =	vld [tilespmem:$0xB0];
	_ =	sdelay $0x4  }
0x285: {  	v7 =	vshrl.u32 v6, $0x3  }
0x286: {  	v7 =	vmul.u32 $0x28, v7  }
0x287: {  	v6 =	vand.u32 $0x7, v6  }
0x288: {  	v6 =	vor.u32 v6, v7  }
0x289: {  	v7 =	vperm.xlane v6, v3;
	_ =	sdelay $0x1  }
0x28a: {  	v7 =	vadd.s32 v4, v7;
	_ =	sdelay $0x1  }
0x28b: {  	v6 =	vperm.xlane v6, v5;
	_ =	sdelay $0x1  }
0x28c: {  	s2 =	simm.s32 $0x17200;
	v6 =	vadd.s32 v4, v6  }
0x28d: {  	[tilespmem:s2], [sflag:$0x1] =	stream.indirect_vreg.gather [hbm4b:s5+s4], $0x80, v7, vm1, $0xb8;
	[tilespmem:$0x1F200] =	vst v63  }
0x28e: {  	s7 =	simm.s32 $0x17A00  }
0x28f: {  	[tilespmem:s7], [sflag:$0x1] =	stream.indirect_vreg.gather [hbm4b:s6+s4], $0x80, v7, vm1, $0xb8;
	[tilespmem:$0x1F200] =	vst v63  }
0x290: {  	s8 =	simm.s32 $0x18200  }
0x291: {  	[tilespmem:s8], [sflag:$0x1] =	stream.indirect_vreg.gather [hbm4b:s5+s4], $0x80, v6, vm1, $0xb8;
	[tilespmem:$0x1F200] =	vst v63  }
0x292: {  	s11 =	simm.s32 $0x18A00  }
0x293: {  	[tilespmem:s11], [sflag:$0x1] =	stream.indirect_vreg.gather [hbm4b:s6+s4], $0x80, v6, vm1, $0xb8;
	[tilespmem:$0x1F200] =	vst v63  }
0x294: {  	s9 =	rddreg [dreg:$0xf];
	s12 =	simm.s32 $0x1D200;
	s2 =	simm.s32 $0x40  }
0x295: {  	[tilespmem:s12], [sflag:$0x1] =	stream.indirect.gather [hbm4b:s25+s2], $0x80, s9, s2, $0xb8;
	[tilespmem:$0x1F200] =	vst v63  }
0x296: {  	_ =	swait.ge [sflag:s19], $0x8000  }
0x297: {  	[sflag:s19] =	ssyncset.done $0x0  }
0x298: {  	[sflag:s19] =	ssyncadd.s32 $0xFFFF8000  }
0x299: {  	_ =	swait.ge [sflag:s19], $0x2000  }
0x29a: {  	[sflag:s19] =	ssyncset.done $0x0  }
0x29b: {  	[sflag:s19] =	ssyncadd.s32 $0xFFFFE000  }
0x29c: {  	v6 =	vld [tilespmem:$0x400];
	_ =	sdelay $0x4  }
0x29d: {  	v7 =	vperm.xlane v6, v3;
	_ =	sdelay $0x1  }
0x29e: {  	v6 =	vperm.xlane v6, v5;
	v7 =	vadd.s32 v4, v7;
	_ =	sdelay $0x1  }
0x29f: {  	v6 =	vadd.s32 v4, v6;
	_ =	sdelay $0x1  }
0x2a0: {  	s14 =	simm.s32 $0x9200  }
0x2a1: {  	[hbm4b:s3+s4] =	stream.indirect_vreg.scatter [tilespmem:s14], [sflag:$0x2], $0x80, v7, vm0, $0xb8;
	[tilespmem:$0x1F200] =	vst v63  }
0x2a2: {  	s21 =	simm.s32 $0xA200  }
0x2a3: {  	[hbm4b:s3+s4] =	stream.indirect_vreg.scatter [tilespmem:s21], [sflag:$0x2], $0x80, v6, vm0, $0xb8;
	[tilespmem:$0x1F200] =	vst v63  }
0x2a4: {  	v6 =	vld [tilespmem:$0x410];
	_ =	sdelay $0x4  }
0x2a5: {  	v7 =	vperm.xlane v6, v3;
	_ =	sdelay $0x1  }
0x2a6: {  	v6 =	vperm.xlane v6, v5;
	v7 =	vadd.s32 v4, v7;
	_ =	sdelay $0x1  }
0x2a7: {  	v6 =	vadd.s32 v4, v6;
	_ =	sdelay $0x1  }
0x2a8: {  	s22 =	simm.s32 $0xB200  }
0x2a9: {  	[hbm4b:s3+s4] =	stream.indirect_vreg.scatter [tilespmem:s22], [sflag:$0x2], $0x80, v7, vm0, $0xb8;
	[tilespmem:$0x1F200] =	vst v63  }
0x2aa: {  	s26 =	simm.s32 $0xC200  }
0x2ab: {  	[hbm4b:s3+s4] =	stream.indirect_vreg.scatter [tilespmem:s26], [sflag:$0x2], $0x80, v6, vm0, $0xb8;
	[tilespmem:$0x1F200] =	vst v63  }
0x2ac: {  	v6 =	vld [tilespmem:$0x420];
	_ =	sdelay $0x4  }
0x2ad: {  	v7 =	vperm.xlane v6, v3;
	_ =	sdelay $0x1  }
0x2ae: {  	v6 =	vperm.xlane v6, v5;
	v7 =	vadd.s32 v4, v7;
	_ =	sdelay $0x1  }
0x2af: {  	v6 =	vadd.s32 v4, v6;
	_ =	sdelay $0x1  }
0x2b0: {  	s28 =	simm.s32 $0xD200  }
0x2b1: {  	[hbm4b:s3+s4] =	stream.indirect_vreg.scatter [tilespmem:s28], [sflag:$0x2], $0x80, v7, vm0, $0xb8;
	[tilespmem:$0x1F200] =	vst v63  }
0x2b2: {  	s29 =	simm.s32 $0xE200  }
0x2b3: {  	[hbm4b:s3+s4] =	stream.indirect_vreg.scatter [tilespmem:s29], [sflag:$0x2], $0x80, v6, vm0, $0xb8;
	[tilespmem:$0x1F200] =	vst v63  }
0x2b4: {  	v6 =	vld [tilespmem:$0x430];
	_ =	sdelay $0x4  }
0x2b5: {  	v7 =	vperm.xlane v6, v3;
	_ =	sdelay $0x1  }
0x2b6: {  	v6 =	vperm.xlane v6, v5;
	v7 =	vadd.s32 v4, v7;
	_ =	sdelay $0x1  }
0x2b7: {  	v6 =	vadd.s32 v4, v6;
	_ =	sdelay $0x1  }
0x2b8: {  	s30 =	simm.s32 $0xF200  }
0x2b9: {  	[hbm4b:s3+s4] =	stream.indirect_vreg.scatter [tilespmem:s30], [sflag:$0x2], $0x80, v7, vm0, $0xb8;
	[tilespmem:$0x1F200] =	vst v63  }
0x2ba: {  	s31 =	simm.s32 $0x10200  }
0x2bb: {  	[hbm4b:s3+s4] =	stream.indirect_vreg.scatter [tilespmem:s31], [sflag:$0x2], $0x80, v6, vm0, $0xb8;
	[tilespmem:$0x1F200] =	vst v63  }
0x2bc: {  	v6 =	vld [tilespmem:$0x480];
	_ =	sdelay $0x4  }
0x2bd: {  	v7 =	vperm.xlane v6, v3;
	_ =	sdelay $0x1  }
0x2be: {  	v6 =	vperm.xlane v6, v5;
	v7 =	vadd.s32 v4, v7;
	_ =	sdelay $0x1  }
0x2bf: {  	v6 =	vadd.s32 v4, v6;
	_ =	sdelay $0x1  }
0x2c0: {  	s29 =	simm.s32 $0x9600  }
0x2c1: {  	[hbm4b:s3+s4] =	stream.indirect_vreg.scatter [tilespmem:s29], [sflag:$0x2], $0x80, v7, vm0, $0xb8;
	[tilespmem:$0x1F200] =	vst v63  }
0x2c2: {  	s30 =	simm.s32 $0xA600  }
0x2c3: {  	[hbm4b:s3+s4] =	stream.indirect_vreg.scatter [tilespmem:s30], [sflag:$0x2], $0x80, v6, vm0, $0xb8;
	[tilespmem:$0x1F200] =	vst v63  }
0x2c4: {  	v6 =	vld [tilespmem:$0x490];
	_ =	sdelay $0x4  }
0x2c5: {  	v7 =	vperm.xlane v6, v3;
	_ =	sdelay $0x1  }
0x2c6: {  	v6 =	vperm.xlane v6, v5;
	v7 =	vadd.s32 v4, v7;
	_ =	sdelay $0x1  }
0x2c7: {  	v6 =	vadd.s32 v4, v6;
	_ =	sdelay $0x1  }
0x2c8: {  	s31 =	simm.s32 $0xB600  }
0x2c9: {  	[hbm4b:s3+s4] =	stream.indirect_vreg.scatter [tilespmem:s31], [sflag:$0x2], $0x80, v7, vm0, $0xb8;
	[tilespmem:$0x1F200] =	vst v63  }
0x2ca: {  	s1 =	simm.s32 $0xC600  }
0x2cb: {  	[hbm4b:s3+s4] =	stream.indirect_vreg.scatter [tilespmem:s1], [sflag:$0x2], $0x80, v6, vm0, $0xb8;
	[tilespmem:$0x1F200] =	vst v63  }
0x2cc: {  	v6 =	vld [tilespmem:$0x4A0];
	_ =	sdelay $0x4  }
0x2cd: {  	v7 =	vperm.xlane v6, v3;
	_ =	sdelay $0x1  }
0x2ce: {  	v6 =	vperm.xlane v6, v5;
	v7 =	vadd.s32 v4, v7;
	_ =	sdelay $0x1  }
0x2cf: {  	v6 =	vadd.s32 v4, v6;
	_ =	sdelay $0x1  }
0x2d0: {  	s8 =	simm.s32 $0xD600  }
0x2d1: {  	[hbm4b:s3+s4] =	stream.indirect_vreg.scatter [tilespmem:s8], [sflag:$0x2], $0x80, v7, vm0, $0xb8;
	[tilespmem:$0x1F200] =	vst v63  }
0x2d2: {  	s9 =	simm.s32 $0xE600  }
0x2d3: {  	[hbm4b:s3+s4] =	stream.indirect_vreg.scatter [tilespmem:s9], [sflag:$0x2], $0x80, v6, vm0, $0xb8;
	[tilespmem:$0x1F200] =	vst v63  }
0x2d4: {  	v6 =	vld [tilespmem:$0x4B0];
	_ =	sdelay $0x4  }
0x2d5: {  	v7 =	vperm.xlane v6, v3;
	_ =	sdelay $0x1  }
0x2d6: {  	v6 =	vperm.xlane v6, v5;
	v7 =	vadd.s32 v4, v7;
	_ =	sdelay $0x1  }
0x2d7: {  	v6 =	vadd.s32 v4, v6;
	_ =	sdelay $0x1  }
0x2d8: {  	s11 =	simm.s32 $0xF600  }
0x2d9: {  	[hbm4b:s3+s4] =	stream.indirect_vreg.scatter [tilespmem:s11], [sflag:$0x2], $0x80, v7, vm0, $0xb8;
	[tilespmem:$0x1F200] =	vst v63  }
0x2da: {  	s12 =	simm.s32 $0x10600  }
0x2db: {  	[hbm4b:s3+s4] =	stream.indirect_vreg.scatter [tilespmem:s12], [sflag:$0x2], $0x80, v6, vm0, $0xb8;
	[tilespmem:$0x1F200] =	vst v63  }
0x2dc: {  	v6 =	vld [tilespmem:$0x500];
	_ =	sdelay $0x4  }
0x2dd: {  	v7 =	vperm.xlane v6, v3;
	_ =	sdelay $0x1  }
0x2de: {  	v6 =	vperm.xlane v6, v5;
	v7 =	vadd.s32 v4, v7;
	_ =	sdelay $0x1  }
0x2df: {  	v6 =	vadd.s32 v4, v6;
	_ =	sdelay $0x1  }
0x2e0: {  	s1 =	simm.s32 $0x9A00  }
0x2e1: {  	[hbm4b:s3+s4] =	stream.indirect_vreg.scatter [tilespmem:s1], [sflag:$0x2], $0x80, v7, vm0, $0xb8;
	[tilespmem:$0x1F200] =	vst v63  }
0x2e2: {  	s8 =	simm.s32 $0xAA00  }
0x2e3: {  	[hbm4b:s3+s4] =	stream.indirect_vreg.scatter [tilespmem:s8], [sflag:$0x2], $0x80, v6, vm0, $0xb8;
	[tilespmem:$0x1F200] =	vst v63  }
0x2e4: {  	v6 =	vld [tilespmem:$0x510];
	_ =	sdelay $0x4  }
0x2e5: {  	v7 =	vperm.xlane v6, v3;
	_ =	sdelay $0x1  }
0x2e6: {  	v6 =	vperm.xlane v6, v5;
	v7 =	vadd.s32 v4, v7;
	_ =	sdelay $0x1  }
0x2e7: {  	v6 =	vadd.s32 v4, v6;
	_ =	sdelay $0x1  }
0x2e8: {  	s30 =	simm.s32 $0xBA00  }
0x2e9: {  	[hbm4b:s3+s4] =	stream.indirect_vreg.scatter [tilespmem:s30], [sflag:$0x2], $0x80, v7, vm0, $0xb8;
	[tilespmem:$0x1F200] =	vst v63  }
0x2ea: {  	s29 =	simm.s32 $0xCA00  }
0x2eb: {  	[hbm4b:s3+s4] =	stream.indirect_vreg.scatter [tilespmem:s29], [sflag:$0x2], $0x80, v6, vm0, $0xb8;
	[tilespmem:$0x1F200] =	vst v63  }
0x2ec: {  	v6 =	vld [tilespmem:$0x520];
	_ =	sdelay $0x4  }
0x2ed: {  	v7 =	vperm.xlane v6, v3;
	_ =	sdelay $0x1  }
0x2ee: {  	v6 =	vperm.xlane v6, v5;
	v7 =	vadd.s32 v4, v7;
	_ =	sdelay $0x1  }
0x2ef: {  	v6 =	vadd.s32 v4, v6;
	_ =	sdelay $0x1  }
0x2f0: {  	s28 =	simm.s32 $0xDA00  }
0x2f1: {  	[hbm4b:s3+s4] =	stream.indirect_vreg.scatter [tilespmem:s28], [sflag:$0x2], $0x80, v7, vm0, $0xb8;
	[tilespmem:$0x1F200] =	vst v63  }
0x2f2: {  	s26 =	simm.s32 $0xEA00  }
0x2f3: {  	[hbm4b:s3+s4] =	stream.indirect_vreg.scatter [tilespmem:s26], [sflag:$0x2], $0x80, v6, vm0, $0xb8;
	[tilespmem:$0x1F200] =	vst v63  }
0x2f4: {  	v6 =	vld [tilespmem:$0x530];
	_ =	sdelay $0x4  }
0x2f5: {  	v7 =	vperm.xlane v6, v3;
	_ =	sdelay $0x1  }
0x2f6: {  	v6 =	vperm.xlane v6, v5;
	v7 =	vadd.s32 v4, v7;
	_ =	sdelay $0x1  }
0x2f7: {  	v6 =	vadd.s32 v4, v6;
	_ =	sdelay $0x1  }
0x2f8: {  	s14 =	simm.s32 $0xFA00  }
0x2f9: {  	[hbm4b:s3+s4] =	stream.indirect_vreg.scatter [tilespmem:s14], [sflag:$0x2], $0x80, v7, vm0, $0xb8;
	[tilespmem:$0x1F200] =	vst v63  }
0x2fa: {  	s21 =	simm.s32 $0x10A00  }
0x2fb: {  	[hbm4b:s3+s4] =	stream.indirect_vreg.scatter [tilespmem:s21], [sflag:$0x2], $0x80, v6, vm0, $0xb8;
	[tilespmem:$0x1F200] =	vst v63  }
0x2fc: {  	v6 =	vld [tilespmem:$0x580];
	_ =	sdelay $0x4  }
0x2fd: {  	v7 =	vperm.xlane v6, v3;
	_ =	sdelay $0x1  }
0x2fe: {  	v6 =	vperm.xlane v6, v5;
	v7 =	vadd.s32 v4, v7;
	_ =	sdelay $0x1  }
0x2ff: {  	v6 =	vadd.s32 v4, v6;
	_ =	sdelay $0x1  }
0x300: {  	s22 =	simm.s32 $0x9E00  }
0x301: {  	[hbm4b:s3+s4] =	stream.indirect_vreg.scatter [tilespmem:s22], [sflag:$0x2], $0x80, v7, vm0, $0xb8;
	[tilespmem:$0x1F200] =	vst v63  }
0x302: {  	s31 =	simm.s32 $0xAE00  }
0x303: {  	[hbm4b:s3+s4] =	stream.indirect_vreg.scatter [tilespmem:s31], [sflag:$0x2], $0x80, v6, vm0, $0xb8;
	[tilespmem:$0x1F200] =	vst v63  }
0x304: {  	v6 =	vld [tilespmem:$0x590];
	_ =	sdelay $0x4  }
0x305: {  	v7 =	vperm.xlane v6, v3;
	_ =	sdelay $0x1  }
0x306: {  	v6 =	vperm.xlane v6, v5;
	v7 =	vadd.s32 v4, v7;
	_ =	sdelay $0x1  }
0x307: {  	v6 =	vadd.s32 v4, v6;
	_ =	sdelay $0x1  }
0x308: {  	s9 =	simm.s32 $0xBE00  }
0x309: {  	[hbm4b:s3+s4] =	stream.indirect_vreg.scatter [tilespmem:s9], [sflag:$0x2], $0x80, v7, vm0, $0xb8;
	[tilespmem:$0x1F200] =	vst v63  }
0x30a: {  	s11 =	simm.s32 $0xCE00  }
0x30b: {  	[hbm4b:s3+s4] =	stream.indirect_vreg.scatter [tilespmem:s11], [sflag:$0x2], $0x80, v6, vm0, $0xb8;
	[tilespmem:$0x1F200] =	vst v63  }
0x30c: {  	v6 =	vld [tilespmem:$0x5A0];
	_ =	sdelay $0x4  }
0x30d: {  	v7 =	vperm.xlane v6, v3;
	_ =	sdelay $0x1  }
0x30e: {  	v6 =	vperm.xlane v6, v5;
	v7 =	vadd.s32 v4, v7;
	_ =	sdelay $0x1  }
0x30f: {  	v6 =	vadd.s32 v4, v6;
	_ =	sdelay $0x1  }
0x310: {  	s12 =	simm.s32 $0xDE00  }
0x311: {  	[hbm4b:s3+s4] =	stream.indirect_vreg.scatter [tilespmem:s12], [sflag:$0x2], $0x80, v7, vm0, $0xb8;
	[tilespmem:$0x1F200] =	vst v63  }
0x312: {  	s14 =	simm.s32 $0xEE00  }
0x313: {  	[hbm4b:s3+s4] =	stream.indirect_vreg.scatter [tilespmem:s14], [sflag:$0x2], $0x80, v6, vm0, $0xb8;
	[tilespmem:$0x1F200] =	vst v63  }
0x314: {  	v6 =	vld [tilespmem:$0x5B0];
	_ =	sdelay $0x4  }
0x315: {  	v7 =	vperm.xlane v6, v3;
	_ =	sdelay $0x1  }
0x316: {  	v6 =	vperm.xlane v6, v5;
	v7 =	vadd.s32 v4, v7;
	_ =	sdelay $0x1  }
0x317: {  	v6 =	vadd.s32 v4, v6;
	_ =	sdelay $0x1  }
0x318: {  	s21 =	simm.s32 $0xFE00  }
0x319: {  	[hbm4b:s3+s4] =	stream.indirect_vreg.scatter [tilespmem:s21], [sflag:$0x2], $0x80, v7, vm0, $0xb8;
	[tilespmem:$0x1F200] =	vst v63  }
0x31a: {  	s31 =	simm.s32 $0x10E00  }
0x31b: {  	[hbm4b:s3+s4] =	stream.indirect_vreg.scatter [tilespmem:s31], [sflag:$0x2], $0x80, v6, vm0, $0xb8;
	[tilespmem:$0x1F200] =	vst v63  }
0x31c: {  	s22 =	rddreg [dreg:$0x8];
	s9 =	simm.s32 $0x1B200  }
0x31d: {  	[hbm4b:s22+s4] =	stream.linear.scatter [tilespmem:s9], [sflag:$0x2], $0x2000, $0x38;
	[tilespmem:$0x1F200] =	vst v63  }
0x31e: {  	_ =	swait.ge [sflag:s20], $0x2000  }
0x31f: {  	[sflag:s20] =	ssyncset.done $0x0  }
0x320: {  	[sflag:s20] =	ssyncadd.s32 $0xFFFFE000  }
0x321: {  	_ =	swait.ge [sflag:s20], $0x2000  }
0x322: {  	[sflag:s20] =	ssyncset.done $0x0  }
0x323: {  	[sflag:s20] =	ssyncadd.s32 $0xFFFFE000  }
0x324: {  	_ =	swait.ge [sflag:s20], $0x2000  }
0x325: {  	[sflag:s20] =	ssyncset.done $0x0  }
0x326: {  	[sflag:s20] =	ssyncadd.s32 $0xFFFFE000  }
0x327: {  	_ =	swait.ge [sflag:s20], $0x2000  }
0x328: {  	[sflag:s20] =	ssyncset.done $0x0  }
0x329: {  	[sflag:s20] =	ssyncadd.s32 $0xFFFFE000  }
0x32a: {  	_ =	swait.ge [sflag:s20], $0x2000  }
0x32b: {  	[sflag:s20] =	ssyncset.done $0x0  }
0x32c: {  	[sflag:s20] =	ssyncadd.s32 $0xFFFFE000  }
0x32d: {  	v6 =	vld [tilespmem:$0xC0];
	_ =	sdelay $0x4  }
0x32e: {  	v7 =	vshrl.u32 v6, $0x3  }
0x32f: {  	v7 =	vmul.u32 $0x28, v7  }
0x330: {  	v6 =	vand.u32 $0x7, v6  }
0x331: {  	v6 =	vor.u32 v6, v7  }
0x332: {  	v7 =	vperm.xlane v6, v3;
	_ =	sdelay $0x1  }
0x333: {  	v7 =	vadd.s32 v4, v7;
	_ =	sdelay $0x1  }
0x334: {  	v6 =	vperm.xlane v6, v5;
	_ =	sdelay $0x1  }
0x335: {  	s14 =	simm.s32 $0x1200;
	v6 =	vadd.s32 v4, v6  }
0x336: {  	[tilespmem:s14], [sflag:$0x1] =	stream.indirect_vreg.gather [hbm4b:s5+s4], $0x80, v7, vm1, $0xb8;
	[tilespmem:$0x1F200] =	vst v63  }
0x337: {  	s11 =	simm.s32 $0x1A00  }
0x338: {  	[tilespmem:s11], [sflag:$0x1] =	stream.indirect_vreg.gather [hbm4b:s6+s4], $0x80, v7, vm1, $0xb8;
	[tilespmem:$0x1F200] =	vst v63  }
0x339: {  	s22 =	simm.s32 $0x2200  }
0x33a: {  	[tilespmem:s22], [sflag:$0x1] =	stream.indirect_vreg.gather [hbm4b:s5+s4], $0x80, v6, vm1, $0xb8;
	[tilespmem:$0x1F200] =	vst v63  }
0x33b: {  	s12 =	simm.s32 $0x2A00  }
0x33c: {  	[tilespmem:s12], [sflag:$0x1] =	stream.indirect_vreg.gather [hbm4b:s6+s4], $0x80, v6, vm1, $0xb8;
	[tilespmem:$0x1F200] =	vst v63  }
0x33d: {  	v6 =	vld [tilespmem:$0xD0];
	_ =	sdelay $0x4  }
0x33e: {  	v7 =	vshrl.u32 v6, $0x3  }
0x33f: {  	v7 =	vmul.u32 $0x28, v7  }
0x340: {  	v6 =	vand.u32 $0x7, v6  }
0x341: {  	v6 =	vor.u32 v6, v7  }
0x342: {  	v7 =	vperm.xlane v6, v3;
	_ =	sdelay $0x1  }
0x343: {  	v7 =	vadd.s32 v4, v7;
	_ =	sdelay $0x1  }
0x344: {  	v6 =	vperm.xlane v6, v5;
	_ =	sdelay $0x1  }
0x345: {  	s31 =	simm.s32 $0x3200;
	v6 =	vadd.s32 v4, v6  }
0x346: {  	[tilespmem:s31], [sflag:$0x1] =	stream.indirect_vreg.gather [hbm4b:s5+s4], $0x80, v7, vm1, $0xb8;
	[tilespmem:$0x1F200] =	vst v63  }
0x347: {  	s16 =	simm.s32 $0x3A00  }
0x348: {  	[tilespmem:s16], [sflag:$0x1] =	stream.indirect_vreg.gather [hbm4b:s6+s4], $0x80, v7, vm1, $0xb8;
	[tilespmem:$0x1F200] =	vst v63  }
0x349: {  	s16 =	simm.s32 $0x4200  }
0x34a: {  	[tilespmem:s16], [sflag:$0x1] =	stream.indirect_vreg.gather [hbm4b:s5+s4], $0x80, v6, vm1, $0xb8;
	[tilespmem:$0x1F200] =	vst v63  }
0x34b: {  	s0 =	simm.s32 $0x4A00  }
0x34c: {  	[tilespmem:s0], [sflag:$0x1] =	stream.indirect_vreg.gather [hbm4b:s6+s4], $0x80, v6, vm1, $0xb8;
	[tilespmem:$0x1F200] =	vst v63  }
0x34d: {  	v6 =	vld [tilespmem:$0xE0];
	_ =	sdelay $0x4  }
0x34e: {  	v7 =	vshrl.u32 v6, $0x3  }
0x34f: {  	v7 =	vmul.u32 $0x28, v7  }
0x350: {  	v6 =	vand.u32 $0x7, v6  }
0x351: {  	v6 =	vor.u32 v6, v7  }
0x352: {  	v7 =	vperm.xlane v6, v3;
	_ =	sdelay $0x1  }
0x353: {  	v7 =	vadd.s32 v4, v7;
	_ =	sdelay $0x1  }
0x354: {  	v6 =	vperm.xlane v6, v5;
	_ =	sdelay $0x1  }
0x355: {  	s11 =	simm.s32 $0x5200;
	v6 =	vadd.s32 v4, v6  }
0x356: {  	[tilespmem:s11], [sflag:$0x1] =	stream.indirect_vreg.gather [hbm4b:s5+s4], $0x80, v7, vm1, $0xb8;
	[tilespmem:$0x1F200] =	vst v63  }
0x357: {  	s17 =	simm.s32 $0x5A00  }
0x358: {  	[tilespmem:s17], [sflag:$0x1] =	stream.indirect_vreg.gather [hbm4b:s6+s4], $0x80, v7, vm1, $0xb8;
	[tilespmem:$0x1F200] =	vst v63  }
0x359: {  	s9 =	simm.s32 $0x6200  }
0x35a: {  	[tilespmem:s9], [sflag:$0x1] =	stream.indirect_vreg.gather [hbm4b:s5+s4], $0x80, v6, vm1, $0xb8;
	[tilespmem:$0x1F200] =	vst v63  }
0x35b: {  	s21 =	simm.s32 $0x6A00  }
0x35c: {  	[tilespmem:s21], [sflag:$0x1] =	stream.indirect_vreg.gather [hbm4b:s6+s4], $0x80, v6, vm1, $0xb8;
	[tilespmem:$0x1F200] =	vst v63  }
0x35d: {  	v6 =	vld [tilespmem:$0xF0];
	_ =	sdelay $0x4  }
0x35e: {  	v7 =	vshrl.u32 v6, $0x3  }
0x35f: {  	v7 =	vmul.u32 $0x28, v7  }
0x360: {  	v6 =	vand.u32 $0x7, v6  }
0x361: {  	v6 =	vor.u32 v6, v7  }
0x362: {  	v7 =	vperm.xlane v6, v3;
	_ =	sdelay $0x1  }
0x363: {  	v7 =	vadd.s32 v4, v7;
	_ =	sdelay $0x1  }
0x364: {  	v6 =	vperm.xlane v6, v5;
	_ =	sdelay $0x1  }
0x365: {  	s17 =	simm.s32 $0x7200;
	v6 =	vadd.s32 v4, v6  }
0x366: {  	[tilespmem:s17], [sflag:$0x1] =	stream.indirect_vreg.gather [hbm4b:s5+s4], $0x80, v7, vm1, $0xb8;
	[tilespmem:$0x1F200] =	vst v63  }
0x367: {  	s7 =	simm.s32 $0x7A00  }
0x368: {  	[tilespmem:s7], [sflag:$0x1] =	stream.indirect_vreg.gather [hbm4b:s6+s4], $0x80, v7, vm1, $0xb8;
	[tilespmem:$0x1F200] =	vst v63  }
0x369: {  	s0 =	simm.s32 $0x8200  }
0x36a: {  	[tilespmem:s0], [sflag:$0x1] =	stream.indirect_vreg.gather [hbm4b:s5+s4], $0x80, v6, vm1, $0xb8;
	[tilespmem:$0x1F200] =	vst v63  }
0x36b: {  	s12 =	simm.s32 $0x8A00  }
0x36c: {  	[tilespmem:s12], [sflag:$0x1] =	stream.indirect_vreg.gather [hbm4b:s6+s4], $0x80, v6, vm1, $0xb8;
	[tilespmem:$0x1F200] =	vst v63  }
0x36d: {  	s21 =	rddreg [dreg:$0x10];
	s12 =	simm.s32 $0x19200  }
0x36e: {  	[tilespmem:s12], [sflag:$0x1] =	stream.indirect.gather [hbm4b:s25+s2], $0x80, s21, s2, $0xb8;
	[tilespmem:$0x1F200] =	vst v63  }
0x36f: {  	_ =	swait.ge [sflag:s19], $0x8000  }
0x370: {  	[sflag:s19] =	ssyncset.done $0x0  }
0x371: {  	[sflag:s19] =	ssyncadd.s32 $0xFFFF8000  }
0x372: {  	_ =	swait.ge [sflag:s19], $0x2000  }
0x373: {  	[sflag:s19] =	ssyncset.done $0x0  }
0x374: {  	[sflag:s19] =	ssyncadd.s32 $0xFFFFE000  }
0x375: {  	v6 =	vld [tilespmem:$0x600];
	_ =	sdelay $0x4  }
0x376: {  	v7 =	vperm.xlane v6, v3;
	_ =	sdelay $0x1  }
0x377: {  	v6 =	vperm.xlane v6, v5;
	v7 =	vadd.s32 v4, v7;
	_ =	sdelay $0x1  }
0x378: {  	v6 =	vadd.s32 v4, v6;
	_ =	sdelay $0x1  }
0x379: {  	s25 =	simm.s32 $0x11200  }
0x37a: {  	[hbm4b:s3+s4] =	stream.indirect_vreg.scatter [tilespmem:s25], [sflag:$0x2], $0x80, v7, vm0, $0xb8;
	[tilespmem:$0x1F200] =	vst v63  }
0x37b: {  	s7 =	simm.s32 $0x12200  }
0x37c: {  	[hbm4b:s3+s4] =	stream.indirect_vreg.scatter [tilespmem:s7], [sflag:$0x2], $0x80, v6, vm0, $0xb8;
	[tilespmem:$0x1F200] =	vst v63  }
0x37d: {  	v6 =	vld [tilespmem:$0x610];
	_ =	sdelay $0x4  }
0x37e: {  	v7 =	vperm.xlane v6, v3;
	_ =	sdelay $0x1  }
0x37f: {  	v6 =	vperm.xlane v6, v5;
	v7 =	vadd.s32 v4, v7;
	_ =	sdelay $0x1  }
0x380: {  	v6 =	vadd.s32 v4, v6;
	_ =	sdelay $0x1  }
0x381: {  	s24 =	simm.s32 $0x13200  }
0x382: {  	[hbm4b:s3+s4] =	stream.indirect_vreg.scatter [tilespmem:s24], [sflag:$0x2], $0x80, v7, vm0, $0xb8;
	[tilespmem:$0x1F200] =	vst v63  }
0x383: {  	s23 =	simm.s32 $0x14200  }
0x384: {  	[hbm4b:s3+s4] =	stream.indirect_vreg.scatter [tilespmem:s23], [sflag:$0x2], $0x80, v6, vm0, $0xb8;
	[tilespmem:$0x1F200] =	vst v63  }
0x385: {  	v6 =	vld [tilespmem:$0x620];
	_ =	sdelay $0x4  }
0x386: {  	v7 =	vperm.xlane v6, v3;
	_ =	sdelay $0x1  }
0x387: {  	v6 =	vperm.xlane v6, v5;
	v7 =	vadd.s32 v4, v7;
	_ =	sdelay $0x1  }
0x388: {  	v6 =	vadd.s32 v4, v6;
	_ =	sdelay $0x1  }
0x389: {  	s18 =	simm.s32 $0x15200  }
0x38a: {  	[hbm4b:s3+s4] =	stream.indirect_vreg.scatter [tilespmem:s18], [sflag:$0x2], $0x80, v7, vm0, $0xb8;
	[tilespmem:$0x1F200] =	vst v63  }
0x38b: {  	s15 =	simm.s32 $0x16200  }
0x38c: {  	[hbm4b:s3+s4] =	stream.indirect_vreg.scatter [tilespmem:s15], [sflag:$0x2], $0x80, v6, vm0, $0xb8;
	[tilespmem:$0x1F200] =	vst v63  }
0x38d: {  	v6 =	vld [tilespmem:$0x630];
	_ =	sdelay $0x4  }
0x38e: {  	v7 =	vperm.xlane v6, v3;
	_ =	sdelay $0x1  }
0x38f: {  	v6 =	vperm.xlane v6, v5;
	v7 =	vadd.s32 v4, v7;
	_ =	sdelay $0x1  }
0x390: {  	v6 =	vadd.s32 v4, v6;
	_ =	sdelay $0x1  }
0x391: {  	s13 =	simm.s32 $0x17200  }
0x392: {  	[hbm4b:s3+s4] =	stream.indirect_vreg.scatter [tilespmem:s13], [sflag:$0x2], $0x80, v7, vm0, $0xb8;
	[tilespmem:$0x1F200] =	vst v63  }
0x393: {  	s10 =	simm.s32 $0x18200  }
0x394: {  	[hbm4b:s3+s4] =	stream.indirect_vreg.scatter [tilespmem:s10], [sflag:$0x2], $0x80, v6, vm0, $0xb8;
	[tilespmem:$0x1F200] =	vst v63  }
0x395: {  	v6 =	vld [tilespmem:$0x680];
	_ =	sdelay $0x4  }
0x396: {  	v7 =	vperm.xlane v6, v3;
	_ =	sdelay $0x1  }
0x397: {  	v6 =	vperm.xlane v6, v5;
	v7 =	vadd.s32 v4, v7;
	_ =	sdelay $0x1  }
0x398: {  	v6 =	vadd.s32 v4, v6;
	_ =	sdelay $0x1  }
0x399: {  	s10 =	simm.s32 $0x11600  }
0x39a: {  	[hbm4b:s3+s4] =	stream.indirect_vreg.scatter [tilespmem:s10], [sflag:$0x2], $0x80, v7, vm0, $0xb8;
	[tilespmem:$0x1F200] =	vst v63  }
0x39b: {  	s12 =	simm.s32 $0x12600  }
0x39c: {  	[hbm4b:s3+s4] =	stream.indirect_vreg.scatter [tilespmem:s12], [sflag:$0x2], $0x80, v6, vm0, $0xb8;
	[tilespmem:$0x1F200] =	vst v63  }
0x39d: {  	v6 =	vld [tilespmem:$0x690];
	_ =	sdelay $0x4  }
0x39e: {  	v7 =	vperm.xlane v6, v3;
	_ =	sdelay $0x1  }
0x39f: {  	v6 =	vperm.xlane v6, v5;
	v7 =	vadd.s32 v4, v7;
	_ =	sdelay $0x1  }
0x3a0: {  	v6 =	vadd.s32 v4, v6;
	_ =	sdelay $0x1  }
0x3a1: {  	s13 =	simm.s32 $0x13600  }
0x3a2: {  	[hbm4b:s3+s4] =	stream.indirect_vreg.scatter [tilespmem:s13], [sflag:$0x2], $0x80, v7, vm0, $0xb8;
	[tilespmem:$0x1F200] =	vst v63  }
0x3a3: {  	s15 =	simm.s32 $0x14600  }
0x3a4: {  	[hbm4b:s3+s4] =	stream.indirect_vreg.scatter [tilespmem:s15], [sflag:$0x2], $0x80, v6, vm0, $0xb8;
	[tilespmem:$0x1F200] =	vst v63  }
0x3a5: {  	v6 =	vld [tilespmem:$0x6A0];
	_ =	sdelay $0x4  }
0x3a6: {  	v7 =	vperm.xlane v6, v3;
	_ =	sdelay $0x1  }
0x3a7: {  	v6 =	vperm.xlane v6, v5;
	v7 =	vadd.s32 v4, v7;
	_ =	sdelay $0x1  }
0x3a8: {  	v6 =	vadd.s32 v4, v6;
	_ =	sdelay $0x1  }
0x3a9: {  	s18 =	simm.s32 $0x15600  }
0x3aa: {  	[hbm4b:s3+s4] =	stream.indirect_vreg.scatter [tilespmem:s18], [sflag:$0x2], $0x80, v7, vm0, $0xb8;
	[tilespmem:$0x1F200] =	vst v63  }
0x3ab: {  	s21 =	simm.s32 $0x16600  }
0x3ac: {  	[hbm4b:s3+s4] =	stream.indirect_vreg.scatter [tilespmem:s21], [sflag:$0x2], $0x80, v6, vm0, $0xb8;
	[tilespmem:$0x1F200] =	vst v63  }
0x3ad: {  	v6 =	vld [tilespmem:$0x6B0];
	_ =	sdelay $0x4  }
0x3ae: {  	v7 =	vperm.xlane v6, v3;
	_ =	sdelay $0x1  }
0x3af: {  	v6 =	vperm.xlane v6, v5;
	v7 =	vadd.s32 v4, v7;
	_ =	sdelay $0x1  }
0x3b0: {  	v6 =	vadd.s32 v4, v6;
	_ =	sdelay $0x1  }
0x3b1: {  	s23 =	simm.s32 $0x17600  }
0x3b2: {  	[hbm4b:s3+s4] =	stream.indirect_vreg.scatter [tilespmem:s23], [sflag:$0x2], $0x80, v7, vm0, $0xb8;
	[tilespmem:$0x1F200] =	vst v63  }
0x3b3: {  	s24 =	simm.s32 $0x18600  }
0x3b4: {  	[hbm4b:s3+s4] =	stream.indirect_vreg.scatter [tilespmem:s24], [sflag:$0x2], $0x80, v6, vm0, $0xb8;
	[tilespmem:$0x1F200] =	vst v63  }
0x3b5: {  	v6 =	vld [tilespmem:$0x700];
	_ =	sdelay $0x4  }
0x3b6: {  	v7 =	vperm.xlane v6, v3;
	_ =	sdelay $0x1  }
0x3b7: {  	v6 =	vperm.xlane v6, v5;
	v7 =	vadd.s32 v4, v7;
	_ =	sdelay $0x1  }
0x3b8: {  	v6 =	vadd.s32 v4, v6;
	_ =	sdelay $0x1  }
0x3b9: {  	s25 =	simm.s32 $0x11A00  }
0x3ba: {  	[hbm4b:s3+s4] =	stream.indirect_vreg.scatter [tilespmem:s25], [sflag:$0x2], $0x80, v7, vm0, $0xb8;
	[tilespmem:$0x1F200] =	vst v63  }
0x3bb: {  	s7 =	simm.s32 $0x12A00  }
0x3bc: {  	[hbm4b:s3+s4] =	stream.indirect_vreg.scatter [tilespmem:s7], [sflag:$0x2], $0x80, v6, vm0, $0xb8;
	[tilespmem:$0x1F200] =	vst v63  }
0x3bd: {  	v6 =	vld [tilespmem:$0x710];
	_ =	sdelay $0x4  }
0x3be: {  	v7 =	vperm.xlane v6, v3;
	_ =	sdelay $0x1  }
0x3bf: {  	v6 =	vperm.xlane v6, v5;
	v7 =	vadd.s32 v4, v7;
	_ =	sdelay $0x1  }
0x3c0: {  	v6 =	vadd.s32 v4, v6;
	_ =	sdelay $0x1  }
0x3c1: {  	s24 =	simm.s32 $0x13A00  }
0x3c2: {  	[hbm4b:s3+s4] =	stream.indirect_vreg.scatter [tilespmem:s24], [sflag:$0x2], $0x80, v7, vm0, $0xb8;
	[tilespmem:$0x1F200] =	vst v63  }
0x3c3: {  	s25 =	simm.s32 $0x14A00  }
0x3c4: {  	[hbm4b:s3+s4] =	stream.indirect_vreg.scatter [tilespmem:s25], [sflag:$0x2], $0x80, v6, vm0, $0xb8;
	[tilespmem:$0x1F200] =	vst v63  }
0x3c5: {  	v6 =	vld [tilespmem:$0x720];
	_ =	sdelay $0x4  }
0x3c6: {  	v7 =	vperm.xlane v6, v3;
	_ =	sdelay $0x1  }
0x3c7: {  	v6 =	vperm.xlane v6, v5;
	v7 =	vadd.s32 v4, v7;
	_ =	sdelay $0x1  }
0x3c8: {  	v6 =	vadd.s32 v4, v6;
	_ =	sdelay $0x1  }
0x3c9: {  	s10 =	simm.s32 $0x15A00  }
0x3ca: {  	[hbm4b:s3+s4] =	stream.indirect_vreg.scatter [tilespmem:s10], [sflag:$0x2], $0x80, v7, vm0, $0xb8;
	[tilespmem:$0x1F200] =	vst v63  }
0x3cb: {  	s12 =	simm.s32 $0x16A00  }
0x3cc: {  	[hbm4b:s3+s4] =	stream.indirect_vreg.scatter [tilespmem:s12], [sflag:$0x2], $0x80, v6, vm0, $0xb8;
	[tilespmem:$0x1F200] =	vst v63  }
0x3cd: {  	v6 =	vld [tilespmem:$0x730];
	_ =	sdelay $0x4  }
0x3ce: {  	v7 =	vperm.xlane v6, v3;
	_ =	sdelay $0x1  }
0x3cf: {  	v6 =	vperm.xlane v6, v5;
	v7 =	vadd.s32 v4, v7;
	_ =	sdelay $0x1  }
0x3d0: {  	v6 =	vadd.s32 v4, v6;
	_ =	sdelay $0x1  }
0x3d1: {  	s13 =	simm.s32 $0x17A00  }
0x3d2: {  	[hbm4b:s3+s4] =	stream.indirect_vreg.scatter [tilespmem:s13], [sflag:$0x2], $0x80, v7, vm0, $0xb8;
	[tilespmem:$0x1F200] =	vst v63  }
0x3d3: {  	s15 =	simm.s32 $0x18A00  }
0x3d4: {  	[hbm4b:s3+s4] =	stream.indirect_vreg.scatter [tilespmem:s15], [sflag:$0x2], $0x80, v6, vm0, $0xb8;
	[tilespmem:$0x1F200] =	vst v63  }
0x3d5: {  	v6 =	vld [tilespmem:$0x780];
	_ =	sdelay $0x4  }
0x3d6: {  	v7 =	vperm.xlane v6, v3;
	_ =	sdelay $0x1  }
0x3d7: {  	v6 =	vperm.xlane v6, v5;
	v7 =	vadd.s32 v4, v7;
	_ =	sdelay $0x1  }
0x3d8: {  	v6 =	vadd.s32 v4, v6;
	_ =	sdelay $0x1  }
0x3d9: {  	s18 =	simm.s32 $0x11E00  }
0x3da: {  	[hbm4b:s3+s4] =	stream.indirect_vreg.scatter [tilespmem:s18], [sflag:$0x2], $0x80, v7, vm0, $0xb8;
	[tilespmem:$0x1F200] =	vst v63  }
0x3db: {  	s21 =	simm.s32 $0x12E00  }
0x3dc: {  	[hbm4b:s3+s4] =	stream.indirect_vreg.scatter [tilespmem:s21], [sflag:$0x2], $0x80, v6, vm0, $0xb8;
	[tilespmem:$0x1F200] =	vst v63  }
0x3dd: {  	v6 =	vld [tilespmem:$0x790];
	_ =	sdelay $0x4  }
0x3de: {  	v7 =	vperm.xlane v6, v3;
	_ =	sdelay $0x1  }
0x3df: {  	v6 =	vperm.xlane v6, v5;
	v7 =	vadd.s32 v4, v7;
	_ =	sdelay $0x1  }
0x3e0: {  	v6 =	vadd.s32 v4, v6;
	_ =	sdelay $0x1  }
0x3e1: {  	s23 =	simm.s32 $0x13E00  }
0x3e2: {  	[hbm4b:s3+s4] =	stream.indirect_vreg.scatter [tilespmem:s23], [sflag:$0x2], $0x80, v7, vm0, $0xb8;
	[tilespmem:$0x1F200] =	vst v63  }
0x3e3: {  	s7 =	simm.s32 $0x14E00  }
0x3e4: {  	[hbm4b:s3+s4] =	stream.indirect_vreg.scatter [tilespmem:s7], [sflag:$0x2], $0x80, v6, vm0, $0xb8;
	[tilespmem:$0x1F200] =	vst v63  }
0x3e5: {  	v6 =	vld [tilespmem:$0x7A0];
	_ =	sdelay $0x4  }
0x3e6: {  	v7 =	vperm.xlane v6, v3;
	_ =	sdelay $0x1  }
0x3e7: {  	v6 =	vperm.xlane v6, v5;
	v7 =	vadd.s32 v4, v7;
	_ =	sdelay $0x1  }
0x3e8: {  	v6 =	vadd.s32 v4, v6;
	_ =	sdelay $0x1  }
0x3e9: {  	s10 =	simm.s32 $0x15E00  }
0x3ea: {  	[hbm4b:s3+s4] =	stream.indirect_vreg.scatter [tilespmem:s10], [sflag:$0x2], $0x80, v7, vm0, $0xb8;
	[tilespmem:$0x1F200] =	vst v63  }
0x3eb: {  	s12 =	simm.s32 $0x16E00  }
0x3ec: {  	[hbm4b:s3+s4] =	stream.indirect_vreg.scatter [tilespmem:s12], [sflag:$0x2], $0x80, v6, vm0, $0xb8;
	[tilespmem:$0x1F200] =	vst v63  }
0x3ed: {  	v6 =	vld [tilespmem:$0x7B0];
	_ =	sdelay $0x4  }
0x3ee: {  	v7 =	vperm.xlane v6, v3;
	_ =	sdelay $0x1  }
0x3ef: {  	v6 =	vperm.xlane v6, v5;
	v7 =	vadd.s32 v4, v7;
	_ =	sdelay $0x1  }
0x3f0: {  	v6 =	vadd.s32 v4, v6;
	_ =	sdelay $0x1  }
0x3f1: {  	s13 =	simm.s32 $0x17E00  }
0x3f2: {  	[hbm4b:s3+s4] =	stream.indirect_vreg.scatter [tilespmem:s13], [sflag:$0x2], $0x80, v7, vm0, $0xb8;
	[tilespmem:$0x1F200] =	vst v63  }
0x3f3: {  	s18 =	simm.s32 $0x18E00  }
0x3f4: {  	[hbm4b:s3+s4] =	stream.indirect_vreg.scatter [tilespmem:s18], [sflag:$0x2], $0x80, v6, vm0, $0xb8;
	[tilespmem:$0x1F200] =	vst v63  }
0x3f5: {  	s15 =	rddreg [dreg:$0x9];
	s23 =	simm.s32 $0x1D200  }
0x3f6: {  	[hbm4b:s15+s4] =	stream.linear.scatter [tilespmem:s23], [sflag:$0x2], $0x2000, $0x38;
	[tilespmem:$0x1F200] =	vst v63  }
0x3f7: {  	_ =	swait.ge [sflag:s20], $0x2000  }
0x3f8: {  	[sflag:s20] =	ssyncset.done $0x0  }
0x3f9: {  	[sflag:s20] =	ssyncadd.s32 $0xFFFFE000  }
0x3fa: {  	_ =	swait.ge [sflag:s20], $0x2000  }
0x3fb: {  	[sflag:s20] =	ssyncset.done $0x0  }
0x3fc: {  	[sflag:s20] =	ssyncadd.s32 $0xFFFFE000  }
0x3fd: {  	_ =	swait.ge [sflag:s20], $0x2000  }
0x3fe: {  	[sflag:s20] =	ssyncset.done $0x0  }
0x3ff: {  	[sflag:s20] =	ssyncadd.s32 $0xFFFFE000  }
0x400: {  	_ =	swait.ge [sflag:s20], $0x2000  }
0x401: {  	[sflag:s20] =	ssyncset.done $0x0  }
0x402: {  	[sflag:s20] =	ssyncadd.s32 $0xFFFFE000  }
0x403: {  	_ =	swait.ge [sflag:s20], $0x2000  }
0x404: {  	[sflag:s20] =	ssyncset.done $0x0  }
0x405: {  	[sflag:s20] =	ssyncadd.s32 $0xFFFFE000  }
0x406: {  	v6 =	vld [tilespmem:$0x100];
	_ =	sdelay $0x4  }
0x407: {  	v7 =	vshrl.u32 v6, $0x3  }
0x408: {  	v7 =	vmul.u32 $0x28, v7  }
0x409: {  	v6 =	vand.u32 $0x7, v6  }
0x40a: {  	v6 =	vor.u32 v6, v7  }
0x40b: {  	v7 =	vperm.xlane v6, v3;
	_ =	sdelay $0x1  }
0x40c: {  	v7 =	vadd.s32 v4, v7;
	_ =	sdelay $0x1  }
0x40d: {  	v6 =	vperm.xlane v6, v5;
	_ =	sdelay $0x1  }
0x40e: {  	s18 =	simm.s32 $0x9200;
	v6 =	vadd.s32 v4, v6  }
0x40f: {  	[tilespmem:s18], [sflag:$0x1] =	stream.indirect_vreg.gather [hbm4b:s5+s4], $0x80, v7, vm1, $0xb8;
	[tilespmem:$0x1F200] =	vst v63  }
0x410: {  	_ = 	snop  }
0x411: {  	[tilespmem:s1], [sflag:$0x1] =	stream.indirect_vreg.gather [hbm4b:s6+s4], $0x80, v7, vm1, $0xb8;
	[tilespmem:$0x1F200] =	vst v63  }
0x412: {  	s15 =	simm.s32 $0xA200  }
0x413: {  	[tilespmem:s15], [sflag:$0x1] =	stream.indirect_vreg.gather [hbm4b:s5+s4], $0x80, v6, vm1, $0xb8;
	[tilespmem:$0x1F200] =	vst v63  }
0x414: {  	_ = 	snop  }
0x415: {  	[tilespmem:s8], [sflag:$0x1] =	stream.indirect_vreg.gather [hbm4b:s6+s4], $0x80, v6, vm1, $0xb8;
	[tilespmem:$0x1F200] =	vst v63  }
0x416: {  	v6 =	vld [tilespmem:$0x110];
	_ =	sdelay $0x4  }
0x417: {  	v7 =	vshrl.u32 v6, $0x3  }
0x418: {  	v7 =	vmul.u32 $0x28, v7  }
0x419: {  	v6 =	vand.u32 $0x7, v6  }
0x41a: {  	v6 =	vor.u32 v6, v7  }
0x41b: {  	v7 =	vperm.xlane v6, v3;
	_ =	sdelay $0x1  }
0x41c: {  	v7 =	vadd.s32 v4, v7;
	_ =	sdelay $0x1  }
0x41d: {  	v6 =	vperm.xlane v6, v5;
	_ =	sdelay $0x1  }
0x41e: {  	s13 =	simm.s32 $0xB200;
	v6 =	vadd.s32 v4, v6  }
0x41f: {  	[tilespmem:s13], [sflag:$0x1] =	stream.indirect_vreg.gather [hbm4b:s5+s4], $0x80, v7, vm1, $0xb8;
	[tilespmem:$0x1F200] =	vst v63  }
0x420: {  	_ = 	snop  }
0x421: {  	[tilespmem:s30], [sflag:$0x1] =	stream.indirect_vreg.gather [hbm4b:s6+s4], $0x80, v7, vm1, $0xb8;
	[tilespmem:$0x1F200] =	vst v63  }
0x422: {  	s12 =	simm.s32 $0xC200  }
0x423: {  	[tilespmem:s12], [sflag:$0x1] =	stream.indirect_vreg.gather [hbm4b:s5+s4], $0x80, v6, vm1, $0xb8;
	[tilespmem:$0x1F200] =	vst v63  }
0x424: {  	_ = 	snop  }
0x425: {  	[tilespmem:s29], [sflag:$0x1] =	stream.indirect_vreg.gather [hbm4b:s6+s4], $0x80, v6, vm1, $0xb8;
	[tilespmem:$0x1F200] =	vst v63  }
0x426: {  	v6 =	vld [tilespmem:$0x120];
	_ =	sdelay $0x4  }
0x427: {  	v7 =	vshrl.u32 v6, $0x3  }
0x428: {  	v7 =	vmul.u32 $0x28, v7  }
0x429: {  	v6 =	vand.u32 $0x7, v6  }
0x42a: {  	v6 =	vor.u32 v6, v7  }
0x42b: {  	v7 =	vperm.xlane v6, v3;
	_ =	sdelay $0x1  }
0x42c: {  	v7 =	vadd.s32 v4, v7;
	_ =	sdelay $0x1  }
0x42d: {  	v6 =	vperm.xlane v6, v5;
	_ =	sdelay $0x1  }
0x42e: {  	s10 =	simm.s32 $0xD200;
	v6 =	vadd.s32 v4, v6  }
0x42f: {  	[tilespmem:s10], [sflag:$0x1] =	stream.indirect_vreg.gather [hbm4b:s5+s4], $0x80, v7, vm1, $0xb8;
	[tilespmem:$0x1F200] =	vst v63  }
0x430: {  	_ = 	snop  }
0x431: {  	[tilespmem:s28], [sflag:$0x1] =	stream.indirect_vreg.gather [hbm4b:s6+s4], $0x80, v7, vm1, $0xb8;
	[tilespmem:$0x1F200] =	vst v63  }
0x432: {  	s8 =	simm.s32 $0xE200  }
0x433: {  	[tilespmem:s8], [sflag:$0x1] =	stream.indirect_vreg.gather [hbm4b:s5+s4], $0x80, v6, vm1, $0xb8;
	[tilespmem:$0x1F200] =	vst v63  }
0x434: {  	_ = 	snop  }
0x435: {  	[tilespmem:s26], [sflag:$0x1] =	stream.indirect_vreg.gather [hbm4b:s6+s4], $0x80, v6, vm1, $0xb8;
	[tilespmem:$0x1F200] =	vst v63  }
0x436: {  	v6 =	vld [tilespmem:$0x130];
	_ =	sdelay $0x4  }
0x437: {  	v7 =	vshrl.u32 v6, $0x3  }
0x438: {  	v7 =	vmul.u32 $0x28, v7  }
0x439: {  	v6 =	vand.u32 $0x7, v6  }
0x43a: {  	v6 =	vor.u32 v6, v7  }
0x43b: {  	v7 =	vperm.xlane v6, v3;
	_ =	sdelay $0x1  }
0x43c: {  	v7 =	vadd.s32 v4, v7;
	_ =	sdelay $0x1  }
0x43d: {  	v6 =	vperm.xlane v6, v5;
	_ =	sdelay $0x1  }
0x43e: {  	s7 =	simm.s32 $0xF200;
	v6 =	vadd.s32 v4, v6  }
0x43f: {  	[tilespmem:s7], [sflag:$0x1] =	stream.indirect_vreg.gather [hbm4b:s5+s4], $0x80, v7, vm1, $0xb8;
	[tilespmem:$0x1F200] =	vst v63  }
0x440: {  	s21 =	simm.s32 $0xFA00  }
0x441: {  	[tilespmem:s21], [sflag:$0x1] =	stream.indirect_vreg.gather [hbm4b:s6+s4], $0x80, v7, vm1, $0xb8;
	[tilespmem:$0x1F200] =	vst v63  }
0x442: {  	s2 =	simm.s32 $0x10200  }
0x443: {  	[tilespmem:s2], [sflag:$0x1] =	stream.indirect_vreg.gather [hbm4b:s5+s4], $0x80, v6, vm1, $0xb8;
	[tilespmem:$0x1F200] =	vst v63  }
0x444: {  	s30 =	rddreg [dreg:$0x1];
	s28 =	simm.s32 $0x10A00  }
0x445: {  	[tilespmem:s28], [sflag:$0x1] =	stream.indirect_vreg.gather [hbm4b:s6+s4], $0x80, v6, vm1, $0xb8;
	[tilespmem:$0x1F200] =	vst v63  }
0x446: {  	s1 =	simm.s32 $0x40;
	s29 =	simm.s32 $0x1B200;
	s26 =	rddreg [dreg:$0x11]  }
0x447: {  	[tilespmem:s29], [sflag:$0x1] =	stream.indirect.gather [hbm4b:s30+s1], $0x80, s26, s1, $0xb8;
	[tilespmem:$0x1F200] =	vst v63  }
0x448: {  	_ =	swait.ge [sflag:s19], $0x8000  }
0x449: {  	[sflag:s19] =	ssyncset.done $0x0  }
0x44a: {  	[sflag:s19] =	ssyncadd.s32 $0xFFFF8000  }
0x44b: {  	_ =	swait.ge [sflag:s19], $0x2000  }
0x44c: {  	[sflag:s19] =	ssyncset.done $0x0  }
0x44d: {  	[sflag:s19] =	ssyncadd.s32 $0xFFFFE000  }
0x44e: {  	v6 =	vld [tilespmem:$0x800];
	_ =	sdelay $0x4  }
0x44f: {  	v7 =	vperm.xlane v6, v3;
	_ =	sdelay $0x1  }
0x450: {  	v6 =	vperm.xlane v6, v5;
	v7 =	vadd.s32 v4, v7;
	_ =	sdelay $0x1  }
0x451: {  	v6 =	vadd.s32 v4, v6;
	_ =	sdelay $0x2  }
0x452: {  	[hbm4b:s3+s4] =	stream.indirect_vreg.scatter [tilespmem:s14], [sflag:$0x2], $0x80, v7, vm0, $0xb8;
	[tilespmem:$0x1F200] =	vst v63  }
0x453: {  	_ = 	snop  }
0x454: {  	[hbm4b:s3+s4] =	stream.indirect_vreg.scatter [tilespmem:s22], [sflag:$0x2], $0x80, v6, vm0, $0xb8;
	[tilespmem:$0x1F200] =	vst v63  }
0x455: {  	v6 =	vld [tilespmem:$0x810];
	_ =	sdelay $0x4  }
0x456: {  	v7 =	vperm.xlane v6, v3;
	_ =	sdelay $0x1  }
0x457: {  	v6 =	vperm.xlane v6, v5;
	v7 =	vadd.s32 v4, v7;
	_ =	sdelay $0x1  }
0x458: {  	v6 =	vadd.s32 v4, v6;
	_ =	sdelay $0x2  }
0x459: {  	[hbm4b:s3+s4] =	stream.indirect_vreg.scatter [tilespmem:s31], [sflag:$0x2], $0x80, v7, vm0, $0xb8;
	[tilespmem:$0x1F200] =	vst v63  }
0x45a: {  	_ = 	snop  }
0x45b: {  	[hbm4b:s3+s4] =	stream.indirect_vreg.scatter [tilespmem:s16], [sflag:$0x2], $0x80, v6, vm0, $0xb8;
	[tilespmem:$0x1F200] =	vst v63  }
0x45c: {  	v6 =	vld [tilespmem:$0x820];
	_ =	sdelay $0x4  }
0x45d: {  	v7 =	vperm.xlane v6, v3;
	_ =	sdelay $0x1  }
0x45e: {  	v6 =	vperm.xlane v6, v5;
	v7 =	vadd.s32 v4, v7;
	_ =	sdelay $0x1  }
0x45f: {  	v6 =	vadd.s32 v4, v6;
	_ =	sdelay $0x2  }
0x460: {  	[hbm4b:s3+s4] =	stream.indirect_vreg.scatter [tilespmem:s11], [sflag:$0x2], $0x80, v7, vm0, $0xb8;
	[tilespmem:$0x1F200] =	vst v63  }
0x461: {  	_ = 	snop  }
0x462: {  	[hbm4b:s3+s4] =	stream.indirect_vreg.scatter [tilespmem:s9], [sflag:$0x2], $0x80, v6, vm0, $0xb8;
	[tilespmem:$0x1F200] =	vst v63  }
0x463: {  	v6 =	vld [tilespmem:$0x830];
	_ =	sdelay $0x4  }
0x464: {  	v7 =	vperm.xlane v6, v3;
	_ =	sdelay $0x1  }
0x465: {  	v6 =	vperm.xlane v6, v5;
	v7 =	vadd.s32 v4, v7;
	_ =	sdelay $0x1  }
0x466: {  	v6 =	vadd.s32 v4, v6;
	_ =	sdelay $0x2  }
0x467: {  	[hbm4b:s3+s4] =	stream.indirect_vreg.scatter [tilespmem:s17], [sflag:$0x2], $0x80, v7, vm0, $0xb8;
	[tilespmem:$0x1F200] =	vst v63  }
0x468: {  	_ = 	snop  }
0x469: {  	[hbm4b:s3+s4] =	stream.indirect_vreg.scatter [tilespmem:s0], [sflag:$0x2], $0x80, v6, vm0, $0xb8;
	[tilespmem:$0x1F200] =	vst v63  }
0x46a: {  	v6 =	vld [tilespmem:$0x880];
	_ =	sdelay $0x4  }
0x46b: {  	v7 =	vperm.xlane v6, v3;
	_ =	sdelay $0x1  }
0x46c: {  	v6 =	vperm.xlane v6, v5;
	v7 =	vadd.s32 v4, v7;
	_ =	sdelay $0x1  }
0x46d: {  	v6 =	vadd.s32 v4, v6;
	_ =	sdelay $0x1  }
0x46e: {  	s21 =	simm.s32 $0x1600  }
0x46f: {  	[hbm4b:s3+s4] =	stream.indirect_vreg.scatter [tilespmem:s21], [sflag:$0x2], $0x80, v7, vm0, $0xb8;
	[tilespmem:$0x1F200] =	vst v63  }
0x470: {  	s22 =	simm.s32 $0x2600  }
0x471: {  	[hbm4b:s3+s4] =	stream.indirect_vreg.scatter [tilespmem:s22], [sflag:$0x2], $0x80, v6, vm0, $0xb8;
	[tilespmem:$0x1F200] =	vst v63  }
0x472: {  	v6 =	vld [tilespmem:$0x890];
	_ =	sdelay $0x4  }
0x473: {  	v7 =	vperm.xlane v6, v3;
	_ =	sdelay $0x1  }
0x474: {  	v6 =	vperm.xlane v6, v5;
	v7 =	vadd.s32 v4, v7;
	_ =	sdelay $0x1  }
0x475: {  	v6 =	vadd.s32 v4, v6;
	_ =	sdelay $0x1  }
0x476: {  	s26 =	simm.s32 $0x3600  }
0x477: {  	[hbm4b:s3+s4] =	stream.indirect_vreg.scatter [tilespmem:s26], [sflag:$0x2], $0x80, v7, vm0, $0xb8;
	[tilespmem:$0x1F200] =	vst v63  }
0x478: {  	s28 =	simm.s32 $0x4600  }
0x479: {  	[hbm4b:s3+s4] =	stream.indirect_vreg.scatter [tilespmem:s28], [sflag:$0x2], $0x80, v6, vm0, $0xb8;
	[tilespmem:$0x1F200] =	vst v63  }
0x47a: {  	v6 =	vld [tilespmem:$0x8A0];
	_ =	sdelay $0x4  }
0x47b: {  	v7 =	vperm.xlane v6, v3;
	_ =	sdelay $0x1  }
0x47c: {  	v6 =	vperm.xlane v6, v5;
	v7 =	vadd.s32 v4, v7;
	_ =	sdelay $0x1  }
0x47d: {  	v6 =	vadd.s32 v4, v6;
	_ =	sdelay $0x1  }
0x47e: {  	s29 =	simm.s32 $0x5600  }
0x47f: {  	[hbm4b:s3+s4] =	stream.indirect_vreg.scatter [tilespmem:s29], [sflag:$0x2], $0x80, v7, vm0, $0xb8;
	[tilespmem:$0x1F200] =	vst v63  }
0x480: {  	s31 =	simm.s32 $0x6600  }
0x481: {  	[hbm4b:s3+s4] =	stream.indirect_vreg.scatter [tilespmem:s31], [sflag:$0x2], $0x80, v6, vm0, $0xb8;
	[tilespmem:$0x1F200] =	vst v63  }
0x482: {  	v6 =	vld [tilespmem:$0x8B0];
	_ =	sdelay $0x4  }
0x483: {  	v7 =	vperm.xlane v6, v3;
	_ =	sdelay $0x1  }
0x484: {  	v6 =	vperm.xlane v6, v5;
	v7 =	vadd.s32 v4, v7;
	_ =	sdelay $0x1  }
0x485: {  	v6 =	vadd.s32 v4, v6;
	_ =	sdelay $0x1  }
0x486: {  	s0 =	simm.s32 $0x7600  }
0x487: {  	[hbm4b:s3+s4] =	stream.indirect_vreg.scatter [tilespmem:s0], [sflag:$0x2], $0x80, v7, vm0, $0xb8;
	[tilespmem:$0x1F200] =	vst v63  }
0x488: {  	s9 =	simm.s32 $0x8600  }
0x489: {  	[hbm4b:s3+s4] =	stream.indirect_vreg.scatter [tilespmem:s9], [sflag:$0x2], $0x80, v6, vm0, $0xb8;
	[tilespmem:$0x1F200] =	vst v63  }
0x48a: {  	v6 =	vld [tilespmem:$0x900];
	_ =	sdelay $0x4  }
0x48b: {  	v7 =	vperm.xlane v6, v3;
	_ =	sdelay $0x1  }
0x48c: {  	v6 =	vperm.xlane v6, v5;
	v7 =	vadd.s32 v4, v7;
	_ =	sdelay $0x1  }
0x48d: {  	v6 =	vadd.s32 v4, v6;
	_ =	sdelay $0x1  }
0x48e: {  	s11 =	simm.s32 $0x1A00  }
0x48f: {  	[hbm4b:s3+s4] =	stream.indirect_vreg.scatter [tilespmem:s11], [sflag:$0x2], $0x80, v7, vm0, $0xb8;
	[tilespmem:$0x1F200] =	vst v63  }
0x490: {  	s14 =	simm.s32 $0x2A00  }
0x491: {  	[hbm4b:s3+s4] =	stream.indirect_vreg.scatter [tilespmem:s14], [sflag:$0x2], $0x80, v6, vm0, $0xb8;
	[tilespmem:$0x1F200] =	vst v63  }
0x492: {  	v6 =	vld [tilespmem:$0x910];
	_ =	sdelay $0x4  }
0x493: {  	v7 =	vperm.xlane v6, v3;
	_ =	sdelay $0x1  }
0x494: {  	v6 =	vperm.xlane v6, v5;
	v7 =	vadd.s32 v4, v7;
	_ =	sdelay $0x1  }
0x495: {  	v6 =	vadd.s32 v4, v6;
	_ =	sdelay $0x1  }
0x496: {  	s28 =	simm.s32 $0x3A00  }
0x497: {  	[hbm4b:s3+s4] =	stream.indirect_vreg.scatter [tilespmem:s28], [sflag:$0x2], $0x80, v7, vm0, $0xb8;
	[tilespmem:$0x1F200] =	vst v63  }
0x498: {  	s9 =	simm.s32 $0x4A00  }
0x499: {  	[hbm4b:s3+s4] =	stream.indirect_vreg.scatter [tilespmem:s9], [sflag:$0x2], $0x80, v6, vm0, $0xb8;
	[tilespmem:$0x1F200] =	vst v63  }
0x49a: {  	v6 =	vld [tilespmem:$0x920];
	_ =	sdelay $0x4  }
0x49b: {  	v7 =	vperm.xlane v6, v3;
	_ =	sdelay $0x1  }
0x49c: {  	v6 =	vperm.xlane v6, v5;
	v7 =	vadd.s32 v4, v7;
	_ =	sdelay $0x1  }
0x49d: {  	v6 =	vadd.s32 v4, v6;
	_ =	sdelay $0x1  }
0x49e: {  	s22 =	simm.s32 $0x5A00  }
0x49f: {  	[hbm4b:s3+s4] =	stream.indirect_vreg.scatter [tilespmem:s22], [sflag:$0x2], $0x80, v7, vm0, $0xb8;
	[tilespmem:$0x1F200] =	vst v63  }
0x4a0: {  	s26 =	simm.s32 $0x6A00  }
0x4a1: {  	[hbm4b:s3+s4] =	stream.indirect_vreg.scatter [tilespmem:s26], [sflag:$0x2], $0x80, v6, vm0, $0xb8;
	[tilespmem:$0x1F200] =	vst v63  }
0x4a2: {  	v6 =	vld [tilespmem:$0x930];
	_ =	sdelay $0x4  }
0x4a3: {  	v7 =	vperm.xlane v6, v3;
	_ =	sdelay $0x1  }
0x4a4: {  	v6 =	vperm.xlane v6, v5;
	v7 =	vadd.s32 v4, v7;
	_ =	sdelay $0x1  }
0x4a5: {  	v6 =	vadd.s32 v4, v6;
	_ =	sdelay $0x1  }
0x4a6: {  	s29 =	simm.s32 $0x7A00  }
0x4a7: {  	[hbm4b:s3+s4] =	stream.indirect_vreg.scatter [tilespmem:s29], [sflag:$0x2], $0x80, v7, vm0, $0xb8;
	[tilespmem:$0x1F200] =	vst v63  }
0x4a8: {  	s31 =	simm.s32 $0x8A00  }
0x4a9: {  	[hbm4b:s3+s4] =	stream.indirect_vreg.scatter [tilespmem:s31], [sflag:$0x2], $0x80, v6, vm0, $0xb8;
	[tilespmem:$0x1F200] =	vst v63  }
0x4aa: {  	v6 =	vld [tilespmem:$0x980];
	_ =	sdelay $0x4  }
0x4ab: {  	v7 =	vperm.xlane v6, v3;
	_ =	sdelay $0x1  }
0x4ac: {  	v6 =	vperm.xlane v6, v5;
	v7 =	vadd.s32 v4, v7;
	_ =	sdelay $0x1  }
0x4ad: {  	v6 =	vadd.s32 v4, v6;
	_ =	sdelay $0x1  }
0x4ae: {  	s17 =	simm.s32 $0x1E00  }
0x4af: {  	[hbm4b:s3+s4] =	stream.indirect_vreg.scatter [tilespmem:s17], [sflag:$0x2], $0x80, v7, vm0, $0xb8;
	[tilespmem:$0x1F200] =	vst v63  }
0x4b0: {  	s21 =	simm.s32 $0x2E00  }
0x4b1: {  	[hbm4b:s3+s4] =	stream.indirect_vreg.scatter [tilespmem:s21], [sflag:$0x2], $0x80, v6, vm0, $0xb8;
	[tilespmem:$0x1F200] =	vst v63  }
0x4b2: {  	v6 =	vld [tilespmem:$0x990];
	_ =	sdelay $0x4  }
0x4b3: {  	v7 =	vperm.xlane v6, v3;
	_ =	sdelay $0x1  }
0x4b4: {  	v6 =	vperm.xlane v6, v5;
	v7 =	vadd.s32 v4, v7;
	_ =	sdelay $0x1  }
0x4b5: {  	v6 =	vadd.s32 v4, v6;
	_ =	sdelay $0x1  }
0x4b6: {  	s0 =	simm.s32 $0x3E00  }
0x4b7: {  	[hbm4b:s3+s4] =	stream.indirect_vreg.scatter [tilespmem:s0], [sflag:$0x2], $0x80, v7, vm0, $0xb8;
	[tilespmem:$0x1F200] =	vst v63  }
0x4b8: {  	s11 =	simm.s32 $0x4E00  }
0x4b9: {  	[hbm4b:s3+s4] =	stream.indirect_vreg.scatter [tilespmem:s11], [sflag:$0x2], $0x80, v6, vm0, $0xb8;
	[tilespmem:$0x1F200] =	vst v63  }
0x4ba: {  	v6 =	vld [tilespmem:$0x9A0];
	_ =	sdelay $0x4  }
0x4bb: {  	v7 =	vperm.xlane v6, v3;
	_ =	sdelay $0x1  }
0x4bc: {  	v6 =	vperm.xlane v6, v5;
	v7 =	vadd.s32 v4, v7;
	_ =	sdelay $0x1  }
0x4bd: {  	v6 =	vadd.s32 v4, v6;
	_ =	sdelay $0x1  }
0x4be: {  	s14 =	simm.s32 $0x5E00  }
0x4bf: {  	[hbm4b:s3+s4] =	stream.indirect_vreg.scatter [tilespmem:s14], [sflag:$0x2], $0x80, v7, vm0, $0xb8;
	[tilespmem:$0x1F200] =	vst v63  }
0x4c0: {  	s17 =	simm.s32 $0x6E00  }
0x4c1: {  	[hbm4b:s3+s4] =	stream.indirect_vreg.scatter [tilespmem:s17], [sflag:$0x2], $0x80, v6, vm0, $0xb8;
	[tilespmem:$0x1F200] =	vst v63  }
0x4c2: {  	v6 =	vld [tilespmem:$0x9B0];
	_ =	sdelay $0x4  }
0x4c3: {  	v7 =	vperm.xlane v6, v3;
	_ =	sdelay $0x1  }
0x4c4: {  	v6 =	vperm.xlane v6, v5;
	v7 =	vadd.s32 v4, v7;
	_ =	sdelay $0x1  }
0x4c5: {  	v6 =	vadd.s32 v4, v6;
	_ =	sdelay $0x1  }
0x4c6: {  	s21 =	simm.s32 $0x7E00  }
0x4c7: {  	[hbm4b:s3+s4] =	stream.indirect_vreg.scatter [tilespmem:s21], [sflag:$0x2], $0x80, v7, vm0, $0xb8;
	[tilespmem:$0x1F200] =	vst v63  }
0x4c8: {  	s14 =	simm.s32 $0x8E00  }
0x4c9: {  	[hbm4b:s3+s4] =	stream.indirect_vreg.scatter [tilespmem:s14], [sflag:$0x2], $0x80, v6, vm0, $0xb8;
	[tilespmem:$0x1F200] =	vst v63  }
0x4ca: {  	s11 =	rddreg [dreg:$0xa];
	s17 =	simm.s32 $0x19200  }
0x4cb: {  	[hbm4b:s11+s4] =	stream.linear.scatter [tilespmem:s17], [sflag:$0x2], $0x2000, $0x38;
	[tilespmem:$0x1F200] =	vst v63  }
0x4cc: {  	_ =	swait.ge [sflag:s20], $0x2000  }
0x4cd: {  	[sflag:s20] =	ssyncset.done $0x0  }
0x4ce: {  	[sflag:s20] =	ssyncadd.s32 $0xFFFFE000  }
0x4cf: {  	_ =	swait.ge [sflag:s20], $0x2000  }
0x4d0: {  	[sflag:s20] =	ssyncset.done $0x0  }
0x4d1: {  	[sflag:s20] =	ssyncadd.s32 $0xFFFFE000  }
0x4d2: {  	_ =	swait.ge [sflag:s20], $0x2000  }
0x4d3: {  	[sflag:s20] =	ssyncset.done $0x0  }
0x4d4: {  	[sflag:s20] =	ssyncadd.s32 $0xFFFFE000  }
0x4d5: {  	_ =	swait.ge [sflag:s20], $0x2000  }
0x4d6: {  	[sflag:s20] =	ssyncset.done $0x0  }
0x4d7: {  	[sflag:s20] =	ssyncadd.s32 $0xFFFFE000  }
0x4d8: {  	_ =	swait.ge [sflag:s20], $0x2000  }
0x4d9: {  	[sflag:s20] =	ssyncset.done $0x0  }
0x4da: {  	[sflag:s20] =	ssyncadd.s32 $0xFFFFE000  }
0x4db: {  	v6 =	vld [tilespmem:$0x140];
	_ =	sdelay $0x4  }
0x4dc: {  	v7 =	vshrl.u32 v6, $0x3  }
0x4dd: {  	v7 =	vmul.u32 $0x28, v7  }
0x4de: {  	v6 =	vand.u32 $0x7, v6  }
0x4df: {  	v6 =	vor.u32 v6, v7  }
0x4e0: {  	v7 =	vperm.xlane v6, v3;
	_ =	sdelay $0x1  }
0x4e1: {  	v7 =	vadd.s32 v4, v7;
	_ =	sdelay $0x1  }
0x4e2: {  	v6 =	vperm.xlane v6, v5;
	_ =	sdelay $0x1  }
0x4e3: {  	s14 =	simm.s32 $0x11200;
	v6 =	vadd.s32 v4, v6  }
0x4e4: {  	[tilespmem:s14], [sflag:$0x1] =	stream.indirect_vreg.gather [hbm4b:s5+s4], $0x80, v7, vm1, $0xb8;
	[tilespmem:$0x1F200] =	vst v63  }
0x4e5: {  	s11 =	simm.s32 $0x11A00  }
0x4e6: {  	[tilespmem:s11], [sflag:$0x1] =	stream.indirect_vreg.gather [hbm4b:s6+s4], $0x80, v7, vm1, $0xb8;
	[tilespmem:$0x1F200] =	vst v63  }
0x4e7: {  	s17 =	simm.s32 $0x12200  }
0x4e8: {  	[tilespmem:s17], [sflag:$0x1] =	stream.indirect_vreg.gather [hbm4b:s5+s4], $0x80, v6, vm1, $0xb8;
	[tilespmem:$0x1F200] =	vst v63  }
0x4e9: {  	s21 =	simm.s32 $0x12A00  }
0x4ea: {  	[tilespmem:s21], [sflag:$0x1] =	stream.indirect_vreg.gather [hbm4b:s6+s4], $0x80, v6, vm1, $0xb8;
	[tilespmem:$0x1F200] =	vst v63  }
0x4eb: {  	v6 =	vld [tilespmem:$0x150];
	_ =	sdelay $0x4  }
0x4ec: {  	v7 =	vshrl.u32 v6, $0x3  }
0x4ed: {  	v7 =	vmul.u32 $0x28, v7  }
0x4ee: {  	v6 =	vand.u32 $0x7, v6  }
0x4ef: {  	v6 =	vor.u32 v6, v7  }
0x4f0: {  	v7 =	vperm.xlane v6, v3;
	_ =	sdelay $0x1  }
0x4f1: {  	v7 =	vadd.s32 v4, v7;
	_ =	sdelay $0x1  }
0x4f2: {  	v6 =	vperm.xlane v6, v5;
	_ =	sdelay $0x1  }
0x4f3: {  	s11 =	simm.s32 $0x13200;
	v6 =	vadd.s32 v4, v6  }
0x4f4: {  	[tilespmem:s11], [sflag:$0x1] =	stream.indirect_vreg.gather [hbm4b:s5+s4], $0x80, v7, vm1, $0xb8;
	[tilespmem:$0x1F200] =	vst v63  }
0x4f5: {  	_ = 	snop  }
0x4f6: {  	[tilespmem:s24], [sflag:$0x1] =	stream.indirect_vreg.gather [hbm4b:s6+s4], $0x80, v7, vm1, $0xb8;
	[tilespmem:$0x1F200] =	vst v63  }
0x4f7: {  	s17 =	simm.s32 $0x14200  }
0x4f8: {  	[tilespmem:s17], [sflag:$0x1] =	stream.indirect_vreg.gather [hbm4b:s5+s4], $0x80, v6, vm1, $0xb8;
	[tilespmem:$0x1F200] =	vst v63  }
0x4f9: {  	_ = 	snop  }
0x4fa: {  	[tilespmem:s25], [sflag:$0x1] =	stream.indirect_vreg.gather [hbm4b:s6+s4], $0x80, v6, vm1, $0xb8;
	[tilespmem:$0x1F200] =	vst v63  }
0x4fb: {  	v6 =	vld [tilespmem:$0x160];
	_ =	sdelay $0x4  }
0x4fc: {  	v7 =	vshrl.u32 v6, $0x3  }
0x4fd: {  	v7 =	vmul.u32 $0x28, v7  }
0x4fe: {  	v6 =	vand.u32 $0x7, v6  }
0x4ff: {  	v6 =	vor.u32 v6, v7  }
0x500: {  	v7 =	vperm.xlane v6, v3;
	_ =	sdelay $0x1  }
0x501: {  	v7 =	vadd.s32 v4, v7;
	_ =	sdelay $0x1  }
0x502: {  	v6 =	vperm.xlane v6, v5;
	_ =	sdelay $0x1  }
0x503: {  	s21 =	simm.s32 $0x15200;
	v6 =	vadd.s32 v4, v6  }
0x504: {  	[tilespmem:s21], [sflag:$0x1] =	stream.indirect_vreg.gather [hbm4b:s5+s4], $0x80, v7, vm1, $0xb8;
	[tilespmem:$0x1F200] =	vst v63  }
0x505: {  	s24 =	simm.s32 $0x15A00  }
0x506: {  	[tilespmem:s24], [sflag:$0x1] =	stream.indirect_vreg.gather [hbm4b:s6+s4], $0x80, v7, vm1, $0xb8;
	[tilespmem:$0x1F200] =	vst v63  }
0x507: {  	s25 =	simm.s32 $0x16200  }
0x508: {  	[tilespmem:s25], [sflag:$0x1] =	stream.indirect_vreg.gather [hbm4b:s5+s4], $0x80, v6, vm1, $0xb8;
	[tilespmem:$0x1F200] =	vst v63  }
0x509: {  	s11 =	simm.s32 $0x16A00  }
0x50a: {  	[tilespmem:s11], [sflag:$0x1] =	stream.indirect_vreg.gather [hbm4b:s6+s4], $0x80, v6, vm1, $0xb8;
	[tilespmem:$0x1F200] =	vst v63  }
0x50b: {  	v6 =	vld [tilespmem:$0x170];
	_ =	sdelay $0x4  }
0x50c: {  	v7 =	vshrl.u32 v6, $0x3  }
0x50d: {  	v7 =	vmul.u32 $0x28, v7  }
0x50e: {  	v6 =	vand.u32 $0x7, v6  }
0x50f: {  	v6 =	vor.u32 v6, v7  }
0x510: {  	v7 =	vperm.xlane v6, v3;
	_ =	sdelay $0x1  }
0x511: {  	v7 =	vadd.s32 v4, v7;
	_ =	sdelay $0x1  }
0x512: {  	v6 =	vperm.xlane v6, v5;
	_ =	sdelay $0x1  }
0x513: {  	s17 =	simm.s32 $0x17200;
	v6 =	vadd.s32 v4, v6  }
0x514: {  	[tilespmem:s17], [sflag:$0x1] =	stream.indirect_vreg.gather [hbm4b:s5+s4], $0x80, v7, vm1, $0xb8;
	[tilespmem:$0x1F200] =	vst v63  }
0x515: {  	s21 =	simm.s32 $0x17A00  }
0x516: {  	[tilespmem:s21], [sflag:$0x1] =	stream.indirect_vreg.gather [hbm4b:s6+s4], $0x80, v7, vm1, $0xb8;
	[tilespmem:$0x1F200] =	vst v63  }
0x517: {  	s24 =	simm.s32 $0x18200  }
0x518: {  	[tilespmem:s24], [sflag:$0x1] =	stream.indirect_vreg.gather [hbm4b:s5+s4], $0x80, v6, vm1, $0xb8;
	[tilespmem:$0x1F200] =	vst v63  }
0x519: {  	s17 =	simm.s32 $0x18A00  }
0x51a: {  	[tilespmem:s17], [sflag:$0x1] =	stream.indirect_vreg.gather [hbm4b:s6+s4], $0x80, v6, vm1, $0xb8;
	[tilespmem:$0x1F200] =	vst v63  }
0x51b: {  	s11 =	rddreg [dreg:$0x12]  }
0x51c: {  	[tilespmem:s23], [sflag:$0x1] =	stream.indirect.gather [hbm4b:s30+s1], $0x80, s11, s1, $0xb8;
	[tilespmem:$0x1F200] =	vst v63  }
0x51d: {  	_ =	swait.ge [sflag:s19], $0x8000  }
0x51e: {  	[sflag:s19] =	ssyncset.done $0x0  }
0x51f: {  	[sflag:s19] =	ssyncadd.s32 $0xFFFF8000  }
0x520: {  	_ =	swait.ge [sflag:s19], $0x2000  }
0x521: {  	[sflag:s19] =	ssyncset.done $0x0  }
0x522: {  	[sflag:s19] =	ssyncadd.s32 $0xFFFFE000  }
0x523: {  	v6 =	vld [tilespmem:$0xA00];
	_ =	sdelay $0x4  }
0x524: {  	v7 =	vperm.xlane v6, v3;
	_ =	sdelay $0x1  }
0x525: {  	v6 =	vperm.xlane v6, v5;
	v7 =	vadd.s32 v4, v7;
	_ =	sdelay $0x1  }
0x526: {  	v6 =	vadd.s32 v4, v6;
	_ =	sdelay $0x2  }
0x527: {  	[hbm4b:s3+s4] =	stream.indirect_vreg.scatter [tilespmem:s18], [sflag:$0x2], $0x80, v7, vm0, $0xb8;
	[tilespmem:$0x1F200] =	vst v63  }
0x528: {  	_ = 	snop  }
0x529: {  	[hbm4b:s3+s4] =	stream.indirect_vreg.scatter [tilespmem:s15], [sflag:$0x2], $0x80, v6, vm0, $0xb8;
	[tilespmem:$0x1F200] =	vst v63  }
0x52a: {  	v6 =	vld [tilespmem:$0xA10];
	_ =	sdelay $0x4  }
0x52b: {  	v7 =	vperm.xlane v6, v3;
	_ =	sdelay $0x1  }
0x52c: {  	v6 =	vperm.xlane v6, v5;
	v7 =	vadd.s32 v4, v7;
	_ =	sdelay $0x1  }
0x52d: {  	v6 =	vadd.s32 v4, v6;
	_ =	sdelay $0x2  }
0x52e: {  	[hbm4b:s3+s4] =	stream.indirect_vreg.scatter [tilespmem:s13], [sflag:$0x2], $0x80, v7, vm0, $0xb8;
	[tilespmem:$0x1F200] =	vst v63  }
0x52f: {  	_ = 	snop  }
0x530: {  	[hbm4b:s3+s4] =	stream.indirect_vreg.scatter [tilespmem:s12], [sflag:$0x2], $0x80, v6, vm0, $0xb8;
	[tilespmem:$0x1F200] =	vst v63  }
0x531: {  	v6 =	vld [tilespmem:$0xA20];
	_ =	sdelay $0x4  }
0x532: {  	v7 =	vperm.xlane v6, v3;
	_ =	sdelay $0x1  }
0x533: {  	v6 =	vperm.xlane v6, v5;
	v7 =	vadd.s32 v4, v7;
	_ =	sdelay $0x1  }
0x534: {  	v6 =	vadd.s32 v4, v6;
	_ =	sdelay $0x2  }
0x535: {  	[hbm4b:s3+s4] =	stream.indirect_vreg.scatter [tilespmem:s10], [sflag:$0x2], $0x80, v7, vm0, $0xb8;
	[tilespmem:$0x1F200] =	vst v63  }
0x536: {  	_ = 	snop  }
0x537: {  	[hbm4b:s3+s4] =	stream.indirect_vreg.scatter [tilespmem:s8], [sflag:$0x2], $0x80, v6, vm0, $0xb8;
	[tilespmem:$0x1F200] =	vst v63  }
0x538: {  	v6 =	vld [tilespmem:$0xA30];
	_ =	sdelay $0x4  }
0x539: {  	v7 =	vperm.xlane v6, v3;
	_ =	sdelay $0x1  }
0x53a: {  	v6 =	vperm.xlane v6, v5;
	v7 =	vadd.s32 v4, v7;
	_ =	sdelay $0x1  }
0x53b: {  	v6 =	vadd.s32 v4, v6;
	_ =	sdelay $0x2  }
0x53c: {  	[hbm4b:s3+s4] =	stream.indirect_vreg.scatter [tilespmem:s7], [sflag:$0x2], $0x80, v7, vm0, $0xb8;
	[tilespmem:$0x1F200] =	vst v63  }
0x53d: {  	_ = 	snop  }
0x53e: {  	[hbm4b:s3+s4] =	stream.indirect_vreg.scatter [tilespmem:s2], [sflag:$0x2], $0x80, v6, vm0, $0xb8;
	[tilespmem:$0x1F200] =	vst v63  }
0x53f: {  	v6 =	vld [tilespmem:$0xA80];
	_ =	sdelay $0x4  }
0x540: {  	v7 =	vperm.xlane v6, v3;
	_ =	sdelay $0x1  }
0x541: {  	v6 =	vperm.xlane v6, v5;
	v7 =	vadd.s32 v4, v7;
	_ =	sdelay $0x1  }
0x542: {  	v6 =	vadd.s32 v4, v6;
	_ =	sdelay $0x1  }
0x543: {  	s7 =	simm.s32 $0x9600  }
0x544: {  	[hbm4b:s3+s4] =	stream.indirect_vreg.scatter [tilespmem:s7], [sflag:$0x2], $0x80, v7, vm0, $0xb8;
	[tilespmem:$0x1F200] =	vst v63  }
0x545: {  	s8 =	simm.s32 $0xA600  }
0x546: {  	[hbm4b:s3+s4] =	stream.indirect_vreg.scatter [tilespmem:s8], [sflag:$0x2], $0x80, v6, vm0, $0xb8;
	[tilespmem:$0x1F200] =	vst v63  }
0x547: {  	v6 =	vld [tilespmem:$0xA90];
	_ =	sdelay $0x4  }
0x548: {  	v7 =	vperm.xlane v6, v3;
	_ =	sdelay $0x1  }
0x549: {  	v6 =	vperm.xlane v6, v5;
	v7 =	vadd.s32 v4, v7;
	_ =	sdelay $0x1  }
0x54a: {  	v6 =	vadd.s32 v4, v6;
	_ =	sdelay $0x1  }
0x54b: {  	s10 =	simm.s32 $0xB600  }
0x54c: {  	[hbm4b:s3+s4] =	stream.indirect_vreg.scatter [tilespmem:s10], [sflag:$0x2], $0x80, v7, vm0, $0xb8;
	[tilespmem:$0x1F200] =	vst v63  }
0x54d: {  	s12 =	simm.s32 $0xC600  }
0x54e: {  	[hbm4b:s3+s4] =	stream.indirect_vreg.scatter [tilespmem:s12], [sflag:$0x2], $0x80, v6, vm0, $0xb8;
	[tilespmem:$0x1F200] =	vst v63  }
0x54f: {  	v6 =	vld [tilespmem:$0xAA0];
	_ =	sdelay $0x4  }
0x550: {  	v7 =	vperm.xlane v6, v3;
	_ =	sdelay $0x1  }
0x551: {  	v6 =	vperm.xlane v6, v5;
	v7 =	vadd.s32 v4, v7;
	_ =	sdelay $0x1  }
0x552: {  	v6 =	vadd.s32 v4, v6;
	_ =	sdelay $0x1  }
0x553: {  	s13 =	simm.s32 $0xD600  }
0x554: {  	[hbm4b:s3+s4] =	stream.indirect_vreg.scatter [tilespmem:s13], [sflag:$0x2], $0x80, v7, vm0, $0xb8;
	[tilespmem:$0x1F200] =	vst v63  }
0x555: {  	s15 =	simm.s32 $0xE600  }
0x556: {  	[hbm4b:s3+s4] =	stream.indirect_vreg.scatter [tilespmem:s15], [sflag:$0x2], $0x80, v6, vm0, $0xb8;
	[tilespmem:$0x1F200] =	vst v63  }
0x557: {  	v6 =	vld [tilespmem:$0xAB0];
	_ =	sdelay $0x4  }
0x558: {  	v7 =	vperm.xlane v6, v3;
	_ =	sdelay $0x1  }
0x559: {  	v6 =	vperm.xlane v6, v5;
	v7 =	vadd.s32 v4, v7;
	_ =	sdelay $0x1  }
0x55a: {  	v6 =	vadd.s32 v4, v6;
	_ =	sdelay $0x1  }
0x55b: {  	s17 =	simm.s32 $0xF600  }
0x55c: {  	[hbm4b:s3+s4] =	stream.indirect_vreg.scatter [tilespmem:s17], [sflag:$0x2], $0x80, v7, vm0, $0xb8;
	[tilespmem:$0x1F200] =	vst v63  }
0x55d: {  	s18 =	simm.s32 $0x10600  }
0x55e: {  	[hbm4b:s3+s4] =	stream.indirect_vreg.scatter [tilespmem:s18], [sflag:$0x2], $0x80, v6, vm0, $0xb8;
	[tilespmem:$0x1F200] =	vst v63  }
0x55f: {  	v6 =	vld [tilespmem:$0xB00];
	_ =	sdelay $0x4  }
0x560: {  	v7 =	vperm.xlane v6, v3;
	_ =	sdelay $0x1  }
0x561: {  	v6 =	vperm.xlane v6, v5;
	v7 =	vadd.s32 v4, v7;
	_ =	sdelay $0x1  }
0x562: {  	v6 =	vadd.s32 v4, v6;
	_ =	sdelay $0x1  }
0x563: {  	s21 =	simm.s32 $0x9A00  }
0x564: {  	[hbm4b:s3+s4] =	stream.indirect_vreg.scatter [tilespmem:s21], [sflag:$0x2], $0x80, v7, vm0, $0xb8;
	[tilespmem:$0x1F200] =	vst v63  }
0x565: {  	s1 =	simm.s32 $0xAA00  }
0x566: {  	[hbm4b:s3+s4] =	stream.indirect_vreg.scatter [tilespmem:s1], [sflag:$0x2], $0x80, v6, vm0, $0xb8;
	[tilespmem:$0x1F200] =	vst v63  }
0x567: {  	v6 =	vld [tilespmem:$0xB10];
	_ =	sdelay $0x4  }
0x568: {  	v7 =	vperm.xlane v6, v3;
	_ =	sdelay $0x1  }
0x569: {  	v6 =	vperm.xlane v6, v5;
	v7 =	vadd.s32 v4, v7;
	_ =	sdelay $0x1  }
0x56a: {  	v6 =	vadd.s32 v4, v6;
	_ =	sdelay $0x1  }
0x56b: {  	s2 =	simm.s32 $0xBA00  }
0x56c: {  	[hbm4b:s3+s4] =	stream.indirect_vreg.scatter [tilespmem:s2], [sflag:$0x2], $0x80, v7, vm0, $0xb8;
	[tilespmem:$0x1F200] =	vst v63  }
0x56d: {  	s7 =	simm.s32 $0xCA00  }
0x56e: {  	[hbm4b:s3+s4] =	stream.indirect_vreg.scatter [tilespmem:s7], [sflag:$0x2], $0x80, v6, vm0, $0xb8;
	[tilespmem:$0x1F200] =	vst v63  }
0x56f: {  	v6 =	vld [tilespmem:$0xB20];
	_ =	sdelay $0x4  }
0x570: {  	v7 =	vperm.xlane v6, v3;
	_ =	sdelay $0x1  }
0x571: {  	v6 =	vperm.xlane v6, v5;
	v7 =	vadd.s32 v4, v7;
	_ =	sdelay $0x1  }
0x572: {  	v6 =	vadd.s32 v4, v6;
	_ =	sdelay $0x1  }
0x573: {  	s8 =	simm.s32 $0xDA00  }
0x574: {  	[hbm4b:s3+s4] =	stream.indirect_vreg.scatter [tilespmem:s8], [sflag:$0x2], $0x80, v7, vm0, $0xb8;
	[tilespmem:$0x1F200] =	vst v63  }
0x575: {  	s10 =	simm.s32 $0xEA00  }
0x576: {  	[hbm4b:s3+s4] =	stream.indirect_vreg.scatter [tilespmem:s10], [sflag:$0x2], $0x80, v6, vm0, $0xb8;
	[tilespmem:$0x1F200] =	vst v63  }
0x577: {  	v6 =	vld [tilespmem:$0xB30];
	_ =	sdelay $0x4  }
0x578: {  	v7 =	vperm.xlane v6, v3;
	_ =	sdelay $0x1  }
0x579: {  	v6 =	vperm.xlane v6, v5;
	v7 =	vadd.s32 v4, v7;
	_ =	sdelay $0x1  }
0x57a: {  	v6 =	vadd.s32 v4, v6;
	_ =	sdelay $0x1  }
0x57b: {  	s12 =	simm.s32 $0xFA00  }
0x57c: {  	[hbm4b:s3+s4] =	stream.indirect_vreg.scatter [tilespmem:s12], [sflag:$0x2], $0x80, v7, vm0, $0xb8;
	[tilespmem:$0x1F200] =	vst v63  }
0x57d: {  	s13 =	simm.s32 $0x10A00  }
0x57e: {  	[hbm4b:s3+s4] =	stream.indirect_vreg.scatter [tilespmem:s13], [sflag:$0x2], $0x80, v6, vm0, $0xb8;
	[tilespmem:$0x1F200] =	vst v63  }
0x57f: {  	v6 =	vld [tilespmem:$0xB80];
	_ =	sdelay $0x4  }
0x580: {  	v7 =	vperm.xlane v6, v3;
	_ =	sdelay $0x1  }
0x581: {  	v6 =	vperm.xlane v6, v5;
	v7 =	vadd.s32 v4, v7;
	_ =	sdelay $0x1  }
0x582: {  	v6 =	vadd.s32 v4, v6;
	_ =	sdelay $0x1  }
0x583: {  	s15 =	simm.s32 $0x9E00  }
0x584: {  	[hbm4b:s3+s4] =	stream.indirect_vreg.scatter [tilespmem:s15], [sflag:$0x2], $0x80, v7, vm0, $0xb8;
	[tilespmem:$0x1F200] =	vst v63  }
0x585: {  	s17 =	simm.s32 $0xAE00  }
0x586: {  	[hbm4b:s3+s4] =	stream.indirect_vreg.scatter [tilespmem:s17], [sflag:$0x2], $0x80, v6, vm0, $0xb8;
	[tilespmem:$0x1F200] =	vst v63  }
0x587: {  	v6 =	vld [tilespmem:$0xB90];
	_ =	sdelay $0x4  }
0x588: {  	v7 =	vperm.xlane v6, v3;
	_ =	sdelay $0x1  }
0x589: {  	v6 =	vperm.xlane v6, v5;
	v7 =	vadd.s32 v4, v7;
	_ =	sdelay $0x1  }
0x58a: {  	v6 =	vadd.s32 v4, v6;
	_ =	sdelay $0x1  }
0x58b: {  	s18 =	simm.s32 $0xBE00  }
0x58c: {  	[hbm4b:s3+s4] =	stream.indirect_vreg.scatter [tilespmem:s18], [sflag:$0x2], $0x80, v7, vm0, $0xb8;
	[tilespmem:$0x1F200] =	vst v63  }
0x58d: {  	s21 =	simm.s32 $0xCE00  }
0x58e: {  	[hbm4b:s3+s4] =	stream.indirect_vreg.scatter [tilespmem:s21], [sflag:$0x2], $0x80, v6, vm0, $0xb8;
	[tilespmem:$0x1F200] =	vst v63  }
0x58f: {  	v6 =	vld [tilespmem:$0xBA0];
	_ =	sdelay $0x4  }
0x590: {  	v7 =	vperm.xlane v6, v3;
	_ =	sdelay $0x1  }
0x591: {  	v6 =	vperm.xlane v6, v5;
	v7 =	vadd.s32 v4, v7;
	_ =	sdelay $0x1  }
0x592: {  	v6 =	vadd.s32 v4, v6;
	_ =	sdelay $0x1  }
0x593: {  	s1 =	simm.s32 $0xDE00  }
0x594: {  	[hbm4b:s3+s4] =	stream.indirect_vreg.scatter [tilespmem:s1], [sflag:$0x2], $0x80, v7, vm0, $0xb8;
	[tilespmem:$0x1F200] =	vst v63  }
0x595: {  	s2 =	simm.s32 $0xEE00  }
0x596: {  	[hbm4b:s3+s4] =	stream.indirect_vreg.scatter [tilespmem:s2], [sflag:$0x2], $0x80, v6, vm0, $0xb8;
	[tilespmem:$0x1F200] =	vst v63  }
0x597: {  	v6 =	vld [tilespmem:$0xBB0];
	_ =	sdelay $0x4  }
0x598: {  	v7 =	vperm.xlane v6, v3;
	_ =	sdelay $0x1  }
0x599: {  	v6 =	vperm.xlane v6, v5;
	v7 =	vadd.s32 v4, v7;
	_ =	sdelay $0x1  }
0x59a: {  	v6 =	vadd.s32 v4, v6;
	_ =	sdelay $0x1  }
0x59b: {  	s7 =	simm.s32 $0xFE00  }
0x59c: {  	[hbm4b:s3+s4] =	stream.indirect_vreg.scatter [tilespmem:s7], [sflag:$0x2], $0x80, v7, vm0, $0xb8;
	[tilespmem:$0x1F200] =	vst v63  }
0x59d: {  	s10 =	simm.s32 $0x10E00  }
0x59e: {  	[hbm4b:s3+s4] =	stream.indirect_vreg.scatter [tilespmem:s10], [sflag:$0x2], $0x80, v6, vm0, $0xb8;
	[tilespmem:$0x1F200] =	vst v63  }
0x59f: {  	s8 =	rddreg [dreg:$0xb];
	s12 =	simm.s32 $0x1B200  }
0x5a0: {  	[hbm4b:s8+s4] =	stream.linear.scatter [tilespmem:s12], [sflag:$0x2], $0x2000, $0x38;
	[tilespmem:$0x1F200] =	vst v63  }
0x5a1: {  	_ =	swait.ge [sflag:s20], $0x2000  }
0x5a2: {  	[sflag:s20] =	ssyncset.done $0x0  }
0x5a3: {  	[sflag:s20] =	ssyncadd.s32 $0xFFFFE000  }
0x5a4: {  	_ =	swait.ge [sflag:s20], $0x2000  }
0x5a5: {  	[sflag:s20] =	ssyncset.done $0x0  }
0x5a6: {  	[sflag:s20] =	ssyncadd.s32 $0xFFFFE000  }
0x5a7: {  	_ =	swait.ge [sflag:s20], $0x2000  }
0x5a8: {  	[sflag:s20] =	ssyncset.done $0x0  }
0x5a9: {  	[sflag:s20] =	ssyncadd.s32 $0xFFFFE000  }
0x5aa: {  	_ =	swait.ge [sflag:s20], $0x2000  }
0x5ab: {  	[sflag:s20] =	ssyncset.done $0x0  }
0x5ac: {  	[sflag:s20] =	ssyncadd.s32 $0xFFFFE000  }
0x5ad: {  	_ =	swait.ge [sflag:s20], $0x2000  }
0x5ae: {  	[sflag:s20] =	ssyncset.done $0x0  }
0x5af: {  	[sflag:s20] =	ssyncadd.s32 $0xFFFFE000  }
0x5b0: {  	v6 =	vld [tilespmem:$0x180];
	_ =	sdelay $0x4  }
0x5b1: {  	v7 =	vshrl.u32 v6, $0x3  }
0x5b2: {  	v7 =	vmul.u32 $0x28, v7  }
0x5b3: {  	v6 =	vand.u32 $0x7, v6  }
0x5b4: {  	v6 =	vor.u32 v6, v7  }
0x5b5: {  	v7 =	vperm.xlane v6, v3;
	_ =	sdelay $0x1  }
0x5b6: {  	v7 =	vadd.s32 v4, v7;
	_ =	sdelay $0x1  }
0x5b7: {  	v6 =	vperm.xlane v6, v5;
	_ =	sdelay $0x1  }
0x5b8: {  	s13 =	simm.s32 $0x1200;
	v6 =	vadd.s32 v4, v6  }
0x5b9: {  	[tilespmem:s13], [sflag:$0x1] =	stream.indirect_vreg.gather [hbm4b:s5+s4], $0x80, v7, vm1, $0xb8;
	[tilespmem:$0x1F200] =	vst v63  }
0x5ba: {  	s16 =	simm.s32 $0x1A00  }
0x5bb: {  	[tilespmem:s16], [sflag:$0x1] =	stream.indirect_vreg.gather [hbm4b:s6+s4], $0x80, v7, vm1, $0xb8;
	[tilespmem:$0x1F200] =	vst v63  }
0x5bc: {  	s15 =	simm.s32 $0x2200  }
0x5bd: {  	[tilespmem:s15], [sflag:$0x1] =	stream.indirect_vreg.gather [hbm4b:s5+s4], $0x80, v6, vm1, $0xb8;
	[tilespmem:$0x1F200] =	vst v63  }
0x5be: {  	s16 =	simm.s32 $0x2A00  }
0x5bf: {  	[tilespmem:s16], [sflag:$0x1] =	stream.indirect_vreg.gather [hbm4b:s6+s4], $0x80, v6, vm1, $0xb8;
	[tilespmem:$0x1F200] =	vst v63  }
0x5c0: {  	v6 =	vld [tilespmem:$0x190];
	_ =	sdelay $0x4  }
0x5c1: {  	v7 =	vshrl.u32 v6, $0x3  }
0x5c2: {  	v7 =	vmul.u32 $0x28, v7  }
0x5c3: {  	v6 =	vand.u32 $0x7, v6  }
0x5c4: {  	v6 =	vor.u32 v6, v7  }
0x5c5: {  	v7 =	vperm.xlane v6, v3;
	_ =	sdelay $0x1  }
0x5c6: {  	v7 =	vadd.s32 v4, v7;
	_ =	sdelay $0x1  }
0x5c7: {  	v6 =	vperm.xlane v6, v5;
	_ =	sdelay $0x1  }
0x5c8: {  	s17 =	simm.s32 $0x3200;
	v6 =	vadd.s32 v4, v6  }
0x5c9: {  	[tilespmem:s17], [sflag:$0x1] =	stream.indirect_vreg.gather [hbm4b:s5+s4], $0x80, v7, vm1, $0xb8;
	[tilespmem:$0x1F200] =	vst v63  }
0x5ca: {  	_ = 	snop  }
0x5cb: {  	[tilespmem:s28], [sflag:$0x1] =	stream.indirect_vreg.gather [hbm4b:s6+s4], $0x80, v7, vm1, $0xb8;
	[tilespmem:$0x1F200] =	vst v63  }
0x5cc: {  	s17 =	simm.s32 $0x4200  }
0x5cd: {  	[tilespmem:s17], [sflag:$0x1] =	stream.indirect_vreg.gather [hbm4b:s5+s4], $0x80, v6, vm1, $0xb8;
	[tilespmem:$0x1F200] =	vst v63  }
0x5ce: {  	_ = 	snop  }
0x5cf: {  	[tilespmem:s9], [sflag:$0x1] =	stream.indirect_vreg.gather [hbm4b:s6+s4], $0x80, v6, vm1, $0xb8;
	[tilespmem:$0x1F200] =	vst v63  }
0x5d0: {  	v6 =	vld [tilespmem:$0x1A0];
	_ =	sdelay $0x4  }
0x5d1: {  	v7 =	vshrl.u32 v6, $0x3  }
0x5d2: {  	v7 =	vmul.u32 $0x28, v7  }
0x5d3: {  	v6 =	vand.u32 $0x7, v6  }
0x5d4: {  	v6 =	vor.u32 v6, v7  }
0x5d5: {  	v7 =	vperm.xlane v6, v3;
	_ =	sdelay $0x1  }
0x5d6: {  	v7 =	vadd.s32 v4, v7;
	_ =	sdelay $0x1  }
0x5d7: {  	v6 =	vperm.xlane v6, v5;
	_ =	sdelay $0x1  }
0x5d8: {  	s16 =	simm.s32 $0x5200;
	v6 =	vadd.s32 v4, v6  }
0x5d9: {  	[tilespmem:s16], [sflag:$0x1] =	stream.indirect_vreg.gather [hbm4b:s5+s4], $0x80, v7, vm1, $0xb8;
	[tilespmem:$0x1F200] =	vst v63  }
0x5da: {  	_ = 	snop  }
0x5db: {  	[tilespmem:s22], [sflag:$0x1] =	stream.indirect_vreg.gather [hbm4b:s6+s4], $0x80, v7, vm1, $0xb8;
	[tilespmem:$0x1F200] =	vst v63  }
0x5dc: {  	s13 =	simm.s32 $0x6200  }
0x5dd: {  	[tilespmem:s13], [sflag:$0x1] =	stream.indirect_vreg.gather [hbm4b:s5+s4], $0x80, v6, vm1, $0xb8;
	[tilespmem:$0x1F200] =	vst v63  }
0x5de: {  	_ = 	snop  }
0x5df: {  	[tilespmem:s26], [sflag:$0x1] =	stream.indirect_vreg.gather [hbm4b:s6+s4], $0x80, v6, vm1, $0xb8;
	[tilespmem:$0x1F200] =	vst v63  }
0x5e0: {  	v6 =	vld [tilespmem:$0x1B0];
	_ =	sdelay $0x4  }
0x5e1: {  	v7 =	vshrl.u32 v6, $0x3  }
0x5e2: {  	v7 =	vmul.u32 $0x28, v7  }
0x5e3: {  	v6 =	vand.u32 $0x7, v6  }
0x5e4: {  	v6 =	vor.u32 v6, v7  }
0x5e5: {  	v7 =	vperm.xlane v6, v3;
	_ =	sdelay $0x1  }
0x5e6: {  	v7 =	vadd.s32 v4, v7;
	_ =	sdelay $0x1  }
0x5e7: {  	v6 =	vperm.xlane v6, v5;
	_ =	sdelay $0x1  }
0x5e8: {  	s12 =	simm.s32 $0x7200;
	v6 =	vadd.s32 v4, v6  }
0x5e9: {  	[tilespmem:s12], [sflag:$0x1] =	stream.indirect_vreg.gather [hbm4b:s5+s4], $0x80, v7, vm1, $0xb8;
	[tilespmem:$0x1F200] =	vst v63  }
0x5ea: {  	_ = 	snop  }
0x5eb: {  	[tilespmem:s29], [sflag:$0x1] =	stream.indirect_vreg.gather [hbm4b:s6+s4], $0x80, v7, vm1, $0xb8;
	[tilespmem:$0x1F200] =	vst v63  }
0x5ec: {  	s1 =	simm.s32 $0x8200  }
0x5ed: {  	[tilespmem:s1], [sflag:$0x1] =	stream.indirect_vreg.gather [hbm4b:s5+s4], $0x80, v6, vm1, $0xb8;
	[tilespmem:$0x1F200] =	vst v63  }
0x5ee: {  	_ = 	snop  }
0x5ef: {  	[tilespmem:s31], [sflag:$0x1] =	stream.indirect_vreg.gather [hbm4b:s6+s4], $0x80, v6, vm1, $0xb8;
	[tilespmem:$0x1F200] =	vst v63  }
0x5f0: {  	s11 =	simm.s32 $0x40;
	s18 =	rddreg [dreg:$0x13];
	s22 =	simm.s32 $0x19200  }
0x5f1: {  	[tilespmem:s22], [sflag:$0x1] =	stream.indirect.gather [hbm4b:s30+s11], $0x80, s18, s11, $0xb8;
	[tilespmem:$0x1F200] =	vst v63  }
0x5f2: {  	_ =	swait.ge [sflag:s19], $0x8000  }
0x5f3: {  	[sflag:s19] =	ssyncset.done $0x0  }
0x5f4: {  	[sflag:s19] =	ssyncadd.s32 $0xFFFF8000  }
0x5f5: {  	_ =	swait.ge [sflag:s19], $0x2000  }
0x5f6: {  	[sflag:s19] =	ssyncset.done $0x0  }
0x5f7: {  	[sflag:s19] =	ssyncadd.s32 $0xFFFFE000  }
0x5f8: {  	v6 =	vld [tilespmem:$0xC00];
	_ =	sdelay $0x4  }
0x5f9: {  	v7 =	vperm.xlane v6, v3;
	_ =	sdelay $0x1  }
0x5fa: {  	v6 =	vperm.xlane v6, v5;
	v7 =	vadd.s32 v4, v7;
	_ =	sdelay $0x1  }
0x5fb: {  	v6 =	vadd.s32 v4, v6;
	_ =	sdelay $0x2  }
0x5fc: {  	[hbm4b:s3+s4] =	stream.indirect_vreg.scatter [tilespmem:s14], [sflag:$0x2], $0x80, v7, vm0, $0xb8;
	[tilespmem:$0x1F200] =	vst v63  }
0x5fd: {  	s26 =	simm.s32 $0x12200  }
0x5fe: {  	[hbm4b:s3+s4] =	stream.indirect_vreg.scatter [tilespmem:s26], [sflag:$0x2], $0x80, v6, vm0, $0xb8;
	[tilespmem:$0x1F200] =	vst v63  }
0x5ff: {  	v6 =	vld [tilespmem:$0xC10];
	_ =	sdelay $0x4  }
0x600: {  	v7 =	vperm.xlane v6, v3;
	_ =	sdelay $0x1  }
0x601: {  	v6 =	vperm.xlane v6, v5;
	v7 =	vadd.s32 v4, v7;
	_ =	sdelay $0x1  }
0x602: {  	v6 =	vadd.s32 v4, v6;
	_ =	sdelay $0x1  }
0x603: {  	s28 =	simm.s32 $0x13200  }
0x604: {  	[hbm4b:s3+s4] =	stream.indirect_vreg.scatter [tilespmem:s28], [sflag:$0x2], $0x80, v7, vm0, $0xb8;
	[tilespmem:$0x1F200] =	vst v63  }
0x605: {  	s29 =	simm.s32 $0x14200  }
0x606: {  	[hbm4b:s3+s4] =	stream.indirect_vreg.scatter [tilespmem:s29], [sflag:$0x2], $0x80, v6, vm0, $0xb8;
	[tilespmem:$0x1F200] =	vst v63  }
0x607: {  	v6 =	vld [tilespmem:$0xC20];
	_ =	sdelay $0x4  }
0x608: {  	v7 =	vperm.xlane v6, v3;
	_ =	sdelay $0x1  }
0x609: {  	v6 =	vperm.xlane v6, v5;
	v7 =	vadd.s32 v4, v7;
	_ =	sdelay $0x1  }
0x60a: {  	v6 =	vadd.s32 v4, v6;
	_ =	sdelay $0x1  }
0x60b: {  	s31 =	simm.s32 $0x15200  }
0x60c: {  	[hbm4b:s3+s4] =	stream.indirect_vreg.scatter [tilespmem:s31], [sflag:$0x2], $0x80, v7, vm0, $0xb8;
	[tilespmem:$0x1F200] =	vst v63  }
0x60d: {  	s2 =	simm.s32 $0x16200  }
0x60e: {  	[hbm4b:s3+s4] =	stream.indirect_vreg.scatter [tilespmem:s2], [sflag:$0x2], $0x80, v6, vm0, $0xb8;
	[tilespmem:$0x1F200] =	vst v63  }
0x60f: {  	v6 =	vld [tilespmem:$0xC30];
	_ =	sdelay $0x4  }
0x610: {  	v7 =	vperm.xlane v6, v3;
	_ =	sdelay $0x1  }
0x611: {  	v6 =	vperm.xlane v6, v5;
	v7 =	vadd.s32 v4, v7;
	_ =	sdelay $0x1  }
0x612: {  	v6 =	vadd.s32 v4, v6;
	_ =	sdelay $0x1  }
0x613: {  	s25 =	simm.s32 $0x17200  }
0x614: {  	[hbm4b:s3+s4] =	stream.indirect_vreg.scatter [tilespmem:s25], [sflag:$0x2], $0x80, v7, vm0, $0xb8;
	[tilespmem:$0x1F200] =	vst v63  }
0x615: {  	s24 =	simm.s32 $0x18200  }
0x616: {  	[hbm4b:s3+s4] =	stream.indirect_vreg.scatter [tilespmem:s24], [sflag:$0x2], $0x80, v6, vm0, $0xb8;
	[tilespmem:$0x1F200] =	vst v63  }
0x617: {  	v6 =	vld [tilespmem:$0xC80];
	_ =	sdelay $0x4  }
0x618: {  	v7 =	vperm.xlane v6, v3;
	_ =	sdelay $0x1  }
0x619: {  	v6 =	vperm.xlane v6, v5;
	v7 =	vadd.s32 v4, v7;
	_ =	sdelay $0x1  }
0x61a: {  	v6 =	vadd.s32 v4, v6;
	_ =	sdelay $0x1  }
0x61b: {  	s7 =	simm.s32 $0x11600  }
0x61c: {  	[hbm4b:s3+s4] =	stream.indirect_vreg.scatter [tilespmem:s7], [sflag:$0x2], $0x80, v7, vm0, $0xb8;
	[tilespmem:$0x1F200] =	vst v63  }
0x61d: {  	s8 =	simm.s32 $0x12600  }
0x61e: {  	[hbm4b:s3+s4] =	stream.indirect_vreg.scatter [tilespmem:s8], [sflag:$0x2], $0x80, v6, vm0, $0xb8;
	[tilespmem:$0x1F200] =	vst v63  }
0x61f: {  	v6 =	vld [tilespmem:$0xC90];
	_ =	sdelay $0x4  }
0x620: {  	v7 =	vperm.xlane v6, v3;
	_ =	sdelay $0x1  }
0x621: {  	v6 =	vperm.xlane v6, v5;
	v7 =	vadd.s32 v4, v7;
	_ =	sdelay $0x1  }
0x622: {  	v6 =	vadd.s32 v4, v6;
	_ =	sdelay $0x1  }
0x623: {  	s9 =	simm.s32 $0x13600  }
0x624: {  	[hbm4b:s3+s4] =	stream.indirect_vreg.scatter [tilespmem:s9], [sflag:$0x2], $0x80, v7, vm0, $0xb8;
	[tilespmem:$0x1F200] =	vst v63  }
0x625: {  	s10 =	simm.s32 $0x14600  }
0x626: {  	[hbm4b:s3+s4] =	stream.indirect_vreg.scatter [tilespmem:s10], [sflag:$0x2], $0x80, v6, vm0, $0xb8;
	[tilespmem:$0x1F200] =	vst v63  }
0x627: {  	v6 =	vld [tilespmem:$0xCA0];
	_ =	sdelay $0x4  }
0x628: {  	v7 =	vperm.xlane v6, v3;
	_ =	sdelay $0x1  }
0x629: {  	v6 =	vperm.xlane v6, v5;
	v7 =	vadd.s32 v4, v7;
	_ =	sdelay $0x1  }
0x62a: {  	v6 =	vadd.s32 v4, v6;
	_ =	sdelay $0x1  }
0x62b: {  	s11 =	simm.s32 $0x15600  }
0x62c: {  	[hbm4b:s3+s4] =	stream.indirect_vreg.scatter [tilespmem:s11], [sflag:$0x2], $0x80, v7, vm0, $0xb8;
	[tilespmem:$0x1F200] =	vst v63  }
0x62d: {  	s14 =	simm.s32 $0x16600  }
0x62e: {  	[hbm4b:s3+s4] =	stream.indirect_vreg.scatter [tilespmem:s14], [sflag:$0x2], $0x80, v6, vm0, $0xb8;
	[tilespmem:$0x1F200] =	vst v63  }
0x62f: {  	v6 =	vld [tilespmem:$0xCB0];
	_ =	sdelay $0x4  }
0x630: {  	v7 =	vperm.xlane v6, v3;
	_ =	sdelay $0x1  }
0x631: {  	v6 =	vperm.xlane v6, v5;
	v7 =	vadd.s32 v4, v7;
	_ =	sdelay $0x1  }
0x632: {  	v6 =	vadd.s32 v4, v6;
	_ =	sdelay $0x1  }
0x633: {  	s15 =	simm.s32 $0x17600  }
0x634: {  	[hbm4b:s3+s4] =	stream.indirect_vreg.scatter [tilespmem:s15], [sflag:$0x2], $0x80, v7, vm0, $0xb8;
	[tilespmem:$0x1F200] =	vst v63  }
0x635: {  	s18 =	simm.s32 $0x18600  }
0x636: {  	[hbm4b:s3+s4] =	stream.indirect_vreg.scatter [tilespmem:s18], [sflag:$0x2], $0x80, v6, vm0, $0xb8;
	[tilespmem:$0x1F200] =	vst v63  }
0x637: {  	v6 =	vld [tilespmem:$0xD00];
	_ =	sdelay $0x4  }
0x638: {  	v7 =	vperm.xlane v6, v3;
	_ =	sdelay $0x1  }
0x639: {  	v6 =	vperm.xlane v6, v5;
	v7 =	vadd.s32 v4, v7;
	_ =	sdelay $0x1  }
0x63a: {  	v6 =	vadd.s32 v4, v6;
	_ =	sdelay $0x1  }
0x63b: {  	s21 =	simm.s32 $0x11A00  }
0x63c: {  	[hbm4b:s3+s4] =	stream.indirect_vreg.scatter [tilespmem:s21], [sflag:$0x2], $0x80, v7, vm0, $0xb8;
	[tilespmem:$0x1F200] =	vst v63  }
0x63d: {  	s22 =	simm.s32 $0x12A00  }
0x63e: {  	[hbm4b:s3+s4] =	stream.indirect_vreg.scatter [tilespmem:s22], [sflag:$0x2], $0x80, v6, vm0, $0xb8;
	[tilespmem:$0x1F200] =	vst v63  }
0x63f: {  	v6 =	vld [tilespmem:$0xD10];
	_ =	sdelay $0x4  }
0x640: {  	v7 =	vperm.xlane v6, v3;
	_ =	sdelay $0x1  }
0x641: {  	v6 =	vperm.xlane v6, v5;
	v7 =	vadd.s32 v4, v7;
	_ =	sdelay $0x1  }
0x642: {  	v6 =	vadd.s32 v4, v6;
	_ =	sdelay $0x1  }
0x643: {  	s24 =	simm.s32 $0x13A00  }
0x644: {  	[hbm4b:s3+s4] =	stream.indirect_vreg.scatter [tilespmem:s24], [sflag:$0x2], $0x80, v7, vm0, $0xb8;
	[tilespmem:$0x1F200] =	vst v63  }
0x645: {  	s25 =	simm.s32 $0x14A00  }
0x646: {  	[hbm4b:s3+s4] =	stream.indirect_vreg.scatter [tilespmem:s25], [sflag:$0x2], $0x80, v6, vm0, $0xb8;
	[tilespmem:$0x1F200] =	vst v63  }
0x647: {  	v6 =	vld [tilespmem:$0xD20];
	_ =	sdelay $0x4  }
0x648: {  	v7 =	vperm.xlane v6, v3;
	_ =	sdelay $0x1  }
0x649: {  	v6 =	vperm.xlane v6, v5;
	v7 =	vadd.s32 v4, v7;
	_ =	sdelay $0x1  }
0x64a: {  	v6 =	vadd.s32 v4, v6;
	_ =	sdelay $0x1  }
0x64b: {  	s26 =	simm.s32 $0x15A00  }
0x64c: {  	[hbm4b:s3+s4] =	stream.indirect_vreg.scatter [tilespmem:s26], [sflag:$0x2], $0x80, v7, vm0, $0xb8;
	[tilespmem:$0x1F200] =	vst v63  }
0x64d: {  	s28 =	simm.s32 $0x16A00  }
0x64e: {  	[hbm4b:s3+s4] =	stream.indirect_vreg.scatter [tilespmem:s28], [sflag:$0x2], $0x80, v6, vm0, $0xb8;
	[tilespmem:$0x1F200] =	vst v63  }
0x64f: {  	v6 =	vld [tilespmem:$0xD30];
	_ =	sdelay $0x4  }
0x650: {  	v7 =	vperm.xlane v6, v3;
	_ =	sdelay $0x1  }
0x651: {  	v6 =	vperm.xlane v6, v5;
	v7 =	vadd.s32 v4, v7;
	_ =	sdelay $0x1  }
0x652: {  	v6 =	vadd.s32 v4, v6;
	_ =	sdelay $0x1  }
0x653: {  	s29 =	simm.s32 $0x17A00  }
0x654: {  	[hbm4b:s3+s4] =	stream.indirect_vreg.scatter [tilespmem:s29], [sflag:$0x2], $0x80, v7, vm0, $0xb8;
	[tilespmem:$0x1F200] =	vst v63  }
0x655: {  	s31 =	simm.s32 $0x18A00  }
0x656: {  	[hbm4b:s3+s4] =	stream.indirect_vreg.scatter [tilespmem:s31], [sflag:$0x2], $0x80, v6, vm0, $0xb8;
	[tilespmem:$0x1F200] =	vst v63  }
0x657: {  	v6 =	vld [tilespmem:$0xD80];
	_ =	sdelay $0x4  }
0x658: {  	v7 =	vperm.xlane v6, v3;
	_ =	sdelay $0x1  }
0x659: {  	v6 =	vperm.xlane v6, v5;
	v7 =	vadd.s32 v4, v7;
	_ =	sdelay $0x1  }
0x65a: {  	v6 =	vadd.s32 v4, v6;
	_ =	sdelay $0x1  }
0x65b: {  	s0 =	simm.s32 $0x11E00  }
0x65c: {  	[hbm4b:s3+s4] =	stream.indirect_vreg.scatter [tilespmem:s0], [sflag:$0x2], $0x80, v7, vm0, $0xb8;
	[tilespmem:$0x1F200] =	vst v63  }
0x65d: {  	s7 =	simm.s32 $0x12E00  }
0x65e: {  	[hbm4b:s3+s4] =	stream.indirect_vreg.scatter [tilespmem:s7], [sflag:$0x2], $0x80, v6, vm0, $0xb8;
	[tilespmem:$0x1F200] =	vst v63  }
0x65f: {  	v6 =	vld [tilespmem:$0xD90];
	_ =	sdelay $0x4  }
0x660: {  	v7 =	vperm.xlane v6, v3;
	_ =	sdelay $0x1  }
0x661: {  	v6 =	vperm.xlane v6, v5;
	v7 =	vadd.s32 v4, v7;
	_ =	sdelay $0x1  }
0x662: {  	v6 =	vadd.s32 v4, v6;
	_ =	sdelay $0x1  }
0x663: {  	s8 =	simm.s32 $0x13E00  }
0x664: {  	[hbm4b:s3+s4] =	stream.indirect_vreg.scatter [tilespmem:s8], [sflag:$0x2], $0x80, v7, vm0, $0xb8;
	[tilespmem:$0x1F200] =	vst v63  }
0x665: {  	s9 =	simm.s32 $0x14E00  }
0x666: {  	[hbm4b:s3+s4] =	stream.indirect_vreg.scatter [tilespmem:s9], [sflag:$0x2], $0x80, v6, vm0, $0xb8;
	[tilespmem:$0x1F200] =	vst v63  }
0x667: {  	v6 =	vld [tilespmem:$0xDA0];
	_ =	sdelay $0x4  }
0x668: {  	v7 =	vperm.xlane v6, v3;
	_ =	sdelay $0x1  }
0x669: {  	v6 =	vperm.xlane v6, v5;
	v7 =	vadd.s32 v4, v7;
	_ =	sdelay $0x1  }
0x66a: {  	v6 =	vadd.s32 v4, v6;
	_ =	sdelay $0x1  }
0x66b: {  	s10 =	simm.s32 $0x15E00  }
0x66c: {  	[hbm4b:s3+s4] =	stream.indirect_vreg.scatter [tilespmem:s10], [sflag:$0x2], $0x80, v7, vm0, $0xb8;
	[tilespmem:$0x1F200] =	vst v63  }
0x66d: {  	s11 =	simm.s32 $0x16E00  }
0x66e: {  	[hbm4b:s3+s4] =	stream.indirect_vreg.scatter [tilespmem:s11], [sflag:$0x2], $0x80, v6, vm0, $0xb8;
	[tilespmem:$0x1F200] =	vst v63  }
0x66f: {  	v6 =	vld [tilespmem:$0xDB0];
	_ =	sdelay $0x4  }
0x670: {  	v7 =	vperm.xlane v6, v3;
	_ =	sdelay $0x1  }
0x671: {  	v6 =	vperm.xlane v6, v5;
	v7 =	vadd.s32 v4, v7;
	_ =	sdelay $0x1  }
0x672: {  	v6 =	vadd.s32 v4, v6;
	_ =	sdelay $0x1  }
0x673: {  	s14 =	simm.s32 $0x17E00  }
0x674: {  	[hbm4b:s3+s4] =	stream.indirect_vreg.scatter [tilespmem:s14], [sflag:$0x2], $0x80, v7, vm0, $0xb8;
	[tilespmem:$0x1F200] =	vst v63  }
0x675: {  	s18 =	simm.s32 $0x18E00  }
0x676: {  	[hbm4b:s3+s4] =	stream.indirect_vreg.scatter [tilespmem:s18], [sflag:$0x2], $0x80, v6, vm0, $0xb8;
	[tilespmem:$0x1F200] =	vst v63  }
0x677: {  	s23 =	simm.s32 $0x1D200;
	s15 =	rddreg [dreg:$0xc]  }
0x678: {  	[hbm4b:s15+s4] =	stream.linear.scatter [tilespmem:s23], [sflag:$0x2], $0x2000, $0x38;
	[tilespmem:$0x1F200] =	vst v63  }
0x679: {  	_ =	swait.ge [sflag:s20], $0x2000  }
0x67a: {  	[sflag:s20] =	ssyncset.done $0x0  }
0x67b: {  	[sflag:s20] =	ssyncadd.s32 $0xFFFFE000  }
0x67c: {  	_ =	swait.ge [sflag:s20], $0x2000  }
0x67d: {  	[sflag:s20] =	ssyncset.done $0x0  }
0x67e: {  	[sflag:s20] =	ssyncadd.s32 $0xFFFFE000  }
0x67f: {  	_ =	swait.ge [sflag:s20], $0x2000  }
0x680: {  	[sflag:s20] =	ssyncset.done $0x0  }
0x681: {  	[sflag:s20] =	ssyncadd.s32 $0xFFFFE000  }
0x682: {  	_ =	swait.ge [sflag:s20], $0x2000  }
0x683: {  	[sflag:s20] =	ssyncset.done $0x0  }
0x684: {  	[sflag:s20] =	ssyncadd.s32 $0xFFFFE000  }
0x685: {  	_ =	swait.ge [sflag:s20], $0x2000  }
0x686: {  	[sflag:s20] =	ssyncset.done $0x0  }
0x687: {  	[sflag:s20] =	ssyncadd.s32 $0xFFFFE000  }
0x688: {  	v6 =	vld [tilespmem:$0x1C0];
	_ =	sdelay $0x4  }
0x689: {  	v7 =	vshrl.u32 v6, $0x3  }
0x68a: {  	v7 =	vmul.u32 $0x28, v7  }
0x68b: {  	v6 =	vand.u32 $0x7, v6  }
0x68c: {  	v6 =	vor.u32 v6, v7  }
0x68d: {  	v7 =	vperm.xlane v6, v3;
	_ =	sdelay $0x1  }
0x68e: {  	v7 =	vadd.s32 v4, v7;
	_ =	sdelay $0x1  }
0x68f: {  	v6 =	vperm.xlane v6, v5;
	_ =	sdelay $0x1  }
0x690: {  	s14 =	simm.s32 $0x9200;
	v6 =	vadd.s32 v4, v6  }
0x691: {  	[tilespmem:s14], [sflag:$0x1] =	stream.indirect_vreg.gather [hbm4b:s5+s4], $0x80, v7, vm1, $0xb8;
	[tilespmem:$0x1F200] =	vst v63  }
0x692: {  	s15 =	simm.s32 $0x9A00  }
0x693: {  	[tilespmem:s15], [sflag:$0x1] =	stream.indirect_vreg.gather [hbm4b:s6+s4], $0x80, v7, vm1, $0xb8;
	[tilespmem:$0x1F200] =	vst v63  }
0x694: {  	s31 =	simm.s32 $0xA200  }
0x695: {  	[tilespmem:s31], [sflag:$0x1] =	stream.indirect_vreg.gather [hbm4b:s5+s4], $0x80, v6, vm1, $0xb8;
	[tilespmem:$0x1F200] =	vst v63  }
0x696: {  	s22 =	simm.s32 $0xAA00  }
0x697: {  	[tilespmem:s22], [sflag:$0x1] =	stream.indirect_vreg.gather [hbm4b:s6+s4], $0x80, v6, vm1, $0xb8;
	[tilespmem:$0x1F200] =	vst v63  }
0x698: {  	v6 =	vld [tilespmem:$0x1D0];
	_ =	sdelay $0x4  }
0x699: {  	v7 =	vshrl.u32 v6, $0x3  }
0x69a: {  	v7 =	vmul.u32 $0x28, v7  }
0x69b: {  	v6 =	vand.u32 $0x7, v6  }
0x69c: {  	v6 =	vor.u32 v6, v7  }
0x69d: {  	v7 =	vperm.xlane v6, v3;
	_ =	sdelay $0x1  }
0x69e: {  	v7 =	vadd.s32 v4, v7;
	_ =	sdelay $0x1  }
0x69f: {  	v6 =	vperm.xlane v6, v5;
	_ =	sdelay $0x1  }
0x6a0: {  	s11 =	simm.s32 $0xB200;
	v6 =	vadd.s32 v4, v6  }
0x6a1: {  	[tilespmem:s11], [sflag:$0x1] =	stream.indirect_vreg.gather [hbm4b:s5+s4], $0x80, v7, vm1, $0xb8;
	[tilespmem:$0x1F200] =	vst v63  }
0x6a2: {  	s23 =	simm.s32 $0xBA00  }
0x6a3: {  	[tilespmem:s23], [sflag:$0x1] =	stream.indirect_vreg.gather [hbm4b:s6+s4], $0x80, v7, vm1, $0xb8;
	[tilespmem:$0x1F200] =	vst v63  }
0x6a4: {  	s10 =	simm.s32 $0xC200  }
0x6a5: {  	[tilespmem:s10], [sflag:$0x1] =	stream.indirect_vreg.gather [hbm4b:s5+s4], $0x80, v6, vm1, $0xb8;
	[tilespmem:$0x1F200] =	vst v63  }
0x6a6: {  	s24 =	simm.s32 $0xCA00  }
0x6a7: {  	[tilespmem:s24], [sflag:$0x1] =	stream.indirect_vreg.gather [hbm4b:s6+s4], $0x80, v6, vm1, $0xb8;
	[tilespmem:$0x1F200] =	vst v63  }
0x6a8: {  	v6 =	vld [tilespmem:$0x1E0];
	_ =	sdelay $0x4  }
0x6a9: {  	v7 =	vshrl.u32 v6, $0x3  }
0x6aa: {  	v7 =	vmul.u32 $0x28, v7  }
0x6ab: {  	v6 =	vand.u32 $0x7, v6  }
0x6ac: {  	v6 =	vor.u32 v6, v7  }
0x6ad: {  	v7 =	vperm.xlane v6, v3;
	_ =	sdelay $0x1  }
0x6ae: {  	v7 =	vadd.s32 v4, v7;
	_ =	sdelay $0x1  }
0x6af: {  	v6 =	vperm.xlane v6, v5;
	_ =	sdelay $0x1  }
0x6b0: {  	s9 =	simm.s32 $0xD200;
	v6 =	vadd.s32 v4, v6  }
0x6b1: {  	[tilespmem:s9], [sflag:$0x1] =	stream.indirect_vreg.gather [hbm4b:s5+s4], $0x80, v7, vm1, $0xb8;
	[tilespmem:$0x1F200] =	vst v63  }
0x6b2: {  	s25 =	simm.s32 $0xDA00  }
0x6b3: {  	[tilespmem:s25], [sflag:$0x1] =	stream.indirect_vreg.gather [hbm4b:s6+s4], $0x80, v7, vm1, $0xb8;
	[tilespmem:$0x1F200] =	vst v63  }
0x6b4: {  	s8 =	simm.s32 $0xE200  }
0x6b5: {  	[tilespmem:s8], [sflag:$0x1] =	stream.indirect_vreg.gather [hbm4b:s5+s4], $0x80, v6, vm1, $0xb8;
	[tilespmem:$0x1F200] =	vst v63  }
0x6b6: {  	s26 =	simm.s32 $0xEA00  }
0x6b7: {  	[tilespmem:s26], [sflag:$0x1] =	stream.indirect_vreg.gather [hbm4b:s6+s4], $0x80, v6, vm1, $0xb8;
	[tilespmem:$0x1F200] =	vst v63  }
0x6b8: {  	v6 =	vld [tilespmem:$0x1F0];
	_ =	sdelay $0x4  }
0x6b9: {  	v7 =	vshrl.u32 v6, $0x3  }
0x6ba: {  	v7 =	vmul.u32 $0x28, v7  }
0x6bb: {  	v6 =	vand.u32 $0x7, v6  }
0x6bc: {  	v6 =	vor.u32 v6, v7  }
0x6bd: {  	v7 =	vperm.xlane v6, v3;
	_ =	sdelay $0x1  }
0x6be: {  	v7 =	vadd.s32 v4, v7;
	_ =	sdelay $0x1  }
0x6bf: {  	v6 =	vperm.xlane v6, v5;
	_ =	sdelay $0x1  }
0x6c0: {  	s7 =	simm.s32 $0xF200;
	v6 =	vadd.s32 v4, v6  }
0x6c1: {  	[tilespmem:s7], [sflag:$0x1] =	stream.indirect_vreg.gather [hbm4b:s5+s4], $0x80, v7, vm1, $0xb8;
	[tilespmem:$0x1F200] =	vst v63  }
0x6c2: {  	s28 =	simm.s32 $0xFA00  }
0x6c3: {  	[tilespmem:s28], [sflag:$0x1] =	stream.indirect_vreg.gather [hbm4b:s6+s4], $0x80, v7, vm1, $0xb8;
	[tilespmem:$0x1F200] =	vst v63  }
0x6c4: {  	s0 =	simm.s32 $0x10200  }
0x6c5: {  	[tilespmem:s0], [sflag:$0x1] =	stream.indirect_vreg.gather [hbm4b:s5+s4], $0x80, v6, vm1, $0xb8;
	[tilespmem:$0x1F200] =	vst v63  }
0x6c6: {  	s29 =	simm.s32 $0x10A00  }
0x6c7: {  	[tilespmem:s29], [sflag:$0x1] =	stream.indirect_vreg.gather [hbm4b:s6+s4], $0x80, v6, vm1, $0xb8;
	[tilespmem:$0x1F200] =	vst v63  }
0x6c8: {  	s2 =	simm.s32 $0x1B200;
	s18 =	simm.s32 $0x40;
	s21 =	rddreg [dreg:$0x14]  }
0x6c9: {  	[tilespmem:s2], [sflag:$0x1] =	stream.indirect.gather [hbm4b:s30+s18], $0x80, s21, s18, $0xb8;
	[tilespmem:$0x1F200] =	vst v63  }
0x6ca: {  	_ =	swait.ge [sflag:s19], $0x8000  }
0x6cb: {  	[sflag:s19] =	ssyncset.done $0x0  }
0x6cc: {  	[sflag:s19] =	ssyncadd.s32 $0xFFFF8000  }
0x6cd: {  	_ =	swait.ge [sflag:s19], $0x2000  }
0x6ce: {  	[sflag:s19] =	ssyncset.done $0x0  }
0x6cf: {  	[sflag:s19] =	ssyncadd.s32 $0xFFFFE000  }
0x6d0: {  	v6 =	vld [tilespmem:$0xE00];
	_ =	sdelay $0x4  }
0x6d1: {  	v7 =	vperm.xlane v6, v3;
	_ =	sdelay $0x1  }
0x6d2: {  	v6 =	vperm.xlane v6, v5;
	v7 =	vadd.s32 v4, v7;
	_ =	sdelay $0x1  }
0x6d3: {  	v6 =	vadd.s32 v4, v6;
	_ =	sdelay $0x1  }
0x6d4: {  	s21 =	simm.s32 $0x1200  }
0x6d5: {  	[hbm4b:s3+s4] =	stream.indirect_vreg.scatter [tilespmem:s21], [sflag:$0x2], $0x80, v7, vm0, $0xb8;
	[tilespmem:$0x1F200] =	vst v63  }
0x6d6: {  	s18 =	simm.s32 $0x2200  }
0x6d7: {  	[hbm4b:s3+s4] =	stream.indirect_vreg.scatter [tilespmem:s18], [sflag:$0x2], $0x80, v6, vm0, $0xb8;
	[tilespmem:$0x1F200] =	vst v63  }
0x6d8: {  	v6 =	vld [tilespmem:$0xE10];
	_ =	sdelay $0x4  }
0x6d9: {  	v7 =	vperm.xlane v6, v3;
	_ =	sdelay $0x1  }
0x6da: {  	v6 =	vperm.xlane v6, v5;
	v7 =	vadd.s32 v4, v7;
	_ =	sdelay $0x1  }
0x6db: {  	v6 =	vadd.s32 v4, v6;
	_ =	sdelay $0x1  }
0x6dc: {  	s21 =	simm.s32 $0x3200  }
0x6dd: {  	[hbm4b:s3+s4] =	stream.indirect_vreg.scatter [tilespmem:s21], [sflag:$0x2], $0x80, v7, vm0, $0xb8;
	[tilespmem:$0x1F200] =	vst v63  }
0x6de: {  	_ = 	snop  }
0x6df: {  	[hbm4b:s3+s4] =	stream.indirect_vreg.scatter [tilespmem:s17], [sflag:$0x2], $0x80, v6, vm0, $0xb8;
	[tilespmem:$0x1F200] =	vst v63  }
0x6e0: {  	v6 =	vld [tilespmem:$0xE20];
	_ =	sdelay $0x4  }
0x6e1: {  	v7 =	vperm.xlane v6, v3;
	_ =	sdelay $0x1  }
0x6e2: {  	v6 =	vperm.xlane v6, v5;
	v7 =	vadd.s32 v4, v7;
	_ =	sdelay $0x1  }
0x6e3: {  	v6 =	vadd.s32 v4, v6;
	_ =	sdelay $0x2  }
0x6e4: {  	[hbm4b:s3+s4] =	stream.indirect_vreg.scatter [tilespmem:s16], [sflag:$0x2], $0x80, v7, vm0, $0xb8;
	[tilespmem:$0x1F200] =	vst v63  }
0x6e5: {  	_ = 	snop  }
0x6e6: {  	[hbm4b:s3+s4] =	stream.indirect_vreg.scatter [tilespmem:s13], [sflag:$0x2], $0x80, v6, vm0, $0xb8;
	[tilespmem:$0x1F200] =	vst v63  }
0x6e7: {  	v6 =	vld [tilespmem:$0xE30];
	_ =	sdelay $0x4  }
0x6e8: {  	v7 =	vperm.xlane v6, v3;
	_ =	sdelay $0x1  }
0x6e9: {  	v6 =	vperm.xlane v6, v5;
	v7 =	vadd.s32 v4, v7;
	_ =	sdelay $0x1  }
0x6ea: {  	v6 =	vadd.s32 v4, v6;
	_ =	sdelay $0x2  }
0x6eb: {  	[hbm4b:s3+s4] =	stream.indirect_vreg.scatter [tilespmem:s12], [sflag:$0x2], $0x80, v7, vm0, $0xb8;
	[tilespmem:$0x1F200] =	vst v63  }
0x6ec: {  	_ = 	snop  }
0x6ed: {  	[hbm4b:s3+s4] =	stream.indirect_vreg.scatter [tilespmem:s1], [sflag:$0x2], $0x80, v6, vm0, $0xb8;
	[tilespmem:$0x1F200] =	vst v63  }
0x6ee: {  	v6 =	vld [tilespmem:$0xE80];
	_ =	sdelay $0x4  }
0x6ef: {  	v7 =	vperm.xlane v6, v3;
	_ =	sdelay $0x1  }
0x6f0: {  	v6 =	vperm.xlane v6, v5;
	v7 =	vadd.s32 v4, v7;
	_ =	sdelay $0x1  }
0x6f1: {  	v6 =	vadd.s32 v4, v6;
	_ =	sdelay $0x1  }
0x6f2: {  	s17 =	simm.s32 $0x1600  }
0x6f3: {  	[hbm4b:s3+s4] =	stream.indirect_vreg.scatter [tilespmem:s17], [sflag:$0x2], $0x80, v7, vm0, $0xb8;
	[tilespmem:$0x1F200] =	vst v63  }
0x6f4: {  	s18 =	simm.s32 $0x2600  }
0x6f5: {  	[hbm4b:s3+s4] =	stream.indirect_vreg.scatter [tilespmem:s18], [sflag:$0x2], $0x80, v6, vm0, $0xb8;
	[tilespmem:$0x1F200] =	vst v63  }
0x6f6: {  	v6 =	vld [tilespmem:$0xE90];
	_ =	sdelay $0x4  }
0x6f7: {  	v7 =	vperm.xlane v6, v3;
	_ =	sdelay $0x1  }
0x6f8: {  	v6 =	vperm.xlane v6, v5;
	v7 =	vadd.s32 v4, v7;
	_ =	sdelay $0x1  }
0x6f9: {  	v6 =	vadd.s32 v4, v6;
	_ =	sdelay $0x1  }
0x6fa: {  	s21 =	simm.s32 $0x3600  }
0x6fb: {  	[hbm4b:s3+s4] =	stream.indirect_vreg.scatter [tilespmem:s21], [sflag:$0x2], $0x80, v7, vm0, $0xb8;
	[tilespmem:$0x1F200] =	vst v63  }
0x6fc: {  	s1 =	simm.s32 $0x4600  }
0x6fd: {  	[hbm4b:s3+s4] =	stream.indirect_vreg.scatter [tilespmem:s1], [sflag:$0x2], $0x80, v6, vm0, $0xb8;
	[tilespmem:$0x1F200] =	vst v63  }
0x6fe: {  	v6 =	vld [tilespmem:$0xEA0];
	_ =	sdelay $0x4  }
0x6ff: {  	v7 =	vperm.xlane v6, v3;
	_ =	sdelay $0x1  }
0x700: {  	v6 =	vperm.xlane v6, v5;
	v7 =	vadd.s32 v4, v7;
	_ =	sdelay $0x1  }
0x701: {  	v6 =	vadd.s32 v4, v6;
	_ =	sdelay $0x1  }
0x702: {  	s12 =	simm.s32 $0x5600  }
0x703: {  	[hbm4b:s3+s4] =	stream.indirect_vreg.scatter [tilespmem:s12], [sflag:$0x2], $0x80, v7, vm0, $0xb8;
	[tilespmem:$0x1F200] =	vst v63  }
0x704: {  	s13 =	simm.s32 $0x6600  }
0x705: {  	[hbm4b:s3+s4] =	stream.indirect_vreg.scatter [tilespmem:s13], [sflag:$0x2], $0x80, v6, vm0, $0xb8;
	[tilespmem:$0x1F200] =	vst v63  }
0x706: {  	v6 =	vld [tilespmem:$0xEB0];
	_ =	sdelay $0x4  }
0x707: {  	v7 =	vperm.xlane v6, v3;
	_ =	sdelay $0x1  }
0x708: {  	v6 =	vperm.xlane v6, v5;
	v7 =	vadd.s32 v4, v7;
	_ =	sdelay $0x1  }
0x709: {  	v6 =	vadd.s32 v4, v6;
	_ =	sdelay $0x1  }
0x70a: {  	s16 =	simm.s32 $0x7600  }
0x70b: {  	[hbm4b:s3+s4] =	stream.indirect_vreg.scatter [tilespmem:s16], [sflag:$0x2], $0x80, v7, vm0, $0xb8;
	[tilespmem:$0x1F200] =	vst v63  }
0x70c: {  	s17 =	simm.s32 $0x8600  }
0x70d: {  	[hbm4b:s3+s4] =	stream.indirect_vreg.scatter [tilespmem:s17], [sflag:$0x2], $0x80, v6, vm0, $0xb8;
	[tilespmem:$0x1F200] =	vst v63  }
0x70e: {  	v6 =	vld [tilespmem:$0xF00];
	_ =	sdelay $0x4  }
0x70f: {  	v7 =	vperm.xlane v6, v3;
	_ =	sdelay $0x1  }
0x710: {  	v6 =	vperm.xlane v6, v5;
	v7 =	vadd.s32 v4, v7;
	_ =	sdelay $0x1  }
0x711: {  	v6 =	vadd.s32 v4, v6;
	_ =	sdelay $0x1  }
0x712: {  	s18 =	simm.s32 $0x1A00  }
0x713: {  	[hbm4b:s3+s4] =	stream.indirect_vreg.scatter [tilespmem:s18], [sflag:$0x2], $0x80, v7, vm0, $0xb8;
	[tilespmem:$0x1F200] =	vst v63  }
0x714: {  	s21 =	simm.s32 $0x2A00  }
0x715: {  	[hbm4b:s3+s4] =	stream.indirect_vreg.scatter [tilespmem:s21], [sflag:$0x2], $0x80, v6, vm0, $0xb8;
	[tilespmem:$0x1F200] =	vst v63  }
0x716: {  	v6 =	vld [tilespmem:$0xF10];
	_ =	sdelay $0x4  }
0x717: {  	v7 =	vperm.xlane v6, v3;
	_ =	sdelay $0x1  }
0x718: {  	v6 =	vperm.xlane v6, v5;
	v7 =	vadd.s32 v4, v7;
	_ =	sdelay $0x1  }
0x719: {  	v6 =	vadd.s32 v4, v6;
	_ =	sdelay $0x1  }
0x71a: {  	s2 =	simm.s32 $0x3A00  }
0x71b: {  	[hbm4b:s3+s4] =	stream.indirect_vreg.scatter [tilespmem:s2], [sflag:$0x2], $0x80, v7, vm0, $0xb8;
	[tilespmem:$0x1F200] =	vst v63  }
0x71c: {  	s12 =	simm.s32 $0x4A00  }
0x71d: {  	[hbm4b:s3+s4] =	stream.indirect_vreg.scatter [tilespmem:s12], [sflag:$0x2], $0x80, v6, vm0, $0xb8;
	[tilespmem:$0x1F200] =	vst v63  }
0x71e: {  	v6 =	vld [tilespmem:$0xF20];
	_ =	sdelay $0x4  }
0x71f: {  	v7 =	vperm.xlane v6, v3;
	_ =	sdelay $0x1  }
0x720: {  	v6 =	vperm.xlane v6, v5;
	v7 =	vadd.s32 v4, v7;
	_ =	sdelay $0x1  }
0x721: {  	v6 =	vadd.s32 v4, v6;
	_ =	sdelay $0x1  }
0x722: {  	s13 =	simm.s32 $0x5A00  }
0x723: {  	[hbm4b:s3+s4] =	stream.indirect_vreg.scatter [tilespmem:s13], [sflag:$0x2], $0x80, v7, vm0, $0xb8;
	[tilespmem:$0x1F200] =	vst v63  }
0x724: {  	s16 =	simm.s32 $0x6A00  }
0x725: {  	[hbm4b:s3+s4] =	stream.indirect_vreg.scatter [tilespmem:s16], [sflag:$0x2], $0x80, v6, vm0, $0xb8;
	[tilespmem:$0x1F200] =	vst v63  }
0x726: {  	v6 =	vld [tilespmem:$0xF30];
	_ =	sdelay $0x4  }
0x727: {  	v7 =	vperm.xlane v6, v3;
	_ =	sdelay $0x1  }
0x728: {  	v6 =	vperm.xlane v6, v5;
	v7 =	vadd.s32 v4, v7;
	_ =	sdelay $0x1  }
0x729: {  	v6 =	vadd.s32 v4, v6;
	_ =	sdelay $0x1  }
0x72a: {  	s17 =	simm.s32 $0x7A00  }
0x72b: {  	[hbm4b:s3+s4] =	stream.indirect_vreg.scatter [tilespmem:s17], [sflag:$0x2], $0x80, v7, vm0, $0xb8;
	[tilespmem:$0x1F200] =	vst v63  }
0x72c: {  	s18 =	simm.s32 $0x8A00  }
0x72d: {  	[hbm4b:s3+s4] =	stream.indirect_vreg.scatter [tilespmem:s18], [sflag:$0x2], $0x80, v6, vm0, $0xb8;
	[tilespmem:$0x1F200] =	vst v63  }
0x72e: {  	v6 =	vld [tilespmem:$0xF80];
	_ =	sdelay $0x4  }
0x72f: {  	v7 =	vperm.xlane v6, v3;
	_ =	sdelay $0x1  }
0x730: {  	v6 =	vperm.xlane v6, v5;
	v7 =	vadd.s32 v4, v7;
	_ =	sdelay $0x1  }
0x731: {  	v6 =	vadd.s32 v4, v6;
	_ =	sdelay $0x1  }
0x732: {  	s21 =	simm.s32 $0x1E00  }
0x733: {  	[hbm4b:s3+s4] =	stream.indirect_vreg.scatter [tilespmem:s21], [sflag:$0x2], $0x80, v7, vm0, $0xb8;
	[tilespmem:$0x1F200] =	vst v63  }
0x734: {  	s1 =	simm.s32 $0x2E00  }
0x735: {  	[hbm4b:s3+s4] =	stream.indirect_vreg.scatter [tilespmem:s1], [sflag:$0x2], $0x80, v6, vm0, $0xb8;
	[tilespmem:$0x1F200] =	vst v63  }
0x736: {  	v6 =	vld [tilespmem:$0xF90];
	_ =	sdelay $0x4  }
0x737: {  	v7 =	vperm.xlane v6, v3;
	_ =	sdelay $0x1  }
0x738: {  	v6 =	vperm.xlane v6, v5;
	v7 =	vadd.s32 v4, v7;
	_ =	sdelay $0x1  }
0x739: {  	v6 =	vadd.s32 v4, v6;
	_ =	sdelay $0x1  }
0x73a: {  	s2 =	simm.s32 $0x3E00  }
0x73b: {  	[hbm4b:s3+s4] =	stream.indirect_vreg.scatter [tilespmem:s2], [sflag:$0x2], $0x80, v7, vm0, $0xb8;
	[tilespmem:$0x1F200] =	vst v63  }
0x73c: {  	s12 =	simm.s32 $0x4E00  }
0x73d: {  	[hbm4b:s3+s4] =	stream.indirect_vreg.scatter [tilespmem:s12], [sflag:$0x2], $0x80, v6, vm0, $0xb8;
	[tilespmem:$0x1F200] =	vst v63  }
0x73e: {  	v6 =	vld [tilespmem:$0xFA0];
	_ =	sdelay $0x4  }
0x73f: {  	v7 =	vperm.xlane v6, v3;
	_ =	sdelay $0x1  }
0x740: {  	v6 =	vperm.xlane v6, v5;
	v7 =	vadd.s32 v4, v7;
	_ =	sdelay $0x1  }
0x741: {  	v6 =	vadd.s32 v4, v6;
	_ =	sdelay $0x1  }
0x742: {  	s13 =	simm.s32 $0x5E00  }
0x743: {  	[hbm4b:s3+s4] =	stream.indirect_vreg.scatter [tilespmem:s13], [sflag:$0x2], $0x80, v7, vm0, $0xb8;
	[tilespmem:$0x1F200] =	vst v63  }
0x744: {  	s16 =	simm.s32 $0x6E00  }
0x745: {  	[hbm4b:s3+s4] =	stream.indirect_vreg.scatter [tilespmem:s16], [sflag:$0x2], $0x80, v6, vm0, $0xb8;
	[tilespmem:$0x1F200] =	vst v63  }
0x746: {  	v6 =	vld [tilespmem:$0xFB0];
	_ =	sdelay $0x4  }
0x747: {  	v7 =	vperm.xlane v6, v3;
	_ =	sdelay $0x1  }
0x748: {  	v6 =	vperm.xlane v6, v5;
	v7 =	vadd.s32 v4, v7;
	_ =	sdelay $0x1  }
0x749: {  	v6 =	vadd.s32 v4, v6;
	_ =	sdelay $0x1  }
0x74a: {  	s17 =	simm.s32 $0x7E00  }
0x74b: {  	[hbm4b:s3+s4] =	stream.indirect_vreg.scatter [tilespmem:s17], [sflag:$0x2], $0x80, v7, vm0, $0xb8;
	[tilespmem:$0x1F200] =	vst v63  }
0x74c: {  	s1 =	simm.s32 $0x8E00  }
0x74d: {  	[hbm4b:s3+s4] =	stream.indirect_vreg.scatter [tilespmem:s1], [sflag:$0x2], $0x80, v6, vm0, $0xb8;
	[tilespmem:$0x1F200] =	vst v63  }
0x74e: {  	s18 =	rddreg [dreg:$0xd];
	s2 =	simm.s32 $0x19200  }
0x74f: {  	[hbm4b:s18+s4] =	stream.linear.scatter [tilespmem:s2], [sflag:$0x2], $0x2000, $0x38;
	[tilespmem:$0x1F200] =	vst v63  }
0x750: {  	_ =	swait.ge [sflag:s19], $0x8000  }
0x751: {  	[sflag:s19] =	ssyncset.done $0x0  }
0x752: {  	[sflag:s19] =	ssyncadd.s32 $0xFFFF8000  }
0x753: {  	_ =	swait.ge [sflag:s19], $0x2000  }
0x754: {  	[sflag:s19] =	ssyncset.done $0x0  }
0x755: {  	[sflag:s19] =	ssyncadd.s32 $0xFFFFE000  }
0x756: {  	v6 =	vld [tilespmem:$0x1000];
	_ =	sdelay $0x4  }
0x757: {  	v7 =	vperm.xlane v6, v3;
	_ =	sdelay $0x1  }
0x758: {  	v6 =	vperm.xlane v6, v5;
	v7 =	vadd.s32 v4, v7;
	_ =	sdelay $0x1  }
0x759: {  	v6 =	vadd.s32 v4, v6;
	_ =	sdelay $0x2  }
0x75a: {  	[hbm4b:s3+s4] =	stream.indirect_vreg.scatter [tilespmem:s14], [sflag:$0x2], $0x80, v7, vm0, $0xb8;
	[tilespmem:$0x1F200] =	vst v63  }
0x75b: {  	_ = 	snop  }
0x75c: {  	[hbm4b:s3+s4] =	stream.indirect_vreg.scatter [tilespmem:s31], [sflag:$0x2], $0x80, v6, vm0, $0xb8;
	[tilespmem:$0x1F200] =	vst v63  }
0x75d: {  	v6 =	vld [tilespmem:$0x1010];
	_ =	sdelay $0x4  }
0x75e: {  	v7 =	vperm.xlane v6, v3;
	_ =	sdelay $0x1  }
0x75f: {  	v6 =	vperm.xlane v6, v5;
	v7 =	vadd.s32 v4, v7;
	_ =	sdelay $0x1  }
0x760: {  	v6 =	vadd.s32 v4, v6;
	_ =	sdelay $0x2  }
0x761: {  	[hbm4b:s3+s4] =	stream.indirect_vreg.scatter [tilespmem:s11], [sflag:$0x2], $0x80, v7, vm0, $0xb8;
	[tilespmem:$0x1F200] =	vst v63  }
0x762: {  	_ = 	snop  }
0x763: {  	[hbm4b:s3+s4] =	stream.indirect_vreg.scatter [tilespmem:s10], [sflag:$0x2], $0x80, v6, vm0, $0xb8;
	[tilespmem:$0x1F200] =	vst v63  }
0x764: {  	v6 =	vld [tilespmem:$0x1020];
	_ =	sdelay $0x4  }
0x765: {  	v7 =	vperm.xlane v6, v3;
	_ =	sdelay $0x1  }
0x766: {  	v6 =	vperm.xlane v6, v5;
	v7 =	vadd.s32 v4, v7;
	_ =	sdelay $0x1  }
0x767: {  	v6 =	vadd.s32 v4, v6;
	_ =	sdelay $0x2  }
0x768: {  	[hbm4b:s3+s4] =	stream.indirect_vreg.scatter [tilespmem:s9], [sflag:$0x2], $0x80, v7, vm0, $0xb8;
	[tilespmem:$0x1F200] =	vst v63  }
0x769: {  	_ = 	snop  }
0x76a: {  	[hbm4b:s3+s4] =	stream.indirect_vreg.scatter [tilespmem:s8], [sflag:$0x2], $0x80, v6, vm0, $0xb8;
	[tilespmem:$0x1F200] =	vst v63  }
0x76b: {  	v6 =	vld [tilespmem:$0x1030];
	_ =	sdelay $0x4  }
0x76c: {  	v7 =	vperm.xlane v6, v3;
	_ =	sdelay $0x1  }
0x76d: {  	v6 =	vperm.xlane v6, v5;
	v7 =	vadd.s32 v4, v7;
	_ =	sdelay $0x1  }
0x76e: {  	v6 =	vadd.s32 v4, v6;
	_ =	sdelay $0x2  }
0x76f: {  	[hbm4b:s3+s4] =	stream.indirect_vreg.scatter [tilespmem:s7], [sflag:$0x2], $0x80, v7, vm0, $0xb8;
	[tilespmem:$0x1F200] =	vst v63  }
0x770: {  	_ = 	snop  }
0x771: {  	[hbm4b:s3+s4] =	stream.indirect_vreg.scatter [tilespmem:s0], [sflag:$0x2], $0x80, v6, vm0, $0xb8;
	[tilespmem:$0x1F200] =	vst v63  }
0x772: {  	v6 =	vld [tilespmem:$0x1080];
	_ =	sdelay $0x4  }
0x773: {  	v7 =	vperm.xlane v6, v3;
	_ =	sdelay $0x1  }
0x774: {  	v6 =	vperm.xlane v6, v5;
	v7 =	vadd.s32 v4, v7;
	_ =	sdelay $0x1  }
0x775: {  	v6 =	vadd.s32 v4, v6;
	_ =	sdelay $0x1  }
0x776: {  	s9 =	simm.s32 $0x9600  }
0x777: {  	[hbm4b:s3+s4] =	stream.indirect_vreg.scatter [tilespmem:s9], [sflag:$0x2], $0x80, v7, vm0, $0xb8;
	[tilespmem:$0x1F200] =	vst v63  }
0x778: {  	s10 =	simm.s32 $0xA600  }
0x779: {  	[hbm4b:s3+s4] =	stream.indirect_vreg.scatter [tilespmem:s10], [sflag:$0x2], $0x80, v6, vm0, $0xb8;
	[tilespmem:$0x1F200] =	vst v63  }
0x77a: {  	v6 =	vld [tilespmem:$0x1090];
	_ =	sdelay $0x4  }
0x77b: {  	v7 =	vperm.xlane v6, v3;
	_ =	sdelay $0x1  }
0x77c: {  	v6 =	vperm.xlane v6, v5;
	v7 =	vadd.s32 v4, v7;
	_ =	sdelay $0x1  }
0x77d: {  	v6 =	vadd.s32 v4, v6;
	_ =	sdelay $0x1  }
0x77e: {  	s11 =	simm.s32 $0xB600  }
0x77f: {  	[hbm4b:s3+s4] =	stream.indirect_vreg.scatter [tilespmem:s11], [sflag:$0x2], $0x80, v7, vm0, $0xb8;
	[tilespmem:$0x1F200] =	vst v63  }
0x780: {  	s12 =	simm.s32 $0xC600  }
0x781: {  	[hbm4b:s3+s4] =	stream.indirect_vreg.scatter [tilespmem:s12], [sflag:$0x2], $0x80, v6, vm0, $0xb8;
	[tilespmem:$0x1F200] =	vst v63  }
0x782: {  	v6 =	vld [tilespmem:$0x10A0];
	_ =	sdelay $0x4  }
0x783: {  	v7 =	vperm.xlane v6, v3;
	_ =	sdelay $0x1  }
0x784: {  	v6 =	vperm.xlane v6, v5;
	v7 =	vadd.s32 v4, v7;
	_ =	sdelay $0x1  }
0x785: {  	v6 =	vadd.s32 v4, v6;
	_ =	sdelay $0x1  }
0x786: {  	s13 =	simm.s32 $0xD600  }
0x787: {  	[hbm4b:s3+s4] =	stream.indirect_vreg.scatter [tilespmem:s13], [sflag:$0x2], $0x80, v7, vm0, $0xb8;
	[tilespmem:$0x1F200] =	vst v63  }
0x788: {  	s14 =	simm.s32 $0xE600  }
0x789: {  	[hbm4b:s3+s4] =	stream.indirect_vreg.scatter [tilespmem:s14], [sflag:$0x2], $0x80, v6, vm0, $0xb8;
	[tilespmem:$0x1F200] =	vst v63  }
0x78a: {  	v6 =	vld [tilespmem:$0x10B0];
	_ =	sdelay $0x4  }
0x78b: {  	v7 =	vperm.xlane v6, v3;
	_ =	sdelay $0x1  }
0x78c: {  	v6 =	vperm.xlane v6, v5;
	v7 =	vadd.s32 v4, v7;
	_ =	sdelay $0x1  }
0x78d: {  	v6 =	vadd.s32 v4, v6;
	_ =	sdelay $0x1  }
0x78e: {  	s16 =	simm.s32 $0xF600  }
0x78f: {  	[hbm4b:s3+s4] =	stream.indirect_vreg.scatter [tilespmem:s16], [sflag:$0x2], $0x80, v7, vm0, $0xb8;
	[tilespmem:$0x1F200] =	vst v63  }
0x790: {  	s17 =	simm.s32 $0x10600  }
0x791: {  	[hbm4b:s3+s4] =	stream.indirect_vreg.scatter [tilespmem:s17], [sflag:$0x2], $0x80, v6, vm0, $0xb8;
	[tilespmem:$0x1F200] =	vst v63  }
0x792: {  	v6 =	vld [tilespmem:$0x1100];
	_ =	sdelay $0x4  }
0x793: {  	v7 =	vperm.xlane v6, v3;
	_ =	sdelay $0x1  }
0x794: {  	v6 =	vperm.xlane v6, v5;
	v7 =	vadd.s32 v4, v7;
	_ =	sdelay $0x1  }
0x795: {  	v6 =	vadd.s32 v4, v6;
	_ =	sdelay $0x2  }
0x796: {  	[hbm4b:s3+s4] =	stream.indirect_vreg.scatter [tilespmem:s15], [sflag:$0x2], $0x80, v7, vm0, $0xb8;
	[tilespmem:$0x1F200] =	vst v63  }
0x797: {  	_ = 	snop  }
0x798: {  	[hbm4b:s3+s4] =	stream.indirect_vreg.scatter [tilespmem:s22], [sflag:$0x2], $0x80, v6, vm0, $0xb8;
	[tilespmem:$0x1F200] =	vst v63  }
0x799: {  	v6 =	vld [tilespmem:$0x1110];
	_ =	sdelay $0x4  }
0x79a: {  	v7 =	vperm.xlane v6, v3;
	_ =	sdelay $0x1  }
0x79b: {  	v6 =	vperm.xlane v6, v5;
	v7 =	vadd.s32 v4, v7;
	_ =	sdelay $0x1  }
0x79c: {  	v6 =	vadd.s32 v4, v6;
	_ =	sdelay $0x2  }
0x79d: {  	[hbm4b:s3+s4] =	stream.indirect_vreg.scatter [tilespmem:s23], [sflag:$0x2], $0x80, v7, vm0, $0xb8;
	[tilespmem:$0x1F200] =	vst v63  }
0x79e: {  	_ = 	snop  }
0x79f: {  	[hbm4b:s3+s4] =	stream.indirect_vreg.scatter [tilespmem:s24], [sflag:$0x2], $0x80, v6, vm0, $0xb8;
	[tilespmem:$0x1F200] =	vst v63  }
0x7a0: {  	v6 =	vld [tilespmem:$0x1120];
	_ =	sdelay $0x4  }
0x7a1: {  	v7 =	vperm.xlane v6, v3;
	_ =	sdelay $0x1  }
0x7a2: {  	v6 =	vperm.xlane v6, v5;
	v7 =	vadd.s32 v4, v7;
	_ =	sdelay $0x1  }
0x7a3: {  	v6 =	vadd.s32 v4, v6;
	_ =	sdelay $0x2  }
0x7a4: {  	[hbm4b:s3+s4] =	stream.indirect_vreg.scatter [tilespmem:s25], [sflag:$0x2], $0x80, v7, vm0, $0xb8;
	[tilespmem:$0x1F200] =	vst v63  }
0x7a5: {  	_ = 	snop  }
0x7a6: {  	[hbm4b:s3+s4] =	stream.indirect_vreg.scatter [tilespmem:s26], [sflag:$0x2], $0x80, v6, vm0, $0xb8;
	[tilespmem:$0x1F200] =	vst v63  }
0x7a7: {  	v6 =	vld [tilespmem:$0x1130];
	_ =	sdelay $0x4  }
0x7a8: {  	v7 =	vperm.xlane v6, v3;
	_ =	sdelay $0x1  }
0x7a9: {  	v6 =	vperm.xlane v6, v5;
	v7 =	vadd.s32 v4, v7;
	_ =	sdelay $0x1  }
0x7aa: {  	v6 =	vadd.s32 v4, v6;
	_ =	sdelay $0x2  }
0x7ab: {  	[hbm4b:s3+s4] =	stream.indirect_vreg.scatter [tilespmem:s28], [sflag:$0x2], $0x80, v7, vm0, $0xb8;
	[tilespmem:$0x1F200] =	vst v63  }
0x7ac: {  	_ = 	snop  }
0x7ad: {  	[hbm4b:s3+s4] =	stream.indirect_vreg.scatter [tilespmem:s29], [sflag:$0x2], $0x80, v6, vm0, $0xb8;
	[tilespmem:$0x1F200] =	vst v63  }
0x7ae: {  	v6 =	vld [tilespmem:$0x1180];
	_ =	sdelay $0x4  }
0x7af: {  	v7 =	vperm.xlane v6, v3;
	_ =	sdelay $0x1  }
0x7b0: {  	v6 =	vperm.xlane v6, v5;
	v7 =	vadd.s32 v4, v7;
	_ =	sdelay $0x1  }
0x7b1: {  	v6 =	vadd.s32 v4, v6;
	_ =	sdelay $0x1  }
0x7b2: {  	s21 =	simm.s32 $0x9E00  }
0x7b3: {  	[hbm4b:s3+s4] =	stream.indirect_vreg.scatter [tilespmem:s21], [sflag:$0x2], $0x80, v7, vm0, $0xb8;
	[tilespmem:$0x1F200] =	vst v63  }
0x7b4: {  	s22 =	simm.s32 $0xAE00  }
0x7b5: {  	[hbm4b:s3+s4] =	stream.indirect_vreg.scatter [tilespmem:s22], [sflag:$0x2], $0x80, v6, vm0, $0xb8;
	[tilespmem:$0x1F200] =	vst v63  }
0x7b6: {  	v6 =	vld [tilespmem:$0x1190];
	_ =	sdelay $0x4  }
0x7b7: {  	v7 =	vperm.xlane v6, v3;
	_ =	sdelay $0x1  }
0x7b8: {  	v6 =	vperm.xlane v6, v5;
	v7 =	vadd.s32 v4, v7;
	_ =	sdelay $0x1  }
0x7b9: {  	v6 =	vadd.s32 v4, v6;
	_ =	sdelay $0x1  }
0x7ba: {  	s23 =	simm.s32 $0xBE00  }
0x7bb: {  	[hbm4b:s3+s4] =	stream.indirect_vreg.scatter [tilespmem:s23], [sflag:$0x2], $0x80, v7, vm0, $0xb8;
	[tilespmem:$0x1F200] =	vst v63  }
0x7bc: {  	s24 =	simm.s32 $0xCE00  }
0x7bd: {  	[hbm4b:s3+s4] =	stream.indirect_vreg.scatter [tilespmem:s24], [sflag:$0x2], $0x80, v6, vm0, $0xb8;
	[tilespmem:$0x1F200] =	vst v63  }
0x7be: {  	v6 =	vld [tilespmem:$0x11A0];
	_ =	sdelay $0x4  }
0x7bf: {  	v7 =	vperm.xlane v6, v3;
	_ =	sdelay $0x1  }
0x7c0: {  	v6 =	vperm.xlane v6, v5;
	v7 =	vadd.s32 v4, v7;
	_ =	sdelay $0x1  }
0x7c1: {  	v6 =	vadd.s32 v4, v6;
	_ =	sdelay $0x1  }
0x7c2: {  	s25 =	simm.s32 $0xDE00  }
0x7c3: {  	[hbm4b:s3+s4] =	stream.indirect_vreg.scatter [tilespmem:s25], [sflag:$0x2], $0x80, v7, vm0, $0xb8;
	[tilespmem:$0x1F200] =	vst v63  }
0x7c4: {  	s26 =	simm.s32 $0xEE00  }
0x7c5: {  	[hbm4b:s3+s4] =	stream.indirect_vreg.scatter [tilespmem:s26], [sflag:$0x2], $0x80, v6, vm0, $0xb8;
	[tilespmem:$0x1F200] =	vst v63  }
0x7c6: {  	v6 =	vld [tilespmem:$0x11B0];
	_ =	sdelay $0x4  }
0x7c7: {  	v3 =	vperm.xlane v6, v3;
	_ =	sdelay $0x1  }
0x7c8: {  	v5 =	vperm.xlane v6, v5;
	v3 =	vadd.s32 v4, v3;
	_ =	sdelay $0x1  }
0x7c9: {  	v4 =	vadd.s32 v4, v5;
	_ =	sdelay $0x1  }
0x7ca: {  	s28 =	simm.s32 $0xFE00  }
0x7cb: {  	[hbm4b:s3+s4] =	stream.indirect_vreg.scatter [tilespmem:s28], [sflag:$0x2], $0x80, v3, vm0, $0xb8;
	[tilespmem:$0x1F200] =	vst v63  }
0x7cc: {  	s31 =	simm.s32 $0x10E00  }
0x7cd: {  	[hbm4b:s3+s4] =	stream.indirect_vreg.scatter [tilespmem:s31], [sflag:$0x2], $0x80, v4, vm0, $0xb8;
	[tilespmem:$0x1F200] =	vst v63  }
0x7ce: {  	s30 =	simm.s32 $0x1B200;
	s29 =	rddreg [dreg:$0xe]  }
0x7cf: {  	[hbm4b:s29+s4] =	stream.linear.scatter [tilespmem:s30], [sflag:$0x2], $0x2000, $0x38;
	[tilespmem:$0x1F200] =	vst v63  }
0x7d0: {  	s18 =	rddreg [dreg:$0x15];
	_ =	swait.ge [sflag:s20], $0x2000  }
0x7d1: {  	[sflag:s20] =	ssyncset.done $0x0  }
0x7d2: {  	[sflag:s20] =	ssyncadd.s32 $0xFFFFE000  }
0x7d3: {  	_ =	swait.ge [sflag:s20], $0x2000  }
0x7d4: {  	[sflag:s20] =	ssyncset.done $0x0  }
0x7d5: {  	[sflag:s20] =	ssyncadd.s32 $0xFFFFE000  }
0x7d6: {  	_ =	swait.ge [sflag:s20], $0x2000  }
0x7d7: {  	[sflag:s20] =	ssyncset.done $0x0  }
0x7d8: {  	[sflag:s20] =	ssyncadd.s32 $0xFFFFE000  }
0x7d9: {  	_ =	swait.ge [sflag:s20], $0x2000  }
0x7da: {  	[sflag:s20] =	ssyncset.done $0x0  }
0x7db: {  	[sflag:s20] =	ssyncadd.s32 $0xFFFFE000  }
0x7dc: {  	_ =	swait.ge [sflag:s20], $0x2000  }
0x7dd: {  	[sflag:s20] =	ssyncset.done $0x0  }
0x7de: {  	[sflag:s20] =	ssyncadd.s32 $0xFFFFE000  }
0x7df: {  	_ =	swait.ge [sflag:s20], $0x2000  }
0x7e0: {  	[sflag:s20] =	ssyncset.done $0x0  }
0x7e1: {  	[sflag:s20] =	ssyncadd.s32 $0xFFFFE000  }
0x7e2: {  	_ =	swait.ge [sflag:s20], $0x2000  }
0x7e3: {  	[sflag:s20] =	ssyncset.done $0x0  }
0x7e4: {  	[sflag:s20] =	ssyncadd.s32 $0xFFFFE000  }
0x7e5: {  	_ =	swait.ge [sflag:s20], $0x2000  }
0x7e6: {  	[sflag:s20] =	ssyncset.done $0x0  }
0x7e7: {  	[sflag:s20] =	ssyncadd.s32 $0xFFFFE000  }
0x7e8: {  	_ =	swait.ge [sflag:s20], $0x2000  }
0x7e9: {  	[sflag:s20] =	ssyncset.done $0x0  }
0x7ea: {  	[sflag:s20] =	ssyncadd.s32 $0xFFFFE000  }
0x7eb: {  	_ =	swait.ge [sflag:s20], $0x2000  }
0x7ec: {  	[sflag:s20] =	ssyncset.done $0x0  }
0x7ed: {  	[sflag:s20] =	ssyncadd.s32 $0xFFFFE000  }
0x7ee: {  	_ =	swait.ge [sflag:s20], $0x2000  }
0x7ef: {  	[sflag:s20] =	ssyncset.done $0x0  }
0x7f0: {  	[sflag:s20] =	ssyncadd.s32 $0xFFFFE000  }
0x7f1: {  	_ =	swait.ge [sflag:s20], $0x2000  }
0x7f2: {  	[sflag:s20] =	ssyncset.done $0x0  }
0x7f3: {  	[sflag:s20] =	ssyncadd.s32 $0xFFFFE000  }
0x7f4: {  	_ =	swait.ge [sflag:s20], $0x2000  }
0x7f5: {  	[sflag:s20] =	ssyncset.done $0x0  }
0x7f6: {  	[sflag:s20] =	ssyncadd.s32 $0xFFFFE000  }
0x7f7: {  	p0 =	sne.s32 s18, $0x1;
	_ =	swait.ge [sflag:s20], $0x2000  }
.Ltmp0:
0x7f8: {  	[sflag:s20] =	ssyncset.done $0x0;
	(pc) =	sbr.rel @p0 .LBB2_1-.Ltmp0, $4  }
0x7f9: {  	[sflag:s20] =	ssyncadd.s32 $0xFFFFE000  }
0x7fa: {  	_ =	swait.ge [sflag:s20], $0x2000  }
0x7fb: {  	[sflag:s20] =	ssyncset.done $0x0  }
0x7fc: {  	s7 =	sadd.s32 $0xFFFFFFFF, s18;
	[sflag:s20] =	ssyncadd.s32 $0xFFFFE000  }
0x7fd: {  	_ =	sfence.sel $0x180000  }
0x7fe: {  	[bflag:$0x0] =	sbarrier.arrive $0xFFFF  }
0x7ff: {  	_ =	strace $0x90000047  }
0x800: {  	s0 =	stileid.u32;
	[bflag:$0x2] =	sbarrier.arrive $0xFFFF  }
0x801: {  	p0 =	sne.s32 s0, $0x0;
	s0 =	rddreg [dreg:$0x5]  }
0x802: {  	s0 =	sadd.s32 @!p0 $0x100000, s0  }
0x803: {  	[sflag:s0] =	ssyncadd.tile.s32 @!p0 $0x1;
	_ =	shalt  }
.Lfunc_end2:
_tile_overlayer_lowered:
.L_overlay_start_2:
0x804: {  	(tag) =	ssettag $0x2  }
0x805: {  	s0 =	rddreg [dreg:$0x0];
	s2 =	stileid.u32  }
0x806: {  	s1 =	rddreg [dreg:$0x1];
	p0 =	sne.s32 s2, $0x0  }
0x807: {  	s3 =	rddreg [dreg:$0x2];
	[bflag:$0x3] =	sbarrier.arrive $0xFFFF;
	s2 =	simm.s32 @!p0 $0x1C03  }
0x808: {  	[timem:s3], [sflag:s2] =	dma.local @!p0 [hbm:s0], s1  }
0x809: {  	s0 =	simm.s32 @!p0 $0x3  }
0x80a: {  	_ =	swait.ge @!p0 [sflag:s0], s1  }
0x80b: {  	s1 =	ssub.s32 @!p0 $0x0, s1;
	[sflag:s0] =	ssyncset.done @!p0 $0x0  }
0x80c: {  	[sflag:s0] =	ssyncadd.s32 @!p0 s1  }
0x80d: {  	[bflag:$0x3] =	sbarrier.arrive $0xFFFF  }
0x80e: {  	_ =	shalt  }

</sc_bundles>
